<compile_context>
chip_gen: v7x
topology: tpu7x:2x2x1
jax: 0.10.2.dev20260603
libtpu: 0.0.44.dev20260713+nightly
codegen_flags: <defaults>
</compile_context>

<pallas_src>
import jax
import jax.numpy as jnp
from jax import lax
from jax.experimental import pallas as pl
from jax.experimental.pallas import tpu as pltpu
from jax.experimental.pallas import tpu_sc as plsc

EMB = 64
HIST = 50
ROW = 1 + HIST
PAIR = 2 * ROW
PADW = 128
PADP = 112
NC, NS = 2, 16
NW = NC * NS
LANES = 16
NCH = EMB // LANES
UCH = 128


def _sc_mesh_kernel(body, out_type, scratch_types):
    return pl.kernel(
        body,
        out_type=out_type,
        mesh=plsc.VectorSubcoreMesh(core_axis_name="c", subcore_axis_name="s"),
        compiler_params=pltpu.CompilerParams(
            use_tc_tiling_on_sc=False, needs_layout_passes=False),
        scratch_types=scratch_types,
    )


def _sc_fmt(ninp):
    B = ninp.shape[0]
    BPW = B // NW
    NP = BPW // 2
    NQ = BPW // UCH
    PPQ = UCH // 2

    def body(nin_hbm, out_nin, out_uidx, slab_v, nin_v, uidx_v):
        wid = lax.axis_index("s") * NC + lax.axis_index("c")
        base = wid * BPW
        lane = lax.iota(jnp.int32, LANES)
        zero16 = jnp.zeros((LANES,), jnp.int32)
        chalf, ccol = [], []
        for c in range(PADP // LANES):
            dcol = lane + c * LANES
            half = jnp.where(dcol >= ROW, 1, 0).astype(jnp.int32)
            chalf.append(half)
            ccol.append(dcol - half * ROW)

        for q in range(NQ):
            pltpu.sync_copy(nin_hbm.at[pl.ds(base + q * UCH, UCH)], slab_v)

            @pl.loop(0, PPQ, unroll=2)
            def _(p):
                dbase = (q * PPQ + p) * PADP
                for c in range(PADP // LANES):
                    v = plsc.load_gather(slab_v, [2 * p + chalf[c], ccol[c]])
                    nin_v[pl.ds(dbase + c * LANES, LANES)] = v

            for m in range(UCH // LANES):
                u16 = plsc.load_gather(slab_v, [m * LANES + lane, zero16])
                uidx_v[q, pl.ds(m * LANES, LANES)] = u16

        pltpu.sync_copy(nin_v, out_nin.at[wid])
        pltpu.sync_copy(uidx_v, out_uidx.at[wid])

    f = _sc_mesh_kernel(
        body,
        (jax.ShapeDtypeStruct((NW, NP * PADP), jnp.int32),
         jax.ShapeDtypeStruct((NW, NQ, UCH), jnp.int32)),
        [
            pltpu.VMEM((UCH, PADW), jnp.int32),
            pltpu.VMEM((NP * PADP,), jnp.int32),
            pltpu.VMEM((NQ, UCH), jnp.int32),
        ],
    )
    return f(ninp)


def _sc_user(uidx_all, user_p, B):
    BPW = B // NW
    NQ = BPW // UCH

    def body(uidx_hbm, user_hbm, out_u, uidx_v, bufA, bufB, semA, semB):
        wid = lax.axis_index("s") * NC + lax.axis_index("c")
        base = wid * BPW
        pltpu.sync_copy(uidx_hbm.at[wid], uidx_v)
        bufs = (bufA, bufB)
        sems = (semA, semB)
        pltpu.async_copy(user_hbm.at[uidx_v.at[0]], bufA, semA)
        for q in range(NQ):
            b = q % 2
            if q + 1 < NQ:
                pltpu.async_copy(user_hbm.at[uidx_v.at[q + 1]],
                                 bufs[(q + 1) % 2], sems[(q + 1) % 2])
            pltpu.make_async_copy(user_hbm.at[uidx_v.at[q]],
                                  bufs[b], sems[b]).wait()
            pltpu.sync_copy(bufs[b].at[pl.ds(0, UCH), pl.ds(0, EMB)],
                            out_u.at[pl.ds(base + q * UCH, UCH)])

    f = _sc_mesh_kernel(
        body,
        jax.ShapeDtypeStruct((B, EMB), jnp.float32),
        [
            pltpu.VMEM((NQ, UCH), jnp.int32),
            pltpu.VMEM((UCH, PADW), jnp.float32),
            pltpu.VMEM((UCH, PADW), jnp.float32),
            pltpu.SemaphoreType.DMA,
            pltpu.SemaphoreType.DMA,
        ],
    )
    return f(uidx_all, user_p)


def _sc_rest(nin_c, rest_p, B):
    BPW = B // NW
    NP = BPW // 2

    def body(nin_hbm, rest_hbm, out_s, nin_v, acc, bufA, bufB, semA, semB):
        wid = lax.axis_index("s") * NC + lax.axis_index("c")
        base = wid * BPW
        pltpu.sync_copy(nin_hbm.at[wid], nin_v)
        bufs = (bufA, bufB)
        sems = (semA, semB)
        pltpu.async_copy(rest_hbm.at[nin_v.at[pl.ds(0, PAIR)]],
                         bufA.at[pl.ds(0, PAIR)], semA)

        @pl.loop(0, NP, step=2)
        def _(g):
            for b in range(2):
                t = g + b
                nb = (b + 1) % 2

                @pl.when(t + 1 < NP)
                def _():
                    pltpu.async_copy(
                        rest_hbm.at[nin_v.at[pl.ds((t + 1) * PADP, PAIR)]],
                        bufs[nb].at[pl.ds(0, PAIR)], sems[nb])

                pltpu.make_async_copy(
                    rest_hbm.at[nin_v.at[pl.ds(t * PADP, PAIR)]],
                    bufs[b].at[pl.ds(0, PAIR)], sems[b]).wait()
                buf = bufs[b]
                for half in range(2):
                    rb = half * ROW
                    arow = 2 * t + half
                    for c in range(NCH):
                        sl = pl.ds(c * LANES, LANES)
                        acc[arow, sl] = buf[rb + 1, sl]

                    @pl.loop(2, ROW, unroll=7)
                    def _(r):
                        for c in range(NCH):
                            sl = pl.ds(c * LANES, LANES)
                            plsc.addupdate(acc.at[arow, sl], buf[rb + r, sl])

        pltpu.async_copy(acc, out_s.at[pl.ds(base, BPW)], semA).wait()

    f = _sc_mesh_kernel(
        body,
        jax.ShapeDtypeStruct((B, EMB), jnp.float32),
        [
            pltpu.VMEM((B // NW // 2 * PADP,), jnp.int32),
            pltpu.VMEM((B // NW, EMB), jnp.float32),
            pltpu.VMEM((PAIR, PADW), jnp.float32),
            pltpu.VMEM((PAIR, PADW), jnp.float32),
            pltpu.SemaphoreType.DMA,
            pltpu.SemaphoreType.DMA,
        ],
    )
    return f(nin_c, rest_p)


def _mlp_body(u_ref, s_ref, w1u_ref, w1r_ref, b1_ref, w2_ref, b2_ref,
              w3_ref, b3_ref, o_ref):
    h1 = jnp.dot(u_ref[...], w1u_ref[...], preferred_element_type=jnp.float32)
    h1 += jnp.dot(s_ref[...], w1r_ref[...],
                  preferred_element_type=jnp.float32) * (1.0 / HIST)
    h1 = jnp.maximum(h1 + b1_ref[...], 0.0)
    h2 = jnp.dot(h1, w2_ref[...], preferred_element_type=jnp.float32)
    h2 = jnp.maximum(h2 + b2_ref[...], 0.0)
    y = jnp.dot(h2, w3_ref[...], preferred_element_type=jnp.float32)
    o_ref[...] = jax.nn.sigmoid(y + b3_ref[...])


def _tc_mlp(u, s, W1, b1, W2, b2, W3, b3):
    B = u.shape[0]
    H1, H2 = W1.shape[0], W2.shape[0]
    BLK = 2048
    grid = (B // BLK,)
    w1u = W1[:, :EMB].T
    w1r = W1[:, EMB:].T
    fixed = lambda i: (0, 0)
    return pl.pallas_call(
        _mlp_body,
        grid=grid,
        in_specs=[
            pl.BlockSpec((BLK, EMB), lambda i: (i, 0)),
            pl.BlockSpec((BLK, EMB), lambda i: (i, 0)),
            pl.BlockSpec((EMB, H1), fixed),
            pl.BlockSpec((EMB, H1), fixed),
            pl.BlockSpec((1, H1), fixed),
            pl.BlockSpec((H1, H2), fixed),
            pl.BlockSpec((1, H2), fixed),
            pl.BlockSpec((H2, 1), fixed),
            pl.BlockSpec((1, 1), fixed),
        ],
        out_specs=pl.BlockSpec((BLK, 1), lambda i: (i, 0)),
        out_shape=jax.ShapeDtypeStruct((B, 1), jnp.float32),
        compiler_params=pltpu.CompilerParams(
            dimension_semantics=("parallel",)),
    )(u, s, w1u, w1r, b1[None, :], W2.T, b2[None, :], W3.T, b3[None, :])


def kernel(net_input, user_emb, rest_emb, W1, b1, W2, b2, W3, b3):
    B = net_input.shape[0]
    B = net_input.shape[0]
    ninp = jnp.pad(net_input, ((0, 0), (0, PADW - ROW)))
    user_p = jnp.pad(user_emb, ((0, 0), (0, PADW - EMB)))
    rest_p = jnp.pad(rest_emb, ((0, 0), (0, PADW - EMB)))
    nin_c, uidx_all = _sc_fmt(ninp)
    s = _sc_rest(nin_c, rest_p, B)
    u = _sc_user(uidx_all, user_p, B)
    return _tc_mlp(u, s, W1, b1, W2, b2, W3, b3)

# --- scband reference (transcript-rebuilt; emitter-appended) ---
"""Pipeline reference for scband-network-13168369729590 (READ-ONLY COPY).

The authoritative reference and input builder live on the scoring server;
editing this copy changes nothing except your own understanding.
"""

import jax, jax.numpy as jnp
import numpy as np

USERS = 1000000
RESTAURANTS = 1000000
EMB = 64
H1 = 256
H2 = 128
BATCH = 16384
HIST = 50

def setup_inputs(seed: int = 0) -> dict:
    key = jax.random.key(seed)
    ks = jax.random.split(key, 10)
    net_input = jax.random.randint(ks[0], (BATCH, 1 + HIST), 0, USERS, dtype=jnp.int64 if jax.config.jax_enable_x64 else jnp.int32).astype(jnp.int32)
    user_emb = jax.random.normal(ks[1], (USERS, EMB), dtype=jnp.float32) * 0.02
    rest_emb = jax.random.normal(ks[2], (RESTAURANTS, EMB), dtype=jnp.float32) * 0.02
    W1 = jax.random.normal(ks[3], (H1, 2 * EMB), dtype=jnp.float32) * (1.0 / np.sqrt(2 * EMB))
    b1 = jnp.zeros((H1,), dtype=jnp.float32)
    W2 = jax.random.normal(ks[4], (H2, H1), dtype=jnp.float32) * (1.0 / np.sqrt(H1))
    b2 = jnp.zeros((H2,), dtype=jnp.float32)
    W3 = jax.random.normal(ks[5], (1, H2), dtype=jnp.float32) * (1.0 / np.sqrt(H2))
    b3 = jnp.zeros((1,), dtype=jnp.float32)
    return {"net_input": net_input, "user_emb": user_emb, "rest_emb": rest_emb,
            "W1": W1, "b1": b1, "W2": W2, "b2": b2, "W3": W3, "b3": b3}

def reference(net_input, user_emb, rest_emb, W1, b1, W2, b2, W3, b3):
    u = jnp.take(user_emb, net_input[:, 0], axis=0)                 # [B, EMB]
    r = jnp.mean(jnp.take(rest_emb, net_input[:, 1:], axis=0), axis=1)  # [B, EMB]
    flow = jnp.concatenate([u, r], axis=1)                          # [B, 2*EMB]
    flow = jax.nn.relu(flow @ W1.T + b1)
    flow = jax.nn.relu(flow @ W2.T + b2)
    return jax.nn.sigmoid(flow @ W3.T + b3)                         # [B, 1]

if __name__ == "__main__":
    import jax
    _d = setup_inputs()
    print(jax.jit(kernel)(*tuple(_d.values())))

</pallas_src>

<mosaic_0001>
#map = affine_map<(d0, d1) -> (0, 0)>
#map1 = affine_map<(d0, d1) -> (0, 0, 0)>
module attributes {stable_mosaic.version = 14 : i64} {
  func.func @body(%arg0: i32, %arg1: i32, %arg2: memref<16384x128xi32, #tpu.memory_space<hbm>>, %arg3: memref<32x28672xi32, #tpu.memory_space<hbm>>, %arg4: memref<32x4x128xi32, #tpu.memory_space<hbm>>, %arg5: memref<128x128xi32, #tpu.memory_space<vmem>>, %arg6: memref<28672xi32, #tpu.memory_space<vmem>>, %arg7: memref<4x128xi32, #tpu.memory_space<vmem>>) attributes {dimension_semantics = [#tpu.dimension_semantics<core_parallel>, #tpu.dimension_semantics<subcore_parallel>], iteration_bounds = array<i64: 2, 16>, scalar_prefetch = 0 : i64, scratch_operands = 3 : i64, tpu.core_type = #tpu.core_type<sc_vector_subcore>, window_params = [{transform_indices = #map}, {transform_indices = #map}, {transform_indices = #map1}]} {
    %mul3A = arith.constant 2 : i32
    %mul3A_0 = arith.muli %arg1, %mul3A : i32
    %add3A = arith.addi %mul3A_0, %arg0 : i32
    %mul3A_1 = arith.constant 512 : i32
    %mul3A_2 = arith.muli %add3A, %mul3A_1 : i32
    %iota3A = tpu.iota {dimensions = array<i32: 0>} : vector<16xi32>
    %broadcast_in_dim3A = arith.constant 0 : i32
    %broadcast_in_dim3A_3 = vector.broadcast %broadcast_in_dim3A : i32 to vector<16xi32>
    %add3A_4 = arith.constant 0 : i32
    %add3A_5 = vector.broadcast %add3A_4 : i32 to vector<16xi32>
    %add3A_6 = arith.addi %iota3A, %add3A_5 : vector<16xi32>
    %ge3A = arith.constant 51 : i32
    %ge3A_7 = vector.broadcast %ge3A : i32 to vector<16xi32>
    %ge3A_8 = arith.cmpi sge, %add3A_6, %ge3A_7 : vector<16xi32>
    %jit3A = arith.constant 1 : i32
    %jit3A_9 = arith.constant 0 : i32
    %broadcast_in_dim3A_10 = vector.broadcast %jit3A : i32 to vector<16xi32>
    %broadcast_in_dim3A_11 = vector.broadcast %jit3A_9 : i32 to vector<16xi32>
    %select_n3A = arith.select %ge3A_8, %broadcast_in_dim3A_10, %broadcast_in_dim3A_11 : vector<16xi1>, vector<16xi32>
    %mul3A_12 = arith.constant 51 : i32
    %mul3A_13 = vector.broadcast %mul3A_12 : i32 to vector<16xi32>
    %mul3A_14 = arith.muli %select_n3A, %mul3A_13 : vector<16xi32>
    %sub3A = arith.subi %add3A_6, %mul3A_14 : vector<16xi32>
    %add3A_15 = arith.constant 16 : i32
    %add3A_16 = vector.broadcast %add3A_15 : i32 to vector<16xi32>
    %add3A_17 = arith.addi %iota3A, %add3A_16 : vector<16xi32>
    %ge3A_18 = arith.constant 51 : i32
    %ge3A_19 = vector.broadcast %ge3A_18 : i32 to vector<16xi32>
    %ge3A_20 = arith.cmpi sge, %add3A_17, %ge3A_19 : vector<16xi32>
    %jit3A_21 = arith.constant 1 : i32
    %jit3A_22 = arith.constant 0 : i32
    %broadcast_in_dim3A_23 = vector.broadcast %jit3A_21 : i32 to vector<16xi32>
    %broadcast_in_dim3A_24 = vector.broadcast %jit3A_22 : i32 to vector<16xi32>
    %select_n3A_25 = arith.select %ge3A_20, %broadcast_in_dim3A_23, %broadcast_in_dim3A_24 : vector<16xi1>, vector<16xi32>
    %mul3A_26 = arith.constant 51 : i32
    %mul3A_27 = vector.broadcast %mul3A_26 : i32 to vector<16xi32>
    %mul3A_28 = arith.muli %select_n3A_25, %mul3A_27 : vector<16xi32>
    %sub3A_29 = arith.subi %add3A_17, %mul3A_28 : vector<16xi32>
    %add3A_30 = arith.constant 32 : i32
    %add3A_31 = vector.broadcast %add3A_30 : i32 to vector<16xi32>
    %add3A_32 = arith.addi %iota3A, %add3A_31 : vector<16xi32>
    %ge3A_33 = arith.constant 51 : i32
    %ge3A_34 = vector.broadcast %ge3A_33 : i32 to vector<16xi32>
    %ge3A_35 = arith.cmpi sge, %add3A_32, %ge3A_34 : vector<16xi32>
    %jit3A_36 = arith.constant 1 : i32
    %jit3A_37 = arith.constant 0 : i32
    %broadcast_in_dim3A_38 = vector.broadcast %jit3A_36 : i32 to vector<16xi32>
    %broadcast_in_dim3A_39 = vector.broadcast %jit3A_37 : i32 to vector<16xi32>
    %select_n3A_40 = arith.select %ge3A_35, %broadcast_in_dim3A_38, %broadcast_in_dim3A_39 : vector<16xi1>, vector<16xi32>
    %mul3A_41 = arith.constant 51 : i32
    %mul3A_42 = vector.broadcast %mul3A_41 : i32 to vector<16xi32>
    %mul3A_43 = arith.muli %select_n3A_40, %mul3A_42 : vector<16xi32>
    %sub3A_44 = arith.subi %add3A_32, %mul3A_43 : vector<16xi32>
    %add3A_45 = arith.constant 48 : i32
    %add3A_46 = vector.broadcast %add3A_45 : i32 to vector<16xi32>
    %add3A_47 = arith.addi %iota3A, %add3A_46 : vector<16xi32>
    %ge3A_48 = arith.constant 51 : i32
    %ge3A_49 = vector.broadcast %ge3A_48 : i32 to vector<16xi32>
    %ge3A_50 = arith.cmpi sge, %add3A_47, %ge3A_49 : vector<16xi32>
    %jit3A_51 = arith.constant 1 : i32
    %jit3A_52 = arith.constant 0 : i32
    %broadcast_in_dim3A_53 = vector.broadcast %jit3A_51 : i32 to vector<16xi32>
    %broadcast_in_dim3A_54 = vector.broadcast %jit3A_52 : i32 to vector<16xi32>
    %select_n3A_55 = arith.select %ge3A_50, %broadcast_in_dim3A_53, %broadcast_in_dim3A_54 : vector<16xi1>, vector<16xi32>
    %mul3A_56 = arith.constant 51 : i32
    %mul3A_57 = vector.broadcast %mul3A_56 : i32 to vector<16xi32>
    %mul3A_58 = arith.muli %select_n3A_55, %mul3A_57 : vector<16xi32>
    %sub3A_59 = arith.subi %add3A_47, %mul3A_58 : vector<16xi32>
    %add3A_60 = arith.constant 64 : i32
    %add3A_61 = vector.broadcast %add3A_60 : i32 to vector<16xi32>
    %add3A_62 = arith.addi %iota3A, %add3A_61 : vector<16xi32>
    %ge3A_63 = arith.constant 51 : i32
    %ge3A_64 = vector.broadcast %ge3A_63 : i32 to vector<16xi32>
    %ge3A_65 = arith.cmpi sge, %add3A_62, %ge3A_64 : vector<16xi32>
    %jit3A_66 = arith.constant 1 : i32
    %jit3A_67 = arith.constant 0 : i32
    %broadcast_in_dim3A_68 = vector.broadcast %jit3A_66 : i32 to vector<16xi32>
    %broadcast_in_dim3A_69 = vector.broadcast %jit3A_67 : i32 to vector<16xi32>
    %select_n3A_70 = arith.select %ge3A_65, %broadcast_in_dim3A_68, %broadcast_in_dim3A_69 : vector<16xi1>, vector<16xi32>
    %mul3A_71 = arith.constant 51 : i32
    %mul3A_72 = vector.broadcast %mul3A_71 : i32 to vector<16xi32>
    %mul3A_73 = arith.muli %select_n3A_70, %mul3A_72 : vector<16xi32>
    %sub3A_74 = arith.subi %add3A_62, %mul3A_73 : vector<16xi32>
    %add3A_75 = arith.constant 80 : i32
    %add3A_76 = vector.broadcast %add3A_75 : i32 to vector<16xi32>
    %add3A_77 = arith.addi %iota3A, %add3A_76 : vector<16xi32>
    %ge3A_78 = arith.constant 51 : i32
    %ge3A_79 = vector.broadcast %ge3A_78 : i32 to vector<16xi32>
    %ge3A_80 = arith.cmpi sge, %add3A_77, %ge3A_79 : vector<16xi32>
    %jit3A_81 = arith.constant 1 : i32
    %jit3A_82 = arith.constant 0 : i32
    %broadcast_in_dim3A_83 = vector.broadcast %jit3A_81 : i32 to vector<16xi32>
    %broadcast_in_dim3A_84 = vector.broadcast %jit3A_82 : i32 to vector<16xi32>
    %select_n3A_85 = arith.select %ge3A_80, %broadcast_in_dim3A_83, %broadcast_in_dim3A_84 : vector<16xi1>, vector<16xi32>
    %mul3A_86 = arith.constant 51 : i32
    %mul3A_87 = vector.broadcast %mul3A_86 : i32 to vector<16xi32>
    %mul3A_88 = arith.muli %select_n3A_85, %mul3A_87 : vector<16xi32>
    %sub3A_89 = arith.subi %add3A_77, %mul3A_88 : vector<16xi32>
    %add3A_90 = arith.constant 96 : i32
    %add3A_91 = vector.broadcast %add3A_90 : i32 to vector<16xi32>
    %add3A_92 = arith.addi %iota3A, %add3A_91 : vector<16xi32>
    %ge3A_93 = arith.constant 51 : i32
    %ge3A_94 = vector.broadcast %ge3A_93 : i32 to vector<16xi32>
    %ge3A_95 = arith.cmpi sge, %add3A_92, %ge3A_94 : vector<16xi32>
    %jit3A_96 = arith.constant 1 : i32
    %jit3A_97 = arith.constant 0 : i32
    %broadcast_in_dim3A_98 = vector.broadcast %jit3A_96 : i32 to vector<16xi32>
    %broadcast_in_dim3A_99 = vector.broadcast %jit3A_97 : i32 to vector<16xi32>
    %select_n3A_100 = arith.select %ge3A_95, %broadcast_in_dim3A_98, %broadcast_in_dim3A_99 : vector<16xi1>, vector<16xi32>
    %mul3A_101 = arith.constant 51 : i32
    %mul3A_102 = vector.broadcast %mul3A_101 : i32 to vector<16xi32>
    %mul3A_103 = arith.muli %select_n3A_100, %mul3A_102 : vector<16xi32>
    %sub3A_104 = arith.subi %add3A_92, %mul3A_103 : vector<16xi32>
    %add3A_105 = arith.constant 0 : i32
    %add3A_106 = arith.addi %mul3A_2, %add3A_105 : i32
    "tpu.region"() ({
      %run_scoped3A = tpu.sem_alloc : memref<!tpu.dma_semaphore, #tpu.memory_space<semaphore_mem>>
      %dma_start3A = arith.constant 0 : i32
      %dma_start3A_386 = tpu.memref_slice %arg2[%add3A_106, %dma_start3A] : memref<16384x128xi32, #tpu.memory_space<hbm>> -> memref<128x128xi32, #tpu.memory_space<hbm>>
      %dma_start3A_387 = arith.constant 0 : i32
      %dma_start3A_388 = tpu.memref_slice %arg2[%add3A_106, %dma_start3A_387] : memref<16384x128xi32, #tpu.memory_space<hbm>> -> memref<128x128xi32, #tpu.memory_space<hbm>>
      tpu.enqueue_dma source(%dma_start3A_388 : memref<128x128xi32, #tpu.memory_space<hbm>>) target(%arg5 : memref<128x128xi32, #tpu.memory_space<vmem>>) target_semaphore(%run_scoped3A : memref<!tpu.dma_semaphore, #tpu.memory_space<semaphore_mem>>)
      %dma_wait3A = arith.constant 0 : i32
      %dma_wait3A_389 = tpu.memref_slice %arg2[%add3A_106, %dma_wait3A] : memref<16384x128xi32, #tpu.memory_space<hbm>> -> memref<128x128xi32, #tpu.memory_space<hbm>>
      %dma_wait3A_390 = arith.constant 0 : i32
      %dma_wait3A_391 = tpu.memref_slice %arg2[%add3A_106, %dma_wait3A_390] : memref<16384x128xi32, #tpu.memory_space<hbm>> -> memref<128x128xi32, #tpu.memory_space<hbm>>
      tpu.wait_dma2 semaphore(%run_scoped3A : memref<!tpu.dma_semaphore, #tpu.memory_space<semaphore_mem>>) src(%dma_wait3A_391 : memref<128x128xi32, #tpu.memory_space<hbm>>) dst(%arg5 : memref<128x128xi32, #tpu.memory_space<vmem>>)
      tpu.yield
    }) : () -> ()
    %scan3A = arith.constant 0 : i32
    %scan3A_107 = arith.constant 64 : i32
    %scan3A_108 = arith.addi %scan3A, %scan3A_107 : i32
    %scan3A_109 = arith.constant 2 : i32
    scf.for %scan3A_386 = %scan3A to %scan3A_108 step %scan3A_109  : i32 {
      %mul3A_387 = arith.constant 1 : i32
      %mul3A_388 = arith.muli %scan3A_386, %mul3A_387 : i32
      %add3A_389 = arith.constant 0 : i32
      %add3A_390 = arith.addi %add3A_389, %mul3A_388 : i32
      %add3A_391 = arith.constant 0 : i32
      %add3A_392 = arith.addi %add3A_391, %add3A_390 : i32
      %mul3A_393 = arith.constant 112 : i32
      %mul3A_394 = arith.muli %add3A_392, %mul3A_393 : i32
      %mul3A_395 = arith.constant 2 : i32
      %mul3A_396 = arith.muli %mul3A_395, %add3A_390 : i32
      %add3A_397 = vector.broadcast %mul3A_396 : i32 to vector<16xi32>
      %add3A_398 = arith.addi %add3A_397, %select_n3A : vector<16xi32>
      %gather3A_399 = tpu.vector_load_idx %arg5[%add3A_398, %sub3A] : memref<128x128xi32, #tpu.memory_space<vmem>>[vector<16xi32>, vector<16xi32>], vector<16xi32>,
      %add3A_400 = arith.constant 0 : i32
      %add3A_401 = arith.addi %mul3A_394, %add3A_400 : i32
      %swap3A_402 = arith.index_cast %add3A_401 : i32 to index
      %swap3A_403 = tpu.vector_load %arg6[%swap3A_402] {strides = array<i32>} : memref<28672xi32, #tpu.memory_space<vmem>>, vector<16xi32>,
      tpu.vector_store %arg6[%swap3A_402], %gather3A_399 {strides = array<i32>} : memref<28672xi32, #tpu.memory_space<vmem>>, vector<16xi32>,
      %mul3A_404 = arith.constant 2 : i32
      %mul3A_405 = arith.muli %mul3A_404, %add3A_390 : i32
      %add3A_406 = vector.broadcast %mul3A_405 : i32 to vector<16xi32>
      %add3A_407 = arith.addi %add3A_406, %select_n3A_25 : vector<16xi32>
      %gather3A_408 = tpu.vector_load_idx %arg5[%add3A_407, %sub3A_29] : memref<128x128xi32, #tpu.memory_space<vmem>>[vector<16xi32>, vector<16xi32>], vector<16xi32>,
      %add3A_409 = arith.constant 16 : i32
      %add3A_410 = arith.addi %mul3A_394, %add3A_409 : i32
      %swap3A_411 = arith.index_cast %add3A_410 : i32 to index
      %swap3A_412 = tpu.vector_load %arg6[%swap3A_411] {strides = array<i32>} : memref<28672xi32, #tpu.memory_space<vmem>>, vector<16xi32>,
      tpu.vector_store %arg6[%swap3A_411], %gather3A_408 {strides = array<i32>} : memref<28672xi32, #tpu.memory_space<vmem>>, vector<16xi32>,
      %mul3A_413 = arith.constant 2 : i32
      %mul3A_414 = arith.muli %mul3A_413, %add3A_390 : i32
      %add3A_415 = vector.broadcast %mul3A_414 : i32 to vector<16xi32>
      %add3A_416 = arith.addi %add3A_415, %select_n3A_40 : vector<16xi32>
      %gather3A_417 = tpu.vector_load_idx %arg5[%add3A_416, %sub3A_44] : memref<128x128xi32, #tpu.memory_space<vmem>>[vector<16xi32>, vector<16xi32>], vector<16xi32>,
      %add3A_418 = arith.constant 32 : i32
      %add3A_419 = arith.addi %mul3A_394, %add3A_418 : i32
      %swap3A_420 = arith.index_cast %add3A_419 : i32 to index
      %swap3A_421 = tpu.vector_load %arg6[%swap3A_420] {strides = array<i32>} : memref<28672xi32, #tpu.memory_space<vmem>>, vector<16xi32>,
      tpu.vector_store %arg6[%swap3A_420], %gather3A_417 {strides = array<i32>} : memref<28672xi32, #tpu.memory_space<vmem>>, vector<16xi32>,
      %mul3A_422 = arith.constant 2 : i32
      %mul3A_423 = arith.muli %mul3A_422, %add3A_390 : i32
      %add3A_424 = vector.broadcast %mul3A_423 : i32 to vector<16xi32>
      %add3A_425 = arith.addi %add3A_424, %select_n3A_55 : vector<16xi32>
      %gather3A_426 = tpu.vector_load_idx %arg5[%add3A_425, %sub3A_59] : memref<128x128xi32, #tpu.memory_space<vmem>>[vector<16xi32>, vector<16xi32>], vector<16xi32>,
      %add3A_427 = arith.constant 48 : i32
      %add3A_428 = arith.addi %mul3A_394, %add3A_427 : i32
      %swap3A_429 = arith.index_cast %add3A_428 : i32 to index
      %swap3A_430 = tpu.vector_load %arg6[%swap3A_429] {strides = array<i32>} : memref<28672xi32, #tpu.memory_space<vmem>>, vector<16xi32>,
      tpu.vector_store %arg6[%swap3A_429], %gather3A_426 {strides = array<i32>} : memref<28672xi32, #tpu.memory_space<vmem>>, vector<16xi32>,
      %mul3A_431 = arith.constant 2 : i32
      %mul3A_432 = arith.muli %mul3A_431, %add3A_390 : i32
      %add3A_433 = vector.broadcast %mul3A_432 : i32 to vector<16xi32>
      %add3A_434 = arith.addi %add3A_433, %select_n3A_70 : vector<16xi32>
      %gather3A_435 = tpu.vector_load_idx %arg5[%add3A_434, %sub3A_74] : memref<128x128xi32, #tpu.memory_space<vmem>>[vector<16xi32>, vector<16xi32>], vector<16xi32>,
      %add3A_436 = arith.constant 64 : i32
      %add3A_437 = arith.addi %mul3A_394, %add3A_436 : i32
      %swap3A_438 = arith.index_cast %add3A_437 : i32 to index
      %swap3A_439 = tpu.vector_load %arg6[%swap3A_438] {strides = array<i32>} : memref<28672xi32, #tpu.memory_space<vmem>>, vector<16xi32>,
      tpu.vector_store %arg6[%swap3A_438], %gather3A_435 {strides = array<i32>} : memref<28672xi32, #tpu.memory_space<vmem>>, vector<16xi32>,
      %mul3A_440 = arith.constant 2 : i32
      %mul3A_441 = arith.muli %mul3A_440, %add3A_390 : i32
      %add3A_442 = vector.broadcast %mul3A_441 : i32 to vector<16xi32>
      %add3A_443 = arith.addi %add3A_442, %select_n3A_85 : vector<16xi32>
      %gather3A_444 = tpu.vector_load_idx %arg5[%add3A_443, %sub3A_89] : memref<128x128xi32, #tpu.memory_space<vmem>>[vector<16xi32>, vector<16xi32>], vector<16xi32>,
      %add3A_445 = arith.constant 80 : i32
      %add3A_446 = arith.addi %mul3A_394, %add3A_445 : i32
      %swap3A_447 = arith.index_cast %add3A_446 : i32 to index
      %swap3A_448 = tpu.vector_load %arg6[%swap3A_447] {strides = array<i32>} : memref<28672xi32, #tpu.memory_space<vmem>>, vector<16xi32>,
      tpu.vector_store %arg6[%swap3A_447], %gather3A_444 {strides = array<i32>} : memref<28672xi32, #tpu.memory_space<vmem>>, vector<16xi32>,
      %mul3A_449 = arith.constant 2 : i32
      %mul3A_450 = arith.muli %mul3A_449, %add3A_390 : i32
      %add3A_451 = vector.broadcast %mul3A_450 : i32 to vector<16xi32>
      %add3A_452 = arith.addi %add3A_451, %select_n3A_100 : vector<16xi32>
      %gather3A_453 = tpu.vector_load_idx %arg5[%add3A_452, %sub3A_104] : memref<128x128xi32, #tpu.memory_space<vmem>>[vector<16xi32>, vector<16xi32>], vector<16xi32>,
      %add3A_454 = arith.constant 96 : i32
      %add3A_455 = arith.addi %mul3A_394, %add3A_454 : i32
      %swap3A_456 = arith.index_cast %add3A_455 : i32 to index
      %swap3A_457 = tpu.vector_load %arg6[%swap3A_456] {strides = array<i32>} : memref<28672xi32, #tpu.memory_space<vmem>>, vector<16xi32>,
      tpu.vector_store %arg6[%swap3A_456], %gather3A_453 {strides = array<i32>} : memref<28672xi32, #tpu.memory_space<vmem>>, vector<16xi32>,
      %scan3A_458 = arith.constant 1 : i32
      %scan3A_459 = arith.addi %scan3A_386, %scan3A_458 : i32
      %mul3A_460 = arith.constant 1 : i32
      %mul3A_461 = arith.muli %scan3A_459, %mul3A_460 : i32
      %add3A_462 = arith.constant 0 : i32
      %add3A_463 = arith.addi %add3A_462, %mul3A_461 : i32
      %add3A_464 = arith.constant 0 : i32
      %add3A_465 = arith.addi %add3A_464, %add3A_463 : i32
      %mul3A_466 = arith.constant 112 : i32
      %mul3A_467 = arith.muli %add3A_465, %mul3A_466 : i32
      %mul3A_468 = arith.constant 2 : i32
      %mul3A_469 = arith.muli %mul3A_468, %add3A_463 : i32
      %add3A_470 = vector.broadcast %mul3A_469 : i32 to vector<16xi32>
      %add3A_471 = arith.addi %add3A_470, %select_n3A : vector<16xi32>
      %gather3A_472 = tpu.vector_load_idx %arg5[%add3A_471, %sub3A] : memref<128x128xi32, #tpu.memory_space<vmem>>[vector<16xi32>, vector<16xi32>], vector<16xi32>,
      %add3A_473 = arith.constant 0 : i32
      %add3A_474 = arith.addi %mul3A_467, %add3A_473 : i32
      %swap3A_475 = arith.index_cast %add3A_474 : i32 to index
      %swap3A_476 = tpu.vector_load %arg6[%swap3A_475] {strides = array<i32>} : memref<28672xi32, #tpu.memory_space<vmem>>, vector<16xi32>,
      tpu.vector_store %arg6[%swap3A_475], %gather3A_472 {strides = array<i32>} : memref<28672xi32, #tpu.memory_space<vmem>>, vector<16xi32>,
      %mul3A_477 = arith.constant 2 : i32
      %mul3A_478 = arith.muli %mul3A_477, %add3A_463 : i32
      %add3A_479 = vector.broadcast %mul3A_478 : i32 to vector<16xi32>
      %add3A_480 = arith.addi %add3A_479, %select_n3A_25 : vector<16xi32>
      %gather3A_481 = tpu.vector_load_idx %arg5[%add3A_480, %sub3A_29] : memref<128x128xi32, #tpu.memory_space<vmem>>[vector<16xi32>, vector<16xi32>], vector<16xi32>,
      %add3A_482 = arith.constant 16 : i32
      %add3A_483 = arith.addi %mul3A_467, %add3A_482 : i32
      %swap3A_484 = arith.index_cast %add3A_483 : i32 to index
      %swap3A_485 = tpu.vector_load %arg6[%swap3A_484] {strides = array<i32>} : memref<28672xi32, #tpu.memory_space<vmem>>, vector<16xi32>,
      tpu.vector_store %arg6[%swap3A_484], %gather3A_481 {strides = array<i32>} : memref<28672xi32, #tpu.memory_space<vmem>>, vector<16xi32>,
      %mul3A_486 = arith.constant 2 : i32
      %mul3A_487 = arith.muli %mul3A_486, %add3A_463 : i32
      %add3A_488 = vector.broadcast %mul3A_487 : i32 to vector<16xi32>
      %add3A_489 = arith.addi %add3A_488, %select_n3A_40 : vector<16xi32>
      %gather3A_490 = tpu.vector_load_idx %arg5[%add3A_489, %sub3A_44] : memref<128x128xi32, #tpu.memory_space<vmem>>[vector<16xi32>, vector<16xi32>], vector<16xi32>,
      %add3A_491 = arith.constant 32 : i32
      %add3A_492 = arith.addi %mul3A_467, %add3A_491 : i32
      %swap3A_493 = arith.index_cast %add3A_492 : i32 to index
      %swap3A_494 = tpu.vector_load %arg6[%swap3A_493] {strides = array<i32>} : memref<28672xi32, #tpu.memory_space<vmem>>, vector<16xi32>,
      tpu.vector_store %arg6[%swap3A_493], %gather3A_490 {strides = array<i32>} : memref<28672xi32, #tpu.memory_space<vmem>>, vector<16xi32>,
      %mul3A_495 = arith.constant 2 : i32
      %mul3A_496 = arith.muli %mul3A_495, %add3A_463 : i32
      %add3A_497 = vector.broadcast %mul3A_496 : i32 to vector<16xi32>
      %add3A_498 = arith.addi %add3A_497, %select_n3A_55 : vector<16xi32>
      %gather3A_499 = tpu.vector_load_idx %arg5[%add3A_498, %sub3A_59] : memref<128x128xi32, #tpu.memory_space<vmem>>[vector<16xi32>, vector<16xi32>], vector<16xi32>,
      %add3A_500 = arith.constant 48 : i32
      %add3A_501 = arith.addi %mul3A_467, %add3A_500 : i32
      %swap3A_502 = arith.index_cast %add3A_501 : i32 to index
      %swap3A_503 = tpu.vector_load %arg6[%swap3A_502] {strides = array<i32>} : memref<28672xi32, #tpu.memory_space<vmem>>, vector<16xi32>,
      tpu.vector_store %arg6[%swap3A_502], %gather3A_499 {strides = array<i32>} : memref<28672xi32, #tpu.memory_space<vmem>>, vector<16xi32>,
      %mul3A_504 = arith.constant 2 : i32
      %mul3A_505 = arith.muli %mul3A_504, %add3A_463 : i32
      %add3A_506 = vector.broadcast %mul3A_505 : i32 to vector<16xi32>
      %add3A_507 = arith.addi %add3A_506, %select_n3A_70 : vector<16xi32>
      %gather3A_508 = tpu.vector_load_idx %arg5[%add3A_507, %sub3A_74] : memref<128x128xi32, #tpu.memory_space<vmem>>[vector<16xi32>, vector<16xi32>], vector<16xi32>,
      %add3A_509 = arith.constant 64 : i32
      %add3A_510 = arith.addi %mul3A_467, %add3A_509 : i32
      %swap3A_511 = arith.index_cast %add3A_510 : i32 to index
      %swap3A_512 = tpu.vector_load %arg6[%swap3A_511] {strides = array<i32>} : memref<28672xi32, #tpu.memory_space<vmem>>, vector<16xi32>,
      tpu.vector_store %arg6[%swap3A_511], %gather3A_508 {strides = array<i32>} : memref<28672xi32, #tpu.memory_space<vmem>>, vector<16xi32>,
      %mul3A_513 = arith.constant 2 : i32
      %mul3A_514 = arith.muli %mul3A_513, %add3A_463 : i32
      %add3A_515 = vector.broadcast %mul3A_514 : i32 to vector<16xi32>
      %add3A_516 = arith.addi %add3A_515, %select_n3A_85 : vector<16xi32>
      %gather3A_517 = tpu.vector_load_idx %arg5[%add3A_516, %sub3A_89] : memref<128x128xi32, #tpu.memory_space<vmem>>[vector<16xi32>, vector<16xi32>], vector<16xi32>,
      %add3A_518 = arith.constant 80 : i32
      %add3A_519 = arith.addi %mul3A_467, %add3A_518 : i32
      %swap3A_520 = arith.index_cast %add3A_519 : i32 to index
      %swap3A_521 = tpu.vector_load %arg6[%swap3A_520] {strides = array<i32>} : memref<28672xi32, #tpu.memory_space<vmem>>, vector<16xi32>,
      tpu.vector_store %arg6[%swap3A_520], %gather3A_517 {strides = array<i32>} : memref<28672xi32, #tpu.memory_space<vmem>>, vector<16xi32>,
      %mul3A_522 = arith.constant 2 : i32
      %mul3A_523 = arith.muli %mul3A_522, %add3A_463 : i32
      %add3A_524 = vector.broadcast %mul3A_523 : i32 to vector<16xi32>
      %add3A_525 = arith.addi %add3A_524, %select_n3A_100 : vector<16xi32>
      %gather3A_526 = tpu.vector_load_idx %arg5[%add3A_525, %sub3A_104] : memref<128x128xi32, #tpu.memory_space<vmem>>[vector<16xi32>, vector<16xi32>], vector<16xi32>,
      %add3A_527 = arith.constant 96 : i32
      %add3A_528 = arith.addi %mul3A_467, %add3A_527 : i32
      %swap3A_529 = arith.index_cast %add3A_528 : i32 to index
      %swap3A_530 = tpu.vector_load %arg6[%swap3A_529] {strides = array<i32>} : memref<28672xi32, #tpu.memory_space<vmem>>, vector<16xi32>,
      tpu.vector_store %arg6[%swap3A_529], %gather3A_526 {strides = array<i32>} : memref<28672xi32, #tpu.memory_space<vmem>>, vector<16xi32>,
    }
    %scan3A_110 = arith.constant 64 : i32
    %add3A_111 = arith.constant 0 : i32
    %add3A_112 = vector.broadcast %add3A_111 : i32 to vector<16xi32>
    %add3A_113 = arith.addi %add3A_112, %iota3A : vector<16xi32>
    %gather3A = tpu.vector_load_idx %arg5[%add3A_113, %broadcast_in_dim3A_3] : memref<128x128xi32, #tpu.memory_space<vmem>>[vector<16xi32>, vector<16xi32>], vector<16xi32>,
    %swap3A = arith.constant 0 : i32
    %swap3A_114 = arith.index_cast %swap3A : i32 to index
    %swap3A_115 = arith.constant 0 : index
    %swap3A_116 = tpu.vector_load %arg7[%swap3A_114, %swap3A_115] {strides = array<i32>} : memref<4x128xi32, #tpu.memory_space<vmem>>, vector<16xi32>,
    tpu.vector_store %arg7[%swap3A_114, %swap3A_115], %gather3A {strides = array<i32>} : memref<4x128xi32, #tpu.memory_space<vmem>>, vector<16xi32>,
    %add3A_117 = arith.constant 16 : i32
    %add3A_118 = vector.broadcast %add3A_117 : i32 to vector<16xi32>
    %add3A_119 = arith.addi %add3A_118, %iota3A : vector<16xi32>
    %gather3A_120 = tpu.vector_load_idx %arg5[%add3A_119, %broadcast_in_dim3A_3] : memref<128x128xi32, #tpu.memory_space<vmem>>[vector<16xi32>, vector<16xi32>], vector<16xi32>,
    %swap3A_121 = arith.constant 0 : i32
    %swap3A_122 = arith.index_cast %swap3A_121 : i32 to index
    %swap3A_123 = arith.constant 16 : index
    %swap3A_124 = tpu.vector_load %arg7[%swap3A_122, %swap3A_123] {strides = array<i32>} : memref<4x128xi32, #tpu.memory_space<vmem>>, vector<16xi32>,
    tpu.vector_store %arg7[%swap3A_122, %swap3A_123], %gather3A_120 {strides = array<i32>} : memref<4x128xi32, #tpu.memory_space<vmem>>, vector<16xi32>,
    %add3A_125 = arith.constant 32 : i32
    %add3A_126 = vector.broadcast %add3A_125 : i32 to vector<16xi32>
    %add3A_127 = arith.addi %add3A_126, %iota3A : vector<16xi32>
    %gather3A_128 = tpu.vector_load_idx %arg5[%add3A_127, %broadcast_in_dim3A_3] : memref<128x128xi32, #tpu.memory_space<vmem>>[vector<16xi32>, vector<16xi32>], vector<16xi32>,
    %swap3A_129 = arith.constant 0 : i32
    %swap3A_130 = arith.index_cast %swap3A_129 : i32 to index
    %swap3A_131 = arith.constant 32 : index
    %swap3A_132 = tpu.vector_load %arg7[%swap3A_130, %swap3A_131] {strides = array<i32>} : memref<4x128xi32, #tpu.memory_space<vmem>>, vector<16xi32>,
    tpu.vector_store %arg7[%swap3A_130, %swap3A_131], %gather3A_128 {strides = array<i32>} : memref<4x128xi32, #tpu.memory_space<vmem>>, vector<16xi32>,
    %add3A_133 = arith.constant 48 : i32
    %add3A_134 = vector.broadcast %add3A_133 : i32 to vector<16xi32>
    %add3A_135 = arith.addi %add3A_134, %iota3A : vector<16xi32>
    %gather3A_136 = tpu.vector_load_idx %arg5[%add3A_135, %broadcast_in_dim3A_3] : memref<128x128xi32, #tpu.memory_space<vmem>>[vector<16xi32>, vector<16xi32>], vector<16xi32>,
    %swap3A_137 = arith.constant 0 : i32
    %swap3A_138 = arith.index_cast %swap3A_137 : i32 to index
    %swap3A_139 = arith.constant 48 : index
    %swap3A_140 = tpu.vector_load %arg7[%swap3A_138, %swap3A_139] {strides = array<i32>} : memref<4x128xi32, #tpu.memory_space<vmem>>, vector<16xi32>,
    tpu.vector_store %arg7[%swap3A_138, %swap3A_139], %gather3A_136 {strides = array<i32>} : memref<4x128xi32, #tpu.memory_space<vmem>>, vector<16xi32>,
    %add3A_141 = arith.constant 64 : i32
    %add3A_142 = vector.broadcast %add3A_141 : i32 to vector<16xi32>
    %add3A_143 = arith.addi %add3A_142, %iota3A : vector<16xi32>
    %gather3A_144 = tpu.vector_load_idx %arg5[%add3A_143, %broadcast_in_dim3A_3] : memref<128x128xi32, #tpu.memory_space<vmem>>[vector<16xi32>, vector<16xi32>], vector<16xi32>,
    %swap3A_145 = arith.constant 0 : i32
    %swap3A_146 = arith.index_cast %swap3A_145 : i32 to index
    %swap3A_147 = arith.constant 64 : index
    %swap3A_148 = tpu.vector_load %arg7[%swap3A_146, %swap3A_147] {strides = array<i32>} : memref<4x128xi32, #tpu.memory_space<vmem>>, vector<16xi32>,
    tpu.vector_store %arg7[%swap3A_146, %swap3A_147], %gather3A_144 {strides = array<i32>} : memref<4x128xi32, #tpu.memory_space<vmem>>, vector<16xi32>,
    %add3A_149 = arith.constant 80 : i32
    %add3A_150 = vector.broadcast %add3A_149 : i32 to vector<16xi32>
    %add3A_151 = arith.addi %add3A_150, %iota3A : vector<16xi32>
    %gather3A_152 = tpu.vector_load_idx %arg5[%add3A_151, %broadcast_in_dim3A_3] : memref<128x128xi32, #tpu.memory_space<vmem>>[vector<16xi32>, vector<16xi32>], vector<16xi32>,
    %swap3A_153 = arith.constant 0 : i32
    %swap3A_154 = arith.index_cast %swap3A_153 : i32 to index
    %swap3A_155 = arith.constant 80 : index
    %swap3A_156 = tpu.vector_load %arg7[%swap3A_154, %swap3A_155] {strides = array<i32>} : memref<4x128xi32, #tpu.memory_space<vmem>>, vector<16xi32>,
    tpu.vector_store %arg7[%swap3A_154, %swap3A_155], %gather3A_152 {strides = array<i32>} : memref<4x128xi32, #tpu.memory_space<vmem>>, vector<16xi32>,
    %add3A_157 = arith.constant 96 : i32
    %add3A_158 = vector.broadcast %add3A_157 : i32 to vector<16xi32>
    %add3A_159 = arith.addi %add3A_158, %iota3A : vector<16xi32>
    %gather3A_160 = tpu.vector_load_idx %arg5[%add3A_159, %broadcast_in_dim3A_3] : memref<128x128xi32, #tpu.memory_space<vmem>>[vector<16xi32>, vector<16xi32>], vector<16xi32>,
    %swap3A_161 = arith.constant 0 : i32
    %swap3A_162 = arith.index_cast %swap3A_161 : i32 to index
    %swap3A_163 = arith.constant 96 : index
    %swap3A_164 = tpu.vector_load %arg7[%swap3A_162, %swap3A_163] {strides = array<i32>} : memref<4x128xi32, #tpu.memory_space<vmem>>, vector<16xi32>,
    tpu.vector_store %arg7[%swap3A_162, %swap3A_163], %gather3A_160 {strides = array<i32>} : memref<4x128xi32, #tpu.memory_space<vmem>>, vector<16xi32>,
    %add3A_165 = arith.constant 112 : i32
    %add3A_166 = vector.broadcast %add3A_165 : i32 to vector<16xi32>
    %add3A_167 = arith.addi %add3A_166, %iota3A : vector<16xi32>
    %gather3A_168 = tpu.vector_load_idx %arg5[%add3A_167, %broadcast_in_dim3A_3] : memref<128x128xi32, #tpu.memory_space<vmem>>[vector<16xi32>, vector<16xi32>], vector<16xi32>,
    %swap3A_169 = arith.constant 0 : i32
    %swap3A_170 = arith.index_cast %swap3A_169 : i32 to index
    %swap3A_171 = arith.constant 112 : index
    %swap3A_172 = tpu.vector_load %arg7[%swap3A_170, %swap3A_171] {strides = array<i32>} : memref<4x128xi32, #tpu.memory_space<vmem>>, vector<16xi32>,
    tpu.vector_store %arg7[%swap3A_170, %swap3A_171], %gather3A_168 {strides = array<i32>} : memref<4x128xi32, #tpu.memory_space<vmem>>, vector<16xi32>,
    %add3A_173 = arith.constant 128 : i32
    %add3A_174 = arith.addi %mul3A_2, %add3A_173 : i32
    "tpu.region"() ({
      %run_scoped3A = tpu.sem_alloc : memref<!tpu.dma_semaphore, #tpu.memory_space<semaphore_mem>>
      %dma_start3A = arith.constant 0 : i32
      %dma_start3A_386 = tpu.memref_slice %arg2[%add3A_174, %dma_start3A] : memref<16384x128xi32, #tpu.memory_space<hbm>> -> memref<128x128xi32, #tpu.memory_space<hbm>>
      %dma_start3A_387 = arith.constant 0 : i32
      %dma_start3A_388 = tpu.memref_slice %arg2[%add3A_174, %dma_start3A_387] : memref<16384x128xi32, #tpu.memory_space<hbm>> -> memref<128x128xi32, #tpu.memory_space<hbm>>
      tpu.enqueue_dma source(%dma_start3A_388 : memref<128x128xi32, #tpu.memory_space<hbm>>) target(%arg5 : memref<128x128xi32, #tpu.memory_space<vmem>>) target_semaphore(%run_scoped3A : memref<!tpu.dma_semaphore, #tpu.memory_space<semaphore_mem>>)
      %dma_wait3A = arith.constant 0 : i32
      %dma_wait3A_389 = tpu.memref_slice %arg2[%add3A_174, %dma_wait3A] : memref<16384x128xi32, #tpu.memory_space<hbm>> -> memref<128x128xi32, #tpu.memory_space<hbm>>
      %dma_wait3A_390 = arith.constant 0 : i32
      %dma_wait3A_391 = tpu.memref_slice %arg2[%add3A_174, %dma_wait3A_390] : memref<16384x128xi32, #tpu.memory_space<hbm>> -> memref<128x128xi32, #tpu.memory_space<hbm>>
      tpu.wait_dma2 semaphore(%run_scoped3A : memref<!tpu.dma_semaphore, #tpu.memory_space<semaphore_mem>>) src(%dma_wait3A_391 : memref<128x128xi32, #tpu.memory_space<hbm>>) dst(%arg5 : memref<128x128xi32, #tpu.memory_space<vmem>>)
      tpu.yield
    }) : () -> ()
    %scan3A_175 = arith.constant 0 : i32
    %scan3A_176 = arith.constant 64 : i32
    %scan3A_177 = arith.addi %scan3A_175, %scan3A_176 : i32
    %scan3A_178 = arith.constant 2 : i32
    scf.for %scan3A_386 = %scan3A_175 to %scan3A_177 step %scan3A_178  : i32 {
      %mul3A_387 = arith.constant 1 : i32
      %mul3A_388 = arith.muli %scan3A_386, %mul3A_387 : i32
      %add3A_389 = arith.constant 0 : i32
      %add3A_390 = arith.addi %add3A_389, %mul3A_388 : i32
      %add3A_391 = arith.constant 64 : i32
      %add3A_392 = arith.addi %add3A_391, %add3A_390 : i32
      %mul3A_393 = arith.constant 112 : i32
      %mul3A_394 = arith.muli %add3A_392, %mul3A_393 : i32
      %mul3A_395 = arith.constant 2 : i32
      %mul3A_396 = arith.muli %mul3A_395, %add3A_390 : i32
      %add3A_397 = vector.broadcast %mul3A_396 : i32 to vector<16xi32>
      %add3A_398 = arith.addi %add3A_397, %select_n3A : vector<16xi32>
      %gather3A_399 = tpu.vector_load_idx %arg5[%add3A_398, %sub3A] : memref<128x128xi32, #tpu.memory_space<vmem>>[vector<16xi32>, vector<16xi32>], vector<16xi32>,
      %add3A_400 = arith.constant 0 : i32
      %add3A_401 = arith.addi %mul3A_394, %add3A_400 : i32
      %swap3A_402 = arith.index_cast %add3A_401 : i32 to index
      %swap3A_403 = tpu.vector_load %arg6[%swap3A_402] {strides = array<i32>} : memref<28672xi32, #tpu.memory_space<vmem>>, vector<16xi32>,
      tpu.vector_store %arg6[%swap3A_402], %gather3A_399 {strides = array<i32>} : memref<28672xi32, #tpu.memory_space<vmem>>, vector<16xi32>,
      %mul3A_404 = arith.constant 2 : i32
      %mul3A_405 = arith.muli %mul3A_404, %add3A_390 : i32
      %add3A_406 = vector.broadcast %mul3A_405 : i32 to vector<16xi32>
      %add3A_407 = arith.addi %add3A_406, %select_n3A_25 : vector<16xi32>
      %gather3A_408 = tpu.vector_load_idx %arg5[%add3A_407, %sub3A_29] : memref<128x128xi32, #tpu.memory_space<vmem>>[vector<16xi32>, vector<16xi32>], vector<16xi32>,
      %add3A_409 = arith.constant 16 : i32
      %add3A_410 = arith.addi %mul3A_394, %add3A_409 : i32
      %swap3A_411 = arith.index_cast %add3A_410 : i32 to index
      %swap3A_412 = tpu.vector_load %arg6[%swap3A_411] {strides = array<i32>} : memref<28672xi32, #tpu.memory_space<vmem>>, vector<16xi32>,
      tpu.vector_store %arg6[%swap3A_411], %gather3A_408 {strides = array<i32>} : memref<28672xi32, #tpu.memory_space<vmem>>, vector<16xi32>,
      %mul3A_413 = arith.constant 2 : i32
      %mul3A_414 = arith.muli %mul3A_413, %add3A_390 : i32
      %add3A_415 = vector.broadcast %mul3A_414 : i32 to vector<16xi32>
      %add3A_416 = arith.addi %add3A_415, %select_n3A_40 : vector<16xi32>
      %gather3A_417 = tpu.vector_load_idx %arg5[%add3A_416, %sub3A_44] : memref<128x128xi32, #tpu.memory_space<vmem>>[vector<16xi32>, vector<16xi32>], vector<16xi32>,
      %add3A_418 = arith.constant 32 : i32
      %add3A_419 = arith.addi %mul3A_394, %add3A_418 : i32
      %swap3A_420 = arith.index_cast %add3A_419 : i32 to index
      %swap3A_421 = tpu.vector_load %arg6[%swap3A_420] {strides = array<i32>} : memref<28672xi32, #tpu.memory_space<vmem>>, vector<16xi32>,
      tpu.vector_store %arg6[%swap3A_420], %gather3A_417 {strides = array<i32>} : memref<28672xi32, #tpu.memory_space<vmem>>, vector<16xi32>,
      %mul3A_422 = arith.constant 2 : i32
      %mul3A_423 = arith.muli %mul3A_422, %add3A_390 : i32
      %add3A_424 = vector.broadcast %mul3A_423 : i32 to vector<16xi32>
      %add3A_425 = arith.addi %add3A_424, %select_n3A_55 : vector<16xi32>
      %gather3A_426 = tpu.vector_load_idx %arg5[%add3A_425, %sub3A_59] : memref<128x128xi32, #tpu.memory_space<vmem>>[vector<16xi32>, vector<16xi32>], vector<16xi32>,
      %add3A_427 = arith.constant 48 : i32
      %add3A_428 = arith.addi %mul3A_394, %add3A_427 : i32
      %swap3A_429 = arith.index_cast %add3A_428 : i32 to index
      %swap3A_430 = tpu.vector_load %arg6[%swap3A_429] {strides = array<i32>} : memref<28672xi32, #tpu.memory_space<vmem>>, vector<16xi32>,
      tpu.vector_store %arg6[%swap3A_429], %gather3A_426 {strides = array<i32>} : memref<28672xi32, #tpu.memory_space<vmem>>, vector<16xi32>,
      %mul3A_431 = arith.constant 2 : i32
      %mul3A_432 = arith.muli %mul3A_431, %add3A_390 : i32
      %add3A_433 = vector.broadcast %mul3A_432 : i32 to vector<16xi32>
      %add3A_434 = arith.addi %add3A_433, %select_n3A_70 : vector<16xi32>
      %gather3A_435 = tpu.vector_load_idx %arg5[%add3A_434, %sub3A_74] : memref<128x128xi32, #tpu.memory_space<vmem>>[vector<16xi32>, vector<16xi32>], vector<16xi32>,
      %add3A_436 = arith.constant 64 : i32
      %add3A_437 = arith.addi %mul3A_394, %add3A_436 : i32
      %swap3A_438 = arith.index_cast %add3A_437 : i32 to index
      %swap3A_439 = tpu.vector_load %arg6[%swap3A_438] {strides = array<i32>} : memref<28672xi32, #tpu.memory_space<vmem>>, vector<16xi32>,
      tpu.vector_store %arg6[%swap3A_438], %gather3A_435 {strides = array<i32>} : memref<28672xi32, #tpu.memory_space<vmem>>, vector<16xi32>,
      %mul3A_440 = arith.constant 2 : i32
      %mul3A_441 = arith.muli %mul3A_440, %add3A_390 : i32
      %add3A_442 = vector.broadcast %mul3A_441 : i32 to vector<16xi32>
      %add3A_443 = arith.addi %add3A_442, %select_n3A_85 : vector<16xi32>
      %gather3A_444 = tpu.vector_load_idx %arg5[%add3A_443, %sub3A_89] : memref<128x128xi32, #tpu.memory_space<vmem>>[vector<16xi32>, vector<16xi32>], vector<16xi32>,
      %add3A_445 = arith.constant 80 : i32
      %add3A_446 = arith.addi %mul3A_394, %add3A_445 : i32
      %swap3A_447 = arith.index_cast %add3A_446 : i32 to index
      %swap3A_448 = tpu.vector_load %arg6[%swap3A_447] {strides = array<i32>} : memref<28672xi32, #tpu.memory_space<vmem>>, vector<16xi32>,
      tpu.vector_store %arg6[%swap3A_447], %gather3A_444 {strides = array<i32>} : memref<28672xi32, #tpu.memory_space<vmem>>, vector<16xi32>,
      %mul3A_449 = arith.constant 2 : i32
      %mul3A_450 = arith.muli %mul3A_449, %add3A_390 : i32
      %add3A_451 = vector.broadcast %mul3A_450 : i32 to vector<16xi32>
      %add3A_452 = arith.addi %add3A_451, %select_n3A_100 : vector<16xi32>
      %gather3A_453 = tpu.vector_load_idx %arg5[%add3A_452, %sub3A_104] : memref<128x128xi32, #tpu.memory_space<vmem>>[vector<16xi32>, vector<16xi32>], vector<16xi32>,
      %add3A_454 = arith.constant 96 : i32
      %add3A_455 = arith.addi %mul3A_394, %add3A_454 : i32
      %swap3A_456 = arith.index_cast %add3A_455 : i32 to index
      %swap3A_457 = tpu.vector_load %arg6[%swap3A_456] {strides = array<i32>} : memref<28672xi32, #tpu.memory_space<vmem>>, vector<16xi32>,
      tpu.vector_store %arg6[%swap3A_456], %gather3A_453 {strides = array<i32>} : memref<28672xi32, #tpu.memory_space<vmem>>, vector<16xi32>,
      %scan3A_458 = arith.constant 1 : i32
      %scan3A_459 = arith.addi %scan3A_386, %scan3A_458 : i32
      %mul3A_460 = arith.constant 1 : i32
      %mul3A_461 = arith.muli %scan3A_459, %mul3A_460 : i32
      %add3A_462 = arith.constant 0 : i32
      %add3A_463 = arith.addi %add3A_462, %mul3A_461 : i32
      %add3A_464 = arith.constant 64 : i32
      %add3A_465 = arith.addi %add3A_464, %add3A_463 : i32
      %mul3A_466 = arith.constant 112 : i32
      %mul3A_467 = arith.muli %add3A_465, %mul3A_466 : i32
      %mul3A_468 = arith.constant 2 : i32
      %mul3A_469 = arith.muli %mul3A_468, %add3A_463 : i32
      %add3A_470 = vector.broadcast %mul3A_469 : i32 to vector<16xi32>
      %add3A_471 = arith.addi %add3A_470, %select_n3A : vector<16xi32>
      %gather3A_472 = tpu.vector_load_idx %arg5[%add3A_471, %sub3A] : memref<128x128xi32, #tpu.memory_space<vmem>>[vector<16xi32>, vector<16xi32>], vector<16xi32>,
      %add3A_473 = arith.constant 0 : i32
      %add3A_474 = arith.addi %mul3A_467, %add3A_473 : i32
      %swap3A_475 = arith.index_cast %add3A_474 : i32 to index
      %swap3A_476 = tpu.vector_load %arg6[%swap3A_475] {strides = array<i32>} : memref<28672xi32, #tpu.memory_space<vmem>>, vector<16xi32>,
      tpu.vector_store %arg6[%swap3A_475], %gather3A_472 {strides = array<i32>} : memref<28672xi32, #tpu.memory_space<vmem>>, vector<16xi32>,
      %mul3A_477 = arith.constant 2 : i32
      %mul3A_478 = arith.muli %mul3A_477, %add3A_463 : i32
      %add3A_479 = vector.broadcast %mul3A_478 : i32 to vector<16xi32>
      %add3A_480 = arith.addi %add3A_479, %select_n3A_25 : vector<16xi32>
      %gather3A_481 = tpu.vector_load_idx %arg5[%add3A_480, %sub3A_29] : memref<128x128xi32, #tpu.memory_space<vmem>>[vector<16xi32>, vector<16xi32>], vector<16xi32>,
      %add3A_482 = arith.constant 16 : i32
      %add3A_483 = arith.addi %mul3A_467, %add3A_482 : i32
      %swap3A_484 = arith.index_cast %add3A_483 : i32 to index
      %swap3A_485 = tpu.vector_load %arg6[%swap3A_484] {strides = array<i32>} : memref<28672xi32, #tpu.memory_space<vmem>>, vector<16xi32>,
      tpu.vector_store %arg6[%swap3A_484], %gather3A_481 {strides = array<i32>} : memref<28672xi32, #tpu.memory_space<vmem>>, vector<16xi32>,
      %mul3A_486 = arith.constant 2 : i32
      %mul3A_487 = arith.muli %mul3A_486, %add3A_463 : i32
      %add3A_488 = vector.broadcast %mul3A_487 : i32 to vector<16xi32>
      %add3A_489 = arith.addi %add3A_488, %select_n3A_40 : vector<16xi32>
      %gather3A_490 = tpu.vector_load_idx %arg5[%add3A_489, %sub3A_44] : memref<128x128xi32, #tpu.memory_space<vmem>>[vector<16xi32>, vector<16xi32>], vector<16xi32>,
      %add3A_491 = arith.constant 32 : i32
      %add3A_492 = arith.addi %mul3A_467, %add3A_491 : i32
      %swap3A_493 = arith.index_cast %add3A_492 : i32 to index
      %swap3A_494 = tpu.vector_load %arg6[%swap3A_493] {strides = array<i32>} : memref<28672xi32, #tpu.memory_space<vmem>>, vector<16xi32>,
      tpu.vector_store %arg6[%swap3A_493], %gather3A_490 {strides = array<i32>} : memref<28672xi32, #tpu.memory_space<vmem>>, vector<16xi32>,
      %mul3A_495 = arith.constant 2 : i32
      %mul3A_496 = arith.muli %mul3A_495, %add3A_463 : i32
      %add3A_497 = vector.broadcast %mul3A_496 : i32 to vector<16xi32>
      %add3A_498 = arith.addi %add3A_497, %select_n3A_55 : vector<16xi32>
      %gather3A_499 = tpu.vector_load_idx %arg5[%add3A_498, %sub3A_59] : memref<128x128xi32, #tpu.memory_space<vmem>>[vector<16xi32>, vector<16xi32>], vector<16xi32>,
      %add3A_500 = arith.constant 48 : i32
      %add3A_501 = arith.addi %mul3A_467, %add3A_500 : i32
      %swap3A_502 = arith.index_cast %add3A_501 : i32 to index
      %swap3A_503 = tpu.vector_load %arg6[%swap3A_502] {strides = array<i32>} : memref<28672xi32, #tpu.memory_space<vmem>>, vector<16xi32>,
      tpu.vector_store %arg6[%swap3A_502], %gather3A_499 {strides = array<i32>} : memref<28672xi32, #tpu.memory_space<vmem>>, vector<16xi32>,
      %mul3A_504 = arith.constant 2 : i32
      %mul3A_505 = arith.muli %mul3A_504, %add3A_463 : i32
      %add3A_506 = vector.broadcast %mul3A_505 : i32 to vector<16xi32>
      %add3A_507 = arith.addi %add3A_506, %select_n3A_70 : vector<16xi32>
      %gather3A_508 = tpu.vector_load_idx %arg5[%add3A_507, %sub3A_74] : memref<128x128xi32, #tpu.memory_space<vmem>>[vector<16xi32>, vector<16xi32>], vector<16xi32>,
      %add3A_509 = arith.constant 64 : i32
      %add3A_510 = arith.addi %mul3A_467, %add3A_509 : i32
      %swap3A_511 = arith.index_cast %add3A_510 : i32 to index
      %swap3A_512 = tpu.vector_load %arg6[%swap3A_511] {strides = array<i32>} : memref<28672xi32, #tpu.memory_space<vmem>>, vector<16xi32>,
      tpu.vector_store %arg6[%swap3A_511], %gather3A_508 {strides = array<i32>} : memref<28672xi32, #tpu.memory_space<vmem>>, vector<16xi32>,
      %mul3A_513 = arith.constant 2 : i32
      %mul3A_514 = arith.muli %mul3A_513, %add3A_463 : i32
      %add3A_515 = vector.broadcast %mul3A_514 : i32 to vector<16xi32>
      %add3A_516 = arith.addi %add3A_515, %select_n3A_85 : vector<16xi32>
      %gather3A_517 = tpu.vector_load_idx %arg5[%add3A_516, %sub3A_89] : memref<128x128xi32, #tpu.memory_space<vmem>>[vector<16xi32>, vector<16xi32>], vector<16xi32>,
      %add3A_518 = arith.constant 80 : i32
      %add3A_519 = arith.addi %mul3A_467, %add3A_518 : i32
      %swap3A_520 = arith.index_cast %add3A_519 : i32 to index
      %swap3A_521 = tpu.vector_load %arg6[%swap3A_520] {strides = array<i32>} : memref<28672xi32, #tpu.memory_space<vmem>>, vector<16xi32>,
      tpu.vector_store %arg6[%swap3A_520], %gather3A_517 {strides = array<i32>} : memref<28672xi32, #tpu.memory_space<vmem>>, vector<16xi32>,
      %mul3A_522 = arith.constant 2 : i32
      %mul3A_523 = arith.muli %mul3A_522, %add3A_463 : i32
      %add3A_524 = vector.broadcast %mul3A_523 : i32 to vector<16xi32>
      %add3A_525 = arith.addi %add3A_524, %select_n3A_100 : vector<16xi32>
      %gather3A_526 = tpu.vector_load_idx %arg5[%add3A_525, %sub3A_104] : memref<128x128xi32, #tpu.memory_space<vmem>>[vector<16xi32>, vector<16xi32>], vector<16xi32>,
      %add3A_527 = arith.constant 96 : i32
      %add3A_528 = arith.addi %mul3A_467, %add3A_527 : i32
      %swap3A_529 = arith.index_cast %add3A_528 : i32 to index
      %swap3A_530 = tpu.vector_load %arg6[%swap3A_529] {strides = array<i32>} : memref<28672xi32, #tpu.memory_space<vmem>>, vector<16xi32>,
      tpu.vector_store %arg6[%swap3A_529], %gather3A_526 {strides = array<i32>} : memref<28672xi32, #tpu.memory_space<vmem>>, vector<16xi32>,
    }
    %scan3A_179 = arith.constant 64 : i32
    %add3A_180 = arith.constant 0 : i32
    %add3A_181 = vector.broadcast %add3A_180 : i32 to vector<16xi32>
    %add3A_182 = arith.addi %add3A_181, %iota3A : vector<16xi32>
    %gather3A_183 = tpu.vector_load_idx %arg5[%add3A_182, %broadcast_in_dim3A_3] : memref<128x128xi32, #tpu.memory_space<vmem>>[vector<16xi32>, vector<16xi32>], vector<16xi32>,
    %swap3A_184 = arith.constant 1 : i32
    %swap3A_185 = arith.index_cast %swap3A_184 : i32 to index
    %swap3A_186 = arith.constant 0 : index
    %swap3A_187 = tpu.vector_load %arg7[%swap3A_185, %swap3A_186] {strides = array<i32>} : memref<4x128xi32, #tpu.memory_space<vmem>>, vector<16xi32>,
    tpu.vector_store %arg7[%swap3A_185, %swap3A_186], %gather3A_183 {strides = array<i32>} : memref<4x128xi32, #tpu.memory_space<vmem>>, vector<16xi32>,
    %add3A_188 = arith.constant 16 : i32
    %add3A_189 = vector.broadcast %add3A_188 : i32 to vector<16xi32>
    %add3A_190 = arith.addi %add3A_189, %iota3A : vector<16xi32>
    %gather3A_191 = tpu.vector_load_idx %arg5[%add3A_190, %broadcast_in_dim3A_3] : memref<128x128xi32, #tpu.memory_space<vmem>>[vector<16xi32>, vector<16xi32>], vector<16xi32>,
    %swap3A_192 = arith.constant 1 : i32
    %swap3A_193 = arith.index_cast %swap3A_192 : i32 to index
    %swap3A_194 = arith.constant 16 : index
    %swap3A_195 = tpu.vector_load %arg7[%swap3A_193, %swap3A_194] {strides = array<i32>} : memref<4x128xi32, #tpu.memory_space<vmem>>, vector<16xi32>,
    tpu.vector_store %arg7[%swap3A_193, %swap3A_194], %gather3A_191 {strides = array<i32>} : memref<4x128xi32, #tpu.memory_space<vmem>>, vector<16xi32>,
    %add3A_196 = arith.constant 32 : i32
    %add3A_197 = vector.broadcast %add3A_196 : i32 to vector<16xi32>
    %add3A_198 = arith.addi %add3A_197, %iota3A : vector<16xi32>
    %gather3A_199 = tpu.vector_load_idx %arg5[%add3A_198, %broadcast_in_dim3A_3] : memref<128x128xi32, #tpu.memory_space<vmem>>[vector<16xi32>, vector<16xi32>], vector<16xi32>,
    %swap3A_200 = arith.constant 1 : i32
    %swap3A_201 = arith.index_cast %swap3A_200 : i32 to index
    %swap3A_202 = arith.constant 32 : index
    %swap3A_203 = tpu.vector_load %arg7[%swap3A_201, %swap3A_202] {strides = array<i32>} : memref<4x128xi32, #tpu.memory_space<vmem>>, vector<16xi32>,
    tpu.vector_store %arg7[%swap3A_201, %swap3A_202], %gather3A_199 {strides = array<i32>} : memref<4x128xi32, #tpu.memory_space<vmem>>, vector<16xi32>,
    %add3A_204 = arith.constant 48 : i32
    %add3A_205 = vector.broadcast %add3A_204 : i32 to vector<16xi32>
    %add3A_206 = arith.addi %add3A_205, %iota3A : vector<16xi32>
    %gather3A_207 = tpu.vector_load_idx %arg5[%add3A_206, %broadcast_in_dim3A_3] : memref<128x128xi32, #tpu.memory_space<vmem>>[vector<16xi32>, vector<16xi32>], vector<16xi32>,
    %swap3A_208 = arith.constant 1 : i32
    %swap3A_209 = arith.index_cast %swap3A_208 : i32 to index
    %swap3A_210 = arith.constant 48 : index
    %swap3A_211 = tpu.vector_load %arg7[%swap3A_209, %swap3A_210] {strides = array<i32>} : memref<4x128xi32, #tpu.memory_space<vmem>>, vector<16xi32>,
    tpu.vector_store %arg7[%swap3A_209, %swap3A_210], %gather3A_207 {strides = array<i32>} : memref<4x128xi32, #tpu.memory_space<vmem>>, vector<16xi32>,
    %add3A_212 = arith.constant 64 : i32
    %add3A_213 = vector.broadcast %add3A_212 : i32 to vector<16xi32>
    %add3A_214 = arith.addi %add3A_213, %iota3A : vector<16xi32>
    %gather3A_215 = tpu.vector_load_idx %arg5[%add3A_214, %broadcast_in_dim3A_3] : memref<128x128xi32, #tpu.memory_space<vmem>>[vector<16xi32>, vector<16xi32>], vector<16xi32>,
    %swap3A_216 = arith.constant 1 : i32
    %swap3A_217 = arith.index_cast %swap3A_216 : i32 to index
    %swap3A_218 = arith.constant 64 : index
    %swap3A_219 = tpu.vector_load %arg7[%swap3A_217, %swap3A_218] {strides = array<i32>} : memref<4x128xi32, #tpu.memory_space<vmem>>, vector<16xi32>,
    tpu.vector_store %arg7[%swap3A_217, %swap3A_218], %gather3A_215 {strides = array<i32>} : memref<4x128xi32, #tpu.memory_space<vmem>>, vector<16xi32>,
    %add3A_220 = arith.constant 80 : i32
    %add3A_221 = vector.broadcast %add3A_220 : i32 to vector<16xi32>
    %add3A_222 = arith.addi %add3A_221, %iota3A : vector<16xi32>
    %gather3A_223 = tpu.vector_load_idx %arg5[%add3A_222, %broadcast_in_dim3A_3] : memref<128x128xi32, #tpu.memory_space<vmem>>[vector<16xi32>, vector<16xi32>], vector<16xi32>,
    %swap3A_224 = arith.constant 1 : i32
    %swap3A_225 = arith.index_cast %swap3A_224 : i32 to index
    %swap3A_226 = arith.constant 80 : index
    %swap3A_227 = tpu.vector_load %arg7[%swap3A_225, %swap3A_226] {strides = array<i32>} : memref<4x128xi32, #tpu.memory_space<vmem>>, vector<16xi32>,
    tpu.vector_store %arg7[%swap3A_225, %swap3A_226], %gather3A_223 {strides = array<i32>} : memref<4x128xi32, #tpu.memory_space<vmem>>, vector<16xi32>,
    %add3A_228 = arith.constant 96 : i32
    %add3A_229 = vector.broadcast %add3A_228 : i32 to vector<16xi32>
    %add3A_230 = arith.addi %add3A_229, %iota3A : vector<16xi32>
    %gather3A_231 = tpu.vector_load_idx %arg5[%add3A_230, %broadcast_in_dim3A_3] : memref<128x128xi32, #tpu.memory_space<vmem>>[vector<16xi32>, vector<16xi32>], vector<16xi32>,
    %swap3A_232 = arith.constant 1 : i32
    %swap3A_233 = arith.index_cast %swap3A_232 : i32 to index
    %swap3A_234 = arith.constant 96 : index
    %swap3A_235 = tpu.vector_load %arg7[%swap3A_233, %swap3A_234] {strides = array<i32>} : memref<4x128xi32, #tpu.memory_space<vmem>>, vector<16xi32>,
    tpu.vector_store %arg7[%swap3A_233, %swap3A_234], %gather3A_231 {strides = array<i32>} : memref<4x128xi32, #tpu.memory_space<vmem>>, vector<16xi32>,
    %add3A_236 = arith.constant 112 : i32
    %add3A_237 = vector.broadcast %add3A_236 : i32 to vector<16xi32>
    %add3A_238 = arith.addi %add3A_237, %iota3A : vector<16xi32>
    %gather3A_239 = tpu.vector_load_idx %arg5[%add3A_238, %broadcast_in_dim3A_3] : memref<128x128xi32, #tpu.memory_space<vmem>>[vector<16xi32>, vector<16xi32>], vector<16xi32>,
    %swap3A_240 = arith.constant 1 : i32
    %swap3A_241 = arith.index_cast %swap3A_240 : i32 to index
    %swap3A_242 = arith.constant 112 : index
    %swap3A_243 = tpu.vector_load %arg7[%swap3A_241, %swap3A_242] {strides = array<i32>} : memref<4x128xi32, #tpu.memory_space<vmem>>, vector<16xi32>,
    tpu.vector_store %arg7[%swap3A_241, %swap3A_242], %gather3A_239 {strides = array<i32>} : memref<4x128xi32, #tpu.memory_space<vmem>>, vector<16xi32>,
    %add3A_244 = arith.constant 256 : i32
    %add3A_245 = arith.addi %mul3A_2, %add3A_244 : i32
    "tpu.region"() ({
      %run_scoped3A = tpu.sem_alloc : memref<!tpu.dma_semaphore, #tpu.memory_space<semaphore_mem>>
      %dma_start3A = arith.constant 0 : i32
      %dma_start3A_386 = tpu.memref_slice %arg2[%add3A_245, %dma_start3A] : memref<16384x128xi32, #tpu.memory_space<hbm>> -> memref<128x128xi32, #tpu.memory_space<hbm>>
      %dma_start3A_387 = arith.constant 0 : i32
      %dma_start3A_388 = tpu.memref_slice %arg2[%add3A_245, %dma_start3A_387] : memref<16384x128xi32, #tpu.memory_space<hbm>> -> memref<128x128xi32, #tpu.memory_space<hbm>>
      tpu.enqueue_dma source(%dma_start3A_388 : memref<128x128xi32, #tpu.memory_space<hbm>>) target(%arg5 : memref<128x128xi32, #tpu.memory_space<vmem>>) target_semaphore(%run_scoped3A : memref<!tpu.dma_semaphore, #tpu.memory_space<semaphore_mem>>)
      %dma_wait3A = arith.constant 0 : i32
      %dma_wait3A_389 = tpu.memref_slice %arg2[%add3A_245, %dma_wait3A] : memref<16384x128xi32, #tpu.memory_space<hbm>> -> memref<128x128xi32, #tpu.memory_space<hbm>>
      %dma_wait3A_390 = arith.constant 0 : i32
      %dma_wait3A_391 = tpu.memref_slice %arg2[%add3A_245, %dma_wait3A_390] : memref<16384x128xi32, #tpu.memory_space<hbm>> -> memref<128x128xi32, #tpu.memory_space<hbm>>
      tpu.wait_dma2 semaphore(%run_scoped3A : memref<!tpu.dma_semaphore, #tpu.memory_space<semaphore_mem>>) src(%dma_wait3A_391 : memref<128x128xi32, #tpu.memory_space<hbm>>) dst(%arg5 : memref<128x128xi32, #tpu.memory_space<vmem>>)
      tpu.yield
    }) : () -> ()
    %scan3A_246 = arith.constant 0 : i32
    %scan3A_247 = arith.constant 64 : i32
    %scan3A_248 = arith.addi %scan3A_246, %scan3A_247 : i32
    %scan3A_249 = arith.constant 2 : i32
    scf.for %scan3A_386 = %scan3A_246 to %scan3A_248 step %scan3A_249  : i32 {
      %mul3A_387 = arith.constant 1 : i32
      %mul3A_388 = arith.muli %scan3A_386, %mul3A_387 : i32
      %add3A_389 = arith.constant 0 : i32
      %add3A_390 = arith.addi %add3A_389, %mul3A_388 : i32
      %add3A_391 = arith.constant 128 : i32
      %add3A_392 = arith.addi %add3A_391, %add3A_390 : i32
      %mul3A_393 = arith.constant 112 : i32
      %mul3A_394 = arith.muli %add3A_392, %mul3A_393 : i32
      %mul3A_395 = arith.constant 2 : i32
      %mul3A_396 = arith.muli %mul3A_395, %add3A_390 : i32
      %add3A_397 = vector.broadcast %mul3A_396 : i32 to vector<16xi32>
      %add3A_398 = arith.addi %add3A_397, %select_n3A : vector<16xi32>
      %gather3A_399 = tpu.vector_load_idx %arg5[%add3A_398, %sub3A] : memref<128x128xi32, #tpu.memory_space<vmem>>[vector<16xi32>, vector<16xi32>], vector<16xi32>,
      %add3A_400 = arith.constant 0 : i32
      %add3A_401 = arith.addi %mul3A_394, %add3A_400 : i32
      %swap3A_402 = arith.index_cast %add3A_401 : i32 to index
      %swap3A_403 = tpu.vector_load %arg6[%swap3A_402] {strides = array<i32>} : memref<28672xi32, #tpu.memory_space<vmem>>, vector<16xi32>,
      tpu.vector_store %arg6[%swap3A_402], %gather3A_399 {strides = array<i32>} : memref<28672xi32, #tpu.memory_space<vmem>>, vector<16xi32>,
      %mul3A_404 = arith.constant 2 : i32
      %mul3A_405 = arith.muli %mul3A_404, %add3A_390 : i32
      %add3A_406 = vector.broadcast %mul3A_405 : i32 to vector<16xi32>
      %add3A_407 = arith.addi %add3A_406, %select_n3A_25 : vector<16xi32>
      %gather3A_408 = tpu.vector_load_idx %arg5[%add3A_407, %sub3A_29] : memref<128x128xi32, #tpu.memory_space<vmem>>[vector<16xi32>, vector<16xi32>], vector<16xi32>,
      %add3A_409 = arith.constant 16 : i32
      %add3A_410 = arith.addi %mul3A_394, %add3A_409 : i32
      %swap3A_411 = arith.index_cast %add3A_410 : i32 to index
      %swap3A_412 = tpu.vector_load %arg6[%swap3A_411] {strides = array<i32>} : memref<28672xi32, #tpu.memory_space<vmem>>, vector<16xi32>,
      tpu.vector_store %arg6[%swap3A_411], %gather3A_408 {strides = array<i32>} : memref<28672xi32, #tpu.memory_space<vmem>>, vector<16xi32>,
      %mul3A_413 = arith.constant 2 : i32
      %mul3A_414 = arith.muli %mul3A_413, %add3A_390 : i32
      %add3A_415 = vector.broadcast %mul3A_414 : i32 to vector<16xi32>
      %add3A_416 = arith.addi %add3A_415, %select_n3A_40 : vector<16xi32>
      %gather3A_417 = tpu.vector_load_idx %arg5[%add3A_416, %sub3A_44] : memref<128x128xi32, #tpu.memory_space<vmem>>[vector<16xi32>, vector<16xi32>], vector<16xi32>,
      %add3A_418 = arith.constant 32 : i32
      %add3A_419 = arith.addi %mul3A_394, %add3A_418 : i32
      %swap3A_420 = arith.index_cast %add3A_419 : i32 to index
      %swap3A_421 = tpu.vector_load %arg6[%swap3A_420] {strides = array<i32>} : memref<28672xi32, #tpu.memory_space<vmem>>, vector<16xi32>,
      tpu.vector_store %arg6[%swap3A_420], %gather3A_417 {strides = array<i32>} : memref<28672xi32, #tpu.memory_space<vmem>>, vector<16xi32>,
      %mul3A_422 = arith.constant 2 : i32
      %mul3A_423 = arith.muli %mul3A_422, %add3A_390 : i32
      %add3A_424 = vector.broadcast %mul3A_423 : i32 to vector<16xi32>
      %add3A_425 = arith.addi %add3A_424, %select_n3A_55 : vector<16xi32>
      %gather3A_426 = tpu.vector_load_idx %arg5[%add3A_425, %sub3A_59] : memref<128x128xi32, #tpu.memory_space<vmem>>[vector<16xi32>, vector<16xi32>], vector<16xi32>,
      %add3A_427 = arith.constant 48 : i32
      %add3A_428 = arith.addi %mul3A_394, %add3A_427 : i32
      %swap3A_429 = arith.index_cast %add3A_428 : i32 to index
      %swap3A_430 = tpu.vector_load %arg6[%swap3A_429] {strides = array<i32>} : memref<28672xi32, #tpu.memory_space<vmem>>, vector<16xi32>,
      tpu.vector_store %arg6[%swap3A_429], %gather3A_426 {strides = array<i32>} : memref<28672xi32, #tpu.memory_space<vmem>>, vector<16xi32>,
      %mul3A_431 = arith.constant 2 : i32
      %mul3A_432 = arith.muli %mul3A_431, %add3A_390 : i32
      %add3A_433 = vector.broadcast %mul3A_432 : i32 to vector<16xi32>
      %add3A_434 = arith.addi %add3A_433, %select_n3A_70 : vector<16xi32>
      %gather3A_435 = tpu.vector_load_idx %arg5[%add3A_434, %sub3A_74] : memref<128x128xi32, #tpu.memory_space<vmem>>[vector<16xi32>, vector<16xi32>], vector<16xi32>,
      %add3A_436 = arith.constant 64 : i32
      %add3A_437 = arith.addi %mul3A_394, %add3A_436 : i32
      %swap3A_438 = arith.index_cast %add3A_437 : i32 to index
      %swap3A_439 = tpu.vector_load %arg6[%swap3A_438] {strides = array<i32>} : memref<28672xi32, #tpu.memory_space<vmem>>, vector<16xi32>,
      tpu.vector_store %arg6[%swap3A_438], %gather3A_435 {strides = array<i32>} : memref<28672xi32, #tpu.memory_space<vmem>>, vector<16xi32>,
      %mul3A_440 = arith.constant 2 : i32
      %mul3A_441 = arith.muli %mul3A_440, %add3A_390 : i32
      %add3A_442 = vector.broadcast %mul3A_441 : i32 to vector<16xi32>
      %add3A_443 = arith.addi %add3A_442, %select_n3A_85 : vector<16xi32>
      %gather3A_444 = tpu.vector_load_idx %arg5[%add3A_443, %sub3A_89] : memref<128x128xi32, #tpu.memory_space<vmem>>[vector<16xi32>, vector<16xi32>], vector<16xi32>,
      %add3A_445 = arith.constant 80 : i32
      %add3A_446 = arith.addi %mul3A_394, %add3A_445 : i32
      %swap3A_447 = arith.index_cast %add3A_446 : i32 to index
      %swap3A_448 = tpu.vector_load %arg6[%swap3A_447] {strides = array<i32>} : memref<28672xi32, #tpu.memory_space<vmem>>, vector<16xi32>,
      tpu.vector_store %arg6[%swap3A_447], %gather3A_444 {strides = array<i32>} : memref<28672xi32, #tpu.memory_space<vmem>>, vector<16xi32>,
      %mul3A_449 = arith.constant 2 : i32
      %mul3A_450 = arith.muli %mul3A_449, %add3A_390 : i32
      %add3A_451 = vector.broadcast %mul3A_450 : i32 to vector<16xi32>
      %add3A_452 = arith.addi %add3A_451, %select_n3A_100 : vector<16xi32>
      %gather3A_453 = tpu.vector_load_idx %arg5[%add3A_452, %sub3A_104] : memref<128x128xi32, #tpu.memory_space<vmem>>[vector<16xi32>, vector<16xi32>], vector<16xi32>,
      %add3A_454 = arith.constant 96 : i32
      %add3A_455 = arith.addi %mul3A_394, %add3A_454 : i32
      %swap3A_456 = arith.index_cast %add3A_455 : i32 to index
      %swap3A_457 = tpu.vector_load %arg6[%swap3A_456] {strides = array<i32>} : memref<28672xi32, #tpu.memory_space<vmem>>, vector<16xi32>,
      tpu.vector_store %arg6[%swap3A_456], %gather3A_453 {strides = array<i32>} : memref<28672xi32, #tpu.memory_space<vmem>>, vector<16xi32>,
      %scan3A_458 = arith.constant 1 : i32
      %scan3A_459 = arith.addi %scan3A_386, %scan3A_458 : i32
      %mul3A_460 = arith.constant 1 : i32
      %mul3A_461 = arith.muli %scan3A_459, %mul3A_460 : i32
      %add3A_462 = arith.constant 0 : i32
      %add3A_463 = arith.addi %add3A_462, %mul3A_461 : i32
      %add3A_464 = arith.constant 128 : i32
      %add3A_465 = arith.addi %add3A_464, %add3A_463 : i32
      %mul3A_466 = arith.constant 112 : i32
      %mul3A_467 = arith.muli %add3A_465, %mul3A_466 : i32
      %mul3A_468 = arith.constant 2 : i32
      %mul3A_469 = arith.muli %mul3A_468, %add3A_463 : i32
      %add3A_470 = vector.broadcast %mul3A_469 : i32 to vector<16xi32>
      %add3A_471 = arith.addi %add3A_470, %select_n3A : vector<16xi32>
      %gather3A_472 = tpu.vector_load_idx %arg5[%add3A_471, %sub3A] : memref<128x128xi32, #tpu.memory_space<vmem>>[vector<16xi32>, vector<16xi32>], vector<16xi32>,
      %add3A_473 = arith.constant 0 : i32
      %add3A_474 = arith.addi %mul3A_467, %add3A_473 : i32
      %swap3A_475 = arith.index_cast %add3A_474 : i32 to index
      %swap3A_476 = tpu.vector_load %arg6[%swap3A_475] {strides = array<i32>} : memref<28672xi32, #tpu.memory_space<vmem>>, vector<16xi32>,
      tpu.vector_store %arg6[%swap3A_475], %gather3A_472 {strides = array<i32>} : memref<28672xi32, #tpu.memory_space<vmem>>, vector<16xi32>,
      %mul3A_477 = arith.constant 2 : i32
      %mul3A_478 = arith.muli %mul3A_477, %add3A_463 : i32
      %add3A_479 = vector.broadcast %mul3A_478 : i32 to vector<16xi32>
      %add3A_480 = arith.addi %add3A_479, %select_n3A_25 : vector<16xi32>
      %gather3A_481 = tpu.vector_load_idx %arg5[%add3A_480, %sub3A_29] : memref<128x128xi32, #tpu.memory_space<vmem>>[vector<16xi32>, vector<16xi32>], vector<16xi32>,
      %add3A_482 = arith.constant 16 : i32
      %add3A_483 = arith.addi %mul3A_467, %add3A_482 : i32
      %swap3A_484 = arith.index_cast %add3A_483 : i32 to index
      %swap3A_485 = tpu.vector_load %arg6[%swap3A_484] {strides = array<i32>} : memref<28672xi32, #tpu.memory_space<vmem>>, vector<16xi32>,
      tpu.vector_store %arg6[%swap3A_484], %gather3A_481 {strides = array<i32>} : memref<28672xi32, #tpu.memory_space<vmem>>, vector<16xi32>,
      %mul3A_486 = arith.constant 2 : i32
      %mul3A_487 = arith.muli %mul3A_486, %add3A_463 : i32
      %add3A_488 = vector.broadcast %mul3A_487 : i32 to vector<16xi32>
      %add3A_489 = arith.addi %add3A_488, %select_n3A_40 : vector<16xi32>
      %gather3A_490 = tpu.vector_load_idx %arg5[%add3A_489, %sub3A_44] : memref<128x128xi32, #tpu.memory_space<vmem>>[vector<16xi32>, vector<16xi32>], vector<16xi32>,
      %add3A_491 = arith.constant 32 : i32
      %add3A_492 = arith.addi %mul3A_467, %add3A_491 : i32
      %swap3A_493 = arith.index_cast %add3A_492 : i32 to index
      %swap3A_494 = tpu.vector_load %arg6[%swap3A_493] {strides = array<i32>} : memref<28672xi32, #tpu.memory_space<vmem>>, vector<16xi32>,
      tpu.vector_store %arg6[%swap3A_493], %gather3A_490 {strides = array<i32>} : memref<28672xi32, #tpu.memory_space<vmem>>, vector<16xi32>,
      %mul3A_495 = arith.constant 2 : i32
      %mul3A_496 = arith.muli %mul3A_495, %add3A_463 : i32
      %add3A_497 = vector.broadcast %mul3A_496 : i32 to vector<16xi32>
      %add3A_498 = arith.addi %add3A_497, %select_n3A_55 : vector<16xi32>
      %gather3A_499 = tpu.vector_load_idx %arg5[%add3A_498, %sub3A_59] : memref<128x128xi32, #tpu.memory_space<vmem>>[vector<16xi32>, vector<16xi32>], vector<16xi32>,
      %add3A_500 = arith.constant 48 : i32
      %add3A_501 = arith.addi %mul3A_467, %add3A_500 : i32
      %swap3A_502 = arith.index_cast %add3A_501 : i32 to index
      %swap3A_503 = tpu.vector_load %arg6[%swap3A_502] {strides = array<i32>} : memref<28672xi32, #tpu.memory_space<vmem>>, vector<16xi32>,
      tpu.vector_store %arg6[%swap3A_502], %gather3A_499 {strides = array<i32>} : memref<28672xi32, #tpu.memory_space<vmem>>, vector<16xi32>,
      %mul3A_504 = arith.constant 2 : i32
      %mul3A_505 = arith.muli %mul3A_504, %add3A_463 : i32
      %add3A_506 = vector.broadcast %mul3A_505 : i32 to vector<16xi32>
      %add3A_507 = arith.addi %add3A_506, %select_n3A_70 : vector<16xi32>
      %gather3A_508 = tpu.vector_load_idx %arg5[%add3A_507, %sub3A_74] : memref<128x128xi32, #tpu.memory_space<vmem>>[vector<16xi32>, vector<16xi32>], vector<16xi32>,
      %add3A_509 = arith.constant 64 : i32
      %add3A_510 = arith.addi %mul3A_467, %add3A_509 : i32
      %swap3A_511 = arith.index_cast %add3A_510 : i32 to index
      %swap3A_512 = tpu.vector_load %arg6[%swap3A_511] {strides = array<i32>} : memref<28672xi32, #tpu.memory_space<vmem>>, vector<16xi32>,
      tpu.vector_store %arg6[%swap3A_511], %gather3A_508 {strides = array<i32>} : memref<28672xi32, #tpu.memory_space<vmem>>, vector<16xi32>,
      %mul3A_513 = arith.constant 2 : i32
      %mul3A_514 = arith.muli %mul3A_513, %add3A_463 : i32
      %add3A_515 = vector.broadcast %mul3A_514 : i32 to vector<16xi32>
      %add3A_516 = arith.addi %add3A_515, %select_n3A_85 : vector<16xi32>
      %gather3A_517 = tpu.vector_load_idx %arg5[%add3A_516, %sub3A_89] : memref<128x128xi32, #tpu.memory_space<vmem>>[vector<16xi32>, vector<16xi32>], vector<16xi32>,
      %add3A_518 = arith.constant 80 : i32
      %add3A_519 = arith.addi %mul3A_467, %add3A_518 : i32
      %swap3A_520 = arith.index_cast %add3A_519 : i32 to index
      %swap3A_521 = tpu.vector_load %arg6[%swap3A_520] {strides = array<i32>} : memref<28672xi32, #tpu.memory_space<vmem>>, vector<16xi32>,
      tpu.vector_store %arg6[%swap3A_520], %gather3A_517 {strides = array<i32>} : memref<28672xi32, #tpu.memory_space<vmem>>, vector<16xi32>,
      %mul3A_522 = arith.constant 2 : i32
      %mul3A_523 = arith.muli %mul3A_522, %add3A_463 : i32
      %add3A_524 = vector.broadcast %mul3A_523 : i32 to vector<16xi32>
      %add3A_525 = arith.addi %add3A_524, %select_n3A_100 : vector<16xi32>
      %gather3A_526 = tpu.vector_load_idx %arg5[%add3A_525, %sub3A_104] : memref<128x128xi32, #tpu.memory_space<vmem>>[vector<16xi32>, vector<16xi32>], vector<16xi32>,
      %add3A_527 = arith.constant 96 : i32
      %add3A_528 = arith.addi %mul3A_467, %add3A_527 : i32
      %swap3A_529 = arith.index_cast %add3A_528 : i32 to index
      %swap3A_530 = tpu.vector_load %arg6[%swap3A_529] {strides = array<i32>} : memref<28672xi32, #tpu.memory_space<vmem>>, vector<16xi32>,
      tpu.vector_store %arg6[%swap3A_529], %gather3A_526 {strides = array<i32>} : memref<28672xi32, #tpu.memory_space<vmem>>, vector<16xi32>,
    }
    %scan3A_250 = arith.constant 64 : i32
    %add3A_251 = arith.constant 0 : i32
    %add3A_252 = vector.broadcast %add3A_251 : i32 to vector<16xi32>
    %add3A_253 = arith.addi %add3A_252, %iota3A : vector<16xi32>
    %gather3A_254 = tpu.vector_load_idx %arg5[%add3A_253, %broadcast_in_dim3A_3] : memref<128x128xi32, #tpu.memory_space<vmem>>[vector<16xi32>, vector<16xi32>], vector<16xi32>,
    %swap3A_255 = arith.constant 2 : i32
    %swap3A_256 = arith.index_cast %swap3A_255 : i32 to index
    %swap3A_257 = arith.constant 0 : index
    %swap3A_258 = tpu.vector_load %arg7[%swap3A_256, %swap3A_257] {strides = array<i32>} : memref<4x128xi32, #tpu.memory_space<vmem>>, vector<16xi32>,
    tpu.vector_store %arg7[%swap3A_256, %swap3A_257], %gather3A_254 {strides = array<i32>} : memref<4x128xi32, #tpu.memory_space<vmem>>, vector<16xi32>,
    %add3A_259 = arith.constant 16 : i32
    %add3A_260 = vector.broadcast %add3A_259 : i32 to vector<16xi32>
    %add3A_261 = arith.addi %add3A_260, %iota3A : vector<16xi32>
    %gather3A_262 = tpu.vector_load_idx %arg5[%add3A_261, %broadcast_in_dim3A_3] : memref<128x128xi32, #tpu.memory_space<vmem>>[vector<16xi32>, vector<16xi32>], vector<16xi32>,
    %swap3A_263 = arith.constant 2 : i32
    %swap3A_264 = arith.index_cast %swap3A_263 : i32 to index
    %swap3A_265 = arith.constant 16 : index
    %swap3A_266 = tpu.vector_load %arg7[%swap3A_264, %swap3A_265] {strides = array<i32>} : memref<4x128xi32, #tpu.memory_space<vmem>>, vector<16xi32>,
    tpu.vector_store %arg7[%swap3A_264, %swap3A_265], %gather3A_262 {strides = array<i32>} : memref<4x128xi32, #tpu.memory_space<vmem>>, vector<16xi32>,
    %add3A_267 = arith.constant 32 : i32
    %add3A_268 = vector.broadcast %add3A_267 : i32 to vector<16xi32>
    %add3A_269 = arith.addi %add3A_268, %iota3A : vector<16xi32>
    %gather3A_270 = tpu.vector_load_idx %arg5[%add3A_269, %broadcast_in_dim3A_3] : memref<128x128xi32, #tpu.memory_space<vmem>>[vector<16xi32>, vector<16xi32>], vector<16xi32>,
    %swap3A_271 = arith.constant 2 : i32
    %swap3A_272 = arith.index_cast %swap3A_271 : i32 to index
    %swap3A_273 = arith.constant 32 : index
    %swap3A_274 = tpu.vector_load %arg7[%swap3A_272, %swap3A_273] {strides = array<i32>} : memref<4x128xi32, #tpu.memory_space<vmem>>, vector<16xi32>,
    tpu.vector_store %arg7[%swap3A_272, %swap3A_273], %gather3A_270 {strides = array<i32>} : memref<4x128xi32, #tpu.memory_space<vmem>>, vector<16xi32>,
    %add3A_275 = arith.constant 48 : i32
    %add3A_276 = vector.broadcast %add3A_275 : i32 to vector<16xi32>
    %add3A_277 = arith.addi %add3A_276, %iota3A : vector<16xi32>
    %gather3A_278 = tpu.vector_load_idx %arg5[%add3A_277, %broadcast_in_dim3A_3] : memref<128x128xi32, #tpu.memory_space<vmem>>[vector<16xi32>, vector<16xi32>], vector<16xi32>,
    %swap3A_279 = arith.constant 2 : i32
    %swap3A_280 = arith.index_cast %swap3A_279 : i32 to index
    %swap3A_281 = arith.constant 48 : index
    %swap3A_282 = tpu.vector_load %arg7[%swap3A_280, %swap3A_281] {strides = array<i32>} : memref<4x128xi32, #tpu.memory_space<vmem>>, vector<16xi32>,
    tpu.vector_store %arg7[%swap3A_280, %swap3A_281], %gather3A_278 {strides = array<i32>} : memref<4x128xi32, #tpu.memory_space<vmem>>, vector<16xi32>,
    %add3A_283 = arith.constant 64 : i32
    %add3A_284 = vector.broadcast %add3A_283 : i32 to vector<16xi32>
    %add3A_285 = arith.addi %add3A_284, %iota3A : vector<16xi32>
    %gather3A_286 = tpu.vector_load_idx %arg5[%add3A_285, %broadcast_in_dim3A_3] : memref<128x128xi32, #tpu.memory_space<vmem>>[vector<16xi32>, vector<16xi32>], vector<16xi32>,
    %swap3A_287 = arith.constant 2 : i32
    %swap3A_288 = arith.index_cast %swap3A_287 : i32 to index
    %swap3A_289 = arith.constant 64 : index
    %swap3A_290 = tpu.vector_load %arg7[%swap3A_288, %swap3A_289] {strides = array<i32>} : memref<4x128xi32, #tpu.memory_space<vmem>>, vector<16xi32>,
    tpu.vector_store %arg7[%swap3A_288, %swap3A_289], %gather3A_286 {strides = array<i32>} : memref<4x128xi32, #tpu.memory_space<vmem>>, vector<16xi32>,
    %add3A_291 = arith.constant 80 : i32
    %add3A_292 = vector.broadcast %add3A_291 : i32 to vector<16xi32>
    %add3A_293 = arith.addi %add3A_292, %iota3A : vector<16xi32>
    %gather3A_294 = tpu.vector_load_idx %arg5[%add3A_293, %broadcast_in_dim3A_3] : memref<128x128xi32, #tpu.memory_space<vmem>>[vector<16xi32>, vector<16xi32>], vector<16xi32>,
    %swap3A_295 = arith.constant 2 : i32
    %swap3A_296 = arith.index_cast %swap3A_295 : i32 to index
    %swap3A_297 = arith.constant 80 : index
    %swap3A_298 = tpu.vector_load %arg7[%swap3A_296, %swap3A_297] {strides = array<i32>} : memref<4x128xi32, #tpu.memory_space<vmem>>, vector<16xi32>,
    tpu.vector_store %arg7[%swap3A_296, %swap3A_297], %gather3A_294 {strides = array<i32>} : memref<4x128xi32, #tpu.memory_space<vmem>>, vector<16xi32>,
    %add3A_299 = arith.constant 96 : i32
    %add3A_300 = vector.broadcast %add3A_299 : i32 to vector<16xi32>
    %add3A_301 = arith.addi %add3A_300, %iota3A : vector<16xi32>
    %gather3A_302 = tpu.vector_load_idx %arg5[%add3A_301, %broadcast_in_dim3A_3] : memref<128x128xi32, #tpu.memory_space<vmem>>[vector<16xi32>, vector<16xi32>], vector<16xi32>,
    %swap3A_303 = arith.constant 2 : i32
    %swap3A_304 = arith.index_cast %swap3A_303 : i32 to index
    %swap3A_305 = arith.constant 96 : index
    %swap3A_306 = tpu.vector_load %arg7[%swap3A_304, %swap3A_305] {strides = array<i32>} : memref<4x128xi32, #tpu.memory_space<vmem>>, vector<16xi32>,
    tpu.vector_store %arg7[%swap3A_304, %swap3A_305], %gather3A_302 {strides = array<i32>} : memref<4x128xi32, #tpu.memory_space<vmem>>, vector<16xi32>,
    %add3A_307 = arith.constant 112 : i32
    %add3A_308 = vector.broadcast %add3A_307 : i32 to vector<16xi32>
    %add3A_309 = arith.addi %add3A_308, %iota3A : vector<16xi32>
    %gather3A_310 = tpu.vector_load_idx %arg5[%add3A_309, %broadcast_in_dim3A_3] : memref<128x128xi32, #tpu.memory_space<vmem>>[vector<16xi32>, vector<16xi32>], vector<16xi32>,
    %swap3A_311 = arith.constant 2 : i32
    %swap3A_312 = arith.index_cast %swap3A_311 : i32 to index
    %swap3A_313 = arith.constant 112 : index
    %swap3A_314 = tpu.vector_load %arg7[%swap3A_312, %swap3A_313] {strides = array<i32>} : memref<4x128xi32, #tpu.memory_space<vmem>>, vector<16xi32>,
    tpu.vector_store %arg7[%swap3A_312, %swap3A_313], %gather3A_310 {strides = array<i32>} : memref<4x128xi32, #tpu.memory_space<vmem>>, vector<16xi32>,
    %add3A_315 = arith.constant 384 : i32
    %add3A_316 = arith.addi %mul3A_2, %add3A_315 : i32
    "tpu.region"() ({
      %run_scoped3A = tpu.sem_alloc : memref<!tpu.dma_semaphore, #tpu.memory_space<semaphore_mem>>
      %dma_start3A = arith.constant 0 : i32
      %dma_start3A_386 = tpu.memref_slice %arg2[%add3A_316, %dma_start3A] : memref<16384x128xi32, #tpu.memory_space<hbm>> -> memref<128x128xi32, #tpu.memory_space<hbm>>
      %dma_start3A_387 = arith.constant 0 : i32
      %dma_start3A_388 = tpu.memref_slice %arg2[%add3A_316, %dma_start3A_387] : memref<16384x128xi32, #tpu.memory_space<hbm>> -> memref<128x128xi32, #tpu.memory_space<hbm>>
      tpu.enqueue_dma source(%dma_start3A_388 : memref<128x128xi32, #tpu.memory_space<hbm>>) target(%arg5 : memref<128x128xi32, #tpu.memory_space<vmem>>) target_semaphore(%run_scoped3A : memref<!tpu.dma_semaphore, #tpu.memory_space<semaphore_mem>>)
      %dma_wait3A = arith.constant 0 : i32
      %dma_wait3A_389 = tpu.memref_slice %arg2[%add3A_316, %dma_wait3A] : memref<16384x128xi32, #tpu.memory_space<hbm>> -> memref<128x128xi32, #tpu.memory_space<hbm>>
      %dma_wait3A_390 = arith.constant 0 : i32
      %dma_wait3A_391 = tpu.memref_slice %arg2[%add3A_316, %dma_wait3A_390] : memref<16384x128xi32, #tpu.memory_space<hbm>> -> memref<128x128xi32, #tpu.memory_space<hbm>>
      tpu.wait_dma2 semaphore(%run_scoped3A : memref<!tpu.dma_semaphore, #tpu.memory_space<semaphore_mem>>) src(%dma_wait3A_391 : memref<128x128xi32, #tpu.memory_space<hbm>>) dst(%arg5 : memref<128x128xi32, #tpu.memory_space<vmem>>)
      tpu.yield
    }) : () -> ()
    %scan3A_317 = arith.constant 0 : i32
    %scan3A_318 = arith.constant 64 : i32
    %scan3A_319 = arith.addi %scan3A_317, %scan3A_318 : i32
    %scan3A_320 = arith.constant 2 : i32
    scf.for %scan3A_386 = %scan3A_317 to %scan3A_319 step %scan3A_320  : i32 {
      %mul3A_387 = arith.constant 1 : i32
      %mul3A_388 = arith.muli %scan3A_386, %mul3A_387 : i32
      %add3A_389 = arith.constant 0 : i32
      %add3A_390 = arith.addi %add3A_389, %mul3A_388 : i32
      %add3A_391 = arith.constant 192 : i32
      %add3A_392 = arith.addi %add3A_391, %add3A_390 : i32
      %mul3A_393 = arith.constant 112 : i32
      %mul3A_394 = arith.muli %add3A_392, %mul3A_393 : i32
      %mul3A_395 = arith.constant 2 : i32
      %mul3A_396 = arith.muli %mul3A_395, %add3A_390 : i32
      %add3A_397 = vector.broadcast %mul3A_396 : i32 to vector<16xi32>
      %add3A_398 = arith.addi %add3A_397, %select_n3A : vector<16xi32>
      %gather3A_399 = tpu.vector_load_idx %arg5[%add3A_398, %sub3A] : memref<128x128xi32, #tpu.memory_space<vmem>>[vector<16xi32>, vector<16xi32>], vector<16xi32>,
      %add3A_400 = arith.constant 0 : i32
      %add3A_401 = arith.addi %mul3A_394, %add3A_400 : i32
      %swap3A_402 = arith.index_cast %add3A_401 : i32 to index
      %swap3A_403 = tpu.vector_load %arg6[%swap3A_402] {strides = array<i32>} : memref<28672xi32, #tpu.memory_space<vmem>>, vector<16xi32>,
      tpu.vector_store %arg6[%swap3A_402], %gather3A_399 {strides = array<i32>} : memref<28672xi32, #tpu.memory_space<vmem>>, vector<16xi32>,
      %mul3A_404 = arith.constant 2 : i32
      %mul3A_405 = arith.muli %mul3A_404, %add3A_390 : i32
      %add3A_406 = vector.broadcast %mul3A_405 : i32 to vector<16xi32>
      %add3A_407 = arith.addi %add3A_406, %select_n3A_25 : vector<16xi32>
      %gather3A_408 = tpu.vector_load_idx %arg5[%add3A_407, %sub3A_29] : memref<128x128xi32, #tpu.memory_space<vmem>>[vector<16xi32>, vector<16xi32>], vector<16xi32>,
      %add3A_409 = arith.constant 16 : i32
      %add3A_410 = arith.addi %mul3A_394, %add3A_409 : i32
      %swap3A_411 = arith.index_cast %add3A_410 : i32 to index
      %swap3A_412 = tpu.vector_load %arg6[%swap3A_411] {strides = array<i32>} : memref<28672xi32, #tpu.memory_space<vmem>>, vector<16xi32>,
      tpu.vector_store %arg6[%swap3A_411], %gather3A_408 {strides = array<i32>} : memref<28672xi32, #tpu.memory_space<vmem>>, vector<16xi32>,
      %mul3A_413 = arith.constant 2 : i32
      %mul3A_414 = arith.muli %mul3A_413, %add3A_390 : i32
      %add3A_415 = vector.broadcast %mul3A_414 : i32 to vector<16xi32>
      %add3A_416 = arith.addi %add3A_415, %select_n3A_40 : vector<16xi32>
      %gather3A_417 = tpu.vector_load_idx %arg5[%add3A_416, %sub3A_44] : memref<128x128xi32, #tpu.memory_space<vmem>>[vector<16xi32>, vector<16xi32>], vector<16xi32>,
      %add3A_418 = arith.constant 32 : i32
      %add3A_419 = arith.addi %mul3A_394, %add3A_418 : i32
      %swap3A_420 = arith.index_cast %add3A_419 : i32 to index
      %swap3A_421 = tpu.vector_load %arg6[%swap3A_420] {strides = array<i32>} : memref<28672xi32, #tpu.memory_space<vmem>>, vector<16xi32>,
      tpu.vector_store %arg6[%swap3A_420], %gather3A_417 {strides = array<i32>} : memref<28672xi32, #tpu.memory_space<vmem>>, vector<16xi32>,
      %mul3A_422 = arith.constant 2 : i32
      %mul3A_423 = arith.muli %mul3A_422, %add3A_390 : i32
      %add3A_424 = vector.broadcast %mul3A_423 : i32 to vector<16xi32>
      %add3A_425 = arith.addi %add3A_424, %select_n3A_55 : vector<16xi32>
      %gather3A_426 = tpu.vector_load_idx %arg5[%add3A_425, %sub3A_59] : memref<128x128xi32, #tpu.memory_space<vmem>>[vector<16xi32>, vector<16xi32>], vector<16xi32>,
      %add3A_427 = arith.constant 48 : i32
      %add3A_428 = arith.addi %mul3A_394, %add3A_427 : i32
      %swap3A_429 = arith.index_cast %add3A_428 : i32 to index
      %swap3A_430 = tpu.vector_load %arg6[%swap3A_429] {strides = array<i32>} : memref<28672xi32, #tpu.memory_space<vmem>>, vector<16xi32>,
      tpu.vector_store %arg6[%swap3A_429], %gather3A_426 {strides = array<i32>} : memref<28672xi32, #tpu.memory_space<vmem>>, vector<16xi32>,
      %mul3A_431 = arith.constant 2 : i32
      %mul3A_432 = arith.muli %mul3A_431, %add3A_390 : i32
      %add3A_433 = vector.broadcast %mul3A_432 : i32 to vector<16xi32>
      %add3A_434 = arith.addi %add3A_433, %select_n3A_70 : vector<16xi32>
      %gather3A_435 = tpu.vector_load_idx %arg5[%add3A_434, %sub3A_74] : memref<128x128xi32, #tpu.memory_space<vmem>>[vector<16xi32>, vector<16xi32>], vector<16xi32>,
      %add3A_436 = arith.constant 64 : i32
      %add3A_437 = arith.addi %mul3A_394, %add3A_436 : i32
      %swap3A_438 = arith.index_cast %add3A_437 : i32 to index
      %swap3A_439 = tpu.vector_load %arg6[%swap3A_438] {strides = array<i32>} : memref<28672xi32, #tpu.memory_space<vmem>>, vector<16xi32>,
      tpu.vector_store %arg6[%swap3A_438], %gather3A_435 {strides = array<i32>} : memref<28672xi32, #tpu.memory_space<vmem>>, vector<16xi32>,
      %mul3A_440 = arith.constant 2 : i32
      %mul3A_441 = arith.muli %mul3A_440, %add3A_390 : i32
      %add3A_442 = vector.broadcast %mul3A_441 : i32 to vector<16xi32>
      %add3A_443 = arith.addi %add3A_442, %select_n3A_85 : vector<16xi32>
      %gather3A_444 = tpu.vector_load_idx %arg5[%add3A_443, %sub3A_89] : memref<128x128xi32, #tpu.memory_space<vmem>>[vector<16xi32>, vector<16xi32>], vector<16xi32>,
      %add3A_445 = arith.constant 80 : i32
      %add3A_446 = arith.addi %mul3A_394, %add3A_445 : i32
      %swap3A_447 = arith.index_cast %add3A_446 : i32 to index
      %swap3A_448 = tpu.vector_load %arg6[%swap3A_447] {strides = array<i32>} : memref<28672xi32, #tpu.memory_space<vmem>>, vector<16xi32>,
      tpu.vector_store %arg6[%swap3A_447], %gather3A_444 {strides = array<i32>} : memref<28672xi32, #tpu.memory_space<vmem>>, vector<16xi32>,
      %mul3A_449 = arith.constant 2 : i32
      %mul3A_450 = arith.muli %mul3A_449, %add3A_390 : i32
      %add3A_451 = vector.broadcast %mul3A_450 : i32 to vector<16xi32>
      %add3A_452 = arith.addi %add3A_451, %select_n3A_100 : vector<16xi32>
      %gather3A_453 = tpu.vector_load_idx %arg5[%add3A_452, %sub3A_104] : memref<128x128xi32, #tpu.memory_space<vmem>>[vector<16xi32>, vector<16xi32>], vector<16xi32>,
      %add3A_454 = arith.constant 96 : i32
      %add3A_455 = arith.addi %mul3A_394, %add3A_454 : i32
      %swap3A_456 = arith.index_cast %add3A_455 : i32 to index
      %swap3A_457 = tpu.vector_load %arg6[%swap3A_456] {strides = array<i32>} : memref<28672xi32, #tpu.memory_space<vmem>>, vector<16xi32>,
      tpu.vector_store %arg6[%swap3A_456], %gather3A_453 {strides = array<i32>} : memref<28672xi32, #tpu.memory_space<vmem>>, vector<16xi32>,
      %scan3A_458 = arith.constant 1 : i32
      %scan3A_459 = arith.addi %scan3A_386, %scan3A_458 : i32
      %mul3A_460 = arith.constant 1 : i32
      %mul3A_461 = arith.muli %scan3A_459, %mul3A_460 : i32
      %add3A_462 = arith.constant 0 : i32
      %add3A_463 = arith.addi %add3A_462, %mul3A_461 : i32
      %add3A_464 = arith.constant 192 : i32
      %add3A_465 = arith.addi %add3A_464, %add3A_463 : i32
      %mul3A_466 = arith.constant 112 : i32
      %mul3A_467 = arith.muli %add3A_465, %mul3A_466 : i32
      %mul3A_468 = arith.constant 2 : i32
      %mul3A_469 = arith.muli %mul3A_468, %add3A_463 : i32
      %add3A_470 = vector.broadcast %mul3A_469 : i32 to vector<16xi32>
      %add3A_471 = arith.addi %add3A_470, %select_n3A : vector<16xi32>
      %gather3A_472 = tpu.vector_load_idx %arg5[%add3A_471, %sub3A] : memref<128x128xi32, #tpu.memory_space<vmem>>[vector<16xi32>, vector<16xi32>], vector<16xi32>,
      %add3A_473 = arith.constant 0 : i32
      %add3A_474 = arith.addi %mul3A_467, %add3A_473 : i32
      %swap3A_475 = arith.index_cast %add3A_474 : i32 to index
      %swap3A_476 = tpu.vector_load %arg6[%swap3A_475] {strides = array<i32>} : memref<28672xi32, #tpu.memory_space<vmem>>, vector<16xi32>,
      tpu.vector_store %arg6[%swap3A_475], %gather3A_472 {strides = array<i32>} : memref<28672xi32, #tpu.memory_space<vmem>>, vector<16xi32>,
      %mul3A_477 = arith.constant 2 : i32
      %mul3A_478 = arith.muli %mul3A_477, %add3A_463 : i32
      %add3A_479 = vector.broadcast %mul3A_478 : i32 to vector<16xi32>
      %add3A_480 = arith.addi %add3A_479, %select_n3A_25 : vector<16xi32>
      %gather3A_481 = tpu.vector_load_idx %arg5[%add3A_480, %sub3A_29] : memref<128x128xi32, #tpu.memory_space<vmem>>[vector<16xi32>, vector<16xi32>], vector<16xi32>,
      %add3A_482 = arith.constant 16 : i32
      %add3A_483 = arith.addi %mul3A_467, %add3A_482 : i32
      %swap3A_484 = arith.index_cast %add3A_483 : i32 to index
      %swap3A_485 = tpu.vector_load %arg6[%swap3A_484] {strides = array<i32>} : memref<28672xi32, #tpu.memory_space<vmem>>, vector<16xi32>,
      tpu.vector_store %arg6[%swap3A_484], %gather3A_481 {strides = array<i32>} : memref<28672xi32, #tpu.memory_space<vmem>>, vector<16xi32>,
      %mul3A_486 = arith.constant 2 : i32
      %mul3A_487 = arith.muli %mul3A_486, %add3A_463 : i32
      %add3A_488 = vector.broadcast %mul3A_487 : i32 to vector<16xi32>
      %add3A_489 = arith.addi %add3A_488, %select_n3A_40 : vector<16xi32>
      %gather3A_490 = tpu.vector_load_idx %arg5[%add3A_489, %sub3A_44] : memref<128x128xi32, #tpu.memory_space<vmem>>[vector<16xi32>, vector<16xi32>], vector<16xi32>,
      %add3A_491 = arith.constant 32 : i32
      %add3A_492 = arith.addi %mul3A_467, %add3A_491 : i32
      %swap3A_493 = arith.index_cast %add3A_492 : i32 to index
      %swap3A_494 = tpu.vector_load %arg6[%swap3A_493] {strides = array<i32>} : memref<28672xi32, #tpu.memory_space<vmem>>, vector<16xi32>,
      tpu.vector_store %arg6[%swap3A_493], %gather3A_490 {strides = array<i32>} : memref<28672xi32, #tpu.memory_space<vmem>>, vector<16xi32>,
      %mul3A_495 = arith.constant 2 : i32
      %mul3A_496 = arith.muli %mul3A_495, %add3A_463 : i32
      %add3A_497 = vector.broadcast %mul3A_496 : i32 to vector<16xi32>
      %add3A_498 = arith.addi %add3A_497, %select_n3A_55 : vector<16xi32>
      %gather3A_499 = tpu.vector_load_idx %arg5[%add3A_498, %sub3A_59] : memref<128x128xi32, #tpu.memory_space<vmem>>[vector<16xi32>, vector<16xi32>], vector<16xi32>,
      %add3A_500 = arith.constant 48 : i32
      %add3A_501 = arith.addi %mul3A_467, %add3A_500 : i32
      %swap3A_502 = arith.index_cast %add3A_501 : i32 to index
      %swap3A_503 = tpu.vector_load %arg6[%swap3A_502] {strides = array<i32>} : memref<28672xi32, #tpu.memory_space<vmem>>, vector<16xi32>,
      tpu.vector_store %arg6[%swap3A_502], %gather3A_499 {strides = array<i32>} : memref<28672xi32, #tpu.memory_space<vmem>>, vector<16xi32>,
      %mul3A_504 = arith.constant 2 : i32
      %mul3A_505 = arith.muli %mul3A_504, %add3A_463 : i32
      %add3A_506 = vector.broadcast %mul3A_505 : i32 to vector<16xi32>
      %add3A_507 = arith.addi %add3A_506, %select_n3A_70 : vector<16xi32>
      %gather3A_508 = tpu.vector_load_idx %arg5[%add3A_507, %sub3A_74] : memref<128x128xi32, #tpu.memory_space<vmem>>[vector<16xi32>, vector<16xi32>], vector<16xi32>,
      %add3A_509 = arith.constant 64 : i32
      %add3A_510 = arith.addi %mul3A_467, %add3A_509 : i32
      %swap3A_511 = arith.index_cast %add3A_510 : i32 to index
      %swap3A_512 = tpu.vector_load %arg6[%swap3A_511] {strides = array<i32>} : memref<28672xi32, #tpu.memory_space<vmem>>, vector<16xi32>,
      tpu.vector_store %arg6[%swap3A_511], %gather3A_508 {strides = array<i32>} : memref<28672xi32, #tpu.memory_space<vmem>>, vector<16xi32>,
      %mul3A_513 = arith.constant 2 : i32
      %mul3A_514 = arith.muli %mul3A_513, %add3A_463 : i32
      %add3A_515 = vector.broadcast %mul3A_514 : i32 to vector<16xi32>
      %add3A_516 = arith.addi %add3A_515, %select_n3A_85 : vector<16xi32>
      %gather3A_517 = tpu.vector_load_idx %arg5[%add3A_516, %sub3A_89] : memref<128x128xi32, #tpu.memory_space<vmem>>[vector<16xi32>, vector<16xi32>], vector<16xi32>,
      %add3A_518 = arith.constant 80 : i32
      %add3A_519 = arith.addi %mul3A_467, %add3A_518 : i32
      %swap3A_520 = arith.index_cast %add3A_519 : i32 to index
      %swap3A_521 = tpu.vector_load %arg6[%swap3A_520] {strides = array<i32>} : memref<28672xi32, #tpu.memory_space<vmem>>, vector<16xi32>,
      tpu.vector_store %arg6[%swap3A_520], %gather3A_517 {strides = array<i32>} : memref<28672xi32, #tpu.memory_space<vmem>>, vector<16xi32>,
      %mul3A_522 = arith.constant 2 : i32
      %mul3A_523 = arith.muli %mul3A_522, %add3A_463 : i32
      %add3A_524 = vector.broadcast %mul3A_523 : i32 to vector<16xi32>
      %add3A_525 = arith.addi %add3A_524, %select_n3A_100 : vector<16xi32>
      %gather3A_526 = tpu.vector_load_idx %arg5[%add3A_525, %sub3A_104] : memref<128x128xi32, #tpu.memory_space<vmem>>[vector<16xi32>, vector<16xi32>], vector<16xi32>,
      %add3A_527 = arith.constant 96 : i32
      %add3A_528 = arith.addi %mul3A_467, %add3A_527 : i32
      %swap3A_529 = arith.index_cast %add3A_528 : i32 to index
      %swap3A_530 = tpu.vector_load %arg6[%swap3A_529] {strides = array<i32>} : memref<28672xi32, #tpu.memory_space<vmem>>, vector<16xi32>,
      tpu.vector_store %arg6[%swap3A_529], %gather3A_526 {strides = array<i32>} : memref<28672xi32, #tpu.memory_space<vmem>>, vector<16xi32>,
    }
    %scan3A_321 = arith.constant 64 : i32
    %add3A_322 = arith.constant 0 : i32
    %add3A_323 = vector.broadcast %add3A_322 : i32 to vector<16xi32>
    %add3A_324 = arith.addi %add3A_323, %iota3A : vector<16xi32>
    %gather3A_325 = tpu.vector_load_idx %arg5[%add3A_324, %broadcast_in_dim3A_3] : memref<128x128xi32, #tpu.memory_space<vmem>>[vector<16xi32>, vector<16xi32>], vector<16xi32>,
    %swap3A_326 = arith.constant 3 : i32
    %swap3A_327 = arith.index_cast %swap3A_326 : i32 to index
    %swap3A_328 = arith.constant 0 : index
    %swap3A_329 = tpu.vector_load %arg7[%swap3A_327, %swap3A_328] {strides = array<i32>} : memref<4x128xi32, #tpu.memory_space<vmem>>, vector<16xi32>,
    tpu.vector_store %arg7[%swap3A_327, %swap3A_328], %gather3A_325 {strides = array<i32>} : memref<4x128xi32, #tpu.memory_space<vmem>>, vector<16xi32>,
    %add3A_330 = arith.constant 16 : i32
    %add3A_331 = vector.broadcast %add3A_330 : i32 to vector<16xi32>
    %add3A_332 = arith.addi %add3A_331, %iota3A : vector<16xi32>
    %gather3A_333 = tpu.vector_load_idx %arg5[%add3A_332, %broadcast_in_dim3A_3] : memref<128x128xi32, #tpu.memory_space<vmem>>[vector<16xi32>, vector<16xi32>], vector<16xi32>,
    %swap3A_334 = arith.constant 3 : i32
    %swap3A_335 = arith.index_cast %swap3A_334 : i32 to index
    %swap3A_336 = arith.constant 16 : index
    %swap3A_337 = tpu.vector_load %arg7[%swap3A_335, %swap3A_336] {strides = array<i32>} : memref<4x128xi32, #tpu.memory_space<vmem>>, vector<16xi32>,
    tpu.vector_store %arg7[%swap3A_335, %swap3A_336], %gather3A_333 {strides = array<i32>} : memref<4x128xi32, #tpu.memory_space<vmem>>, vector<16xi32>,
    %add3A_338 = arith.constant 32 : i32
    %add3A_339 = vector.broadcast %add3A_338 : i32 to vector<16xi32>
    %add3A_340 = arith.addi %add3A_339, %iota3A : vector<16xi32>
    %gather3A_341 = tpu.vector_load_idx %arg5[%add3A_340, %broadcast_in_dim3A_3] : memref<128x128xi32, #tpu.memory_space<vmem>>[vector<16xi32>, vector<16xi32>], vector<16xi32>,
    %swap3A_342 = arith.constant 3 : i32
    %swap3A_343 = arith.index_cast %swap3A_342 : i32 to index
    %swap3A_344 = arith.constant 32 : index
    %swap3A_345 = tpu.vector_load %arg7[%swap3A_343, %swap3A_344] {strides = array<i32>} : memref<4x128xi32, #tpu.memory_space<vmem>>, vector<16xi32>,
    tpu.vector_store %arg7[%swap3A_343, %swap3A_344], %gather3A_341 {strides = array<i32>} : memref<4x128xi32, #tpu.memory_space<vmem>>, vector<16xi32>,
    %add3A_346 = arith.constant 48 : i32
    %add3A_347 = vector.broadcast %add3A_346 : i32 to vector<16xi32>
    %add3A_348 = arith.addi %add3A_347, %iota3A : vector<16xi32>
    %gather3A_349 = tpu.vector_load_idx %arg5[%add3A_348, %broadcast_in_dim3A_3] : memref<128x128xi32, #tpu.memory_space<vmem>>[vector<16xi32>, vector<16xi32>], vector<16xi32>,
    %swap3A_350 = arith.constant 3 : i32
    %swap3A_351 = arith.index_cast %swap3A_350 : i32 to index
    %swap3A_352 = arith.constant 48 : index
    %swap3A_353 = tpu.vector_load %arg7[%swap3A_351, %swap3A_352] {strides = array<i32>} : memref<4x128xi32, #tpu.memory_space<vmem>>, vector<16xi32>,
    tpu.vector_store %arg7[%swap3A_351, %swap3A_352], %gather3A_349 {strides = array<i32>} : memref<4x128xi32, #tpu.memory_space<vmem>>, vector<16xi32>,
    %add3A_354 = arith.constant 64 : i32
    %add3A_355 = vector.broadcast %add3A_354 : i32 to vector<16xi32>
    %add3A_356 = arith.addi %add3A_355, %iota3A : vector<16xi32>
    %gather3A_357 = tpu.vector_load_idx %arg5[%add3A_356, %broadcast_in_dim3A_3] : memref<128x128xi32, #tpu.memory_space<vmem>>[vector<16xi32>, vector<16xi32>], vector<16xi32>,
    %swap3A_358 = arith.constant 3 : i32
    %swap3A_359 = arith.index_cast %swap3A_358 : i32 to index
    %swap3A_360 = arith.constant 64 : index
    %swap3A_361 = tpu.vector_load %arg7[%swap3A_359, %swap3A_360] {strides = array<i32>} : memref<4x128xi32, #tpu.memory_space<vmem>>, vector<16xi32>,
    tpu.vector_store %arg7[%swap3A_359, %swap3A_360], %gather3A_357 {strides = array<i32>} : memref<4x128xi32, #tpu.memory_space<vmem>>, vector<16xi32>,
    %add3A_362 = arith.constant 80 : i32
    %add3A_363 = vector.broadcast %add3A_362 : i32 to vector<16xi32>
    %add3A_364 = arith.addi %add3A_363, %iota3A : vector<16xi32>
    %gather3A_365 = tpu.vector_load_idx %arg5[%add3A_364, %broadcast_in_dim3A_3] : memref<128x128xi32, #tpu.memory_space<vmem>>[vector<16xi32>, vector<16xi32>], vector<16xi32>,
    %swap3A_366 = arith.constant 3 : i32
    %swap3A_367 = arith.index_cast %swap3A_366 : i32 to index
    %swap3A_368 = arith.constant 80 : index
    %swap3A_369 = tpu.vector_load %arg7[%swap3A_367, %swap3A_368] {strides = array<i32>} : memref<4x128xi32, #tpu.memory_space<vmem>>, vector<16xi32>,
    tpu.vector_store %arg7[%swap3A_367, %swap3A_368], %gather3A_365 {strides = array<i32>} : memref<4x128xi32, #tpu.memory_space<vmem>>, vector<16xi32>,
    %add3A_370 = arith.constant 96 : i32
    %add3A_371 = vector.broadcast %add3A_370 : i32 to vector<16xi32>
    %add3A_372 = arith.addi %add3A_371, %iota3A : vector<16xi32>
    %gather3A_373 = tpu.vector_load_idx %arg5[%add3A_372, %broadcast_in_dim3A_3] : memref<128x128xi32, #tpu.memory_space<vmem>>[vector<16xi32>, vector<16xi32>], vector<16xi32>,
    %swap3A_374 = arith.constant 3 : i32
    %swap3A_375 = arith.index_cast %swap3A_374 : i32 to index
    %swap3A_376 = arith.constant 96 : index
    %swap3A_377 = tpu.vector_load %arg7[%swap3A_375, %swap3A_376] {strides = array<i32>} : memref<4x128xi32, #tpu.memory_space<vmem>>, vector<16xi32>,
    tpu.vector_store %arg7[%swap3A_375, %swap3A_376], %gather3A_373 {strides = array<i32>} : memref<4x128xi32, #tpu.memory_space<vmem>>, vector<16xi32>,
    %add3A_378 = arith.constant 112 : i32
    %add3A_379 = vector.broadcast %add3A_378 : i32 to vector<16xi32>
    %add3A_380 = arith.addi %add3A_379, %iota3A : vector<16xi32>
    %gather3A_381 = tpu.vector_load_idx %arg5[%add3A_380, %broadcast_in_dim3A_3] : memref<128x128xi32, #tpu.memory_space<vmem>>[vector<16xi32>, vector<16xi32>], vector<16xi32>,
    %swap3A_382 = arith.constant 3 : i32
    %swap3A_383 = arith.index_cast %swap3A_382 : i32 to index
    %swap3A_384 = arith.constant 112 : index
    %swap3A_385 = tpu.vector_load %arg7[%swap3A_383, %swap3A_384] {strides = array<i32>} : memref<4x128xi32, #tpu.memory_space<vmem>>, vector<16xi32>,
    tpu.vector_store %arg7[%swap3A_383, %swap3A_384], %gather3A_381 {strides = array<i32>} : memref<4x128xi32, #tpu.memory_space<vmem>>, vector<16xi32>,
    "tpu.region"() ({
      %run_scoped3A = tpu.sem_alloc : memref<!tpu.dma_semaphore, #tpu.memory_space<semaphore_mem>>
      %dma_start3A = arith.constant 0 : i32
      %dma_start3A_386 = tpu.memref_slice %arg3[%add3A, %dma_start3A] : memref<32x28672xi32, #tpu.memory_space<hbm>> -> memref<1x28672xi32, #tpu.memory_space<hbm>>
      %dma_start3A_387 = tpu.memref_squeeze %dma_start3A_386 : memref<1x28672xi32, #tpu.memory_space<hbm>> -> memref<28672xi32, #tpu.memory_space<hbm>>
      %dma_start3A_388 = arith.constant 0 : i32
      %dma_start3A_389 = tpu.memref_slice %arg3[%add3A, %dma_start3A_388] : memref<32x28672xi32, #tpu.memory_space<hbm>> -> memref<1x28672xi32, #tpu.memory_space<hbm>>
      %dma_start3A_390 = tpu.memref_squeeze %dma_start3A_389 : memref<1x28672xi32, #tpu.memory_space<hbm>> -> memref<28672xi32, #tpu.memory_space<hbm>>
      tpu.enqueue_dma source(%arg6 : memref<28672xi32, #tpu.memory_space<vmem>>) target(%dma_start3A_390 : memref<28672xi32, #tpu.memory_space<hbm>>) target_semaphore(%run_scoped3A : memref<!tpu.dma_semaphore, #tpu.memory_space<semaphore_mem>>)
      %dma_wait3A = arith.constant 0 : i32
      %dma_wait3A_391 = tpu.memref_slice %arg3[%add3A, %dma_wait3A] : memref<32x28672xi32, #tpu.memory_space<hbm>> -> memref<1x28672xi32, #tpu.memory_space<hbm>>
      %dma_wait3A_392 = tpu.memref_squeeze %dma_wait3A_391 : memref<1x28672xi32, #tpu.memory_space<hbm>> -> memref<28672xi32, #tpu.memory_space<hbm>>
      %dma_wait3A_393 = arith.constant 0 : i32
      %dma_wait3A_394 = tpu.memref_slice %arg3[%add3A, %dma_wait3A_393] : memref<32x28672xi32, #tpu.memory_space<hbm>> -> memref<1x28672xi32, #tpu.memory_space<hbm>>
      %dma_wait3A_395 = tpu.memref_squeeze %dma_wait3A_394 : memref<1x28672xi32, #tpu.memory_space<hbm>> -> memref<28672xi32, #tpu.memory_space<hbm>>
      tpu.wait_dma2 semaphore(%run_scoped3A : memref<!tpu.dma_semaphore, #tpu.memory_space<semaphore_mem>>) src(%arg6 : memref<28672xi32, #tpu.memory_space<vmem>>) dst(%dma_wait3A_395 : memref<28672xi32, #tpu.memory_space<hbm>>)
      tpu.yield
    }) : () -> ()
    "tpu.region"() ({
      %run_scoped3A = tpu.sem_alloc : memref<!tpu.dma_semaphore, #tpu.memory_space<semaphore_mem>>
      %dma_start3A = arith.constant 0 : i32
      %dma_start3A_386 = arith.constant 0 : i32
      %dma_start3A_387 = tpu.memref_slice %arg4[%add3A, %dma_start3A, %dma_start3A_386] : memref<32x4x128xi32, #tpu.memory_space<hbm>> -> memref<1x4x128xi32, #tpu.memory_space<hbm>>
      %dma_start3A_388 = tpu.memref_squeeze %dma_start3A_387 : memref<1x4x128xi32, #tpu.memory_space<hbm>> -> memref<4x128xi32, #tpu.memory_space<hbm>>
      %dma_start3A_389 = arith.constant 0 : i32
      %dma_start3A_390 = arith.constant 0 : i32
      %dma_start3A_391 = tpu.memref_slice %arg4[%add3A, %dma_start3A_389, %dma_start3A_390] : memref<32x4x128xi32, #tpu.memory_space<hbm>> -> memref<1x4x128xi32, #tpu.memory_space<hbm>>
      %dma_start3A_392 = tpu.memref_squeeze %dma_start3A_391 : memref<1x4x128xi32, #tpu.memory_space<hbm>> -> memref<4x128xi32, #tpu.memory_space<hbm>>
      tpu.enqueue_dma source(%arg7 : memref<4x128xi32, #tpu.memory_space<vmem>>) target(%dma_start3A_392 : memref<4x128xi32, #tpu.memory_space<hbm>>) target_semaphore(%run_scoped3A : memref<!tpu.dma_semaphore, #tpu.memory_space<semaphore_mem>>)
      %dma_wait3A = arith.constant 0 : i32
      %dma_wait3A_393 = arith.constant 0 : i32
      %dma_wait3A_394 = tpu.memref_slice %arg4[%add3A, %dma_wait3A, %dma_wait3A_393] : memref<32x4x128xi32, #tpu.memory_space<hbm>> -> memref<1x4x128xi32, #tpu.memory_space<hbm>>
      %dma_wait3A_395 = tpu.memref_squeeze %dma_wait3A_394 : memref<1x4x128xi32, #tpu.memory_space<hbm>> -> memref<4x128xi32, #tpu.memory_space<hbm>>
      %dma_wait3A_396 = arith.constant 0 : i32
      %dma_wait3A_397 = arith.constant 0 : i32
      %dma_wait3A_398 = tpu.memref_slice %arg4[%add3A, %dma_wait3A_396, %dma_wait3A_397] : memref<32x4x128xi32, #tpu.memory_space<hbm>> -> memref<1x4x128xi32, #tpu.memory_space<hbm>>
      %dma_wait3A_399 = tpu.memref_squeeze %dma_wait3A_398 : memref<1x4x128xi32, #tpu.memory_space<hbm>> -> memref<4x128xi32, #tpu.memory_space<hbm>>
      tpu.wait_dma2 semaphore(%run_scoped3A : memref<!tpu.dma_semaphore, #tpu.memory_space<semaphore_mem>>) src(%arg7 : memref<4x128xi32, #tpu.memory_space<vmem>>) dst(%dma_wait3A_399 : memref<4x128xi32, #tpu.memory_space<hbm>>)
      tpu.yield
    }) : () -> ()
    return
  }
}

#map = affine_map<(d0, d1) -> (0, 0)>
module attributes {stable_mosaic.version = 14 : i64} {
  func.func @body(%arg0: i32, %arg1: i32, %arg2: memref<32x28672xi32, #tpu.memory_space<hbm>>, %arg3: memref<1000000x128xf32, #tpu.memory_space<hbm>>, %arg4: memref<16384x64xf32, #tpu.memory_space<hbm>>, %arg5: memref<28672xi32, #tpu.memory_space<vmem>>, %arg6: memref<512x64xf32, #tpu.memory_space<vmem>>, %arg7: memref<102x128xf32, #tpu.memory_space<vmem>>, %arg8: memref<102x128xf32, #tpu.memory_space<vmem>>, %arg9: memref<!tpu.dma_semaphore, #tpu.memory_space<semaphore_mem>>, %arg10: memref<!tpu.dma_semaphore, #tpu.memory_space<semaphore_mem>>) attributes {dimension_semantics = [#tpu.dimension_semantics<core_parallel>, #tpu.dimension_semantics<subcore_parallel>], iteration_bounds = array<i64: 2, 16>, scalar_prefetch = 0 : i64, scratch_operands = 6 : i64, tpu.core_type = #tpu.core_type<sc_vector_subcore>, window_params = [{transform_indices = #map}, {transform_indices = #map}, {transform_indices = #map}]} {
    %mul3A = arith.constant 2 : i32
    %mul3A_0 = arith.muli %arg1, %mul3A : i32
    %add3A = arith.addi %mul3A_0, %arg0 : i32
    %mul3A_1 = arith.constant 512 : i32
    %mul3A_2 = arith.muli %add3A, %mul3A_1 : i32
    "tpu.region"() ({
      %run_scoped3A = tpu.sem_alloc : memref<!tpu.dma_semaphore, #tpu.memory_space<semaphore_mem>>
      %dma_start3A_21 = arith.constant 0 : i32
      %dma_start3A_22 = tpu.memref_slice %arg2[%add3A, %dma_start3A_21] : memref<32x28672xi32, #tpu.memory_space<hbm>> -> memref<1x28672xi32, #tpu.memory_space<hbm>>
      %dma_start3A_23 = tpu.memref_squeeze %dma_start3A_22 : memref<1x28672xi32, #tpu.memory_space<hbm>> -> memref<28672xi32, #tpu.memory_space<hbm>>
      %dma_start3A_24 = arith.constant 0 : i32
      %dma_start3A_25 = tpu.memref_slice %arg2[%add3A, %dma_start3A_24] : memref<32x28672xi32, #tpu.memory_space<hbm>> -> memref<1x28672xi32, #tpu.memory_space<hbm>>
      %dma_start3A_26 = tpu.memref_squeeze %dma_start3A_25 : memref<1x28672xi32, #tpu.memory_space<hbm>> -> memref<28672xi32, #tpu.memory_space<hbm>>
      tpu.enqueue_dma source(%dma_start3A_26 : memref<28672xi32, #tpu.memory_space<hbm>>) target(%arg5 : memref<28672xi32, #tpu.memory_space<vmem>>) target_semaphore(%run_scoped3A : memref<!tpu.dma_semaphore, #tpu.memory_space<semaphore_mem>>)
      %dma_wait3A_27 = arith.constant 0 : i32
      %dma_wait3A_28 = tpu.memref_slice %arg2[%add3A, %dma_wait3A_27] : memref<32x28672xi32, #tpu.memory_space<hbm>> -> memref<1x28672xi32, #tpu.memory_space<hbm>>
      %dma_wait3A_29 = tpu.memref_squeeze %dma_wait3A_28 : memref<1x28672xi32, #tpu.memory_space<hbm>> -> memref<28672xi32, #tpu.memory_space<hbm>>
      %dma_wait3A_30 = arith.constant 0 : i32
      %dma_wait3A_31 = tpu.memref_slice %arg2[%add3A, %dma_wait3A_30] : memref<32x28672xi32, #tpu.memory_space<hbm>> -> memref<1x28672xi32, #tpu.memory_space<hbm>>
      %dma_wait3A_32 = tpu.memref_squeeze %dma_wait3A_31 : memref<1x28672xi32, #tpu.memory_space<hbm>> -> memref<28672xi32, #tpu.memory_space<hbm>>
      tpu.wait_dma2 semaphore(%run_scoped3A : memref<!tpu.dma_semaphore, #tpu.memory_space<semaphore_mem>>) src(%dma_wait3A_32 : memref<28672xi32, #tpu.memory_space<hbm>>) dst(%arg5 : memref<28672xi32, #tpu.memory_space<vmem>>)
      tpu.yield
    }) : () -> ()
    %dma_start3A = arith.constant 0 : i32
    %dma_start3A_3 = arith.constant 0 : i32
    %dma_start3A_4 = tpu.memref_slice %arg7[%dma_start3A, %dma_start3A_3] : memref<102x128xf32, #tpu.memory_space<vmem>> -> memref<102x128xf32, #tpu.memory_space<vmem>>
    %dma_start3A_5 = arith.constant 0 : i32
    %dma_start3A_6 = tpu.memref_slice %arg5[%dma_start3A_5] : memref<28672xi32, #tpu.memory_space<vmem>> -> memref<102xi32, #tpu.memory_space<vmem>>
    %dma_start3A_7 = arith.constant 0 : i32
    %dma_start3A_8 = arith.constant 0 : i32
    %dma_start3A_9 = tpu.memref_slice %arg3[%dma_start3A_7, %dma_start3A_8] : memref<1000000x128xf32, #tpu.memory_space<hbm>> -> memref<1000000x128xf32, #tpu.memory_space<hbm>>
    tpu.enqueue_indirect_dma source(%dma_start3A_9 : memref<1000000x128xf32, #tpu.memory_space<hbm>>) target(%dma_start3A_4 : memref<102x128xf32, #tpu.memory_space<vmem>>) offsets(%dma_start3A_6 : memref<102xi32, #tpu.memory_space<vmem>>) semaphore(%arg9 : memref<!tpu.dma_semaphore, #tpu.memory_space<semaphore_mem>>)
    %scan3A = arith.constant 0 : i32
    %scan3A_10 = arith.constant 128 : i32
    %scan3A_11 = arith.addi %scan3A, %scan3A_10 : i32
    %scan3A_12 = arith.constant 1 : i32
    scf.for %scan3A_21 = %scan3A to %scan3A_11 step %scan3A_12  : i32 {
      %mul3A_22 = arith.constant 2 : i32
      %mul3A_23 = arith.muli %scan3A_21, %mul3A_22 : i32
      %add3A_24 = arith.constant 0 : i32
      %add3A_25 = arith.addi %add3A_24, %mul3A_23 : i32
      %add3A_26 = arith.constant 0 : i32
      %add3A_27 = arith.addi %add3A_25, %add3A_26 : i32
      %add3A_28 = arith.constant 1 : i32
      %add3A_29 = arith.addi %add3A_27, %add3A_28 : i32
      %lt3A = arith.constant 256 : i32
      %lt3A_30 = arith.cmpi slt, %add3A_29, %lt3A : i32
      %convert_element_type3A = arith.extui %lt3A_30 : i1 to i32
      %cond3A = arith.constant 0 : i32
      %cond3A_31 = arith.cmpi ne, %convert_element_type3A, %cond3A : i32
      scf.if %cond3A_31 {
        %add3A_205 = arith.constant 1 : i32
        %add3A_206 = arith.addi %add3A_27, %add3A_205 : i32
        %mul3A_207 = arith.constant 112 : i32
        %mul3A_208 = arith.muli %add3A_206, %mul3A_207 : i32
        %dma_start3A_209 = arith.constant 0 : i32
        %dma_start3A_210 = arith.constant 0 : i32
        %dma_start3A_211 = tpu.memref_slice %arg8[%dma_start3A_209, %dma_start3A_210] : memref<102x128xf32, #tpu.memory_space<vmem>> -> memref<102x128xf32, #tpu.memory_space<vmem>>
        %dma_start3A_212 = tpu.memref_slice %arg5[%mul3A_208] : memref<28672xi32, #tpu.memory_space<vmem>> -> memref<102xi32, #tpu.memory_space<vmem>>
        %dma_start3A_213 = arith.constant 0 : i32
        %dma_start3A_214 = arith.constant 0 : i32
        %dma_start3A_215 = tpu.memref_slice %arg3[%dma_start3A_213, %dma_start3A_214] : memref<1000000x128xf32, #tpu.memory_space<hbm>> -> memref<1000000x128xf32, #tpu.memory_space<hbm>>
        tpu.enqueue_indirect_dma source(%dma_start3A_215 : memref<1000000x128xf32, #tpu.memory_space<hbm>>) target(%dma_start3A_211 : memref<102x128xf32, #tpu.memory_space<vmem>>) offsets(%dma_start3A_212 : memref<102xi32, #tpu.memory_space<vmem>>) semaphore(%arg10 : memref<!tpu.dma_semaphore, #tpu.memory_space<semaphore_mem>>)
      } else {
      }
      %mul3A_32 = arith.constant 112 : i32
      %mul3A_33 = arith.muli %add3A_27, %mul3A_32 : i32
      %dma_wait3A_34 = arith.constant 0 : i32
      %dma_wait3A_35 = arith.constant 0 : i32
      %dma_wait3A_36 = tpu.memref_slice %arg7[%dma_wait3A_34, %dma_wait3A_35] : memref<102x128xf32, #tpu.memory_space<vmem>> -> memref<102x128xf32, #tpu.memory_space<vmem>>
      %dma_wait3A_37 = tpu.memref_slice %arg5[%mul3A_33] : memref<28672xi32, #tpu.memory_space<vmem>> -> memref<102xi32, #tpu.memory_space<vmem>>
      %dma_wait3A_38 = arith.constant 0 : i32
      %dma_wait3A_39 = arith.constant 0 : i32
      %dma_wait3A_40 = tpu.memref_slice %arg3[%dma_wait3A_38, %dma_wait3A_39] : memref<1000000x128xf32, #tpu.memory_space<hbm>> -> memref<1000000x128xf32, #tpu.memory_space<hbm>>
      tpu.wait_indirect_dma semaphore(%arg9 : memref<!tpu.dma_semaphore, #tpu.memory_space<semaphore_mem>>) src(%dma_wait3A_40 : memref<1000000x128xf32, #tpu.memory_space<hbm>>) dst(%dma_wait3A_36 : memref<102x128xf32, #tpu.memory_space<vmem>>)
      %mul3A_41 = arith.constant 2 : i32
      %mul3A_42 = arith.muli %mul3A_41, %add3A_27 : i32
      %add3A_43 = arith.constant 0 : i32
      %add3A_44 = arith.addi %mul3A_42, %add3A_43 : i32
      %get3A = arith.constant 1 : i32
      %get3A_45 = arith.index_cast %get3A : i32 to index
      %get3A_46 = arith.constant 0 : index
      %get3A_47 = tpu.vector_load %arg7[%get3A_45, %get3A_46] {strides = array<i32>} : memref<102x128xf32, #tpu.memory_space<vmem>>, vector<16xf32>,
      %swap3A = arith.index_cast %add3A_44 : i32 to index
      %swap3A_48 = arith.constant 0 : index
      %swap3A_49 = tpu.vector_load %arg6[%swap3A, %swap3A_48] {strides = array<i32>} : memref<512x64xf32, #tpu.memory_space<vmem>>, vector<16xf32>,
      tpu.vector_store %arg6[%swap3A, %swap3A_48], %get3A_47 {strides = array<i32>} : memref<512x64xf32, #tpu.memory_space<vmem>>, vector<16xf32>,
      %get3A_50 = arith.constant 1 : i32
      %get3A_51 = arith.index_cast %get3A_50 : i32 to index
      %get3A_52 = arith.constant 16 : index
      %get3A_53 = tpu.vector_load %arg7[%get3A_51, %get3A_52] {strides = array<i32>} : memref<102x128xf32, #tpu.memory_space<vmem>>, vector<16xf32>,
      %swap3A_54 = arith.index_cast %add3A_44 : i32 to index
      %swap3A_55 = arith.constant 16 : index
      %swap3A_56 = tpu.vector_load %arg6[%swap3A_54, %swap3A_55] {strides = array<i32>} : memref<512x64xf32, #tpu.memory_space<vmem>>, vector<16xf32>,
      tpu.vector_store %arg6[%swap3A_54, %swap3A_55], %get3A_53 {strides = array<i32>} : memref<512x64xf32, #tpu.memory_space<vmem>>, vector<16xf32>,
      %get3A_57 = arith.constant 1 : i32
      %get3A_58 = arith.index_cast %get3A_57 : i32 to index
      %get3A_59 = arith.constant 32 : index
      %get3A_60 = tpu.vector_load %arg7[%get3A_58, %get3A_59] {strides = array<i32>} : memref<102x128xf32, #tpu.memory_space<vmem>>, vector<16xf32>,
      %swap3A_61 = arith.index_cast %add3A_44 : i32 to index
      %swap3A_62 = arith.constant 32 : index
      %swap3A_63 = tpu.vector_load %arg6[%swap3A_61, %swap3A_62] {strides = array<i32>} : memref<512x64xf32, #tpu.memory_space<vmem>>, vector<16xf32>,
      tpu.vector_store %arg6[%swap3A_61, %swap3A_62], %get3A_60 {strides = array<i32>} : memref<512x64xf32, #tpu.memory_space<vmem>>, vector<16xf32>,
      %get3A_64 = arith.constant 1 : i32
      %get3A_65 = arith.index_cast %get3A_64 : i32 to index
      %get3A_66 = arith.constant 48 : index
      %get3A_67 = tpu.vector_load %arg7[%get3A_65, %get3A_66] {strides = array<i32>} : memref<102x128xf32, #tpu.memory_space<vmem>>, vector<16xf32>,
      %swap3A_68 = arith.index_cast %add3A_44 : i32 to index
      %swap3A_69 = arith.constant 48 : index
      %swap3A_70 = tpu.vector_load %arg6[%swap3A_68, %swap3A_69] {strides = array<i32>} : memref<512x64xf32, #tpu.memory_space<vmem>>, vector<16xf32>,
      tpu.vector_store %arg6[%swap3A_68, %swap3A_69], %get3A_67 {strides = array<i32>} : memref<512x64xf32, #tpu.memory_space<vmem>>, vector<16xf32>,
      %scan3A_71 = arith.constant 0 : i32
      %scan3A_72 = arith.constant 49 : i32
      %scan3A_73 = arith.addi %scan3A_71, %scan3A_72 : i32
      %scan3A_74 = arith.constant 7 : i32
      scf.for %scan3A_205 = %scan3A_71 to %scan3A_73 step %scan3A_74  : i32 {
        %mul3A_206 = arith.constant 1 : i32
        %mul3A_207 = arith.muli %scan3A_205, %mul3A_206 : i32
        %add3A_208 = arith.constant 2 : i32
        %add3A_209 = arith.addi %add3A_208, %mul3A_207 : i32
        %add3A_210 = arith.constant 0 : i32
        %add3A_211 = arith.addi %add3A_210, %add3A_209 : i32
        %get3A_212 = arith.index_cast %add3A_211 : i32 to index
        %get3A_213 = arith.constant 0 : index
        %get3A_214 = tpu.vector_load %arg7[%get3A_212, %get3A_213] {strides = array<i32>} : memref<102x128xf32, #tpu.memory_space<vmem>>, vector<16xf32>,
        %swap3A_215 = arith.index_cast %add3A_44 : i32 to index
        %swap3A_216 = arith.constant 0 : index
        %swap3A_217 = tpu.vector_load %arg6[%swap3A_215, %swap3A_216] {strides = array<i32>} : memref<512x64xf32, #tpu.memory_space<vmem>>, vector<16xf32>,
        tpu.vector_store %arg6[%swap3A_215, %swap3A_216], %get3A_214 {add = true, strides = array<i32>} : memref<512x64xf32, #tpu.memory_space<vmem>>, vector<16xf32>,
        %add3A_218 = arith.constant 0 : i32
        %add3A_219 = arith.addi %add3A_218, %add3A_209 : i32
        %get3A_220 = arith.index_cast %add3A_219 : i32 to index
        %get3A_221 = arith.constant 16 : index
        %get3A_222 = tpu.vector_load %arg7[%get3A_220, %get3A_221] {strides = array<i32>} : memref<102x128xf32, #tpu.memory_space<vmem>>, vector<16xf32>,
        %swap3A_223 = arith.index_cast %add3A_44 : i32 to index
        %swap3A_224 = arith.constant 16 : index
        %swap3A_225 = tpu.vector_load %arg6[%swap3A_223, %swap3A_224] {strides = array<i32>} : memref<512x64xf32, #tpu.memory_space<vmem>>, vector<16xf32>,
        tpu.vector_store %arg6[%swap3A_223, %swap3A_224], %get3A_222 {add = true, strides = array<i32>} : memref<512x64xf32, #tpu.memory_space<vmem>>, vector<16xf32>,
        %add3A_226 = arith.constant 0 : i32
        %add3A_227 = arith.addi %add3A_226, %add3A_209 : i32
        %get3A_228 = arith.index_cast %add3A_227 : i32 to index
        %get3A_229 = arith.constant 32 : index
        %get3A_230 = tpu.vector_load %arg7[%get3A_228, %get3A_229] {strides = array<i32>} : memref<102x128xf32, #tpu.memory_space<vmem>>, vector<16xf32>,
        %swap3A_231 = arith.index_cast %add3A_44 : i32 to index
        %swap3A_232 = arith.constant 32 : index
        %swap3A_233 = tpu.vector_load %arg6[%swap3A_231, %swap3A_232] {strides = array<i32>} : memref<512x64xf32, #tpu.memory_space<vmem>>, vector<16xf32>,
        tpu.vector_store %arg6[%swap3A_231, %swap3A_232], %get3A_230 {add = true, strides = array<i32>} : memref<512x64xf32, #tpu.memory_space<vmem>>, vector<16xf32>,
        %add3A_234 = arith.constant 0 : i32
        %add3A_235 = arith.addi %add3A_234, %add3A_209 : i32
        %get3A_236 = arith.index_cast %add3A_235 : i32 to index
        %get3A_237 = arith.constant 48 : index
        %get3A_238 = tpu.vector_load %arg7[%get3A_236, %get3A_237] {strides = array<i32>} : memref<102x128xf32, #tpu.memory_space<vmem>>, vector<16xf32>,
        %swap3A_239 = arith.index_cast %add3A_44 : i32 to index
        %swap3A_240 = arith.constant 48 : index
        %swap3A_241 = tpu.vector_load %arg6[%swap3A_239, %swap3A_240] {strides = array<i32>} : memref<512x64xf32, #tpu.memory_space<vmem>>, vector<16xf32>,
        tpu.vector_store %arg6[%swap3A_239, %swap3A_240], %get3A_238 {add = true, strides = array<i32>} : memref<512x64xf32, #tpu.memory_space<vmem>>, vector<16xf32>,
        %scan3A_242 = arith.constant 1 : i32
        %scan3A_243 = arith.addi %scan3A_205, %scan3A_242 : i32
        %mul3A_244 = arith.constant 1 : i32
        %mul3A_245 = arith.muli %scan3A_243, %mul3A_244 : i32
        %add3A_246 = arith.constant 2 : i32
        %add3A_247 = arith.addi %add3A_246, %mul3A_245 : i32
        %add3A_248 = arith.constant 0 : i32
        %add3A_249 = arith.addi %add3A_248, %add3A_247 : i32
        %get3A_250 = arith.index_cast %add3A_249 : i32 to index
        %get3A_251 = arith.constant 0 : index
        %get3A_252 = tpu.vector_load %arg7[%get3A_250, %get3A_251] {strides = array<i32>} : memref<102x128xf32, #tpu.memory_space<vmem>>, vector<16xf32>,
        %swap3A_253 = arith.index_cast %add3A_44 : i32 to index
        %swap3A_254 = arith.constant 0 : index
        %swap3A_255 = tpu.vector_load %arg6[%swap3A_253, %swap3A_254] {strides = array<i32>} : memref<512x64xf32, #tpu.memory_space<vmem>>, vector<16xf32>,
        tpu.vector_store %arg6[%swap3A_253, %swap3A_254], %get3A_252 {add = true, strides = array<i32>} : memref<512x64xf32, #tpu.memory_space<vmem>>, vector<16xf32>,
        %add3A_256 = arith.constant 0 : i32
        %add3A_257 = arith.addi %add3A_256, %add3A_247 : i32
        %get3A_258 = arith.index_cast %add3A_257 : i32 to index
        %get3A_259 = arith.constant 16 : index
        %get3A_260 = tpu.vector_load %arg7[%get3A_258, %get3A_259] {strides = array<i32>} : memref<102x128xf32, #tpu.memory_space<vmem>>, vector<16xf32>,
        %swap3A_261 = arith.index_cast %add3A_44 : i32 to index
        %swap3A_262 = arith.constant 16 : index
        %swap3A_263 = tpu.vector_load %arg6[%swap3A_261, %swap3A_262] {strides = array<i32>} : memref<512x64xf32, #tpu.memory_space<vmem>>, vector<16xf32>,
        tpu.vector_store %arg6[%swap3A_261, %swap3A_262], %get3A_260 {add = true, strides = array<i32>} : memref<512x64xf32, #tpu.memory_space<vmem>>, vector<16xf32>,
        %add3A_264 = arith.constant 0 : i32
        %add3A_265 = arith.addi %add3A_264, %add3A_247 : i32
        %get3A_266 = arith.index_cast %add3A_265 : i32 to index
        %get3A_267 = arith.constant 32 : index
        %get3A_268 = tpu.vector_load %arg7[%get3A_266, %get3A_267] {strides = array<i32>} : memref<102x128xf32, #tpu.memory_space<vmem>>, vector<16xf32>,
        %swap3A_269 = arith.index_cast %add3A_44 : i32 to index
        %swap3A_270 = arith.constant 32 : index
        %swap3A_271 = tpu.vector_load %arg6[%swap3A_269, %swap3A_270] {strides = array<i32>} : memref<512x64xf32, #tpu.memory_space<vmem>>, vector<16xf32>,
        tpu.vector_store %arg6[%swap3A_269, %swap3A_270], %get3A_268 {add = true, strides = array<i32>} : memref<512x64xf32, #tpu.memory_space<vmem>>, vector<16xf32>,
        %add3A_272 = arith.constant 0 : i32
        %add3A_273 = arith.addi %add3A_272, %add3A_247 : i32
        %get3A_274 = arith.index_cast %add3A_273 : i32 to index
        %get3A_275 = arith.constant 48 : index
        %get3A_276 = tpu.vector_load %arg7[%get3A_274, %get3A_275] {strides = array<i32>} : memref<102x128xf32, #tpu.memory_space<vmem>>, vector<16xf32>,
        %swap3A_277 = arith.index_cast %add3A_44 : i32 to index
        %swap3A_278 = arith.constant 48 : index
        %swap3A_279 = tpu.vector_load %arg6[%swap3A_277, %swap3A_278] {strides = array<i32>} : memref<512x64xf32, #tpu.memory_space<vmem>>, vector<16xf32>,
        tpu.vector_store %arg6[%swap3A_277, %swap3A_278], %get3A_276 {add = true, strides = array<i32>} : memref<512x64xf32, #tpu.memory_space<vmem>>, vector<16xf32>,
        %scan3A_280 = arith.constant 2 : i32
        %scan3A_281 = arith.addi %scan3A_205, %scan3A_280 : i32
        %mul3A_282 = arith.constant 1 : i32
        %mul3A_283 = arith.muli %scan3A_281, %mul3A_282 : i32
        %add3A_284 = arith.constant 2 : i32
        %add3A_285 = arith.addi %add3A_284, %mul3A_283 : i32
        %add3A_286 = arith.constant 0 : i32
        %add3A_287 = arith.addi %add3A_286, %add3A_285 : i32
        %get3A_288 = arith.index_cast %add3A_287 : i32 to index
        %get3A_289 = arith.constant 0 : index
        %get3A_290 = tpu.vector_load %arg7[%get3A_288, %get3A_289] {strides = array<i32>} : memref<102x128xf32, #tpu.memory_space<vmem>>, vector<16xf32>,
        %swap3A_291 = arith.index_cast %add3A_44 : i32 to index
        %swap3A_292 = arith.constant 0 : index
        %swap3A_293 = tpu.vector_load %arg6[%swap3A_291, %swap3A_292] {strides = array<i32>} : memref<512x64xf32, #tpu.memory_space<vmem>>, vector<16xf32>,
        tpu.vector_store %arg6[%swap3A_291, %swap3A_292], %get3A_290 {add = true, strides = array<i32>} : memref<512x64xf32, #tpu.memory_space<vmem>>, vector<16xf32>,
        %add3A_294 = arith.constant 0 : i32
        %add3A_295 = arith.addi %add3A_294, %add3A_285 : i32
        %get3A_296 = arith.index_cast %add3A_295 : i32 to index
        %get3A_297 = arith.constant 16 : index
        %get3A_298 = tpu.vector_load %arg7[%get3A_296, %get3A_297] {strides = array<i32>} : memref<102x128xf32, #tpu.memory_space<vmem>>, vector<16xf32>,
        %swap3A_299 = arith.index_cast %add3A_44 : i32 to index
        %swap3A_300 = arith.constant 16 : index
        %swap3A_301 = tpu.vector_load %arg6[%swap3A_299, %swap3A_300] {strides = array<i32>} : memref<512x64xf32, #tpu.memory_space<vmem>>, vector<16xf32>,
        tpu.vector_store %arg6[%swap3A_299, %swap3A_300], %get3A_298 {add = true, strides = array<i32>} : memref<512x64xf32, #tpu.memory_space<vmem>>, vector<16xf32>,
        %add3A_302 = arith.constant 0 : i32
        %add3A_303 = arith.addi %add3A_302, %add3A_285 : i32
        %get3A_304 = arith.index_cast %add3A_303 : i32 to index
        %get3A_305 = arith.constant 32 : index
        %get3A_306 = tpu.vector_load %arg7[%get3A_304, %get3A_305] {strides = array<i32>} : memref<102x128xf32, #tpu.memory_space<vmem>>, vector<16xf32>,
        %swap3A_307 = arith.index_cast %add3A_44 : i32 to index
        %swap3A_308 = arith.constant 32 : index
        %swap3A_309 = tpu.vector_load %arg6[%swap3A_307, %swap3A_308] {strides = array<i32>} : memref<512x64xf32, #tpu.memory_space<vmem>>, vector<16xf32>,
        tpu.vector_store %arg6[%swap3A_307, %swap3A_308], %get3A_306 {add = true, strides = array<i32>} : memref<512x64xf32, #tpu.memory_space<vmem>>, vector<16xf32>,
        %add3A_310 = arith.constant 0 : i32
        %add3A_311 = arith.addi %add3A_310, %add3A_285 : i32
        %get3A_312 = arith.index_cast %add3A_311 : i32 to index
        %get3A_313 = arith.constant 48 : index
        %get3A_314 = tpu.vector_load %arg7[%get3A_312, %get3A_313] {strides = array<i32>} : memref<102x128xf32, #tpu.memory_space<vmem>>, vector<16xf32>,
        %swap3A_315 = arith.index_cast %add3A_44 : i32 to index
        %swap3A_316 = arith.constant 48 : index
        %swap3A_317 = tpu.vector_load %arg6[%swap3A_315, %swap3A_316] {strides = array<i32>} : memref<512x64xf32, #tpu.memory_space<vmem>>, vector<16xf32>,
        tpu.vector_store %arg6[%swap3A_315, %swap3A_316], %get3A_314 {add = true, strides = array<i32>} : memref<512x64xf32, #tpu.memory_space<vmem>>, vector<16xf32>,
        %scan3A_318 = arith.constant 3 : i32
        %scan3A_319 = arith.addi %scan3A_205, %scan3A_318 : i32
        %mul3A_320 = arith.constant 1 : i32
        %mul3A_321 = arith.muli %scan3A_319, %mul3A_320 : i32
        %add3A_322 = arith.constant 2 : i32
        %add3A_323 = arith.addi %add3A_322, %mul3A_321 : i32
        %add3A_324 = arith.constant 0 : i32
        %add3A_325 = arith.addi %add3A_324, %add3A_323 : i32
        %get3A_326 = arith.index_cast %add3A_325 : i32 to index
        %get3A_327 = arith.constant 0 : index
        %get3A_328 = tpu.vector_load %arg7[%get3A_326, %get3A_327] {strides = array<i32>} : memref<102x128xf32, #tpu.memory_space<vmem>>, vector<16xf32>,
        %swap3A_329 = arith.index_cast %add3A_44 : i32 to index
        %swap3A_330 = arith.constant 0 : index
        %swap3A_331 = tpu.vector_load %arg6[%swap3A_329, %swap3A_330] {strides = array<i32>} : memref<512x64xf32, #tpu.memory_space<vmem>>, vector<16xf32>,
        tpu.vector_store %arg6[%swap3A_329, %swap3A_330], %get3A_328 {add = true, strides = array<i32>} : memref<512x64xf32, #tpu.memory_space<vmem>>, vector<16xf32>,
        %add3A_332 = arith.constant 0 : i32
        %add3A_333 = arith.addi %add3A_332, %add3A_323 : i32
        %get3A_334 = arith.index_cast %add3A_333 : i32 to index
        %get3A_335 = arith.constant 16 : index
        %get3A_336 = tpu.vector_load %arg7[%get3A_334, %get3A_335] {strides = array<i32>} : memref<102x128xf32, #tpu.memory_space<vmem>>, vector<16xf32>,
        %swap3A_337 = arith.index_cast %add3A_44 : i32 to index
        %swap3A_338 = arith.constant 16 : index
        %swap3A_339 = tpu.vector_load %arg6[%swap3A_337, %swap3A_338] {strides = array<i32>} : memref<512x64xf32, #tpu.memory_space<vmem>>, vector<16xf32>,
        tpu.vector_store %arg6[%swap3A_337, %swap3A_338], %get3A_336 {add = true, strides = array<i32>} : memref<512x64xf32, #tpu.memory_space<vmem>>, vector<16xf32>,
        %add3A_340 = arith.constant 0 : i32
        %add3A_341 = arith.addi %add3A_340, %add3A_323 : i32
        %get3A_342 = arith.index_cast %add3A_341 : i32 to index
        %get3A_343 = arith.constant 32 : index
        %get3A_344 = tpu.vector_load %arg7[%get3A_342, %get3A_343] {strides = array<i32>} : memref<102x128xf32, #tpu.memory_space<vmem>>, vector<16xf32>,
        %swap3A_345 = arith.index_cast %add3A_44 : i32 to index
        %swap3A_346 = arith.constant 32 : index
        %swap3A_347 = tpu.vector_load %arg6[%swap3A_345, %swap3A_346] {strides = array<i32>} : memref<512x64xf32, #tpu.memory_space<vmem>>, vector<16xf32>,
        tpu.vector_store %arg6[%swap3A_345, %swap3A_346], %get3A_344 {add = true, strides = array<i32>} : memref<512x64xf32, #tpu.memory_space<vmem>>, vector<16xf32>,
        %add3A_348 = arith.constant 0 : i32
        %add3A_349 = arith.addi %add3A_348, %add3A_323 : i32
        %get3A_350 = arith.index_cast %add3A_349 : i32 to index
        %get3A_351 = arith.constant 48 : index
        %get3A_352 = tpu.vector_load %arg7[%get3A_350, %get3A_351] {strides = array<i32>} : memref<102x128xf32, #tpu.memory_space<vmem>>, vector<16xf32>,
        %swap3A_353 = arith.index_cast %add3A_44 : i32 to index
        %swap3A_354 = arith.constant 48 : index
        %swap3A_355 = tpu.vector_load %arg6[%swap3A_353, %swap3A_354] {strides = array<i32>} : memref<512x64xf32, #tpu.memory_space<vmem>>, vector<16xf32>,
        tpu.vector_store %arg6[%swap3A_353, %swap3A_354], %get3A_352 {add = true, strides = array<i32>} : memref<512x64xf32, #tpu.memory_space<vmem>>, vector<16xf32>,
        %scan3A_356 = arith.constant 4 : i32
        %scan3A_357 = arith.addi %scan3A_205, %scan3A_356 : i32
        %mul3A_358 = arith.constant 1 : i32
        %mul3A_359 = arith.muli %scan3A_357, %mul3A_358 : i32
        %add3A_360 = arith.constant 2 : i32
        %add3A_361 = arith.addi %add3A_360, %mul3A_359 : i32
        %add3A_362 = arith.constant 0 : i32
        %add3A_363 = arith.addi %add3A_362, %add3A_361 : i32
        %get3A_364 = arith.index_cast %add3A_363 : i32 to index
        %get3A_365 = arith.constant 0 : index
        %get3A_366 = tpu.vector_load %arg7[%get3A_364, %get3A_365] {strides = array<i32>} : memref<102x128xf32, #tpu.memory_space<vmem>>, vector<16xf32>,
        %swap3A_367 = arith.index_cast %add3A_44 : i32 to index
        %swap3A_368 = arith.constant 0 : index
        %swap3A_369 = tpu.vector_load %arg6[%swap3A_367, %swap3A_368] {strides = array<i32>} : memref<512x64xf32, #tpu.memory_space<vmem>>, vector<16xf32>,
        tpu.vector_store %arg6[%swap3A_367, %swap3A_368], %get3A_366 {add = true, strides = array<i32>} : memref<512x64xf32, #tpu.memory_space<vmem>>, vector<16xf32>,
        %add3A_370 = arith.constant 0 : i32
        %add3A_371 = arith.addi %add3A_370, %add3A_361 : i32
        %get3A_372 = arith.index_cast %add3A_371 : i32 to index
        %get3A_373 = arith.constant 16 : index
        %get3A_374 = tpu.vector_load %arg7[%get3A_372, %get3A_373] {strides = array<i32>} : memref<102x128xf32, #tpu.memory_space<vmem>>, vector<16xf32>,
        %swap3A_375 = arith.index_cast %add3A_44 : i32 to index
        %swap3A_376 = arith.constant 16 : index
        %swap3A_377 = tpu.vector_load %arg6[%swap3A_375, %swap3A_376] {strides = array<i32>} : memref<512x64xf32, #tpu.memory_space<vmem>>, vector<16xf32>,
        tpu.vector_store %arg6[%swap3A_375, %swap3A_376], %get3A_374 {add = true, strides = array<i32>} : memref<512x64xf32, #tpu.memory_space<vmem>>, vector<16xf32>,
        %add3A_378 = arith.constant 0 : i32
        %add3A_379 = arith.addi %add3A_378, %add3A_361 : i32
        %get3A_380 = arith.index_cast %add3A_379 : i32 to index
        %get3A_381 = arith.constant 32 : index
        %get3A_382 = tpu.vector_load %arg7[%get3A_380, %get3A_381] {strides = array<i32>} : memref<102x128xf32, #tpu.memory_space<vmem>>, vector<16xf32>,
        %swap3A_383 = arith.index_cast %add3A_44 : i32 to index
        %swap3A_384 = arith.constant 32 : index
        %swap3A_385 = tpu.vector_load %arg6[%swap3A_383, %swap3A_384] {strides = array<i32>} : memref<512x64xf32, #tpu.memory_space<vmem>>, vector<16xf32>,
        tpu.vector_store %arg6[%swap3A_383, %swap3A_384], %get3A_382 {add = true, strides = array<i32>} : memref<512x64xf32, #tpu.memory_space<vmem>>, vector<16xf32>,
        %add3A_386 = arith.constant 0 : i32
        %add3A_387 = arith.addi %add3A_386, %add3A_361 : i32
        %get3A_388 = arith.index_cast %add3A_387 : i32 to index
        %get3A_389 = arith.constant 48 : index
        %get3A_390 = tpu.vector_load %arg7[%get3A_388, %get3A_389] {strides = array<i32>} : memref<102x128xf32, #tpu.memory_space<vmem>>, vector<16xf32>,
        %swap3A_391 = arith.index_cast %add3A_44 : i32 to index
        %swap3A_392 = arith.constant 48 : index
        %swap3A_393 = tpu.vector_load %arg6[%swap3A_391, %swap3A_392] {strides = array<i32>} : memref<512x64xf32, #tpu.memory_space<vmem>>, vector<16xf32>,
        tpu.vector_store %arg6[%swap3A_391, %swap3A_392], %get3A_390 {add = true, strides = array<i32>} : memref<512x64xf32, #tpu.memory_space<vmem>>, vector<16xf32>,
        %scan3A_394 = arith.constant 5 : i32
        %scan3A_395 = arith.addi %scan3A_205, %scan3A_394 : i32
        %mul3A_396 = arith.constant 1 : i32
        %mul3A_397 = arith.muli %scan3A_395, %mul3A_396 : i32
        %add3A_398 = arith.constant 2 : i32
        %add3A_399 = arith.addi %add3A_398, %mul3A_397 : i32
        %add3A_400 = arith.constant 0 : i32
        %add3A_401 = arith.addi %add3A_400, %add3A_399 : i32
        %get3A_402 = arith.index_cast %add3A_401 : i32 to index
        %get3A_403 = arith.constant 0 : index
        %get3A_404 = tpu.vector_load %arg7[%get3A_402, %get3A_403] {strides = array<i32>} : memref<102x128xf32, #tpu.memory_space<vmem>>, vector<16xf32>,
        %swap3A_405 = arith.index_cast %add3A_44 : i32 to index
        %swap3A_406 = arith.constant 0 : index
        %swap3A_407 = tpu.vector_load %arg6[%swap3A_405, %swap3A_406] {strides = array<i32>} : memref<512x64xf32, #tpu.memory_space<vmem>>, vector<16xf32>,
        tpu.vector_store %arg6[%swap3A_405, %swap3A_406], %get3A_404 {add = true, strides = array<i32>} : memref<512x64xf32, #tpu.memory_space<vmem>>, vector<16xf32>,
        %add3A_408 = arith.constant 0 : i32
        %add3A_409 = arith.addi %add3A_408, %add3A_399 : i32
        %get3A_410 = arith.index_cast %add3A_409 : i32 to index
        %get3A_411 = arith.constant 16 : index
        %get3A_412 = tpu.vector_load %arg7[%get3A_410, %get3A_411] {strides = array<i32>} : memref<102x128xf32, #tpu.memory_space<vmem>>, vector<16xf32>,
        %swap3A_413 = arith.index_cast %add3A_44 : i32 to index
        %swap3A_414 = arith.constant 16 : index
        %swap3A_415 = tpu.vector_load %arg6[%swap3A_413, %swap3A_414] {strides = array<i32>} : memref<512x64xf32, #tpu.memory_space<vmem>>, vector<16xf32>,
        tpu.vector_store %arg6[%swap3A_413, %swap3A_414], %get3A_412 {add = true, strides = array<i32>} : memref<512x64xf32, #tpu.memory_space<vmem>>, vector<16xf32>,
        %add3A_416 = arith.constant 0 : i32
        %add3A_417 = arith.addi %add3A_416, %add3A_399 : i32
        %get3A_418 = arith.index_cast %add3A_417 : i32 to index
        %get3A_419 = arith.constant 32 : index
        %get3A_420 = tpu.vector_load %arg7[%get3A_418, %get3A_419] {strides = array<i32>} : memref<102x128xf32, #tpu.memory_space<vmem>>, vector<16xf32>,
        %swap3A_421 = arith.index_cast %add3A_44 : i32 to index
        %swap3A_422 = arith.constant 32 : index
        %swap3A_423 = tpu.vector_load %arg6[%swap3A_421, %swap3A_422] {strides = array<i32>} : memref<512x64xf32, #tpu.memory_space<vmem>>, vector<16xf32>,
        tpu.vector_store %arg6[%swap3A_421, %swap3A_422], %get3A_420 {add = true, strides = array<i32>} : memref<512x64xf32, #tpu.memory_space<vmem>>, vector<16xf32>,
        %add3A_424 = arith.constant 0 : i32
        %add3A_425 = arith.addi %add3A_424, %add3A_399 : i32
        %get3A_426 = arith.index_cast %add3A_425 : i32 to index
        %get3A_427 = arith.constant 48 : index
        %get3A_428 = tpu.vector_load %arg7[%get3A_426, %get3A_427] {strides = array<i32>} : memref<102x128xf32, #tpu.memory_space<vmem>>, vector<16xf32>,
        %swap3A_429 = arith.index_cast %add3A_44 : i32 to index
        %swap3A_430 = arith.constant 48 : index
        %swap3A_431 = tpu.vector_load %arg6[%swap3A_429, %swap3A_430] {strides = array<i32>} : memref<512x64xf32, #tpu.memory_space<vmem>>, vector<16xf32>,
        tpu.vector_store %arg6[%swap3A_429, %swap3A_430], %get3A_428 {add = true, strides = array<i32>} : memref<512x64xf32, #tpu.memory_space<vmem>>, vector<16xf32>,
        %scan3A_432 = arith.constant 6 : i32
        %scan3A_433 = arith.addi %scan3A_205, %scan3A_432 : i32
        %mul3A_434 = arith.constant 1 : i32
        %mul3A_435 = arith.muli %scan3A_433, %mul3A_434 : i32
        %add3A_436 = arith.constant 2 : i32
        %add3A_437 = arith.addi %add3A_436, %mul3A_435 : i32
        %add3A_438 = arith.constant 0 : i32
        %add3A_439 = arith.addi %add3A_438, %add3A_437 : i32
        %get3A_440 = arith.index_cast %add3A_439 : i32 to index
        %get3A_441 = arith.constant 0 : index
        %get3A_442 = tpu.vector_load %arg7[%get3A_440, %get3A_441] {strides = array<i32>} : memref<102x128xf32, #tpu.memory_space<vmem>>, vector<16xf32>,
        %swap3A_443 = arith.index_cast %add3A_44 : i32 to index
        %swap3A_444 = arith.constant 0 : index
        %swap3A_445 = tpu.vector_load %arg6[%swap3A_443, %swap3A_444] {strides = array<i32>} : memref<512x64xf32, #tpu.memory_space<vmem>>, vector<16xf32>,
        tpu.vector_store %arg6[%swap3A_443, %swap3A_444], %get3A_442 {add = true, strides = array<i32>} : memref<512x64xf32, #tpu.memory_space<vmem>>, vector<16xf32>,
        %add3A_446 = arith.constant 0 : i32
        %add3A_447 = arith.addi %add3A_446, %add3A_437 : i32
        %get3A_448 = arith.index_cast %add3A_447 : i32 to index
        %get3A_449 = arith.constant 16 : index
        %get3A_450 = tpu.vector_load %arg7[%get3A_448, %get3A_449] {strides = array<i32>} : memref<102x128xf32, #tpu.memory_space<vmem>>, vector<16xf32>,
        %swap3A_451 = arith.index_cast %add3A_44 : i32 to index
        %swap3A_452 = arith.constant 16 : index
        %swap3A_453 = tpu.vector_load %arg6[%swap3A_451, %swap3A_452] {strides = array<i32>} : memref<512x64xf32, #tpu.memory_space<vmem>>, vector<16xf32>,
        tpu.vector_store %arg6[%swap3A_451, %swap3A_452], %get3A_450 {add = true, strides = array<i32>} : memref<512x64xf32, #tpu.memory_space<vmem>>, vector<16xf32>,
        %add3A_454 = arith.constant 0 : i32
        %add3A_455 = arith.addi %add3A_454, %add3A_437 : i32
        %get3A_456 = arith.index_cast %add3A_455 : i32 to index
        %get3A_457 = arith.constant 32 : index
        %get3A_458 = tpu.vector_load %arg7[%get3A_456, %get3A_457] {strides = array<i32>} : memref<102x128xf32, #tpu.memory_space<vmem>>, vector<16xf32>,
        %swap3A_459 = arith.index_cast %add3A_44 : i32 to index
        %swap3A_460 = arith.constant 32 : index
        %swap3A_461 = tpu.vector_load %arg6[%swap3A_459, %swap3A_460] {strides = array<i32>} : memref<512x64xf32, #tpu.memory_space<vmem>>, vector<16xf32>,
        tpu.vector_store %arg6[%swap3A_459, %swap3A_460], %get3A_458 {add = true, strides = array<i32>} : memref<512x64xf32, #tpu.memory_space<vmem>>, vector<16xf32>,
        %add3A_462 = arith.constant 0 : i32
        %add3A_463 = arith.addi %add3A_462, %add3A_437 : i32
        %get3A_464 = arith.index_cast %add3A_463 : i32 to index
        %get3A_465 = arith.constant 48 : index
        %get3A_466 = tpu.vector_load %arg7[%get3A_464, %get3A_465] {strides = array<i32>} : memref<102x128xf32, #tpu.memory_space<vmem>>, vector<16xf32>,
        %swap3A_467 = arith.index_cast %add3A_44 : i32 to index
        %swap3A_468 = arith.constant 48 : index
        %swap3A_469 = tpu.vector_load %arg6[%swap3A_467, %swap3A_468] {strides = array<i32>} : memref<512x64xf32, #tpu.memory_space<vmem>>, vector<16xf32>,
        tpu.vector_store %arg6[%swap3A_467, %swap3A_468], %get3A_466 {add = true, strides = array<i32>} : memref<512x64xf32, #tpu.memory_space<vmem>>, vector<16xf32>,
      }
      %scan3A_75 = arith.constant 49 : i32
      %mul3A_76 = arith.constant 2 : i32
      %mul3A_77 = arith.muli %mul3A_76, %add3A_27 : i32
      %add3A_78 = arith.constant 1 : i32
      %add3A_79 = arith.addi %mul3A_77, %add3A_78 : i32
      %get3A_80 = arith.constant 52 : i32
      %get3A_81 = arith.index_cast %get3A_80 : i32 to index
      %get3A_82 = arith.constant 0 : index
      %get3A_83 = tpu.vector_load %arg7[%get3A_81, %get3A_82] {strides = array<i32>} : memref<102x128xf32, #tpu.memory_space<vmem>>, vector<16xf32>,
      %swap3A_84 = arith.index_cast %add3A_79 : i32 to index
      %swap3A_85 = arith.constant 0 : index
      %swap3A_86 = tpu.vector_load %arg6[%swap3A_84, %swap3A_85] {strides = array<i32>} : memref<512x64xf32, #tpu.memory_space<vmem>>, vector<16xf32>,
      tpu.vector_store %arg6[%swap3A_84, %swap3A_85], %get3A_83 {strides = array<i32>} : memref<512x64xf32, #tpu.memory_space<vmem>>, vector<16xf32>,
      %get3A_87 = arith.constant 52 : i32
      %get3A_88 = arith.index_cast %get3A_87 : i32 to index
      %get3A_89 = arith.constant 16 : index
      %get3A_90 = tpu.vector_load %arg7[%get3A_88, %get3A_89] {strides = array<i32>} : memref<102x128xf32, #tpu.memory_space<vmem>>, vector<16xf32>,
      %swap3A_91 = arith.index_cast %add3A_79 : i32 to index
      %swap3A_92 = arith.constant 16 : index
      %swap3A_93 = tpu.vector_load %arg6[%swap3A_91, %swap3A_92] {strides = array<i32>} : memref<512x64xf32, #tpu.memory_space<vmem>>, vector<16xf32>,
      tpu.vector_store %arg6[%swap3A_91, %swap3A_92], %get3A_90 {strides = array<i32>} : memref<512x64xf32, #tpu.memory_space<vmem>>, vector<16xf32>,
      %get3A_94 = arith.constant 52 : i32
      %get3A_95 = arith.index_cast %get3A_94 : i32 to index
      %get3A_96 = arith.constant 32 : index
      %get3A_97 = tpu.vector_load %arg7[%get3A_95, %get3A_96] {strides = array<i32>} : memref<102x128xf32, #tpu.memory_space<vmem>>, vector<16xf32>,
      %swap3A_98 = arith.index_cast %add3A_79 : i32 to index
      %swap3A_99 = arith.constant 32 : index
      %swap3A_100 = tpu.vector_load %arg6[%swap3A_98, %swap3A_99] {strides = array<i32>} : memref<512x64xf32, #tpu.memory_space<vmem>>, vector<16xf32>,
      tpu.vector_store %arg6[%swap3A_98, %swap3A_99], %get3A_97 {strides = array<i32>} : memref<512x64xf32, #tpu.memory_space<vmem>>, vector<16xf32>,
      %get3A_101 = arith.constant 52 : i32
      %get3A_102 = arith.index_cast %get3A_101 : i32 to index
      %get3A_103 = arith.constant 48 : index
      %get3A_104 = tpu.vector_load %arg7[%get3A_102, %get3A_103] {strides = array<i32>} : memref<102x128xf32, #tpu.memory_space<vmem>>, vector<16xf32>,
      %swap3A_105 = arith.index_cast %add3A_79 : i32 to index
      %swap3A_106 = arith.constant 48 : index
      %swap3A_107 = tpu.vector_load %arg6[%swap3A_105, %swap3A_106] {strides = array<i32>} : memref<512x64xf32, #tpu.memory_space<vmem>>, vector<16xf32>,
      tpu.vector_store %arg6[%swap3A_105, %swap3A_106], %get3A_104 {strides = array<i32>} : memref<512x64xf32, #tpu.memory_space<vmem>>, vector<16xf32>,
      %scan3A_108 = arith.constant 0 : i32
      %scan3A_109 = arith.constant 49 : i32
      %scan3A_110 = arith.addi %scan3A_108, %scan3A_109 : i32
      %scan3A_111 = arith.constant 7 : i32
      scf.for %scan3A_205 = %scan3A_108 to %scan3A_110 step %scan3A_111  : i32 {
        %mul3A_206 = arith.constant 1 : i32
        %mul3A_207 = arith.muli %scan3A_205, %mul3A_206 : i32
        %add3A_208 = arith.constant 2 : i32
        %add3A_209 = arith.addi %add3A_208, %mul3A_207 : i32
        %add3A_210 = arith.constant 51 : i32
        %add3A_211 = arith.addi %add3A_210, %add3A_209 : i32
        %get3A_212 = arith.index_cast %add3A_211 : i32 to index
        %get3A_213 = arith.constant 0 : index
        %get3A_214 = tpu.vector_load %arg7[%get3A_212, %get3A_213] {strides = array<i32>} : memref<102x128xf32, #tpu.memory_space<vmem>>, vector<16xf32>,
        %swap3A_215 = arith.index_cast %add3A_79 : i32 to index
        %swap3A_216 = arith.constant 0 : index
        %swap3A_217 = tpu.vector_load %arg6[%swap3A_215, %swap3A_216] {strides = array<i32>} : memref<512x64xf32, #tpu.memory_space<vmem>>, vector<16xf32>,
        tpu.vector_store %arg6[%swap3A_215, %swap3A_216], %get3A_214 {add = true, strides = array<i32>} : memref<512x64xf32, #tpu.memory_space<vmem>>, vector<16xf32>,
        %add3A_218 = arith.constant 51 : i32
        %add3A_219 = arith.addi %add3A_218, %add3A_209 : i32
        %get3A_220 = arith.index_cast %add3A_219 : i32 to index
        %get3A_221 = arith.constant 16 : index
        %get3A_222 = tpu.vector_load %arg7[%get3A_220, %get3A_221] {strides = array<i32>} : memref<102x128xf32, #tpu.memory_space<vmem>>, vector<16xf32>,
        %swap3A_223 = arith.index_cast %add3A_79 : i32 to index
        %swap3A_224 = arith.constant 16 : index
        %swap3A_225 = tpu.vector_load %arg6[%swap3A_223, %swap3A_224] {strides = array<i32>} : memref<512x64xf32, #tpu.memory_space<vmem>>, vector<16xf32>,
        tpu.vector_store %arg6[%swap3A_223, %swap3A_224], %get3A_222 {add = true, strides = array<i32>} : memref<512x64xf32, #tpu.memory_space<vmem>>, vector<16xf32>,
        %add3A_226 = arith.constant 51 : i32
        %add3A_227 = arith.addi %add3A_226, %add3A_209 : i32
        %get3A_228 = arith.index_cast %add3A_227 : i32 to index
        %get3A_229 = arith.constant 32 : index
        %get3A_230 = tpu.vector_load %arg7[%get3A_228, %get3A_229] {strides = array<i32>} : memref<102x128xf32, #tpu.memory_space<vmem>>, vector<16xf32>,
        %swap3A_231 = arith.index_cast %add3A_79 : i32 to index
        %swap3A_232 = arith.constant 32 : index
        %swap3A_233 = tpu.vector_load %arg6[%swap3A_231, %swap3A_232] {strides = array<i32>} : memref<512x64xf32, #tpu.memory_space<vmem>>, vector<16xf32>,
        tpu.vector_store %arg6[%swap3A_231, %swap3A_232], %get3A_230 {add = true, strides = array<i32>} : memref<512x64xf32, #tpu.memory_space<vmem>>, vector<16xf32>,
        %add3A_234 = arith.constant 51 : i32
        %add3A_235 = arith.addi %add3A_234, %add3A_209 : i32
        %get3A_236 = arith.index_cast %add3A_235 : i32 to index
        %get3A_237 = arith.constant 48 : index
        %get3A_238 = tpu.vector_load %arg7[%get3A_236, %get3A_237] {strides = array<i32>} : memref<102x128xf32, #tpu.memory_space<vmem>>, vector<16xf32>,
        %swap3A_239 = arith.index_cast %add3A_79 : i32 to index
        %swap3A_240 = arith.constant 48 : index
        %swap3A_241 = tpu.vector_load %arg6[%swap3A_239, %swap3A_240] {strides = array<i32>} : memref<512x64xf32, #tpu.memory_space<vmem>>, vector<16xf32>,
        tpu.vector_store %arg6[%swap3A_239, %swap3A_240], %get3A_238 {add = true, strides = array<i32>} : memref<512x64xf32, #tpu.memory_space<vmem>>, vector<16xf32>,
        %scan3A_242 = arith.constant 1 : i32
        %scan3A_243 = arith.addi %scan3A_205, %scan3A_242 : i32
        %mul3A_244 = arith.constant 1 : i32
        %mul3A_245 = arith.muli %scan3A_243, %mul3A_244 : i32
        %add3A_246 = arith.constant 2 : i32
        %add3A_247 = arith.addi %add3A_246, %mul3A_245 : i32
        %add3A_248 = arith.constant 51 : i32
        %add3A_249 = arith.addi %add3A_248, %add3A_247 : i32
        %get3A_250 = arith.index_cast %add3A_249 : i32 to index
        %get3A_251 = arith.constant 0 : index
        %get3A_252 = tpu.vector_load %arg7[%get3A_250, %get3A_251] {strides = array<i32>} : memref<102x128xf32, #tpu.memory_space<vmem>>, vector<16xf32>,
        %swap3A_253 = arith.index_cast %add3A_79 : i32 to index
        %swap3A_254 = arith.constant 0 : index
        %swap3A_255 = tpu.vector_load %arg6[%swap3A_253, %swap3A_254] {strides = array<i32>} : memref<512x64xf32, #tpu.memory_space<vmem>>, vector<16xf32>,
        tpu.vector_store %arg6[%swap3A_253, %swap3A_254], %get3A_252 {add = true, strides = array<i32>} : memref<512x64xf32, #tpu.memory_space<vmem>>, vector<16xf32>,
        %add3A_256 = arith.constant 51 : i32
        %add3A_257 = arith.addi %add3A_256, %add3A_247 : i32
        %get3A_258 = arith.index_cast %add3A_257 : i32 to index
        %get3A_259 = arith.constant 16 : index
        %get3A_260 = tpu.vector_load %arg7[%get3A_258, %get3A_259] {strides = array<i32>} : memref<102x128xf32, #tpu.memory_space<vmem>>, vector<16xf32>,
        %swap3A_261 = arith.index_cast %add3A_79 : i32 to index
        %swap3A_262 = arith.constant 16 : index
        %swap3A_263 = tpu.vector_load %arg6[%swap3A_261, %swap3A_262] {strides = array<i32>} : memref<512x64xf32, #tpu.memory_space<vmem>>, vector<16xf32>,
        tpu.vector_store %arg6[%swap3A_261, %swap3A_262], %get3A_260 {add = true, strides = array<i32>} : memref<512x64xf32, #tpu.memory_space<vmem>>, vector<16xf32>,
        %add3A_264 = arith.constant 51 : i32
        %add3A_265 = arith.addi %add3A_264, %add3A_247 : i32
        %get3A_266 = arith.index_cast %add3A_265 : i32 to index
        %get3A_267 = arith.constant 32 : index
        %get3A_268 = tpu.vector_load %arg7[%get3A_266, %get3A_267] {strides = array<i32>} : memref<102x128xf32, #tpu.memory_space<vmem>>, vector<16xf32>,
        %swap3A_269 = arith.index_cast %add3A_79 : i32 to index
        %swap3A_270 = arith.constant 32 : index
        %swap3A_271 = tpu.vector_load %arg6[%swap3A_269, %swap3A_270] {strides = array<i32>} : memref<512x64xf32, #tpu.memory_space<vmem>>, vector<16xf32>,
        tpu.vector_store %arg6[%swap3A_269, %swap3A_270], %get3A_268 {add = true, strides = array<i32>} : memref<512x64xf32, #tpu.memory_space<vmem>>, vector<16xf32>,
        %add3A_272 = arith.constant 51 : i32
        %add3A_273 = arith.addi %add3A_272, %add3A_247 : i32
        %get3A_274 = arith.index_cast %add3A_273 : i32 to index
        %get3A_275 = arith.constant 48 : index
        %get3A_276 = tpu.vector_load %arg7[%get3A_274, %get3A_275] {strides = array<i32>} : memref<102x128xf32, #tpu.memory_space<vmem>>, vector<16xf32>,
        %swap3A_277 = arith.index_cast %add3A_79 : i32 to index
        %swap3A_278 = arith.constant 48 : index
        %swap3A_279 = tpu.vector_load %arg6[%swap3A_277, %swap3A_278] {strides = array<i32>} : memref<512x64xf32, #tpu.memory_space<vmem>>, vector<16xf32>,
        tpu.vector_store %arg6[%swap3A_277, %swap3A_278], %get3A_276 {add = true, strides = array<i32>} : memref<512x64xf32, #tpu.memory_space<vmem>>, vector<16xf32>,
        %scan3A_280 = arith.constant 2 : i32
        %scan3A_281 = arith.addi %scan3A_205, %scan3A_280 : i32
        %mul3A_282 = arith.constant 1 : i32
        %mul3A_283 = arith.muli %scan3A_281, %mul3A_282 : i32
        %add3A_284 = arith.constant 2 : i32
        %add3A_285 = arith.addi %add3A_284, %mul3A_283 : i32
        %add3A_286 = arith.constant 51 : i32
        %add3A_287 = arith.addi %add3A_286, %add3A_285 : i32
        %get3A_288 = arith.index_cast %add3A_287 : i32 to index
        %get3A_289 = arith.constant 0 : index
        %get3A_290 = tpu.vector_load %arg7[%get3A_288, %get3A_289] {strides = array<i32>} : memref<102x128xf32, #tpu.memory_space<vmem>>, vector<16xf32>,
        %swap3A_291 = arith.index_cast %add3A_79 : i32 to index
        %swap3A_292 = arith.constant 0 : index
        %swap3A_293 = tpu.vector_load %arg6[%swap3A_291, %swap3A_292] {strides = array<i32>} : memref<512x64xf32, #tpu.memory_space<vmem>>, vector<16xf32>,
        tpu.vector_store %arg6[%swap3A_291, %swap3A_292], %get3A_290 {add = true, strides = array<i32>} : memref<512x64xf32, #tpu.memory_space<vmem>>, vector<16xf32>,
        %add3A_294 = arith.constant 51 : i32
        %add3A_295 = arith.addi %add3A_294, %add3A_285 : i32
        %get3A_296 = arith.index_cast %add3A_295 : i32 to index
        %get3A_297 = arith.constant 16 : index
        %get3A_298 = tpu.vector_load %arg7[%get3A_296, %get3A_297] {strides = array<i32>} : memref<102x128xf32, #tpu.memory_space<vmem>>, vector<16xf32>,
        %swap3A_299 = arith.index_cast %add3A_79 : i32 to index
        %swap3A_300 = arith.constant 16 : index
        %swap3A_301 = tpu.vector_load %arg6[%swap3A_299, %swap3A_300] {strides = array<i32>} : memref<512x64xf32, #tpu.memory_space<vmem>>, vector<16xf32>,
        tpu.vector_store %arg6[%swap3A_299, %swap3A_300], %get3A_298 {add = true, strides = array<i32>} : memref<512x64xf32, #tpu.memory_space<vmem>>, vector<16xf32>,
        %add3A_302 = arith.constant 51 : i32
        %add3A_303 = arith.addi %add3A_302, %add3A_285 : i32
        %get3A_304 = arith.index_cast %add3A_303 : i32 to index
        %get3A_305 = arith.constant 32 : index
        %get3A_306 = tpu.vector_load %arg7[%get3A_304, %get3A_305] {strides = array<i32>} : memref<102x128xf32, #tpu.memory_space<vmem>>, vector<16xf32>,
        %swap3A_307 = arith.index_cast %add3A_79 : i32 to index
        %swap3A_308 = arith.constant 32 : index
        %swap3A_309 = tpu.vector_load %arg6[%swap3A_307, %swap3A_308] {strides = array<i32>} : memref<512x64xf32, #tpu.memory_space<vmem>>, vector<16xf32>,
        tpu.vector_store %arg6[%swap3A_307, %swap3A_308], %get3A_306 {add = true, strides = array<i32>} : memref<512x64xf32, #tpu.memory_space<vmem>>, vector<16xf32>,
        %add3A_310 = arith.constant 51 : i32
        %add3A_311 = arith.addi %add3A_310, %add3A_285 : i32
        %get3A_312 = arith.index_cast %add3A_311 : i32 to index
        %get3A_313 = arith.constant 48 : index
        %get3A_314 = tpu.vector_load %arg7[%get3A_312, %get3A_313] {strides = array<i32>} : memref<102x128xf32, #tpu.memory_space<vmem>>, vector<16xf32>,
        %swap3A_315 = arith.index_cast %add3A_79 : i32 to index
        %swap3A_316 = arith.constant 48 : index
        %swap3A_317 = tpu.vector_load %arg6[%swap3A_315, %swap3A_316] {strides = array<i32>} : memref<512x64xf32, #tpu.memory_space<vmem>>, vector<16xf32>,
        tpu.vector_store %arg6[%swap3A_315, %swap3A_316], %get3A_314 {add = true, strides = array<i32>} : memref<512x64xf32, #tpu.memory_space<vmem>>, vector<16xf32>,
        %scan3A_318 = arith.constant 3 : i32
        %scan3A_319 = arith.addi %scan3A_205, %scan3A_318 : i32
        %mul3A_320 = arith.constant 1 : i32
        %mul3A_321 = arith.muli %scan3A_319, %mul3A_320 : i32
        %add3A_322 = arith.constant 2 : i32
        %add3A_323 = arith.addi %add3A_322, %mul3A_321 : i32
        %add3A_324 = arith.constant 51 : i32
        %add3A_325 = arith.addi %add3A_324, %add3A_323 : i32
        %get3A_326 = arith.index_cast %add3A_325 : i32 to index
        %get3A_327 = arith.constant 0 : index
        %get3A_328 = tpu.vector_load %arg7[%get3A_326, %get3A_327] {strides = array<i32>} : memref<102x128xf32, #tpu.memory_space<vmem>>, vector<16xf32>,
        %swap3A_329 = arith.index_cast %add3A_79 : i32 to index
        %swap3A_330 = arith.constant 0 : index
        %swap3A_331 = tpu.vector_load %arg6[%swap3A_329, %swap3A_330] {strides = array<i32>} : memref<512x64xf32, #tpu.memory_space<vmem>>, vector<16xf32>,
        tpu.vector_store %arg6[%swap3A_329, %swap3A_330], %get3A_328 {add = true, strides = array<i32>} : memref<512x64xf32, #tpu.memory_space<vmem>>, vector<16xf32>,
        %add3A_332 = arith.constant 51 : i32
        %add3A_333 = arith.addi %add3A_332, %add3A_323 : i32
        %get3A_334 = arith.index_cast %add3A_333 : i32 to index
        %get3A_335 = arith.constant 16 : index
        %get3A_336 = tpu.vector_load %arg7[%get3A_334, %get3A_335] {strides = array<i32>} : memref<102x128xf32, #tpu.memory_space<vmem>>, vector<16xf32>,
        %swap3A_337 = arith.index_cast %add3A_79 : i32 to index
        %swap3A_338 = arith.constant 16 : index
        %swap3A_339 = tpu.vector_load %arg6[%swap3A_337, %swap3A_338] {strides = array<i32>} : memref<512x64xf32, #tpu.memory_space<vmem>>, vector<16xf32>,
        tpu.vector_store %arg6[%swap3A_337, %swap3A_338], %get3A_336 {add = true, strides = array<i32>} : memref<512x64xf32, #tpu.memory_space<vmem>>, vector<16xf32>,
        %add3A_340 = arith.constant 51 : i32
        %add3A_341 = arith.addi %add3A_340, %add3A_323 : i32
        %get3A_342 = arith.index_cast %add3A_341 : i32 to index
        %get3A_343 = arith.constant 32 : index
        %get3A_344 = tpu.vector_load %arg7[%get3A_342, %get3A_343] {strides = array<i32>} : memref<102x128xf32, #tpu.memory_space<vmem>>, vector<16xf32>,
        %swap3A_345 = arith.index_cast %add3A_79 : i32 to index
        %swap3A_346 = arith.constant 32 : index
        %swap3A_347 = tpu.vector_load %arg6[%swap3A_345, %swap3A_346] {strides = array<i32>} : memref<512x64xf32, #tpu.memory_space<vmem>>, vector<16xf32>,
        tpu.vector_store %arg6[%swap3A_345, %swap3A_346], %get3A_344 {add = true, strides = array<i32>} : memref<512x64xf32, #tpu.memory_space<vmem>>, vector<16xf32>,
        %add3A_348 = arith.constant 51 : i32
        %add3A_349 = arith.addi %add3A_348, %add3A_323 : i32
        %get3A_350 = arith.index_cast %add3A_349 : i32 to index
        %get3A_351 = arith.constant 48 : index
        %get3A_352 = tpu.vector_load %arg7[%get3A_350, %get3A_351] {strides = array<i32>} : memref<102x128xf32, #tpu.memory_space<vmem>>, vector<16xf32>,
        %swap3A_353 = arith.index_cast %add3A_79 : i32 to index
        %swap3A_354 = arith.constant 48 : index
        %swap3A_355 = tpu.vector_load %arg6[%swap3A_353, %swap3A_354] {strides = array<i32>} : memref<512x64xf32, #tpu.memory_space<vmem>>, vector<16xf32>,
        tpu.vector_store %arg6[%swap3A_353, %swap3A_354], %get3A_352 {add = true, strides = array<i32>} : memref<512x64xf32, #tpu.memory_space<vmem>>, vector<16xf32>,
        %scan3A_356 = arith.constant 4 : i32
        %scan3A_357 = arith.addi %scan3A_205, %scan3A_356 : i32
        %mul3A_358 = arith.constant 1 : i32
        %mul3A_359 = arith.muli %scan3A_357, %mul3A_358 : i32
        %add3A_360 = arith.constant 2 : i32
        %add3A_361 = arith.addi %add3A_360, %mul3A_359 : i32
        %add3A_362 = arith.constant 51 : i32
        %add3A_363 = arith.addi %add3A_362, %add3A_361 : i32
        %get3A_364 = arith.index_cast %add3A_363 : i32 to index
        %get3A_365 = arith.constant 0 : index
        %get3A_366 = tpu.vector_load %arg7[%get3A_364, %get3A_365] {strides = array<i32>} : memref<102x128xf32, #tpu.memory_space<vmem>>, vector<16xf32>,
        %swap3A_367 = arith.index_cast %add3A_79 : i32 to index
        %swap3A_368 = arith.constant 0 : index
        %swap3A_369 = tpu.vector_load %arg6[%swap3A_367, %swap3A_368] {strides = array<i32>} : memref<512x64xf32, #tpu.memory_space<vmem>>, vector<16xf32>,
        tpu.vector_store %arg6[%swap3A_367, %swap3A_368], %get3A_366 {add = true, strides = array<i32>} : memref<512x64xf32, #tpu.memory_space<vmem>>, vector<16xf32>,
        %add3A_370 = arith.constant 51 : i32
        %add3A_371 = arith.addi %add3A_370, %add3A_361 : i32
        %get3A_372 = arith.index_cast %add3A_371 : i32 to index
        %get3A_373 = arith.constant 16 : index
        %get3A_374 = tpu.vector_load %arg7[%get3A_372, %get3A_373] {strides = array<i32>} : memref<102x128xf32, #tpu.memory_space<vmem>>, vector<16xf32>,
        %swap3A_375 = arith.index_cast %add3A_79 : i32 to index
        %swap3A_376 = arith.constant 16 : index
        %swap3A_377 = tpu.vector_load %arg6[%swap3A_375, %swap3A_376] {strides = array<i32>} : memref<512x64xf32, #tpu.memory_space<vmem>>, vector<16xf32>,
        tpu.vector_store %arg6[%swap3A_375, %swap3A_376], %get3A_374 {add = true, strides = array<i32>} : memref<512x64xf32, #tpu.memory_space<vmem>>, vector<16xf32>,
        %add3A_378 = arith.constant 51 : i32
        %add3A_379 = arith.addi %add3A_378, %add3A_361 : i32
        %get3A_380 = arith.index_cast %add3A_379 : i32 to index
        %get3A_381 = arith.constant 32 : index
        %get3A_382 = tpu.vector_load %arg7[%get3A_380, %get3A_381] {strides = array<i32>} : memref<102x128xf32, #tpu.memory_space<vmem>>, vector<16xf32>,
        %swap3A_383 = arith.index_cast %add3A_79 : i32 to index
        %swap3A_384 = arith.constant 32 : index
        %swap3A_385 = tpu.vector_load %arg6[%swap3A_383, %swap3A_384] {strides = array<i32>} : memref<512x64xf32, #tpu.memory_space<vmem>>, vector<16xf32>,
        tpu.vector_store %arg6[%swap3A_383, %swap3A_384], %get3A_382 {add = true, strides = array<i32>} : memref<512x64xf32, #tpu.memory_space<vmem>>, vector<16xf32>,
        %add3A_386 = arith.constant 51 : i32
        %add3A_387 = arith.addi %add3A_386, %add3A_361 : i32
        %get3A_388 = arith.index_cast %add3A_387 : i32 to index
        %get3A_389 = arith.constant 48 : index
        %get3A_390 = tpu.vector_load %arg7[%get3A_388, %get3A_389] {strides = array<i32>} : memref<102x128xf32, #tpu.memory_space<vmem>>, vector<16xf32>,
        %swap3A_391 = arith.index_cast %add3A_79 : i32 to index
        %swap3A_392 = arith.constant 48 : index
        %swap3A_393 = tpu.vector_load %arg6[%swap3A_391, %swap3A_392] {strides = array<i32>} : memref<512x64xf32, #tpu.memory_space<vmem>>, vector<16xf32>,
        tpu.vector_store %arg6[%swap3A_391, %swap3A_392], %get3A_390 {add = true, strides = array<i32>} : memref<512x64xf32, #tpu.memory_space<vmem>>, vector<16xf32>,
        %scan3A_394 = arith.constant 5 : i32
        %scan3A_395 = arith.addi %scan3A_205, %scan3A_394 : i32
        %mul3A_396 = arith.constant 1 : i32
        %mul3A_397 = arith.muli %scan3A_395, %mul3A_396 : i32
        %add3A_398 = arith.constant 2 : i32
        %add3A_399 = arith.addi %add3A_398, %mul3A_397 : i32
        %add3A_400 = arith.constant 51 : i32
        %add3A_401 = arith.addi %add3A_400, %add3A_399 : i32
        %get3A_402 = arith.index_cast %add3A_401 : i32 to index
        %get3A_403 = arith.constant 0 : index
        %get3A_404 = tpu.vector_load %arg7[%get3A_402, %get3A_403] {strides = array<i32>} : memref<102x128xf32, #tpu.memory_space<vmem>>, vector<16xf32>,
        %swap3A_405 = arith.index_cast %add3A_79 : i32 to index
        %swap3A_406 = arith.constant 0 : index
        %swap3A_407 = tpu.vector_load %arg6[%swap3A_405, %swap3A_406] {strides = array<i32>} : memref<512x64xf32, #tpu.memory_space<vmem>>, vector<16xf32>,
        tpu.vector_store %arg6[%swap3A_405, %swap3A_406], %get3A_404 {add = true, strides = array<i32>} : memref<512x64xf32, #tpu.memory_space<vmem>>, vector<16xf32>,
        %add3A_408 = arith.constant 51 : i32
        %add3A_409 = arith.addi %add3A_408, %add3A_399 : i32
        %get3A_410 = arith.index_cast %add3A_409 : i32 to index
        %get3A_411 = arith.constant 16 : index
        %get3A_412 = tpu.vector_load %arg7[%get3A_410, %get3A_411] {strides = array<i32>} : memref<102x128xf32, #tpu.memory_space<vmem>>, vector<16xf32>,
        %swap3A_413 = arith.index_cast %add3A_79 : i32 to index
        %swap3A_414 = arith.constant 16 : index
        %swap3A_415 = tpu.vector_load %arg6[%swap3A_413, %swap3A_414] {strides = array<i32>} : memref<512x64xf32, #tpu.memory_space<vmem>>, vector<16xf32>,
        tpu.vector_store %arg6[%swap3A_413, %swap3A_414], %get3A_412 {add = true, strides = array<i32>} : memref<512x64xf32, #tpu.memory_space<vmem>>, vector<16xf32>,
        %add3A_416 = arith.constant 51 : i32
        %add3A_417 = arith.addi %add3A_416, %add3A_399 : i32
        %get3A_418 = arith.index_cast %add3A_417 : i32 to index
        %get3A_419 = arith.constant 32 : index
        %get3A_420 = tpu.vector_load %arg7[%get3A_418, %get3A_419] {strides = array<i32>} : memref<102x128xf32, #tpu.memory_space<vmem>>, vector<16xf32>,
        %swap3A_421 = arith.index_cast %add3A_79 : i32 to index
        %swap3A_422 = arith.constant 32 : index
        %swap3A_423 = tpu.vector_load %arg6[%swap3A_421, %swap3A_422] {strides = array<i32>} : memref<512x64xf32, #tpu.memory_space<vmem>>, vector<16xf32>,
        tpu.vector_store %arg6[%swap3A_421, %swap3A_422], %get3A_420 {add = true, strides = array<i32>} : memref<512x64xf32, #tpu.memory_space<vmem>>, vector<16xf32>,
        %add3A_424 = arith.constant 51 : i32
        %add3A_425 = arith.addi %add3A_424, %add3A_399 : i32
        %get3A_426 = arith.index_cast %add3A_425 : i32 to index
        %get3A_427 = arith.constant 48 : index
        %get3A_428 = tpu.vector_load %arg7[%get3A_426, %get3A_427] {strides = array<i32>} : memref<102x128xf32, #tpu.memory_space<vmem>>, vector<16xf32>,
        %swap3A_429 = arith.index_cast %add3A_79 : i32 to index
        %swap3A_430 = arith.constant 48 : index
        %swap3A_431 = tpu.vector_load %arg6[%swap3A_429, %swap3A_430] {strides = array<i32>} : memref<512x64xf32, #tpu.memory_space<vmem>>, vector<16xf32>,
        tpu.vector_store %arg6[%swap3A_429, %swap3A_430], %get3A_428 {add = true, strides = array<i32>} : memref<512x64xf32, #tpu.memory_space<vmem>>, vector<16xf32>,
        %scan3A_432 = arith.constant 6 : i32
        %scan3A_433 = arith.addi %scan3A_205, %scan3A_432 : i32
        %mul3A_434 = arith.constant 1 : i32
        %mul3A_435 = arith.muli %scan3A_433, %mul3A_434 : i32
        %add3A_436 = arith.constant 2 : i32
        %add3A_437 = arith.addi %add3A_436, %mul3A_435 : i32
        %add3A_438 = arith.constant 51 : i32
        %add3A_439 = arith.addi %add3A_438, %add3A_437 : i32
        %get3A_440 = arith.index_cast %add3A_439 : i32 to index
        %get3A_441 = arith.constant 0 : index
        %get3A_442 = tpu.vector_load %arg7[%get3A_440, %get3A_441] {strides = array<i32>} : memref<102x128xf32, #tpu.memory_space<vmem>>, vector<16xf32>,
        %swap3A_443 = arith.index_cast %add3A_79 : i32 to index
        %swap3A_444 = arith.constant 0 : index
        %swap3A_445 = tpu.vector_load %arg6[%swap3A_443, %swap3A_444] {strides = array<i32>} : memref<512x64xf32, #tpu.memory_space<vmem>>, vector<16xf32>,
        tpu.vector_store %arg6[%swap3A_443, %swap3A_444], %get3A_442 {add = true, strides = array<i32>} : memref<512x64xf32, #tpu.memory_space<vmem>>, vector<16xf32>,
        %add3A_446 = arith.constant 51 : i32
        %add3A_447 = arith.addi %add3A_446, %add3A_437 : i32
        %get3A_448 = arith.index_cast %add3A_447 : i32 to index
        %get3A_449 = arith.constant 16 : index
        %get3A_450 = tpu.vector_load %arg7[%get3A_448, %get3A_449] {strides = array<i32>} : memref<102x128xf32, #tpu.memory_space<vmem>>, vector<16xf32>,
        %swap3A_451 = arith.index_cast %add3A_79 : i32 to index
        %swap3A_452 = arith.constant 16 : index
        %swap3A_453 = tpu.vector_load %arg6[%swap3A_451, %swap3A_452] {strides = array<i32>} : memref<512x64xf32, #tpu.memory_space<vmem>>, vector<16xf32>,
        tpu.vector_store %arg6[%swap3A_451, %swap3A_452], %get3A_450 {add = true, strides = array<i32>} : memref<512x64xf32, #tpu.memory_space<vmem>>, vector<16xf32>,
        %add3A_454 = arith.constant 51 : i32
        %add3A_455 = arith.addi %add3A_454, %add3A_437 : i32
        %get3A_456 = arith.index_cast %add3A_455 : i32 to index
        %get3A_457 = arith.constant 32 : index
        %get3A_458 = tpu.vector_load %arg7[%get3A_456, %get3A_457] {strides = array<i32>} : memref<102x128xf32, #tpu.memory_space<vmem>>, vector<16xf32>,
        %swap3A_459 = arith.index_cast %add3A_79 : i32 to index
        %swap3A_460 = arith.constant 32 : index
        %swap3A_461 = tpu.vector_load %arg6[%swap3A_459, %swap3A_460] {strides = array<i32>} : memref<512x64xf32, #tpu.memory_space<vmem>>, vector<16xf32>,
        tpu.vector_store %arg6[%swap3A_459, %swap3A_460], %get3A_458 {add = true, strides = array<i32>} : memref<512x64xf32, #tpu.memory_space<vmem>>, vector<16xf32>,
        %add3A_462 = arith.constant 51 : i32
        %add3A_463 = arith.addi %add3A_462, %add3A_437 : i32
        %get3A_464 = arith.index_cast %add3A_463 : i32 to index
        %get3A_465 = arith.constant 48 : index
        %get3A_466 = tpu.vector_load %arg7[%get3A_464, %get3A_465] {strides = array<i32>} : memref<102x128xf32, #tpu.memory_space<vmem>>, vector<16xf32>,
        %swap3A_467 = arith.index_cast %add3A_79 : i32 to index
        %swap3A_468 = arith.constant 48 : index
        %swap3A_469 = tpu.vector_load %arg6[%swap3A_467, %swap3A_468] {strides = array<i32>} : memref<512x64xf32, #tpu.memory_space<vmem>>, vector<16xf32>,
        tpu.vector_store %arg6[%swap3A_467, %swap3A_468], %get3A_466 {add = true, strides = array<i32>} : memref<512x64xf32, #tpu.memory_space<vmem>>, vector<16xf32>,
      }
      %scan3A_112 = arith.constant 49 : i32
      %add3A_113 = arith.constant 1 : i32
      %add3A_114 = arith.addi %add3A_25, %add3A_113 : i32
      %add3A_115 = arith.constant 1 : i32
      %add3A_116 = arith.addi %add3A_114, %add3A_115 : i32
      %lt3A_117 = arith.constant 256 : i32
      %lt3A_118 = arith.cmpi slt, %add3A_116, %lt3A_117 : i32
      %convert_element_type3A_119 = arith.extui %lt3A_118 : i1 to i32
      %cond3A_120 = arith.constant 0 : i32
      %cond3A_121 = arith.cmpi ne, %convert_element_type3A_119, %cond3A_120 : i32
      scf.if %cond3A_121 {
        %add3A_205 = arith.constant 1 : i32
        %add3A_206 = arith.addi %add3A_114, %add3A_205 : i32
        %mul3A_207 = arith.constant 112 : i32
        %mul3A_208 = arith.muli %add3A_206, %mul3A_207 : i32
        %dma_start3A_209 = arith.constant 0 : i32
        %dma_start3A_210 = arith.constant 0 : i32
        %dma_start3A_211 = tpu.memref_slice %arg7[%dma_start3A_209, %dma_start3A_210] : memref<102x128xf32, #tpu.memory_space<vmem>> -> memref<102x128xf32, #tpu.memory_space<vmem>>
        %dma_start3A_212 = tpu.memref_slice %arg5[%mul3A_208] : memref<28672xi32, #tpu.memory_space<vmem>> -> memref<102xi32, #tpu.memory_space<vmem>>
        %dma_start3A_213 = arith.constant 0 : i32
        %dma_start3A_214 = arith.constant 0 : i32
        %dma_start3A_215 = tpu.memref_slice %arg3[%dma_start3A_213, %dma_start3A_214] : memref<1000000x128xf32, #tpu.memory_space<hbm>> -> memref<1000000x128xf32, #tpu.memory_space<hbm>>
        tpu.enqueue_indirect_dma source(%dma_start3A_215 : memref<1000000x128xf32, #tpu.memory_space<hbm>>) target(%dma_start3A_211 : memref<102x128xf32, #tpu.memory_space<vmem>>) offsets(%dma_start3A_212 : memref<102xi32, #tpu.memory_space<vmem>>) semaphore(%arg9 : memref<!tpu.dma_semaphore, #tpu.memory_space<semaphore_mem>>)
      } else {
      }
      %mul3A_122 = arith.constant 112 : i32
      %mul3A_123 = arith.muli %add3A_114, %mul3A_122 : i32
      %dma_wait3A_124 = arith.constant 0 : i32
      %dma_wait3A_125 = arith.constant 0 : i32
      %dma_wait3A_126 = tpu.memref_slice %arg8[%dma_wait3A_124, %dma_wait3A_125] : memref<102x128xf32, #tpu.memory_space<vmem>> -> memref<102x128xf32, #tpu.memory_space<vmem>>
      %dma_wait3A_127 = tpu.memref_slice %arg5[%mul3A_123] : memref<28672xi32, #tpu.memory_space<vmem>> -> memref<102xi32, #tpu.memory_space<vmem>>
      %dma_wait3A_128 = arith.constant 0 : i32
      %dma_wait3A_129 = arith.constant 0 : i32
      %dma_wait3A_130 = tpu.memref_slice %arg3[%dma_wait3A_128, %dma_wait3A_129] : memref<1000000x128xf32, #tpu.memory_space<hbm>> -> memref<1000000x128xf32, #tpu.memory_space<hbm>>
      tpu.wait_indirect_dma semaphore(%arg10 : memref<!tpu.dma_semaphore, #tpu.memory_space<semaphore_mem>>) src(%dma_wait3A_130 : memref<1000000x128xf32, #tpu.memory_space<hbm>>) dst(%dma_wait3A_126 : memref<102x128xf32, #tpu.memory_space<vmem>>)
      %mul3A_131 = arith.constant 2 : i32
      %mul3A_132 = arith.muli %mul3A_131, %add3A_114 : i32
      %add3A_133 = arith.constant 0 : i32
      %add3A_134 = arith.addi %mul3A_132, %add3A_133 : i32
      %get3A_135 = arith.constant 1 : i32
      %get3A_136 = arith.index_cast %get3A_135 : i32 to index
      %get3A_137 = arith.constant 0 : index
      %get3A_138 = tpu.vector_load %arg8[%get3A_136, %get3A_137] {strides = array<i32>} : memref<102x128xf32, #tpu.memory_space<vmem>>, vector<16xf32>,
      %swap3A_139 = arith.index_cast %add3A_134 : i32 to index
      %swap3A_140 = arith.constant 0 : index
      %swap3A_141 = tpu.vector_load %arg6[%swap3A_139, %swap3A_140] {strides = array<i32>} : memref<512x64xf32, #tpu.memory_space<vmem>>, vector<16xf32>,
      tpu.vector_store %arg6[%swap3A_139, %swap3A_140], %get3A_138 {strides = array<i32>} : memref<512x64xf32, #tpu.memory_space<vmem>>, vector<16xf32>,
      %get3A_142 = arith.constant 1 : i32
      %get3A_143 = arith.index_cast %get3A_142 : i32 to index
      %get3A_144 = arith.constant 16 : index
      %get3A_145 = tpu.vector_load %arg8[%get3A_143, %get3A_144] {strides = array<i32>} : memref<102x128xf32, #tpu.memory_space<vmem>>, vector<16xf32>,
      %swap3A_146 = arith.index_cast %add3A_134 : i32 to index
      %swap3A_147 = arith.constant 16 : index
      %swap3A_148 = tpu.vector_load %arg6[%swap3A_146, %swap3A_147] {strides = array<i32>} : memref<512x64xf32, #tpu.memory_space<vmem>>, vector<16xf32>,
      tpu.vector_store %arg6[%swap3A_146, %swap3A_147], %get3A_145 {strides = array<i32>} : memref<512x64xf32, #tpu.memory_space<vmem>>, vector<16xf32>,
      %get3A_149 = arith.constant 1 : i32
      %get3A_150 = arith.index_cast %get3A_149 : i32 to index
      %get3A_151 = arith.constant 32 : index
      %get3A_152 = tpu.vector_load %arg8[%get3A_150, %get3A_151] {strides = array<i32>} : memref<102x128xf32, #tpu.memory_space<vmem>>, vector<16xf32>,
      %swap3A_153 = arith.index_cast %add3A_134 : i32 to index
      %swap3A_154 = arith.constant 32 : index
      %swap3A_155 = tpu.vector_load %arg6[%swap3A_153, %swap3A_154] {strides = array<i32>} : memref<512x64xf32, #tpu.memory_space<vmem>>, vector<16xf32>,
      tpu.vector_store %arg6[%swap3A_153, %swap3A_154], %get3A_152 {strides = array<i32>} : memref<512x64xf32, #tpu.memory_space<vmem>>, vector<16xf32>,
      %get3A_156 = arith.constant 1 : i32
      %get3A_157 = arith.index_cast %get3A_156 : i32 to index
      %get3A_158 = arith.constant 48 : index
      %get3A_159 = tpu.vector_load %arg8[%get3A_157, %get3A_158] {strides = array<i32>} : memref<102x128xf32, #tpu.memory_space<vmem>>, vector<16xf32>,
      %swap3A_160 = arith.index_cast %add3A_134 : i32 to index
      %swap3A_161 = arith.constant 48 : index
      %swap3A_162 = tpu.vector_load %arg6[%swap3A_160, %swap3A_161] {strides = array<i32>} : memref<512x64xf32, #tpu.memory_space<vmem>>, vector<16xf32>,
      tpu.vector_store %arg6[%swap3A_160, %swap3A_161], %get3A_159 {strides = array<i32>} : memref<512x64xf32, #tpu.memory_space<vmem>>, vector<16xf32>,
      %scan3A_163 = arith.constant 0 : i32
      %scan3A_164 = arith.constant 49 : i32
      %scan3A_165 = arith.addi %scan3A_163, %scan3A_164 : i32
      %scan3A_166 = arith.constant 7 : i32
      scf.for %scan3A_205 = %scan3A_163 to %scan3A_165 step %scan3A_166  : i32 {
        %mul3A_206 = arith.constant 1 : i32
        %mul3A_207 = arith.muli %scan3A_205, %mul3A_206 : i32
        %add3A_208 = arith.constant 2 : i32
        %add3A_209 = arith.addi %add3A_208, %mul3A_207 : i32
        %add3A_210 = arith.constant 0 : i32
        %add3A_211 = arith.addi %add3A_210, %add3A_209 : i32
        %get3A_212 = arith.index_cast %add3A_211 : i32 to index
        %get3A_213 = arith.constant 0 : index
        %get3A_214 = tpu.vector_load %arg8[%get3A_212, %get3A_213] {strides = array<i32>} : memref<102x128xf32, #tpu.memory_space<vmem>>, vector<16xf32>,
        %swap3A_215 = arith.index_cast %add3A_134 : i32 to index
        %swap3A_216 = arith.constant 0 : index
        %swap3A_217 = tpu.vector_load %arg6[%swap3A_215, %swap3A_216] {strides = array<i32>} : memref<512x64xf32, #tpu.memory_space<vmem>>, vector<16xf32>,
        tpu.vector_store %arg6[%swap3A_215, %swap3A_216], %get3A_214 {add = true, strides = array<i32>} : memref<512x64xf32, #tpu.memory_space<vmem>>, vector<16xf32>,
        %add3A_218 = arith.constant 0 : i32
        %add3A_219 = arith.addi %add3A_218, %add3A_209 : i32
        %get3A_220 = arith.index_cast %add3A_219 : i32 to index
        %get3A_221 = arith.constant 16 : index
        %get3A_222 = tpu.vector_load %arg8[%get3A_220, %get3A_221] {strides = array<i32>} : memref<102x128xf32, #tpu.memory_space<vmem>>, vector<16xf32>,
        %swap3A_223 = arith.index_cast %add3A_134 : i32 to index
        %swap3A_224 = arith.constant 16 : index
        %swap3A_225 = tpu.vector_load %arg6[%swap3A_223, %swap3A_224] {strides = array<i32>} : memref<512x64xf32, #tpu.memory_space<vmem>>, vector<16xf32>,
        tpu.vector_store %arg6[%swap3A_223, %swap3A_224], %get3A_222 {add = true, strides = array<i32>} : memref<512x64xf32, #tpu.memory_space<vmem>>, vector<16xf32>,
        %add3A_226 = arith.constant 0 : i32
        %add3A_227 = arith.addi %add3A_226, %add3A_209 : i32
        %get3A_228 = arith.index_cast %add3A_227 : i32 to index
        %get3A_229 = arith.constant 32 : index
        %get3A_230 = tpu.vector_load %arg8[%get3A_228, %get3A_229] {strides = array<i32>} : memref<102x128xf32, #tpu.memory_space<vmem>>, vector<16xf32>,
        %swap3A_231 = arith.index_cast %add3A_134 : i32 to index
        %swap3A_232 = arith.constant 32 : index
        %swap3A_233 = tpu.vector_load %arg6[%swap3A_231, %swap3A_232] {strides = array<i32>} : memref<512x64xf32, #tpu.memory_space<vmem>>, vector<16xf32>,
        tpu.vector_store %arg6[%swap3A_231, %swap3A_232], %get3A_230 {add = true, strides = array<i32>} : memref<512x64xf32, #tpu.memory_space<vmem>>, vector<16xf32>,
        %add3A_234 = arith.constant 0 : i32
        %add3A_235 = arith.addi %add3A_234, %add3A_209 : i32
        %get3A_236 = arith.index_cast %add3A_235 : i32 to index
        %get3A_237 = arith.constant 48 : index
        %get3A_238 = tpu.vector_load %arg8[%get3A_236, %get3A_237] {strides = array<i32>} : memref<102x128xf32, #tpu.memory_space<vmem>>, vector<16xf32>,
        %swap3A_239 = arith.index_cast %add3A_134 : i32 to index
        %swap3A_240 = arith.constant 48 : index
        %swap3A_241 = tpu.vector_load %arg6[%swap3A_239, %swap3A_240] {strides = array<i32>} : memref<512x64xf32, #tpu.memory_space<vmem>>, vector<16xf32>,
        tpu.vector_store %arg6[%swap3A_239, %swap3A_240], %get3A_238 {add = true, strides = array<i32>} : memref<512x64xf32, #tpu.memory_space<vmem>>, vector<16xf32>,
        %scan3A_242 = arith.constant 1 : i32
        %scan3A_243 = arith.addi %scan3A_205, %scan3A_242 : i32
        %mul3A_244 = arith.constant 1 : i32
        %mul3A_245 = arith.muli %scan3A_243, %mul3A_244 : i32
        %add3A_246 = arith.constant 2 : i32
        %add3A_247 = arith.addi %add3A_246, %mul3A_245 : i32
        %add3A_248 = arith.constant 0 : i32
        %add3A_249 = arith.addi %add3A_248, %add3A_247 : i32
        %get3A_250 = arith.index_cast %add3A_249 : i32 to index
        %get3A_251 = arith.constant 0 : index
        %get3A_252 = tpu.vector_load %arg8[%get3A_250, %get3A_251] {strides = array<i32>} : memref<102x128xf32, #tpu.memory_space<vmem>>, vector<16xf32>,
        %swap3A_253 = arith.index_cast %add3A_134 : i32 to index
        %swap3A_254 = arith.constant 0 : index
        %swap3A_255 = tpu.vector_load %arg6[%swap3A_253, %swap3A_254] {strides = array<i32>} : memref<512x64xf32, #tpu.memory_space<vmem>>, vector<16xf32>,
        tpu.vector_store %arg6[%swap3A_253, %swap3A_254], %get3A_252 {add = true, strides = array<i32>} : memref<512x64xf32, #tpu.memory_space<vmem>>, vector<16xf32>,
        %add3A_256 = arith.constant 0 : i32
        %add3A_257 = arith.addi %add3A_256, %add3A_247 : i32
        %get3A_258 = arith.index_cast %add3A_257 : i32 to index
        %get3A_259 = arith.constant 16 : index
        %get3A_260 = tpu.vector_load %arg8[%get3A_258, %get3A_259] {strides = array<i32>} : memref<102x128xf32, #tpu.memory_space<vmem>>, vector<16xf32>,
        %swap3A_261 = arith.index_cast %add3A_134 : i32 to index
        %swap3A_262 = arith.constant 16 : index
        %swap3A_263 = tpu.vector_load %arg6[%swap3A_261, %swap3A_262] {strides = array<i32>} : memref<512x64xf32, #tpu.memory_space<vmem>>, vector<16xf32>,
        tpu.vector_store %arg6[%swap3A_261, %swap3A_262], %get3A_260 {add = true, strides = array<i32>} : memref<512x64xf32, #tpu.memory_space<vmem>>, vector<16xf32>,
        %add3A_264 = arith.constant 0 : i32
        %add3A_265 = arith.addi %add3A_264, %add3A_247 : i32
        %get3A_266 = arith.index_cast %add3A_265 : i32 to index
        %get3A_267 = arith.constant 32 : index
        %get3A_268 = tpu.vector_load %arg8[%get3A_266, %get3A_267] {strides = array<i32>} : memref<102x128xf32, #tpu.memory_space<vmem>>, vector<16xf32>,
        %swap3A_269 = arith.index_cast %add3A_134 : i32 to index
        %swap3A_270 = arith.constant 32 : index
        %swap3A_271 = tpu.vector_load %arg6[%swap3A_269, %swap3A_270] {strides = array<i32>} : memref<512x64xf32, #tpu.memory_space<vmem>>, vector<16xf32>,
        tpu.vector_store %arg6[%swap3A_269, %swap3A_270], %get3A_268 {add = true, strides = array<i32>} : memref<512x64xf32, #tpu.memory_space<vmem>>, vector<16xf32>,
        %add3A_272 = arith.constant 0 : i32
        %add3A_273 = arith.addi %add3A_272, %add3A_247 : i32
        %get3A_274 = arith.index_cast %add3A_273 : i32 to index
        %get3A_275 = arith.constant 48 : index
        %get3A_276 = tpu.vector_load %arg8[%get3A_274, %get3A_275] {strides = array<i32>} : memref<102x128xf32, #tpu.memory_space<vmem>>, vector<16xf32>,
        %swap3A_277 = arith.index_cast %add3A_134 : i32 to index
        %swap3A_278 = arith.constant 48 : index
        %swap3A_279 = tpu.vector_load %arg6[%swap3A_277, %swap3A_278] {strides = array<i32>} : memref<512x64xf32, #tpu.memory_space<vmem>>, vector<16xf32>,
        tpu.vector_store %arg6[%swap3A_277, %swap3A_278], %get3A_276 {add = true, strides = array<i32>} : memref<512x64xf32, #tpu.memory_space<vmem>>, vector<16xf32>,
        %scan3A_280 = arith.constant 2 : i32
        %scan3A_281 = arith.addi %scan3A_205, %scan3A_280 : i32
        %mul3A_282 = arith.constant 1 : i32
        %mul3A_283 = arith.muli %scan3A_281, %mul3A_282 : i32
        %add3A_284 = arith.constant 2 : i32
        %add3A_285 = arith.addi %add3A_284, %mul3A_283 : i32
        %add3A_286 = arith.constant 0 : i32
        %add3A_287 = arith.addi %add3A_286, %add3A_285 : i32
        %get3A_288 = arith.index_cast %add3A_287 : i32 to index
        %get3A_289 = arith.constant 0 : index
        %get3A_290 = tpu.vector_load %arg8[%get3A_288, %get3A_289] {strides = array<i32>} : memref<102x128xf32, #tpu.memory_space<vmem>>, vector<16xf32>,
        %swap3A_291 = arith.index_cast %add3A_134 : i32 to index
        %swap3A_292 = arith.constant 0 : index
        %swap3A_293 = tpu.vector_load %arg6[%swap3A_291, %swap3A_292] {strides = array<i32>} : memref<512x64xf32, #tpu.memory_space<vmem>>, vector<16xf32>,
        tpu.vector_store %arg6[%swap3A_291, %swap3A_292], %get3A_290 {add = true, strides = array<i32>} : memref<512x64xf32, #tpu.memory_space<vmem>>, vector<16xf32>,
        %add3A_294 = arith.constant 0 : i32
        %add3A_295 = arith.addi %add3A_294, %add3A_285 : i32
        %get3A_296 = arith.index_cast %add3A_295 : i32 to index
        %get3A_297 = arith.constant 16 : index
        %get3A_298 = tpu.vector_load %arg8[%get3A_296, %get3A_297] {strides = array<i32>} : memref<102x128xf32, #tpu.memory_space<vmem>>, vector<16xf32>,
        %swap3A_299 = arith.index_cast %add3A_134 : i32 to index
        %swap3A_300 = arith.constant 16 : index
        %swap3A_301 = tpu.vector_load %arg6[%swap3A_299, %swap3A_300] {strides = array<i32>} : memref<512x64xf32, #tpu.memory_space<vmem>>, vector<16xf32>,
        tpu.vector_store %arg6[%swap3A_299, %swap3A_300], %get3A_298 {add = true, strides = array<i32>} : memref<512x64xf32, #tpu.memory_space<vmem>>, vector<16xf32>,
        %add3A_302 = arith.constant 0 : i32
        %add3A_303 = arith.addi %add3A_302, %add3A_285 : i32
        %get3A_304 = arith.index_cast %add3A_303 : i32 to index
        %get3A_305 = arith.constant 32 : index
        %get3A_306 = tpu.vector_load %arg8[%get3A_304, %get3A_305] {strides = array<i32>} : memref<102x128xf32, #tpu.memory_space<vmem>>, vector<16xf32>,
        %swap3A_307 = arith.index_cast %add3A_134 : i32 to index
        %swap3A_308 = arith.constant 32 : index
        %swap3A_309 = tpu.vector_load %arg6[%swap3A_307, %swap3A_308] {strides = array<i32>} : memref<512x64xf32, #tpu.memory_space<vmem>>, vector<16xf32>,
        tpu.vector_store %arg6[%swap3A_307, %swap3A_308], %get3A_306 {add = true, strides = array<i32>} : memref<512x64xf32, #tpu.memory_space<vmem>>, vector<16xf32>,
        %add3A_310 = arith.constant 0 : i32
        %add3A_311 = arith.addi %add3A_310, %add3A_285 : i32
        %get3A_312 = arith.index_cast %add3A_311 : i32 to index
        %get3A_313 = arith.constant 48 : index
        %get3A_314 = tpu.vector_load %arg8[%get3A_312, %get3A_313] {strides = array<i32>} : memref<102x128xf32, #tpu.memory_space<vmem>>, vector<16xf32>,
        %swap3A_315 = arith.index_cast %add3A_134 : i32 to index
        %swap3A_316 = arith.constant 48 : index
        %swap3A_317 = tpu.vector_load %arg6[%swap3A_315, %swap3A_316] {strides = array<i32>} : memref<512x64xf32, #tpu.memory_space<vmem>>, vector<16xf32>,
        tpu.vector_store %arg6[%swap3A_315, %swap3A_316], %get3A_314 {add = true, strides = array<i32>} : memref<512x64xf32, #tpu.memory_space<vmem>>, vector<16xf32>,
        %scan3A_318 = arith.constant 3 : i32
        %scan3A_319 = arith.addi %scan3A_205, %scan3A_318 : i32
        %mul3A_320 = arith.constant 1 : i32
        %mul3A_321 = arith.muli %scan3A_319, %mul3A_320 : i32
        %add3A_322 = arith.constant 2 : i32
        %add3A_323 = arith.addi %add3A_322, %mul3A_321 : i32
        %add3A_324 = arith.constant 0 : i32
        %add3A_325 = arith.addi %add3A_324, %add3A_323 : i32
        %get3A_326 = arith.index_cast %add3A_325 : i32 to index
        %get3A_327 = arith.constant 0 : index
        %get3A_328 = tpu.vector_load %arg8[%get3A_326, %get3A_327] {strides = array<i32>} : memref<102x128xf32, #tpu.memory_space<vmem>>, vector<16xf32>,
        %swap3A_329 = arith.index_cast %add3A_134 : i32 to index
        %swap3A_330 = arith.constant 0 : index
        %swap3A_331 = tpu.vector_load %arg6[%swap3A_329, %swap3A_330] {strides = array<i32>} : memref<512x64xf32, #tpu.memory_space<vmem>>, vector<16xf32>,
        tpu.vector_store %arg6[%swap3A_329, %swap3A_330], %get3A_328 {add = true, strides = array<i32>} : memref<512x64xf32, #tpu.memory_space<vmem>>, vector<16xf32>,
        %add3A_332 = arith.constant 0 : i32
        %add3A_333 = arith.addi %add3A_332, %add3A_323 : i32
        %get3A_334 = arith.index_cast %add3A_333 : i32 to index
        %get3A_335 = arith.constant 16 : index
        %get3A_336 = tpu.vector_load %arg8[%get3A_334, %get3A_335] {strides = array<i32>} : memref<102x128xf32, #tpu.memory_space<vmem>>, vector<16xf32>,
        %swap3A_337 = arith.index_cast %add3A_134 : i32 to index
        %swap3A_338 = arith.constant 16 : index
        %swap3A_339 = tpu.vector_load %arg6[%swap3A_337, %swap3A_338] {strides = array<i32>} : memref<512x64xf32, #tpu.memory_space<vmem>>, vector<16xf32>,
        tpu.vector_store %arg6[%swap3A_337, %swap3A_338], %get3A_336 {add = true, strides = array<i32>} : memref<512x64xf32, #tpu.memory_space<vmem>>, vector<16xf32>,
        %add3A_340 = arith.constant 0 : i32
        %add3A_341 = arith.addi %add3A_340, %add3A_323 : i32
        %get3A_342 = arith.index_cast %add3A_341 : i32 to index
        %get3A_343 = arith.constant 32 : index
        %get3A_344 = tpu.vector_load %arg8[%get3A_342, %get3A_343] {strides = array<i32>} : memref<102x128xf32, #tpu.memory_space<vmem>>, vector<16xf32>,
        %swap3A_345 = arith.index_cast %add3A_134 : i32 to index
        %swap3A_346 = arith.constant 32 : index
        %swap3A_347 = tpu.vector_load %arg6[%swap3A_345, %swap3A_346] {strides = array<i32>} : memref<512x64xf32, #tpu.memory_space<vmem>>, vector<16xf32>,
        tpu.vector_store %arg6[%swap3A_345, %swap3A_346], %get3A_344 {add = true, strides = array<i32>} : memref<512x64xf32, #tpu.memory_space<vmem>>, vector<16xf32>,
        %add3A_348 = arith.constant 0 : i32
        %add3A_349 = arith.addi %add3A_348, %add3A_323 : i32
        %get3A_350 = arith.index_cast %add3A_349 : i32 to index
        %get3A_351 = arith.constant 48 : index
        %get3A_352 = tpu.vector_load %arg8[%get3A_350, %get3A_351] {strides = array<i32>} : memref<102x128xf32, #tpu.memory_space<vmem>>, vector<16xf32>,
        %swap3A_353 = arith.index_cast %add3A_134 : i32 to index
        %swap3A_354 = arith.constant 48 : index
        %swap3A_355 = tpu.vector_load %arg6[%swap3A_353, %swap3A_354] {strides = array<i32>} : memref<512x64xf32, #tpu.memory_space<vmem>>, vector<16xf32>,
        tpu.vector_store %arg6[%swap3A_353, %swap3A_354], %get3A_352 {add = true, strides = array<i32>} : memref<512x64xf32, #tpu.memory_space<vmem>>, vector<16xf32>,
        %scan3A_356 = arith.constant 4 : i32
        %scan3A_357 = arith.addi %scan3A_205, %scan3A_356 : i32
        %mul3A_358 = arith.constant 1 : i32
        %mul3A_359 = arith.muli %scan3A_357, %mul3A_358 : i32
        %add3A_360 = arith.constant 2 : i32
        %add3A_361 = arith.addi %add3A_360, %mul3A_359 : i32
        %add3A_362 = arith.constant 0 : i32
        %add3A_363 = arith.addi %add3A_362, %add3A_361 : i32
        %get3A_364 = arith.index_cast %add3A_363 : i32 to index
        %get3A_365 = arith.constant 0 : index
        %get3A_366 = tpu.vector_load %arg8[%get3A_364, %get3A_365] {strides = array<i32>} : memref<102x128xf32, #tpu.memory_space<vmem>>, vector<16xf32>,
        %swap3A_367 = arith.index_cast %add3A_134 : i32 to index
        %swap3A_368 = arith.constant 0 : index
        %swap3A_369 = tpu.vector_load %arg6[%swap3A_367, %swap3A_368] {strides = array<i32>} : memref<512x64xf32, #tpu.memory_space<vmem>>, vector<16xf32>,
        tpu.vector_store %arg6[%swap3A_367, %swap3A_368], %get3A_366 {add = true, strides = array<i32>} : memref<512x64xf32, #tpu.memory_space<vmem>>, vector<16xf32>,
        %add3A_370 = arith.constant 0 : i32
        %add3A_371 = arith.addi %add3A_370, %add3A_361 : i32
        %get3A_372 = arith.index_cast %add3A_371 : i32 to index
        %get3A_373 = arith.constant 16 : index
        %get3A_374 = tpu.vector_load %arg8[%get3A_372, %get3A_373] {strides = array<i32>} : memref<102x128xf32, #tpu.memory_space<vmem>>, vector<16xf32>,
        %swap3A_375 = arith.index_cast %add3A_134 : i32 to index
        %swap3A_376 = arith.constant 16 : index
        %swap3A_377 = tpu.vector_load %arg6[%swap3A_375, %swap3A_376] {strides = array<i32>} : memref<512x64xf32, #tpu.memory_space<vmem>>, vector<16xf32>,
        tpu.vector_store %arg6[%swap3A_375, %swap3A_376], %get3A_374 {add = true, strides = array<i32>} : memref<512x64xf32, #tpu.memory_space<vmem>>, vector<16xf32>,
        %add3A_378 = arith.constant 0 : i32
        %add3A_379 = arith.addi %add3A_378, %add3A_361 : i32
        %get3A_380 = arith.index_cast %add3A_379 : i32 to index
        %get3A_381 = arith.constant 32 : index
        %get3A_382 = tpu.vector_load %arg8[%get3A_380, %get3A_381] {strides = array<i32>} : memref<102x128xf32, #tpu.memory_space<vmem>>, vector<16xf32>,
        %swap3A_383 = arith.index_cast %add3A_134 : i32 to index
        %swap3A_384 = arith.constant 32 : index
        %swap3A_385 = tpu.vector_load %arg6[%swap3A_383, %swap3A_384] {strides = array<i32>} : memref<512x64xf32, #tpu.memory_space<vmem>>, vector<16xf32>,
        tpu.vector_store %arg6[%swap3A_383, %swap3A_384], %get3A_382 {add = true, strides = array<i32>} : memref<512x64xf32, #tpu.memory_space<vmem>>, vector<16xf32>,
        %add3A_386 = arith.constant 0 : i32
        %add3A_387 = arith.addi %add3A_386, %add3A_361 : i32
        %get3A_388 = arith.index_cast %add3A_387 : i32 to index
        %get3A_389 = arith.constant 48 : index
        %get3A_390 = tpu.vector_load %arg8[%get3A_388, %get3A_389] {strides = array<i32>} : memref<102x128xf32, #tpu.memory_space<vmem>>, vector<16xf32>,
        %swap3A_391 = arith.index_cast %add3A_134 : i32 to index
        %swap3A_392 = arith.constant 48 : index
        %swap3A_393 = tpu.vector_load %arg6[%swap3A_391, %swap3A_392] {strides = array<i32>} : memref<512x64xf32, #tpu.memory_space<vmem>>, vector<16xf32>,
        tpu.vector_store %arg6[%swap3A_391, %swap3A_392], %get3A_390 {add = true, strides = array<i32>} : memref<512x64xf32, #tpu.memory_space<vmem>>, vector<16xf32>,
        %scan3A_394 = arith.constant 5 : i32
        %scan3A_395 = arith.addi %scan3A_205, %scan3A_394 : i32
        %mul3A_396 = arith.constant 1 : i32
        %mul3A_397 = arith.muli %scan3A_395, %mul3A_396 : i32
        %add3A_398 = arith.constant 2 : i32
        %add3A_399 = arith.addi %add3A_398, %mul3A_397 : i32
        %add3A_400 = arith.constant 0 : i32
        %add3A_401 = arith.addi %add3A_400, %add3A_399 : i32
        %get3A_402 = arith.index_cast %add3A_401 : i32 to index
        %get3A_403 = arith.constant 0 : index
        %get3A_404 = tpu.vector_load %arg8[%get3A_402, %get3A_403] {strides = array<i32>} : memref<102x128xf32, #tpu.memory_space<vmem>>, vector<16xf32>,
        %swap3A_405 = arith.index_cast %add3A_134 : i32 to index
        %swap3A_406 = arith.constant 0 : index
        %swap3A_407 = tpu.vector_load %arg6[%swap3A_405, %swap3A_406] {strides = array<i32>} : memref<512x64xf32, #tpu.memory_space<vmem>>, vector<16xf32>,
        tpu.vector_store %arg6[%swap3A_405, %swap3A_406], %get3A_404 {add = true, strides = array<i32>} : memref<512x64xf32, #tpu.memory_space<vmem>>, vector<16xf32>,
        %add3A_408 = arith.constant 0 : i32
        %add3A_409 = arith.addi %add3A_408, %add3A_399 : i32
        %get3A_410 = arith.index_cast %add3A_409 : i32 to index
        %get3A_411 = arith.constant 16 : index
        %get3A_412 = tpu.vector_load %arg8[%get3A_410, %get3A_411] {strides = array<i32>} : memref<102x128xf32, #tpu.memory_space<vmem>>, vector<16xf32>,
        %swap3A_413 = arith.index_cast %add3A_134 : i32 to index
        %swap3A_414 = arith.constant 16 : index
        %swap3A_415 = tpu.vector_load %arg6[%swap3A_413, %swap3A_414] {strides = array<i32>} : memref<512x64xf32, #tpu.memory_space<vmem>>, vector<16xf32>,
        tpu.vector_store %arg6[%swap3A_413, %swap3A_414], %get3A_412 {add = true, strides = array<i32>} : memref<512x64xf32, #tpu.memory_space<vmem>>, vector<16xf32>,
        %add3A_416 = arith.constant 0 : i32
        %add3A_417 = arith.addi %add3A_416, %add3A_399 : i32
        %get3A_418 = arith.index_cast %add3A_417 : i32 to index
        %get3A_419 = arith.constant 32 : index
        %get3A_420 = tpu.vector_load %arg8[%get3A_418, %get3A_419] {strides = array<i32>} : memref<102x128xf32, #tpu.memory_space<vmem>>, vector<16xf32>,
        %swap3A_421 = arith.index_cast %add3A_134 : i32 to index
        %swap3A_422 = arith.constant 32 : index
        %swap3A_423 = tpu.vector_load %arg6[%swap3A_421, %swap3A_422] {strides = array<i32>} : memref<512x64xf32, #tpu.memory_space<vmem>>, vector<16xf32>,
        tpu.vector_store %arg6[%swap3A_421, %swap3A_422], %get3A_420 {add = true, strides = array<i32>} : memref<512x64xf32, #tpu.memory_space<vmem>>, vector<16xf32>,
        %add3A_424 = arith.constant 0 : i32
        %add3A_425 = arith.addi %add3A_424, %add3A_399 : i32
        %get3A_426 = arith.index_cast %add3A_425 : i32 to index
        %get3A_427 = arith.constant 48 : index
        %get3A_428 = tpu.vector_load %arg8[%get3A_426, %get3A_427] {strides = array<i32>} : memref<102x128xf32, #tpu.memory_space<vmem>>, vector<16xf32>,
        %swap3A_429 = arith.index_cast %add3A_134 : i32 to index
        %swap3A_430 = arith.constant 48 : index
        %swap3A_431 = tpu.vector_load %arg6[%swap3A_429, %swap3A_430] {strides = array<i32>} : memref<512x64xf32, #tpu.memory_space<vmem>>, vector<16xf32>,
        tpu.vector_store %arg6[%swap3A_429, %swap3A_430], %get3A_428 {add = true, strides = array<i32>} : memref<512x64xf32, #tpu.memory_space<vmem>>, vector<16xf32>,
        %scan3A_432 = arith.constant 6 : i32
        %scan3A_433 = arith.addi %scan3A_205, %scan3A_432 : i32
        %mul3A_434 = arith.constant 1 : i32
        %mul3A_435 = arith.muli %scan3A_433, %mul3A_434 : i32
        %add3A_436 = arith.constant 2 : i32
        %add3A_437 = arith.addi %add3A_436, %mul3A_435 : i32
        %add3A_438 = arith.constant 0 : i32
        %add3A_439 = arith.addi %add3A_438, %add3A_437 : i32
        %get3A_440 = arith.index_cast %add3A_439 : i32 to index
        %get3A_441 = arith.constant 0 : index
        %get3A_442 = tpu.vector_load %arg8[%get3A_440, %get3A_441] {strides = array<i32>} : memref<102x128xf32, #tpu.memory_space<vmem>>, vector<16xf32>,
        %swap3A_443 = arith.index_cast %add3A_134 : i32 to index
        %swap3A_444 = arith.constant 0 : index
        %swap3A_445 = tpu.vector_load %arg6[%swap3A_443, %swap3A_444] {strides = array<i32>} : memref<512x64xf32, #tpu.memory_space<vmem>>, vector<16xf32>,
        tpu.vector_store %arg6[%swap3A_443, %swap3A_444], %get3A_442 {add = true, strides = array<i32>} : memref<512x64xf32, #tpu.memory_space<vmem>>, vector<16xf32>,
        %add3A_446 = arith.constant 0 : i32
        %add3A_447 = arith.addi %add3A_446, %add3A_437 : i32
        %get3A_448 = arith.index_cast %add3A_447 : i32 to index
        %get3A_449 = arith.constant 16 : index
        %get3A_450 = tpu.vector_load %arg8[%get3A_448, %get3A_449] {strides = array<i32>} : memref<102x128xf32, #tpu.memory_space<vmem>>, vector<16xf32>,
        %swap3A_451 = arith.index_cast %add3A_134 : i32 to index
        %swap3A_452 = arith.constant 16 : index
        %swap3A_453 = tpu.vector_load %arg6[%swap3A_451, %swap3A_452] {strides = array<i32>} : memref<512x64xf32, #tpu.memory_space<vmem>>, vector<16xf32>,
        tpu.vector_store %arg6[%swap3A_451, %swap3A_452], %get3A_450 {add = true, strides = array<i32>} : memref<512x64xf32, #tpu.memory_space<vmem>>, vector<16xf32>,
        %add3A_454 = arith.constant 0 : i32
        %add3A_455 = arith.addi %add3A_454, %add3A_437 : i32
        %get3A_456 = arith.index_cast %add3A_455 : i32 to index
        %get3A_457 = arith.constant 32 : index
        %get3A_458 = tpu.vector_load %arg8[%get3A_456, %get3A_457] {strides = array<i32>} : memref<102x128xf32, #tpu.memory_space<vmem>>, vector<16xf32>,
        %swap3A_459 = arith.index_cast %add3A_134 : i32 to index
        %swap3A_460 = arith.constant 32 : index
        %swap3A_461 = tpu.vector_load %arg6[%swap3A_459, %swap3A_460] {strides = array<i32>} : memref<512x64xf32, #tpu.memory_space<vmem>>, vector<16xf32>,
        tpu.vector_store %arg6[%swap3A_459, %swap3A_460], %get3A_458 {add = true, strides = array<i32>} : memref<512x64xf32, #tpu.memory_space<vmem>>, vector<16xf32>,
        %add3A_462 = arith.constant 0 : i32
        %add3A_463 = arith.addi %add3A_462, %add3A_437 : i32
        %get3A_464 = arith.index_cast %add3A_463 : i32 to index
        %get3A_465 = arith.constant 48 : index
        %get3A_466 = tpu.vector_load %arg8[%get3A_464, %get3A_465] {strides = array<i32>} : memref<102x128xf32, #tpu.memory_space<vmem>>, vector<16xf32>,
        %swap3A_467 = arith.index_cast %add3A_134 : i32 to index
        %swap3A_468 = arith.constant 48 : index
        %swap3A_469 = tpu.vector_load %arg6[%swap3A_467, %swap3A_468] {strides = array<i32>} : memref<512x64xf32, #tpu.memory_space<vmem>>, vector<16xf32>,
        tpu.vector_store %arg6[%swap3A_467, %swap3A_468], %get3A_466 {add = true, strides = array<i32>} : memref<512x64xf32, #tpu.memory_space<vmem>>, vector<16xf32>,
      }
      %scan3A_167 = arith.constant 49 : i32
      %mul3A_168 = arith.constant 2 : i32
      %mul3A_169 = arith.muli %mul3A_168, %add3A_114 : i32
      %add3A_170 = arith.constant 1 : i32
      %add3A_171 = arith.addi %mul3A_169, %add3A_170 : i32
      %get3A_172 = arith.constant 52 : i32
      %get3A_173 = arith.index_cast %get3A_172 : i32 to index
      %get3A_174 = arith.constant 0 : index
      %get3A_175 = tpu.vector_load %arg8[%get3A_173, %get3A_174] {strides = array<i32>} : memref<102x128xf32, #tpu.memory_space<vmem>>, vector<16xf32>,
      %swap3A_176 = arith.index_cast %add3A_171 : i32 to index
      %swap3A_177 = arith.constant 0 : index
      %swap3A_178 = tpu.vector_load %arg6[%swap3A_176, %swap3A_177] {strides = array<i32>} : memref<512x64xf32, #tpu.memory_space<vmem>>, vector<16xf32>,
      tpu.vector_store %arg6[%swap3A_176, %swap3A_177], %get3A_175 {strides = array<i32>} : memref<512x64xf32, #tpu.memory_space<vmem>>, vector<16xf32>,
      %get3A_179 = arith.constant 52 : i32
      %get3A_180 = arith.index_cast %get3A_179 : i32 to index
      %get3A_181 = arith.constant 16 : index
      %get3A_182 = tpu.vector_load %arg8[%get3A_180, %get3A_181] {strides = array<i32>} : memref<102x128xf32, #tpu.memory_space<vmem>>, vector<16xf32>,
      %swap3A_183 = arith.index_cast %add3A_171 : i32 to index
      %swap3A_184 = arith.constant 16 : index
      %swap3A_185 = tpu.vector_load %arg6[%swap3A_183, %swap3A_184] {strides = array<i32>} : memref<512x64xf32, #tpu.memory_space<vmem>>, vector<16xf32>,
      tpu.vector_store %arg6[%swap3A_183, %swap3A_184], %get3A_182 {strides = array<i32>} : memref<512x64xf32, #tpu.memory_space<vmem>>, vector<16xf32>,
      %get3A_186 = arith.constant 52 : i32
      %get3A_187 = arith.index_cast %get3A_186 : i32 to index
      %get3A_188 = arith.constant 32 : index
      %get3A_189 = tpu.vector_load %arg8[%get3A_187, %get3A_188] {strides = array<i32>} : memref<102x128xf32, #tpu.memory_space<vmem>>, vector<16xf32>,
      %swap3A_190 = arith.index_cast %add3A_171 : i32 to index
      %swap3A_191 = arith.constant 32 : index
      %swap3A_192 = tpu.vector_load %arg6[%swap3A_190, %swap3A_191] {strides = array<i32>} : memref<512x64xf32, #tpu.memory_space<vmem>>, vector<16xf32>,
      tpu.vector_store %arg6[%swap3A_190, %swap3A_191], %get3A_189 {strides = array<i32>} : memref<512x64xf32, #tpu.memory_space<vmem>>, vector<16xf32>,
      %get3A_193 = arith.constant 52 : i32
      %get3A_194 = arith.index_cast %get3A_193 : i32 to index
      %get3A_195 = arith.constant 48 : index
      %get3A_196 = tpu.vector_load %arg8[%get3A_194, %get3A_195] {strides = array<i32>} : memref<102x128xf32, #tpu.memory_space<vmem>>, vector<16xf32>,
      %swap3A_197 = arith.index_cast %add3A_171 : i32 to index
      %swap3A_198 = arith.constant 48 : index
      %swap3A_199 = tpu.vector_load %arg6[%swap3A_197, %swap3A_198] {strides = array<i32>} : memref<512x64xf32, #tpu.memory_space<vmem>>, vector<16xf32>,
      tpu.vector_store %arg6[%swap3A_197, %swap3A_198], %get3A_196 {strides = array<i32>} : memref<512x64xf32, #tpu.memory_space<vmem>>, vector<16xf32>,
      %scan3A_200 = arith.constant 0 : i32
      %scan3A_201 = arith.constant 49 : i32
      %scan3A_202 = arith.addi %scan3A_200, %scan3A_201 : i32
      %scan3A_203 = arith.constant 7 : i32
      scf.for %scan3A_205 = %scan3A_200 to %scan3A_202 step %scan3A_203  : i32 {
        %mul3A_206 = arith.constant 1 : i32
        %mul3A_207 = arith.muli %scan3A_205, %mul3A_206 : i32
        %add3A_208 = arith.constant 2 : i32
        %add3A_209 = arith.addi %add3A_208, %mul3A_207 : i32
        %add3A_210 = arith.constant 51 : i32
        %add3A_211 = arith.addi %add3A_210, %add3A_209 : i32
        %get3A_212 = arith.index_cast %add3A_211 : i32 to index
        %get3A_213 = arith.constant 0 : index
        %get3A_214 = tpu.vector_load %arg8[%get3A_212, %get3A_213] {strides = array<i32>} : memref<102x128xf32, #tpu.memory_space<vmem>>, vector<16xf32>,
        %swap3A_215 = arith.index_cast %add3A_171 : i32 to index
        %swap3A_216 = arith.constant 0 : index
        %swap3A_217 = tpu.vector_load %arg6[%swap3A_215, %swap3A_216] {strides = array<i32>} : memref<512x64xf32, #tpu.memory_space<vmem>>, vector<16xf32>,
        tpu.vector_store %arg6[%swap3A_215, %swap3A_216], %get3A_214 {add = true, strides = array<i32>} : memref<512x64xf32, #tpu.memory_space<vmem>>, vector<16xf32>,
        %add3A_218 = arith.constant 51 : i32
        %add3A_219 = arith.addi %add3A_218, %add3A_209 : i32
        %get3A_220 = arith.index_cast %add3A_219 : i32 to index
        %get3A_221 = arith.constant 16 : index
        %get3A_222 = tpu.vector_load %arg8[%get3A_220, %get3A_221] {strides = array<i32>} : memref<102x128xf32, #tpu.memory_space<vmem>>, vector<16xf32>,
        %swap3A_223 = arith.index_cast %add3A_171 : i32 to index
        %swap3A_224 = arith.constant 16 : index
        %swap3A_225 = tpu.vector_load %arg6[%swap3A_223, %swap3A_224] {strides = array<i32>} : memref<512x64xf32, #tpu.memory_space<vmem>>, vector<16xf32>,
        tpu.vector_store %arg6[%swap3A_223, %swap3A_224], %get3A_222 {add = true, strides = array<i32>} : memref<512x64xf32, #tpu.memory_space<vmem>>, vector<16xf32>,
        %add3A_226 = arith.constant 51 : i32
        %add3A_227 = arith.addi %add3A_226, %add3A_209 : i32
        %get3A_228 = arith.index_cast %add3A_227 : i32 to index
        %get3A_229 = arith.constant 32 : index
        %get3A_230 = tpu.vector_load %arg8[%get3A_228, %get3A_229] {strides = array<i32>} : memref<102x128xf32, #tpu.memory_space<vmem>>, vector<16xf32>,
        %swap3A_231 = arith.index_cast %add3A_171 : i32 to index
        %swap3A_232 = arith.constant 32 : index
        %swap3A_233 = tpu.vector_load %arg6[%swap3A_231, %swap3A_232] {strides = array<i32>} : memref<512x64xf32, #tpu.memory_space<vmem>>, vector<16xf32>,
        tpu.vector_store %arg6[%swap3A_231, %swap3A_232], %get3A_230 {add = true, strides = array<i32>} : memref<512x64xf32, #tpu.memory_space<vmem>>, vector<16xf32>,
        %add3A_234 = arith.constant 51 : i32
        %add3A_235 = arith.addi %add3A_234, %add3A_209 : i32
        %get3A_236 = arith.index_cast %add3A_235 : i32 to index
        %get3A_237 = arith.constant 48 : index
        %get3A_238 = tpu.vector_load %arg8[%get3A_236, %get3A_237] {strides = array<i32>} : memref<102x128xf32, #tpu.memory_space<vmem>>, vector<16xf32>,
        %swap3A_239 = arith.index_cast %add3A_171 : i32 to index
        %swap3A_240 = arith.constant 48 : index
        %swap3A_241 = tpu.vector_load %arg6[%swap3A_239, %swap3A_240] {strides = array<i32>} : memref<512x64xf32, #tpu.memory_space<vmem>>, vector<16xf32>,
        tpu.vector_store %arg6[%swap3A_239, %swap3A_240], %get3A_238 {add = true, strides = array<i32>} : memref<512x64xf32, #tpu.memory_space<vmem>>, vector<16xf32>,
        %scan3A_242 = arith.constant 1 : i32
        %scan3A_243 = arith.addi %scan3A_205, %scan3A_242 : i32
        %mul3A_244 = arith.constant 1 : i32
        %mul3A_245 = arith.muli %scan3A_243, %mul3A_244 : i32
        %add3A_246 = arith.constant 2 : i32
        %add3A_247 = arith.addi %add3A_246, %mul3A_245 : i32
        %add3A_248 = arith.constant 51 : i32
        %add3A_249 = arith.addi %add3A_248, %add3A_247 : i32
        %get3A_250 = arith.index_cast %add3A_249 : i32 to index
        %get3A_251 = arith.constant 0 : index
        %get3A_252 = tpu.vector_load %arg8[%get3A_250, %get3A_251] {strides = array<i32>} : memref<102x128xf32, #tpu.memory_space<vmem>>, vector<16xf32>,
        %swap3A_253 = arith.index_cast %add3A_171 : i32 to index
        %swap3A_254 = arith.constant 0 : index
        %swap3A_255 = tpu.vector_load %arg6[%swap3A_253, %swap3A_254] {strides = array<i32>} : memref<512x64xf32, #tpu.memory_space<vmem>>, vector<16xf32>,
        tpu.vector_store %arg6[%swap3A_253, %swap3A_254], %get3A_252 {add = true, strides = array<i32>} : memref<512x64xf32, #tpu.memory_space<vmem>>, vector<16xf32>,
        %add3A_256 = arith.constant 51 : i32
        %add3A_257 = arith.addi %add3A_256, %add3A_247 : i32
        %get3A_258 = arith.index_cast %add3A_257 : i32 to index
        %get3A_259 = arith.constant 16 : index
        %get3A_260 = tpu.vector_load %arg8[%get3A_258, %get3A_259] {strides = array<i32>} : memref<102x128xf32, #tpu.memory_space<vmem>>, vector<16xf32>,
        %swap3A_261 = arith.index_cast %add3A_171 : i32 to index
        %swap3A_262 = arith.constant 16 : index
        %swap3A_263 = tpu.vector_load %arg6[%swap3A_261, %swap3A_262] {strides = array<i32>} : memref<512x64xf32, #tpu.memory_space<vmem>>, vector<16xf32>,
        tpu.vector_store %arg6[%swap3A_261, %swap3A_262], %get3A_260 {add = true, strides = array<i32>} : memref<512x64xf32, #tpu.memory_space<vmem>>, vector<16xf32>,
        %add3A_264 = arith.constant 51 : i32
        %add3A_265 = arith.addi %add3A_264, %add3A_247 : i32
        %get3A_266 = arith.index_cast %add3A_265 : i32 to index
        %get3A_267 = arith.constant 32 : index
        %get3A_268 = tpu.vector_load %arg8[%get3A_266, %get3A_267] {strides = array<i32>} : memref<102x128xf32, #tpu.memory_space<vmem>>, vector<16xf32>,
        %swap3A_269 = arith.index_cast %add3A_171 : i32 to index
        %swap3A_270 = arith.constant 32 : index
        %swap3A_271 = tpu.vector_load %arg6[%swap3A_269, %swap3A_270] {strides = array<i32>} : memref<512x64xf32, #tpu.memory_space<vmem>>, vector<16xf32>,
        tpu.vector_store %arg6[%swap3A_269, %swap3A_270], %get3A_268 {add = true, strides = array<i32>} : memref<512x64xf32, #tpu.memory_space<vmem>>, vector<16xf32>,
        %add3A_272 = arith.constant 51 : i32
        %add3A_273 = arith.addi %add3A_272, %add3A_247 : i32
        %get3A_274 = arith.index_cast %add3A_273 : i32 to index
        %get3A_275 = arith.constant 48 : index
        %get3A_276 = tpu.vector_load %arg8[%get3A_274, %get3A_275] {strides = array<i32>} : memref<102x128xf32, #tpu.memory_space<vmem>>, vector<16xf32>,
        %swap3A_277 = arith.index_cast %add3A_171 : i32 to index
        %swap3A_278 = arith.constant 48 : index
        %swap3A_279 = tpu.vector_load %arg6[%swap3A_277, %swap3A_278] {strides = array<i32>} : memref<512x64xf32, #tpu.memory_space<vmem>>, vector<16xf32>,
        tpu.vector_store %arg6[%swap3A_277, %swap3A_278], %get3A_276 {add = true, strides = array<i32>} : memref<512x64xf32, #tpu.memory_space<vmem>>, vector<16xf32>,
        %scan3A_280 = arith.constant 2 : i32
        %scan3A_281 = arith.addi %scan3A_205, %scan3A_280 : i32
        %mul3A_282 = arith.constant 1 : i32
        %mul3A_283 = arith.muli %scan3A_281, %mul3A_282 : i32
        %add3A_284 = arith.constant 2 : i32
        %add3A_285 = arith.addi %add3A_284, %mul3A_283 : i32
        %add3A_286 = arith.constant 51 : i32
        %add3A_287 = arith.addi %add3A_286, %add3A_285 : i32
        %get3A_288 = arith.index_cast %add3A_287 : i32 to index
        %get3A_289 = arith.constant 0 : index
        %get3A_290 = tpu.vector_load %arg8[%get3A_288, %get3A_289] {strides = array<i32>} : memref<102x128xf32, #tpu.memory_space<vmem>>, vector<16xf32>,
        %swap3A_291 = arith.index_cast %add3A_171 : i32 to index
        %swap3A_292 = arith.constant 0 : index
        %swap3A_293 = tpu.vector_load %arg6[%swap3A_291, %swap3A_292] {strides = array<i32>} : memref<512x64xf32, #tpu.memory_space<vmem>>, vector<16xf32>,
        tpu.vector_store %arg6[%swap3A_291, %swap3A_292], %get3A_290 {add = true, strides = array<i32>} : memref<512x64xf32, #tpu.memory_space<vmem>>, vector<16xf32>,
        %add3A_294 = arith.constant 51 : i32
        %add3A_295 = arith.addi %add3A_294, %add3A_285 : i32
        %get3A_296 = arith.index_cast %add3A_295 : i32 to index
        %get3A_297 = arith.constant 16 : index
        %get3A_298 = tpu.vector_load %arg8[%get3A_296, %get3A_297] {strides = array<i32>} : memref<102x128xf32, #tpu.memory_space<vmem>>, vector<16xf32>,
        %swap3A_299 = arith.index_cast %add3A_171 : i32 to index
        %swap3A_300 = arith.constant 16 : index
        %swap3A_301 = tpu.vector_load %arg6[%swap3A_299, %swap3A_300] {strides = array<i32>} : memref<512x64xf32, #tpu.memory_space<vmem>>, vector<16xf32>,
        tpu.vector_store %arg6[%swap3A_299, %swap3A_300], %get3A_298 {add = true, strides = array<i32>} : memref<512x64xf32, #tpu.memory_space<vmem>>, vector<16xf32>,
        %add3A_302 = arith.constant 51 : i32
        %add3A_303 = arith.addi %add3A_302, %add3A_285 : i32
        %get3A_304 = arith.index_cast %add3A_303 : i32 to index
        %get3A_305 = arith.constant 32 : index
        %get3A_306 = tpu.vector_load %arg8[%get3A_304, %get3A_305] {strides = array<i32>} : memref<102x128xf32, #tpu.memory_space<vmem>>, vector<16xf32>,
        %swap3A_307 = arith.index_cast %add3A_171 : i32 to index
        %swap3A_308 = arith.constant 32 : index
        %swap3A_309 = tpu.vector_load %arg6[%swap3A_307, %swap3A_308] {strides = array<i32>} : memref<512x64xf32, #tpu.memory_space<vmem>>, vector<16xf32>,
        tpu.vector_store %arg6[%swap3A_307, %swap3A_308], %get3A_306 {add = true, strides = array<i32>} : memref<512x64xf32, #tpu.memory_space<vmem>>, vector<16xf32>,
        %add3A_310 = arith.constant 51 : i32
        %add3A_311 = arith.addi %add3A_310, %add3A_285 : i32
        %get3A_312 = arith.index_cast %add3A_311 : i32 to index
        %get3A_313 = arith.constant 48 : index
        %get3A_314 = tpu.vector_load %arg8[%get3A_312, %get3A_313] {strides = array<i32>} : memref<102x128xf32, #tpu.memory_space<vmem>>, vector<16xf32>,
        %swap3A_315 = arith.index_cast %add3A_171 : i32 to index
        %swap3A_316 = arith.constant 48 : index
        %swap3A_317 = tpu.vector_load %arg6[%swap3A_315, %swap3A_316] {strides = array<i32>} : memref<512x64xf32, #tpu.memory_space<vmem>>, vector<16xf32>,
        tpu.vector_store %arg6[%swap3A_315, %swap3A_316], %get3A_314 {add = true, strides = array<i32>} : memref<512x64xf32, #tpu.memory_space<vmem>>, vector<16xf32>,
        %scan3A_318 = arith.constant 3 : i32
        %scan3A_319 = arith.addi %scan3A_205, %scan3A_318 : i32
        %mul3A_320 = arith.constant 1 : i32
        %mul3A_321 = arith.muli %scan3A_319, %mul3A_320 : i32
        %add3A_322 = arith.constant 2 : i32
        %add3A_323 = arith.addi %add3A_322, %mul3A_321 : i32
        %add3A_324 = arith.constant 51 : i32
        %add3A_325 = arith.addi %add3A_324, %add3A_323 : i32
        %get3A_326 = arith.index_cast %add3A_325 : i32 to index
        %get3A_327 = arith.constant 0 : index
        %get3A_328 = tpu.vector_load %arg8[%get3A_326, %get3A_327] {strides = array<i32>} : memref<102x128xf32, #tpu.memory_space<vmem>>, vector<16xf32>,
        %swap3A_329 = arith.index_cast %add3A_171 : i32 to index
        %swap3A_330 = arith.constant 0 : index
        %swap3A_331 = tpu.vector_load %arg6[%swap3A_329, %swap3A_330] {strides = array<i32>} : memref<512x64xf32, #tpu.memory_space<vmem>>, vector<16xf32>,
        tpu.vector_store %arg6[%swap3A_329, %swap3A_330], %get3A_328 {add = true, strides = array<i32>} : memref<512x64xf32, #tpu.memory_space<vmem>>, vector<16xf32>,
        %add3A_332 = arith.constant 51 : i32
        %add3A_333 = arith.addi %add3A_332, %add3A_323 : i32
        %get3A_334 = arith.index_cast %add3A_333 : i32 to index
        %get3A_335 = arith.constant 16 : index
        %get3A_336 = tpu.vector_load %arg8[%get3A_334, %get3A_335] {strides = array<i32>} : memref<102x128xf32, #tpu.memory_space<vmem>>, vector<16xf32>,
        %swap3A_337 = arith.index_cast %add3A_171 : i32 to index
        %swap3A_338 = arith.constant 16 : index
        %swap3A_339 = tpu.vector_load %arg6[%swap3A_337, %swap3A_338] {strides = array<i32>} : memref<512x64xf32, #tpu.memory_space<vmem>>, vector<16xf32>,
        tpu.vector_store %arg6[%swap3A_337, %swap3A_338], %get3A_336 {add = true, strides = array<i32>} : memref<512x64xf32, #tpu.memory_space<vmem>>, vector<16xf32>,
        %add3A_340 = arith.constant 51 : i32
        %add3A_341 = arith.addi %add3A_340, %add3A_323 : i32
        %get3A_342 = arith.index_cast %add3A_341 : i32 to index
        %get3A_343 = arith.constant 32 : index
        %get3A_344 = tpu.vector_load %arg8[%get3A_342, %get3A_343] {strides = array<i32>} : memref<102x128xf32, #tpu.memory_space<vmem>>, vector<16xf32>,
        %swap3A_345 = arith.index_cast %add3A_171 : i32 to index
        %swap3A_346 = arith.constant 32 : index
        %swap3A_347 = tpu.vector_load %arg6[%swap3A_345, %swap3A_346] {strides = array<i32>} : memref<512x64xf32, #tpu.memory_space<vmem>>, vector<16xf32>,
        tpu.vector_store %arg6[%swap3A_345, %swap3A_346], %get3A_344 {add = true, strides = array<i32>} : memref<512x64xf32, #tpu.memory_space<vmem>>, vector<16xf32>,
        %add3A_348 = arith.constant 51 : i32
        %add3A_349 = arith.addi %add3A_348, %add3A_323 : i32
        %get3A_350 = arith.index_cast %add3A_349 : i32 to index
        %get3A_351 = arith.constant 48 : index
        %get3A_352 = tpu.vector_load %arg8[%get3A_350, %get3A_351] {strides = array<i32>} : memref<102x128xf32, #tpu.memory_space<vmem>>, vector<16xf32>,
        %swap3A_353 = arith.index_cast %add3A_171 : i32 to index
        %swap3A_354 = arith.constant 48 : index
        %swap3A_355 = tpu.vector_load %arg6[%swap3A_353, %swap3A_354] {strides = array<i32>} : memref<512x64xf32, #tpu.memory_space<vmem>>, vector<16xf32>,
        tpu.vector_store %arg6[%swap3A_353, %swap3A_354], %get3A_352 {add = true, strides = array<i32>} : memref<512x64xf32, #tpu.memory_space<vmem>>, vector<16xf32>,
        %scan3A_356 = arith.constant 4 : i32
        %scan3A_357 = arith.addi %scan3A_205, %scan3A_356 : i32
        %mul3A_358 = arith.constant 1 : i32
        %mul3A_359 = arith.muli %scan3A_357, %mul3A_358 : i32
        %add3A_360 = arith.constant 2 : i32
        %add3A_361 = arith.addi %add3A_360, %mul3A_359 : i32
        %add3A_362 = arith.constant 51 : i32
        %add3A_363 = arith.addi %add3A_362, %add3A_361 : i32
        %get3A_364 = arith.index_cast %add3A_363 : i32 to index
        %get3A_365 = arith.constant 0 : index
        %get3A_366 = tpu.vector_load %arg8[%get3A_364, %get3A_365] {strides = array<i32>} : memref<102x128xf32, #tpu.memory_space<vmem>>, vector<16xf32>,
        %swap3A_367 = arith.index_cast %add3A_171 : i32 to index
        %swap3A_368 = arith.constant 0 : index
        %swap3A_369 = tpu.vector_load %arg6[%swap3A_367, %swap3A_368] {strides = array<i32>} : memref<512x64xf32, #tpu.memory_space<vmem>>, vector<16xf32>,
        tpu.vector_store %arg6[%swap3A_367, %swap3A_368], %get3A_366 {add = true, strides = array<i32>} : memref<512x64xf32, #tpu.memory_space<vmem>>, vector<16xf32>,
        %add3A_370 = arith.constant 51 : i32
        %add3A_371 = arith.addi %add3A_370, %add3A_361 : i32
        %get3A_372 = arith.index_cast %add3A_371 : i32 to index
        %get3A_373 = arith.constant 16 : index
        %get3A_374 = tpu.vector_load %arg8[%get3A_372, %get3A_373] {strides = array<i32>} : memref<102x128xf32, #tpu.memory_space<vmem>>, vector<16xf32>,
        %swap3A_375 = arith.index_cast %add3A_171 : i32 to index
        %swap3A_376 = arith.constant 16 : index
        %swap3A_377 = tpu.vector_load %arg6[%swap3A_375, %swap3A_376] {strides = array<i32>} : memref<512x64xf32, #tpu.memory_space<vmem>>, vector<16xf32>,
        tpu.vector_store %arg6[%swap3A_375, %swap3A_376], %get3A_374 {add = true, strides = array<i32>} : memref<512x64xf32, #tpu.memory_space<vmem>>, vector<16xf32>,
        %add3A_378 = arith.constant 51 : i32
        %add3A_379 = arith.addi %add3A_378, %add3A_361 : i32
        %get3A_380 = arith.index_cast %add3A_379 : i32 to index
        %get3A_381 = arith.constant 32 : index
        %get3A_382 = tpu.vector_load %arg8[%get3A_380, %get3A_381] {strides = array<i32>} : memref<102x128xf32, #tpu.memory_space<vmem>>, vector<16xf32>,
        %swap3A_383 = arith.index_cast %add3A_171 : i32 to index
        %swap3A_384 = arith.constant 32 : index
        %swap3A_385 = tpu.vector_load %arg6[%swap3A_383, %swap3A_384] {strides = array<i32>} : memref<512x64xf32, #tpu.memory_space<vmem>>, vector<16xf32>,
        tpu.vector_store %arg6[%swap3A_383, %swap3A_384], %get3A_382 {add = true, strides = array<i32>} : memref<512x64xf32, #tpu.memory_space<vmem>>, vector<16xf32>,
        %add3A_386 = arith.constant 51 : i32
        %add3A_387 = arith.addi %add3A_386, %add3A_361 : i32
        %get3A_388 = arith.index_cast %add3A_387 : i32 to index
        %get3A_389 = arith.constant 48 : index
        %get3A_390 = tpu.vector_load %arg8[%get3A_388, %get3A_389] {strides = array<i32>} : memref<102x128xf32, #tpu.memory_space<vmem>>, vector<16xf32>,
        %swap3A_391 = arith.index_cast %add3A_171 : i32 to index
        %swap3A_392 = arith.constant 48 : index
        %swap3A_393 = tpu.vector_load %arg6[%swap3A_391, %swap3A_392] {strides = array<i32>} : memref<512x64xf32, #tpu.memory_space<vmem>>, vector<16xf32>,
        tpu.vector_store %arg6[%swap3A_391, %swap3A_392], %get3A_390 {add = true, strides = array<i32>} : memref<512x64xf32, #tpu.memory_space<vmem>>, vector<16xf32>,
        %scan3A_394 = arith.constant 5 : i32
        %scan3A_395 = arith.addi %scan3A_205, %scan3A_394 : i32
        %mul3A_396 = arith.constant 1 : i32
        %mul3A_397 = arith.muli %scan3A_395, %mul3A_396 : i32
        %add3A_398 = arith.constant 2 : i32
        %add3A_399 = arith.addi %add3A_398, %mul3A_397 : i32
        %add3A_400 = arith.constant 51 : i32
        %add3A_401 = arith.addi %add3A_400, %add3A_399 : i32
        %get3A_402 = arith.index_cast %add3A_401 : i32 to index
        %get3A_403 = arith.constant 0 : index
        %get3A_404 = tpu.vector_load %arg8[%get3A_402, %get3A_403] {strides = array<i32>} : memref<102x128xf32, #tpu.memory_space<vmem>>, vector<16xf32>,
        %swap3A_405 = arith.index_cast %add3A_171 : i32 to index
        %swap3A_406 = arith.constant 0 : index
        %swap3A_407 = tpu.vector_load %arg6[%swap3A_405, %swap3A_406] {strides = array<i32>} : memref<512x64xf32, #tpu.memory_space<vmem>>, vector<16xf32>,
        tpu.vector_store %arg6[%swap3A_405, %swap3A_406], %get3A_404 {add = true, strides = array<i32>} : memref<512x64xf32, #tpu.memory_space<vmem>>, vector<16xf32>,
        %add3A_408 = arith.constant 51 : i32
        %add3A_409 = arith.addi %add3A_408, %add3A_399 : i32
        %get3A_410 = arith.index_cast %add3A_409 : i32 to index
        %get3A_411 = arith.constant 16 : index
        %get3A_412 = tpu.vector_load %arg8[%get3A_410, %get3A_411] {strides = array<i32>} : memref<102x128xf32, #tpu.memory_space<vmem>>, vector<16xf32>,
        %swap3A_413 = arith.index_cast %add3A_171 : i32 to index
        %swap3A_414 = arith.constant 16 : index
        %swap3A_415 = tpu.vector_load %arg6[%swap3A_413, %swap3A_414] {strides = array<i32>} : memref<512x64xf32, #tpu.memory_space<vmem>>, vector<16xf32>,
        tpu.vector_store %arg6[%swap3A_413, %swap3A_414], %get3A_412 {add = true, strides = array<i32>} : memref<512x64xf32, #tpu.memory_space<vmem>>, vector<16xf32>,
        %add3A_416 = arith.constant 51 : i32
        %add3A_417 = arith.addi %add3A_416, %add3A_399 : i32
        %get3A_418 = arith.index_cast %add3A_417 : i32 to index
        %get3A_419 = arith.constant 32 : index
        %get3A_420 = tpu.vector_load %arg8[%get3A_418, %get3A_419] {strides = array<i32>} : memref<102x128xf32, #tpu.memory_space<vmem>>, vector<16xf32>,
        %swap3A_421 = arith.index_cast %add3A_171 : i32 to index
        %swap3A_422 = arith.constant 32 : index
        %swap3A_423 = tpu.vector_load %arg6[%swap3A_421, %swap3A_422] {strides = array<i32>} : memref<512x64xf32, #tpu.memory_space<vmem>>, vector<16xf32>,
        tpu.vector_store %arg6[%swap3A_421, %swap3A_422], %get3A_420 {add = true, strides = array<i32>} : memref<512x64xf32, #tpu.memory_space<vmem>>, vector<16xf32>,
        %add3A_424 = arith.constant 51 : i32
        %add3A_425 = arith.addi %add3A_424, %add3A_399 : i32
        %get3A_426 = arith.index_cast %add3A_425 : i32 to index
        %get3A_427 = arith.constant 48 : index
        %get3A_428 = tpu.vector_load %arg8[%get3A_426, %get3A_427] {strides = array<i32>} : memref<102x128xf32, #tpu.memory_space<vmem>>, vector<16xf32>,
        %swap3A_429 = arith.index_cast %add3A_171 : i32 to index
        %swap3A_430 = arith.constant 48 : index
        %swap3A_431 = tpu.vector_load %arg6[%swap3A_429, %swap3A_430] {strides = array<i32>} : memref<512x64xf32, #tpu.memory_space<vmem>>, vector<16xf32>,
        tpu.vector_store %arg6[%swap3A_429, %swap3A_430], %get3A_428 {add = true, strides = array<i32>} : memref<512x64xf32, #tpu.memory_space<vmem>>, vector<16xf32>,
        %scan3A_432 = arith.constant 6 : i32
        %scan3A_433 = arith.addi %scan3A_205, %scan3A_432 : i32
        %mul3A_434 = arith.constant 1 : i32
        %mul3A_435 = arith.muli %scan3A_433, %mul3A_434 : i32
        %add3A_436 = arith.constant 2 : i32
        %add3A_437 = arith.addi %add3A_436, %mul3A_435 : i32
        %add3A_438 = arith.constant 51 : i32
        %add3A_439 = arith.addi %add3A_438, %add3A_437 : i32
        %get3A_440 = arith.index_cast %add3A_439 : i32 to index
        %get3A_441 = arith.constant 0 : index
        %get3A_442 = tpu.vector_load %arg8[%get3A_440, %get3A_441] {strides = array<i32>} : memref<102x128xf32, #tpu.memory_space<vmem>>, vector<16xf32>,
        %swap3A_443 = arith.index_cast %add3A_171 : i32 to index
        %swap3A_444 = arith.constant 0 : index
        %swap3A_445 = tpu.vector_load %arg6[%swap3A_443, %swap3A_444] {strides = array<i32>} : memref<512x64xf32, #tpu.memory_space<vmem>>, vector<16xf32>,
        tpu.vector_store %arg6[%swap3A_443, %swap3A_444], %get3A_442 {add = true, strides = array<i32>} : memref<512x64xf32, #tpu.memory_space<vmem>>, vector<16xf32>,
        %add3A_446 = arith.constant 51 : i32
        %add3A_447 = arith.addi %add3A_446, %add3A_437 : i32
        %get3A_448 = arith.index_cast %add3A_447 : i32 to index
        %get3A_449 = arith.constant 16 : index
        %get3A_450 = tpu.vector_load %arg8[%get3A_448, %get3A_449] {strides = array<i32>} : memref<102x128xf32, #tpu.memory_space<vmem>>, vector<16xf32>,
        %swap3A_451 = arith.index_cast %add3A_171 : i32 to index
        %swap3A_452 = arith.constant 16 : index
        %swap3A_453 = tpu.vector_load %arg6[%swap3A_451, %swap3A_452] {strides = array<i32>} : memref<512x64xf32, #tpu.memory_space<vmem>>, vector<16xf32>,
        tpu.vector_store %arg6[%swap3A_451, %swap3A_452], %get3A_450 {add = true, strides = array<i32>} : memref<512x64xf32, #tpu.memory_space<vmem>>, vector<16xf32>,
        %add3A_454 = arith.constant 51 : i32
        %add3A_455 = arith.addi %add3A_454, %add3A_437 : i32
        %get3A_456 = arith.index_cast %add3A_455 : i32 to index
        %get3A_457 = arith.constant 32 : index
        %get3A_458 = tpu.vector_load %arg8[%get3A_456, %get3A_457] {strides = array<i32>} : memref<102x128xf32, #tpu.memory_space<vmem>>, vector<16xf32>,
        %swap3A_459 = arith.index_cast %add3A_171 : i32 to index
        %swap3A_460 = arith.constant 32 : index
        %swap3A_461 = tpu.vector_load %arg6[%swap3A_459, %swap3A_460] {strides = array<i32>} : memref<512x64xf32, #tpu.memory_space<vmem>>, vector<16xf32>,
        tpu.vector_store %arg6[%swap3A_459, %swap3A_460], %get3A_458 {add = true, strides = array<i32>} : memref<512x64xf32, #tpu.memory_space<vmem>>, vector<16xf32>,
        %add3A_462 = arith.constant 51 : i32
        %add3A_463 = arith.addi %add3A_462, %add3A_437 : i32
        %get3A_464 = arith.index_cast %add3A_463 : i32 to index
        %get3A_465 = arith.constant 48 : index
        %get3A_466 = tpu.vector_load %arg8[%get3A_464, %get3A_465] {strides = array<i32>} : memref<102x128xf32, #tpu.memory_space<vmem>>, vector<16xf32>,
        %swap3A_467 = arith.index_cast %add3A_171 : i32 to index
        %swap3A_468 = arith.constant 48 : index
        %swap3A_469 = tpu.vector_load %arg6[%swap3A_467, %swap3A_468] {strides = array<i32>} : memref<512x64xf32, #tpu.memory_space<vmem>>, vector<16xf32>,
        tpu.vector_store %arg6[%swap3A_467, %swap3A_468], %get3A_466 {add = true, strides = array<i32>} : memref<512x64xf32, #tpu.memory_space<vmem>>, vector<16xf32>,
      }
      %scan3A_204 = arith.constant 49 : i32
    }
    %scan3A_13 = arith.constant 128 : i32
    %dma_start3A_14 = arith.constant 0 : i32
    %dma_start3A_15 = tpu.memref_slice %arg4[%mul3A_2, %dma_start3A_14] : memref<16384x64xf32, #tpu.memory_space<hbm>> -> memref<512x64xf32, #tpu.memory_space<hbm>>
    %dma_start3A_16 = arith.constant 0 : i32
    %dma_start3A_17 = tpu.memref_slice %arg4[%mul3A_2, %dma_start3A_16] : memref<16384x64xf32, #tpu.memory_space<hbm>> -> memref<512x64xf32, #tpu.memory_space<hbm>>
    tpu.enqueue_dma source(%arg6 : memref<512x64xf32, #tpu.memory_space<vmem>>) target(%dma_start3A_17 : memref<512x64xf32, #tpu.memory_space<hbm>>) target_semaphore(%arg9 : memref<!tpu.dma_semaphore, #tpu.memory_space<semaphore_mem>>)
    %dma_wait3A = arith.constant 0 : i32
    %dma_wait3A_18 = tpu.memref_slice %arg4[%mul3A_2, %dma_wait3A] : memref<16384x64xf32, #tpu.memory_space<hbm>> -> memref<512x64xf32, #tpu.memory_space<hbm>>
    %dma_wait3A_19 = arith.constant 0 : i32
    %dma_wait3A_20 = tpu.memref_slice %arg4[%mul3A_2, %dma_wait3A_19] : memref<16384x64xf32, #tpu.memory_space<hbm>> -> memref<512x64xf32, #tpu.memory_space<hbm>>
    tpu.wait_dma2 semaphore(%arg9 : memref<!tpu.dma_semaphore, #tpu.memory_space<semaphore_mem>>) src(%arg6 : memref<512x64xf32, #tpu.memory_space<vmem>>) dst(%dma_wait3A_20 : memref<512x64xf32, #tpu.memory_space<hbm>>)
    return
  }
}

#map = affine_map<(d0, d1) -> (0, 0, 0)>
#map1 = affine_map<(d0, d1) -> (0, 0)>
module attributes {stable_mosaic.version = 14 : i64} {
  func.func @body(%arg0: i32, %arg1: i32, %arg2: memref<32x4x128xi32, #tpu.memory_space<hbm>>, %arg3: memref<1000000x128xf32, #tpu.memory_space<hbm>>, %arg4: memref<16384x64xf32, #tpu.memory_space<hbm>>, %arg5: memref<4x128xi32, #tpu.memory_space<vmem>>, %arg6: memref<128x128xf32, #tpu.memory_space<vmem>>, %arg7: memref<128x128xf32, #tpu.memory_space<vmem>>, %arg8: memref<!tpu.dma_semaphore, #tpu.memory_space<semaphore_mem>>, %arg9: memref<!tpu.dma_semaphore, #tpu.memory_space<semaphore_mem>>) attributes {dimension_semantics = [#tpu.dimension_semantics<core_parallel>, #tpu.dimension_semantics<subcore_parallel>], iteration_bounds = array<i64: 2, 16>, scalar_prefetch = 0 : i64, scratch_operands = 5 : i64, tpu.core_type = #tpu.core_type<sc_vector_subcore>, window_params = [{transform_indices = #map}, {transform_indices = #map1}, {transform_indices = #map1}]} {
    %mul3A = arith.constant 2 : i32
    %mul3A_0 = arith.muli %arg1, %mul3A : i32
    %add3A = arith.addi %mul3A_0, %arg0 : i32
    %mul3A_1 = arith.constant 512 : i32
    %mul3A_2 = arith.muli %add3A, %mul3A_1 : i32
    "tpu.region"() ({
      %run_scoped3A = tpu.sem_alloc : memref<!tpu.dma_semaphore, #tpu.memory_space<semaphore_mem>>
      %dma_start3A_65 = arith.constant 0 : i32
      %dma_start3A_66 = arith.constant 0 : i32
      %dma_start3A_67 = tpu.memref_slice %arg2[%add3A, %dma_start3A_65, %dma_start3A_66] : memref<32x4x128xi32, #tpu.memory_space<hbm>> -> memref<1x4x128xi32, #tpu.memory_space<hbm>>
      %dma_start3A_68 = tpu.memref_squeeze %dma_start3A_67 : memref<1x4x128xi32, #tpu.memory_space<hbm>> -> memref<4x128xi32, #tpu.memory_space<hbm>>
      %dma_start3A_69 = arith.constant 0 : i32
      %dma_start3A_70 = arith.constant 0 : i32
      %dma_start3A_71 = tpu.memref_slice %arg2[%add3A, %dma_start3A_69, %dma_start3A_70] : memref<32x4x128xi32, #tpu.memory_space<hbm>> -> memref<1x4x128xi32, #tpu.memory_space<hbm>>
      %dma_start3A_72 = tpu.memref_squeeze %dma_start3A_71 : memref<1x4x128xi32, #tpu.memory_space<hbm>> -> memref<4x128xi32, #tpu.memory_space<hbm>>
      tpu.enqueue_dma source(%dma_start3A_72 : memref<4x128xi32, #tpu.memory_space<hbm>>) target(%arg5 : memref<4x128xi32, #tpu.memory_space<vmem>>) target_semaphore(%run_scoped3A : memref<!tpu.dma_semaphore, #tpu.memory_space<semaphore_mem>>)
      %dma_wait3A_73 = arith.constant 0 : i32
      %dma_wait3A_74 = arith.constant 0 : i32
      %dma_wait3A_75 = tpu.memref_slice %arg2[%add3A, %dma_wait3A_73, %dma_wait3A_74] : memref<32x4x128xi32, #tpu.memory_space<hbm>> -> memref<1x4x128xi32, #tpu.memory_space<hbm>>
      %dma_wait3A_76 = tpu.memref_squeeze %dma_wait3A_75 : memref<1x4x128xi32, #tpu.memory_space<hbm>> -> memref<4x128xi32, #tpu.memory_space<hbm>>
      %dma_wait3A_77 = arith.constant 0 : i32
      %dma_wait3A_78 = arith.constant 0 : i32
      %dma_wait3A_79 = tpu.memref_slice %arg2[%add3A, %dma_wait3A_77, %dma_wait3A_78] : memref<32x4x128xi32, #tpu.memory_space<hbm>> -> memref<1x4x128xi32, #tpu.memory_space<hbm>>
      %dma_wait3A_80 = tpu.memref_squeeze %dma_wait3A_79 : memref<1x4x128xi32, #tpu.memory_space<hbm>> -> memref<4x128xi32, #tpu.memory_space<hbm>>
      tpu.wait_dma2 semaphore(%run_scoped3A : memref<!tpu.dma_semaphore, #tpu.memory_space<semaphore_mem>>) src(%dma_wait3A_80 : memref<4x128xi32, #tpu.memory_space<hbm>>) dst(%arg5 : memref<4x128xi32, #tpu.memory_space<vmem>>)
      tpu.yield
    }) : () -> ()
    %dma_start3A = arith.constant 0 : i32
    %dma_start3A_3 = arith.constant 0 : i32
    %dma_start3A_4 = tpu.memref_slice %arg5[%dma_start3A, %dma_start3A_3] : memref<4x128xi32, #tpu.memory_space<vmem>> -> memref<1x128xi32, #tpu.memory_space<vmem>>
    %dma_start3A_5 = tpu.memref_squeeze %dma_start3A_4 : memref<1x128xi32, #tpu.memory_space<vmem>> -> memref<128xi32, #tpu.memory_space<vmem>>
    %dma_start3A_6 = arith.constant 0 : i32
    %dma_start3A_7 = arith.constant 0 : i32
    %dma_start3A_8 = tpu.memref_slice %arg3[%dma_start3A_6, %dma_start3A_7] : memref<1000000x128xf32, #tpu.memory_space<hbm>> -> memref<1000000x128xf32, #tpu.memory_space<hbm>>
    tpu.enqueue_indirect_dma source(%dma_start3A_8 : memref<1000000x128xf32, #tpu.memory_space<hbm>>) target(%arg6 : memref<128x128xf32, #tpu.memory_space<vmem>>) offsets(%dma_start3A_5 : memref<128xi32, #tpu.memory_space<vmem>>) semaphore(%arg8 : memref<!tpu.dma_semaphore, #tpu.memory_space<semaphore_mem>>)
    %dma_start3A_9 = arith.constant 1 : i32
    %dma_start3A_10 = arith.constant 0 : i32
    %dma_start3A_11 = tpu.memref_slice %arg5[%dma_start3A_9, %dma_start3A_10] : memref<4x128xi32, #tpu.memory_space<vmem>> -> memref<1x128xi32, #tpu.memory_space<vmem>>
    %dma_start3A_12 = tpu.memref_squeeze %dma_start3A_11 : memref<1x128xi32, #tpu.memory_space<vmem>> -> memref<128xi32, #tpu.memory_space<vmem>>
    %dma_start3A_13 = arith.constant 0 : i32
    %dma_start3A_14 = arith.constant 0 : i32
    %dma_start3A_15 = tpu.memref_slice %arg3[%dma_start3A_13, %dma_start3A_14] : memref<1000000x128xf32, #tpu.memory_space<hbm>> -> memref<1000000x128xf32, #tpu.memory_space<hbm>>
    tpu.enqueue_indirect_dma source(%dma_start3A_15 : memref<1000000x128xf32, #tpu.memory_space<hbm>>) target(%arg7 : memref<128x128xf32, #tpu.memory_space<vmem>>) offsets(%dma_start3A_12 : memref<128xi32, #tpu.memory_space<vmem>>) semaphore(%arg9 : memref<!tpu.dma_semaphore, #tpu.memory_space<semaphore_mem>>)
    %dma_wait3A = arith.constant 0 : i32
    %dma_wait3A_16 = arith.constant 0 : i32
    %dma_wait3A_17 = tpu.memref_slice %arg5[%dma_wait3A, %dma_wait3A_16] : memref<4x128xi32, #tpu.memory_space<vmem>> -> memref<1x128xi32, #tpu.memory_space<vmem>>
    %dma_wait3A_18 = tpu.memref_squeeze %dma_wait3A_17 : memref<1x128xi32, #tpu.memory_space<vmem>> -> memref<128xi32, #tpu.memory_space<vmem>>
    %dma_wait3A_19 = arith.constant 0 : i32
    %dma_wait3A_20 = arith.constant 0 : i32
    %dma_wait3A_21 = tpu.memref_slice %arg3[%dma_wait3A_19, %dma_wait3A_20] : memref<1000000x128xf32, #tpu.memory_space<hbm>> -> memref<1000000x128xf32, #tpu.memory_space<hbm>>
    tpu.wait_indirect_dma semaphore(%arg8 : memref<!tpu.dma_semaphore, #tpu.memory_space<semaphore_mem>>) src(%dma_wait3A_21 : memref<1000000x128xf32, #tpu.memory_space<hbm>>) dst(%arg6 : memref<128x128xf32, #tpu.memory_space<vmem>>)
    %add3A_22 = arith.constant 0 : i32
    %add3A_23 = arith.addi %mul3A_2, %add3A_22 : i32
    "tpu.region"() ({
      %run_scoped3A = tpu.sem_alloc : memref<!tpu.dma_semaphore, #tpu.memory_space<semaphore_mem>>
      %dma_start3A_65 = arith.constant 0 : i32
      %dma_start3A_66 = arith.constant 0 : i32
      %dma_start3A_67 = tpu.memref_slice %arg6[%dma_start3A_65, %dma_start3A_66] : memref<128x128xf32, #tpu.memory_space<vmem>> -> memref<128x64xf32, #tpu.memory_space<vmem>>
      %dma_start3A_68 = arith.constant 0 : i32
      %dma_start3A_69 = tpu.memref_slice %arg4[%add3A_23, %dma_start3A_68] : memref<16384x64xf32, #tpu.memory_space<hbm>> -> memref<128x64xf32, #tpu.memory_space<hbm>>
      %dma_start3A_70 = arith.constant 0 : i32
      %dma_start3A_71 = tpu.memref_slice %arg4[%add3A_23, %dma_start3A_70] : memref<16384x64xf32, #tpu.memory_space<hbm>> -> memref<128x64xf32, #tpu.memory_space<hbm>>
      %dma_start3A_72 = arith.constant 0 : i32
      %dma_start3A_73 = arith.constant 0 : i32
      %dma_start3A_74 = tpu.memref_slice %arg6[%dma_start3A_72, %dma_start3A_73] : memref<128x128xf32, #tpu.memory_space<vmem>> -> memref<128x64xf32, #tpu.memory_space<vmem>>
      tpu.enqueue_dma source(%dma_start3A_74 : memref<128x64xf32, #tpu.memory_space<vmem>>) target(%dma_start3A_71 : memref<128x64xf32, #tpu.memory_space<hbm>>) target_semaphore(%run_scoped3A : memref<!tpu.dma_semaphore, #tpu.memory_space<semaphore_mem>>)
      %dma_wait3A_75 = arith.constant 0 : i32
      %dma_wait3A_76 = arith.constant 0 : i32
      %dma_wait3A_77 = tpu.memref_slice %arg6[%dma_wait3A_75, %dma_wait3A_76] : memref<128x128xf32, #tpu.memory_space<vmem>> -> memref<128x64xf32, #tpu.memory_space<vmem>>
      %dma_wait3A_78 = arith.constant 0 : i32
      %dma_wait3A_79 = tpu.memref_slice %arg4[%add3A_23, %dma_wait3A_78] : memref<16384x64xf32, #tpu.memory_space<hbm>> -> memref<128x64xf32, #tpu.memory_space<hbm>>
      %dma_wait3A_80 = arith.constant 0 : i32
      %dma_wait3A_81 = tpu.memref_slice %arg4[%add3A_23, %dma_wait3A_80] : memref<16384x64xf32, #tpu.memory_space<hbm>> -> memref<128x64xf32, #tpu.memory_space<hbm>>
      %dma_wait3A_82 = arith.constant 0 : i32
      %dma_wait3A_83 = arith.constant 0 : i32
      %dma_wait3A_84 = tpu.memref_slice %arg6[%dma_wait3A_82, %dma_wait3A_83] : memref<128x128xf32, #tpu.memory_space<vmem>> -> memref<128x64xf32, #tpu.memory_space<vmem>>
      tpu.wait_dma2 semaphore(%run_scoped3A : memref<!tpu.dma_semaphore, #tpu.memory_space<semaphore_mem>>) src(%dma_wait3A_84 : memref<128x64xf32, #tpu.memory_space<vmem>>) dst(%dma_wait3A_81 : memref<128x64xf32, #tpu.memory_space<hbm>>)
      tpu.yield
    }) : () -> ()
    %dma_start3A_24 = arith.constant 2 : i32
    %dma_start3A_25 = arith.constant 0 : i32
    %dma_start3A_26 = tpu.memref_slice %arg5[%dma_start3A_24, %dma_start3A_25] : memref<4x128xi32, #tpu.memory_space<vmem>> -> memref<1x128xi32, #tpu.memory_space<vmem>>
    %dma_start3A_27 = tpu.memref_squeeze %dma_start3A_26 : memref<1x128xi32, #tpu.memory_space<vmem>> -> memref<128xi32, #tpu.memory_space<vmem>>
    %dma_start3A_28 = arith.constant 0 : i32
    %dma_start3A_29 = arith.constant 0 : i32
    %dma_start3A_30 = tpu.memref_slice %arg3[%dma_start3A_28, %dma_start3A_29] : memref<1000000x128xf32, #tpu.memory_space<hbm>> -> memref<1000000x128xf32, #tpu.memory_space<hbm>>
    tpu.enqueue_indirect_dma source(%dma_start3A_30 : memref<1000000x128xf32, #tpu.memory_space<hbm>>) target(%arg6 : memref<128x128xf32, #tpu.memory_space<vmem>>) offsets(%dma_start3A_27 : memref<128xi32, #tpu.memory_space<vmem>>) semaphore(%arg8 : memref<!tpu.dma_semaphore, #tpu.memory_space<semaphore_mem>>)
    %dma_wait3A_31 = arith.constant 1 : i32
    %dma_wait3A_32 = arith.constant 0 : i32
    %dma_wait3A_33 = tpu.memref_slice %arg5[%dma_wait3A_31, %dma_wait3A_32] : memref<4x128xi32, #tpu.memory_space<vmem>> -> memref<1x128xi32, #tpu.memory_space<vmem>>
    %dma_wait3A_34 = tpu.memref_squeeze %dma_wait3A_33 : memref<1x128xi32, #tpu.memory_space<vmem>> -> memref<128xi32, #tpu.memory_space<vmem>>
    %dma_wait3A_35 = arith.constant 0 : i32
    %dma_wait3A_36 = arith.constant 0 : i32
    %dma_wait3A_37 = tpu.memref_slice %arg3[%dma_wait3A_35, %dma_wait3A_36] : memref<1000000x128xf32, #tpu.memory_space<hbm>> -> memref<1000000x128xf32, #tpu.memory_space<hbm>>
    tpu.wait_indirect_dma semaphore(%arg9 : memref<!tpu.dma_semaphore, #tpu.memory_space<semaphore_mem>>) src(%dma_wait3A_37 : memref<1000000x128xf32, #tpu.memory_space<hbm>>) dst(%arg7 : memref<128x128xf32, #tpu.memory_space<vmem>>)
    %add3A_38 = arith.constant 128 : i32
    %add3A_39 = arith.addi %mul3A_2, %add3A_38 : i32
    "tpu.region"() ({
      %run_scoped3A = tpu.sem_alloc : memref<!tpu.dma_semaphore, #tpu.memory_space<semaphore_mem>>
      %dma_start3A_65 = arith.constant 0 : i32
      %dma_start3A_66 = arith.constant 0 : i32
      %dma_start3A_67 = tpu.memref_slice %arg7[%dma_start3A_65, %dma_start3A_66] : memref<128x128xf32, #tpu.memory_space<vmem>> -> memref<128x64xf32, #tpu.memory_space<vmem>>
      %dma_start3A_68 = arith.constant 0 : i32
      %dma_start3A_69 = tpu.memref_slice %arg4[%add3A_39, %dma_start3A_68] : memref<16384x64xf32, #tpu.memory_space<hbm>> -> memref<128x64xf32, #tpu.memory_space<hbm>>
      %dma_start3A_70 = arith.constant 0 : i32
      %dma_start3A_71 = tpu.memref_slice %arg4[%add3A_39, %dma_start3A_70] : memref<16384x64xf32, #tpu.memory_space<hbm>> -> memref<128x64xf32, #tpu.memory_space<hbm>>
      %dma_start3A_72 = arith.constant 0 : i32
      %dma_start3A_73 = arith.constant 0 : i32
      %dma_start3A_74 = tpu.memref_slice %arg7[%dma_start3A_72, %dma_start3A_73] : memref<128x128xf32, #tpu.memory_space<vmem>> -> memref<128x64xf32, #tpu.memory_space<vmem>>
      tpu.enqueue_dma source(%dma_start3A_74 : memref<128x64xf32, #tpu.memory_space<vmem>>) target(%dma_start3A_71 : memref<128x64xf32, #tpu.memory_space<hbm>>) target_semaphore(%run_scoped3A : memref<!tpu.dma_semaphore, #tpu.memory_space<semaphore_mem>>)
      %dma_wait3A_75 = arith.constant 0 : i32
      %dma_wait3A_76 = arith.constant 0 : i32
      %dma_wait3A_77 = tpu.memref_slice %arg7[%dma_wait3A_75, %dma_wait3A_76] : memref<128x128xf32, #tpu.memory_space<vmem>> -> memref<128x64xf32, #tpu.memory_space<vmem>>
      %dma_wait3A_78 = arith.constant 0 : i32
      %dma_wait3A_79 = tpu.memref_slice %arg4[%add3A_39, %dma_wait3A_78] : memref<16384x64xf32, #tpu.memory_space<hbm>> -> memref<128x64xf32, #tpu.memory_space<hbm>>
      %dma_wait3A_80 = arith.constant 0 : i32
      %dma_wait3A_81 = tpu.memref_slice %arg4[%add3A_39, %dma_wait3A_80] : memref<16384x64xf32, #tpu.memory_space<hbm>> -> memref<128x64xf32, #tpu.memory_space<hbm>>
      %dma_wait3A_82 = arith.constant 0 : i32
      %dma_wait3A_83 = arith.constant 0 : i32
      %dma_wait3A_84 = tpu.memref_slice %arg7[%dma_wait3A_82, %dma_wait3A_83] : memref<128x128xf32, #tpu.memory_space<vmem>> -> memref<128x64xf32, #tpu.memory_space<vmem>>
      tpu.wait_dma2 semaphore(%run_scoped3A : memref<!tpu.dma_semaphore, #tpu.memory_space<semaphore_mem>>) src(%dma_wait3A_84 : memref<128x64xf32, #tpu.memory_space<vmem>>) dst(%dma_wait3A_81 : memref<128x64xf32, #tpu.memory_space<hbm>>)
      tpu.yield
    }) : () -> ()
    %dma_start3A_40 = arith.constant 3 : i32
    %dma_start3A_41 = arith.constant 0 : i32
    %dma_start3A_42 = tpu.memref_slice %arg5[%dma_start3A_40, %dma_start3A_41] : memref<4x128xi32, #tpu.memory_space<vmem>> -> memref<1x128xi32, #tpu.memory_space<vmem>>
    %dma_start3A_43 = tpu.memref_squeeze %dma_start3A_42 : memref<1x128xi32, #tpu.memory_space<vmem>> -> memref<128xi32, #tpu.memory_space<vmem>>
    %dma_start3A_44 = arith.constant 0 : i32
    %dma_start3A_45 = arith.constant 0 : i32
    %dma_start3A_46 = tpu.memref_slice %arg3[%dma_start3A_44, %dma_start3A_45] : memref<1000000x128xf32, #tpu.memory_space<hbm>> -> memref<1000000x128xf32, #tpu.memory_space<hbm>>
    tpu.enqueue_indirect_dma source(%dma_start3A_46 : memref<1000000x128xf32, #tpu.memory_space<hbm>>) target(%arg7 : memref<128x128xf32, #tpu.memory_space<vmem>>) offsets(%dma_start3A_43 : memref<128xi32, #tpu.memory_space<vmem>>) semaphore(%arg9 : memref<!tpu.dma_semaphore, #tpu.memory_space<semaphore_mem>>)
    %dma_wait3A_47 = arith.constant 2 : i32
    %dma_wait3A_48 = arith.constant 0 : i32
    %dma_wait3A_49 = tpu.memref_slice %arg5[%dma_wait3A_47, %dma_wait3A_48] : memref<4x128xi32, #tpu.memory_space<vmem>> -> memref<1x128xi32, #tpu.memory_space<vmem>>
    %dma_wait3A_50 = tpu.memref_squeeze %dma_wait3A_49 : memref<1x128xi32, #tpu.memory_space<vmem>> -> memref<128xi32, #tpu.memory_space<vmem>>
    %dma_wait3A_51 = arith.constant 0 : i32
    %dma_wait3A_52 = arith.constant 0 : i32
    %dma_wait3A_53 = tpu.memref_slice %arg3[%dma_wait3A_51, %dma_wait3A_52] : memref<1000000x128xf32, #tpu.memory_space<hbm>> -> memref<1000000x128xf32, #tpu.memory_space<hbm>>
    tpu.wait_indirect_dma semaphore(%arg8 : memref<!tpu.dma_semaphore, #tpu.memory_space<semaphore_mem>>) src(%dma_wait3A_53 : memref<1000000x128xf32, #tpu.memory_space<hbm>>) dst(%arg6 : memref<128x128xf32, #tpu.memory_space<vmem>>)
    %add3A_54 = arith.constant 256 : i32
    %add3A_55 = arith.addi %mul3A_2, %add3A_54 : i32
    "tpu.region"() ({
      %run_scoped3A = tpu.sem_alloc : memref<!tpu.dma_semaphore, #tpu.memory_space<semaphore_mem>>
      %dma_start3A_65 = arith.constant 0 : i32
      %dma_start3A_66 = arith.constant 0 : i32
      %dma_start3A_67 = tpu.memref_slice %arg6[%dma_start3A_65, %dma_start3A_66] : memref<128x128xf32, #tpu.memory_space<vmem>> -> memref<128x64xf32, #tpu.memory_space<vmem>>
      %dma_start3A_68 = arith.constant 0 : i32
      %dma_start3A_69 = tpu.memref_slice %arg4[%add3A_55, %dma_start3A_68] : memref<16384x64xf32, #tpu.memory_space<hbm>> -> memref<128x64xf32, #tpu.memory_space<hbm>>
      %dma_start3A_70 = arith.constant 0 : i32
      %dma_start3A_71 = tpu.memref_slice %arg4[%add3A_55, %dma_start3A_70] : memref<16384x64xf32, #tpu.memory_space<hbm>> -> memref<128x64xf32, #tpu.memory_space<hbm>>
      %dma_start3A_72 = arith.constant 0 : i32
      %dma_start3A_73 = arith.constant 0 : i32
      %dma_start3A_74 = tpu.memref_slice %arg6[%dma_start3A_72, %dma_start3A_73] : memref<128x128xf32, #tpu.memory_space<vmem>> -> memref<128x64xf32, #tpu.memory_space<vmem>>
      tpu.enqueue_dma source(%dma_start3A_74 : memref<128x64xf32, #tpu.memory_space<vmem>>) target(%dma_start3A_71 : memref<128x64xf32, #tpu.memory_space<hbm>>) target_semaphore(%run_scoped3A : memref<!tpu.dma_semaphore, #tpu.memory_space<semaphore_mem>>)
      %dma_wait3A_75 = arith.constant 0 : i32
      %dma_wait3A_76 = arith.constant 0 : i32
      %dma_wait3A_77 = tpu.memref_slice %arg6[%dma_wait3A_75, %dma_wait3A_76] : memref<128x128xf32, #tpu.memory_space<vmem>> -> memref<128x64xf32, #tpu.memory_space<vmem>>
      %dma_wait3A_78 = arith.constant 0 : i32
      %dma_wait3A_79 = tpu.memref_slice %arg4[%add3A_55, %dma_wait3A_78] : memref<16384x64xf32, #tpu.memory_space<hbm>> -> memref<128x64xf32, #tpu.memory_space<hbm>>
      %dma_wait3A_80 = arith.constant 0 : i32
      %dma_wait3A_81 = tpu.memref_slice %arg4[%add3A_55, %dma_wait3A_80] : memref<16384x64xf32, #tpu.memory_space<hbm>> -> memref<128x64xf32, #tpu.memory_space<hbm>>
      %dma_wait3A_82 = arith.constant 0 : i32
      %dma_wait3A_83 = arith.constant 0 : i32
      %dma_wait3A_84 = tpu.memref_slice %arg6[%dma_wait3A_82, %dma_wait3A_83] : memref<128x128xf32, #tpu.memory_space<vmem>> -> memref<128x64xf32, #tpu.memory_space<vmem>>
      tpu.wait_dma2 semaphore(%run_scoped3A : memref<!tpu.dma_semaphore, #tpu.memory_space<semaphore_mem>>) src(%dma_wait3A_84 : memref<128x64xf32, #tpu.memory_space<vmem>>) dst(%dma_wait3A_81 : memref<128x64xf32, #tpu.memory_space<hbm>>)
      tpu.yield
    }) : () -> ()
    %dma_wait3A_56 = arith.constant 3 : i32
    %dma_wait3A_57 = arith.constant 0 : i32
    %dma_wait3A_58 = tpu.memref_slice %arg5[%dma_wait3A_56, %dma_wait3A_57] : memref<4x128xi32, #tpu.memory_space<vmem>> -> memref<1x128xi32, #tpu.memory_space<vmem>>
    %dma_wait3A_59 = tpu.memref_squeeze %dma_wait3A_58 : memref<1x128xi32, #tpu.memory_space<vmem>> -> memref<128xi32, #tpu.memory_space<vmem>>
    %dma_wait3A_60 = arith.constant 0 : i32
    %dma_wait3A_61 = arith.constant 0 : i32
    %dma_wait3A_62 = tpu.memref_slice %arg3[%dma_wait3A_60, %dma_wait3A_61] : memref<1000000x128xf32, #tpu.memory_space<hbm>> -> memref<1000000x128xf32, #tpu.memory_space<hbm>>
    tpu.wait_indirect_dma semaphore(%arg9 : memref<!tpu.dma_semaphore, #tpu.memory_space<semaphore_mem>>) src(%dma_wait3A_62 : memref<1000000x128xf32, #tpu.memory_space<hbm>>) dst(%arg7 : memref<128x128xf32, #tpu.memory_space<vmem>>)
    %add3A_63 = arith.constant 384 : i32
    %add3A_64 = arith.addi %mul3A_2, %add3A_63 : i32
    "tpu.region"() ({
      %run_scoped3A = tpu.sem_alloc : memref<!tpu.dma_semaphore, #tpu.memory_space<semaphore_mem>>
      %dma_start3A_65 = arith.constant 0 : i32
      %dma_start3A_66 = arith.constant 0 : i32
      %dma_start3A_67 = tpu.memref_slice %arg7[%dma_start3A_65, %dma_start3A_66] : memref<128x128xf32, #tpu.memory_space<vmem>> -> memref<128x64xf32, #tpu.memory_space<vmem>>
      %dma_start3A_68 = arith.constant 0 : i32
      %dma_start3A_69 = tpu.memref_slice %arg4[%add3A_64, %dma_start3A_68] : memref<16384x64xf32, #tpu.memory_space<hbm>> -> memref<128x64xf32, #tpu.memory_space<hbm>>
      %dma_start3A_70 = arith.constant 0 : i32
      %dma_start3A_71 = tpu.memref_slice %arg4[%add3A_64, %dma_start3A_70] : memref<16384x64xf32, #tpu.memory_space<hbm>> -> memref<128x64xf32, #tpu.memory_space<hbm>>
      %dma_start3A_72 = arith.constant 0 : i32
      %dma_start3A_73 = arith.constant 0 : i32
      %dma_start3A_74 = tpu.memref_slice %arg7[%dma_start3A_72, %dma_start3A_73] : memref<128x128xf32, #tpu.memory_space<vmem>> -> memref<128x64xf32, #tpu.memory_space<vmem>>
      tpu.enqueue_dma source(%dma_start3A_74 : memref<128x64xf32, #tpu.memory_space<vmem>>) target(%dma_start3A_71 : memref<128x64xf32, #tpu.memory_space<hbm>>) target_semaphore(%run_scoped3A : memref<!tpu.dma_semaphore, #tpu.memory_space<semaphore_mem>>)
      %dma_wait3A_75 = arith.constant 0 : i32
      %dma_wait3A_76 = arith.constant 0 : i32
      %dma_wait3A_77 = tpu.memref_slice %arg7[%dma_wait3A_75, %dma_wait3A_76] : memref<128x128xf32, #tpu.memory_space<vmem>> -> memref<128x64xf32, #tpu.memory_space<vmem>>
      %dma_wait3A_78 = arith.constant 0 : i32
      %dma_wait3A_79 = tpu.memref_slice %arg4[%add3A_64, %dma_wait3A_78] : memref<16384x64xf32, #tpu.memory_space<hbm>> -> memref<128x64xf32, #tpu.memory_space<hbm>>
      %dma_wait3A_80 = arith.constant 0 : i32
      %dma_wait3A_81 = tpu.memref_slice %arg4[%add3A_64, %dma_wait3A_80] : memref<16384x64xf32, #tpu.memory_space<hbm>> -> memref<128x64xf32, #tpu.memory_space<hbm>>
      %dma_wait3A_82 = arith.constant 0 : i32
      %dma_wait3A_83 = arith.constant 0 : i32
      %dma_wait3A_84 = tpu.memref_slice %arg7[%dma_wait3A_82, %dma_wait3A_83] : memref<128x128xf32, #tpu.memory_space<vmem>> -> memref<128x64xf32, #tpu.memory_space<vmem>>
      tpu.wait_dma2 semaphore(%run_scoped3A : memref<!tpu.dma_semaphore, #tpu.memory_space<semaphore_mem>>) src(%dma_wait3A_84 : memref<128x64xf32, #tpu.memory_space<vmem>>) dst(%dma_wait3A_81 : memref<128x64xf32, #tpu.memory_space<hbm>>)
      tpu.yield
    }) : () -> ()
    return
  }
}

module attributes {stable_mosaic.version = 14 : i64} {
  func.func @_mlp_body(%arg0: i32, %arg1: memref<2048x64xf32, #tpu.memory_space<vmem>>, %arg2: memref<2048x64xf32, #tpu.memory_space<vmem>>, %arg3: memref<64x256xf32, #tpu.memory_space<vmem>>, %arg4: memref<64x256xf32, #tpu.memory_space<vmem>>, %arg5: memref<1x256xf32, #tpu.memory_space<vmem>>, %arg6: memref<256x128xf32, #tpu.memory_space<vmem>>, %arg7: memref<1x128xf32, #tpu.memory_space<vmem>>, %arg8: memref<128x1xf32, #tpu.memory_space<vmem>>, %arg9: memref<1x1xf32, #tpu.memory_space<vmem>>, %arg10: memref<2048x1xf32, #tpu.memory_space<vmem>>) attributes {dimension_semantics = [#tpu.dimension_semantics<parallel>], iteration_bounds = array<i64: 8>, scalar_prefetch = 0 : i64, scratch_operands = 0 : i64, tpu.core_type = #tpu.core_type<tc>, window_params = [{transform_indices = @transform_0, window_bounds = array<i64: 2048, 64>}, {transform_indices = @transform_1, window_bounds = array<i64: 2048, 64>}, {pipeline_mode = #tpu.pipeline_mode<synchronous>, transform_indices = @transform_2, window_bounds = array<i64: 64, 256>}, {pipeline_mode = #tpu.pipeline_mode<synchronous>, transform_indices = @transform_3, window_bounds = array<i64: 64, 256>}, {pipeline_mode = #tpu.pipeline_mode<synchronous>, transform_indices = @transform_4, window_bounds = array<i64: 1, 256>}, {pipeline_mode = #tpu.pipeline_mode<synchronous>, transform_indices = @transform_5, window_bounds = array<i64: 256, 128>}, {pipeline_mode = #tpu.pipeline_mode<synchronous>, transform_indices = @transform_6, window_bounds = array<i64: 1, 128>}, {pipeline_mode = #tpu.pipeline_mode<synchronous>, transform_indices = @transform_7, window_bounds = array<i64: 128, 1>}, {pipeline_mode = #tpu.pipeline_mode<synchronous>, transform_indices = @transform_8, window_bounds = array<i64: 1, 1>}, {transform_indices = @transform_9, window_bounds = array<i64: 2048, 1>}]} {
    %get3A = arith.constant 0 : index
    %get3A_0 = arith.constant 0 : index
    %get3A_1 = vector.load %arg1[%get3A, %get3A_0] : memref<2048x64xf32, #tpu.memory_space<vmem>>, vector<2048x64xf32>
    %get3A_2 = arith.constant 0 : index
    %get3A_3 = arith.constant 0 : index
    %get3A_4 = vector.load %arg3[%get3A_2, %get3A_3] : memref<64x256xf32, #tpu.memory_space<vmem>>, vector<64x256xf32>
    %dot_general3A = arith.constant dense<0.000000e+00> : vector<2048x256xf32>
    %dot_general3A_5 = tpu.matmul %get3A_1, %get3A_4, %dot_general3A {dimension_numbers = #tpu.dot_dimension_numbers<[1], [0], [0], [1], [0, 0, 1, 1], [], []>, transpose_lhs_hint = false} : vector<2048x64xf32>, vector<64x256xf32>, vector<2048x256xf32> -> vector<2048x256xf32>
    %get3A_6 = arith.constant 0 : index
    %get3A_7 = arith.constant 0 : index
    %get3A_8 = vector.load %arg2[%get3A_6, %get3A_7] : memref<2048x64xf32, #tpu.memory_space<vmem>>, vector<2048x64xf32>
    %get3A_9 = arith.constant 0 : index
    %get3A_10 = arith.constant 0 : index
    %get3A_11 = vector.load %arg4[%get3A_9, %get3A_10] : memref<64x256xf32, #tpu.memory_space<vmem>>, vector<64x256xf32>
    %dot_general3A_12 = arith.constant dense<0.000000e+00> : vector<2048x256xf32>
    %dot_general3A_13 = tpu.matmul %get3A_8, %get3A_11, %dot_general3A_12 {dimension_numbers = #tpu.dot_dimension_numbers<[1], [0], [0], [1], [0, 0, 1, 1], [], []>, transpose_lhs_hint = false} : vector<2048x64xf32>, vector<64x256xf32>, vector<2048x256xf32> -> vector<2048x256xf32>
    %mul3A = arith.constant 2.000000e-02 : f32
    %mul3A_14 = vector.broadcast %mul3A : f32 to vector<2048x256xf32>
    %mul3A_15 = arith.mulf %dot_general3A_13, %mul3A_14 : vector<2048x256xf32>
    %add3A = arith.addf %dot_general3A_5, %mul3A_15 : vector<2048x256xf32>
    %get3A_16 = arith.constant 0 : index
    %get3A_17 = arith.constant 0 : index
    %get3A_18 = vector.load %arg5[%get3A_16, %get3A_17] : memref<1x256xf32, #tpu.memory_space<vmem>>, vector<1x256xf32>
    %add3A_19 = vector.broadcast %get3A_18 : vector<1x256xf32> to vector<2048x256xf32>
    %add3A_20 = arith.addf %add3A, %add3A_19 : vector<2048x256xf32>
    %max3A = arith.constant 0.000000e+00 : f32
    %max3A_21 = vector.broadcast %max3A : f32 to vector<2048x256xf32>
    %max3A_22 = arith.maximumf %add3A_20, %max3A_21 : vector<2048x256xf32>
    %get3A_23 = arith.constant 0 : index
    %get3A_24 = arith.constant 0 : index
    %get3A_25 = vector.load %arg6[%get3A_23, %get3A_24] : memref<256x128xf32, #tpu.memory_space<vmem>>, vector<256x128xf32>
    %dot_general3A_26 = arith.constant dense<0.000000e+00> : vector<2048x128xf32>
    %dot_general3A_27 = tpu.matmul %max3A_22, %get3A_25, %dot_general3A_26 {dimension_numbers = #tpu.dot_dimension_numbers<[1], [0], [0], [1], [0, 0, 1, 1], [], []>, transpose_lhs_hint = false} : vector<2048x256xf32>, vector<256x128xf32>, vector<2048x128xf32> -> vector<2048x128xf32>
    %get3A_28 = arith.constant 0 : index
    %get3A_29 = arith.constant 0 : index
    %get3A_30 = vector.load %arg7[%get3A_28, %get3A_29] : memref<1x128xf32, #tpu.memory_space<vmem>>, vector<1x128xf32>
    %add3A_31 = vector.broadcast %get3A_30 : vector<1x128xf32> to vector<2048x128xf32>
    %add3A_32 = arith.addf %dot_general3A_27, %add3A_31 : vector<2048x128xf32>
    %max3A_33 = arith.constant 0.000000e+00 : f32
    %max3A_34 = vector.broadcast %max3A_33 : f32 to vector<2048x128xf32>
    %max3A_35 = arith.maximumf %add3A_32, %max3A_34 : vector<2048x128xf32>
    %get3A_36 = arith.constant 0 : index
    %get3A_37 = arith.constant 0 : index
    %get3A_38 = vector.load %arg8[%get3A_36, %get3A_37] : memref<128x1xf32, #tpu.memory_space<vmem>>, vector<128x1xf32>
    %dot_general3A_39 = arith.constant dense<0.000000e+00> : vector<2048x1xf32>
    %dot_general3A_40 = tpu.matmul %max3A_35, %get3A_38, %dot_general3A_39 {dimension_numbers = #tpu.dot_dimension_numbers<[1], [0], [0], [1], [0, 0, 1, 1], [], []>, transpose_lhs_hint = false} : vector<2048x128xf32>, vector<128x1xf32>, vector<2048x1xf32> -> vector<2048x1xf32>
    %get3A_41 = arith.constant 0 : index
    %get3A_42 = arith.constant 0 : index
    %get3A_43 = vector.load %arg9[%get3A_41, %get3A_42] : memref<1x1xf32, #tpu.memory_space<vmem>>, vector<1x1xf32>
    %add3A_44 = vector.broadcast %get3A_43 : vector<1x1xf32> to vector<2048x1xf32>
    %add3A_45 = arith.addf %dot_general3A_40, %add3A_44 : vector<2048x1xf32>
    %logistic3A = arith.negf %add3A_45 : vector<2048x1xf32>
    %logistic3A_46 = math.exp %logistic3A : vector<2048x1xf32>
    %logistic3A_47 = arith.constant 1.000000e+00 : f32
    %logistic3A_48 = vector.broadcast %logistic3A_47 : f32 to vector<2048x1xf32>
    %logistic3A_49 = arith.addf %logistic3A_48, %logistic3A_46 : vector<2048x1xf32>
    %logistic3A_50 = arith.divf %logistic3A_48, %logistic3A_49 : vector<2048x1xf32>
    %swap3A = arith.constant 0 : index
    %swap3A_51 = arith.constant 0 : index
    %swap3A_52 = vector.load %arg10[%swap3A, %swap3A_51] : memref<2048x1xf32, #tpu.memory_space<vmem>>, vector<2048x1xf32>
    tpu.vector_store %arg10[%swap3A, %swap3A_51], %logistic3A_50 {strides = array<i32>} : memref<2048x1xf32, #tpu.memory_space<vmem>>, vector<2048x1xf32>,
    return
  }
  func.func @transform_0(%arg0: i32) -> (i32, i32) {
    %c0_i32 = arith.constant 0 : i32
    %c0_i32_0 = arith.constant 0 : i32
    return %arg0, %c0_i32 : i32, i32
  }
  func.func @transform_1(%arg0: i32) -> (i32, i32) {
    %c0_i32 = arith.constant 0 : i32
    %c0_i32_0 = arith.constant 0 : i32
    return %arg0, %c0_i32 : i32, i32
  }
  func.func @transform_2(%arg0: i32) -> (i32, i32) {
    %c0_i32 = arith.constant 0 : i32
    %c0_i32_0 = arith.constant 0 : i32
    %c0_i32_1 = arith.constant 0 : i32
    return %c0_i32, %c0_i32_0 : i32, i32
  }
  func.func @transform_3(%arg0: i32) -> (i32, i32) {
    %c0_i32 = arith.constant 0 : i32
    %c0_i32_0 = arith.constant 0 : i32
    %c0_i32_1 = arith.constant 0 : i32
    return %c0_i32, %c0_i32_0 : i32, i32
  }
  func.func @transform_4(%arg0: i32) -> (i32, i32) {
    %c0_i32 = arith.constant 0 : i32
    %c0_i32_0 = arith.constant 0 : i32
    %c0_i32_1 = arith.constant 0 : i32
    return %c0_i32, %c0_i32_0 : i32, i32
  }
  func.func @transform_5(%arg0: i32) -> (i32, i32) {
    %c0_i32 = arith.constant 0 : i32
    %c0_i32_0 = arith.constant 0 : i32
    %c0_i32_1 = arith.constant 0 : i32
    return %c0_i32, %c0_i32_0 : i32, i32
  }
  func.func @transform_6(%arg0: i32) -> (i32, i32) {
    %c0_i32 = arith.constant 0 : i32
    %c0_i32_0 = arith.constant 0 : i32
    %c0_i32_1 = arith.constant 0 : i32
    return %c0_i32, %c0_i32_0 : i32, i32
  }
  func.func @transform_7(%arg0: i32) -> (i32, i32) {
    %c0_i32 = arith.constant 0 : i32
    %c0_i32_0 = arith.constant 0 : i32
    %c0_i32_1 = arith.constant 0 : i32
    return %c0_i32, %c0_i32_0 : i32, i32
  }
  func.func @transform_8(%arg0: i32) -> (i32, i32) {
    %c0_i32 = arith.constant 0 : i32
    %c0_i32_0 = arith.constant 0 : i32
    %c0_i32_1 = arith.constant 0 : i32
    return %c0_i32, %c0_i32_0 : i32, i32
  }
  func.func @transform_9(%arg0: i32) -> (i32, i32) {
    %c0_i32 = arith.constant 0 : i32
    %c0_i32_0 = arith.constant 0 : i32
    return %arg0, %c0_i32 : i32, i32
  }
}

</mosaic_0001>

<sc_bundles>
// kernel: kernel.12.cloned.1.call-start
scs
__scs_entry_jumppad:
0x0: {  	(pc) =	sbr.rel $0x88, $3  }
0x1: {  	(tag) =	ssettag $0x0;
	lr =	simm.s32 $0x1  }
0x2: {  	[smem:$0x3F98] =	sst lr;
	_ =	strace $0xD0000000  }
0x3: {  	_ = 	snop  }
0x4: {  	_ = 	snop  }
0x5: {  	_ = 	snop  }
0x6: {  	_ = 	snop  }
0x7: {  	_ = 	snop  }
__scs_overlays_trampoline_lowered:
0x8: {  	[smem:$0x3FA7] =	sst s0  }
0x9: {  	[smem:$0x3FA8] =	sst s1  }
0xa: {  	[smem:$0x3FA9] =	sst s2  }
0xb: {  	[smem:$0x3FAA] =	sst s3  }
0xc: {  	[smem:$0x3FAB] =	sst s4  }
0xd: {  	[smem:$0x3FAC] =	sst s5  }
0xe: {  	[smem:$0x3FAD] =	sst s6  }
0xf: {  	[smem:$0x3FAE] =	sst s7  }
0x10: {  	[smem:$0x3FAF] =	sst s8  }
0x11: {  	[smem:$0x3FB0] =	sst s9;
	s0 =	simm.s32 @!p0 $0x0  }
0x12: {  	s1 =	sld [smem:$0x3F96];
	s0 =	simm.s32 @p0 $0x1  }
0x13: {  	[smem:$0x3FB1] =	sst s0;
	s0 =	simm.s32 @!p1 $0x0  }
0x14: {  	s2 =	sld [smem:$0x3F95];
	s0 =	simm.s32 @p1 $0x1  }
0x15: {  	[smem:$0x3FB2] =	sst s0;
	s0 =	simm.s32 @!p2 $0x0  }
0x16: {  	s3 =	sld [smem:$0x3FDB];
	s0 =	simm.s32 @p2 $0x1  }
0x17: {  	s4 =	simm.s32 $0x1BF5;
	[smem:$0x3FB4] =	sst s0  }
0x18: {  	s0 =	sld [smem:$0x3F97];
	_ =	swait.ge [sflag:s4], $0x0  }
0x19: {  	s7 =	sld [smem:$0x3F98]  }
0x1a: {  	s8 =	sadd.s32 $0xFFFFE003, lr  }
0x1b: {  	s9 =	sadd.s32 $0xFFFFFEF7, lr;
	s5 =	simm.s32 $0xFFFFFFFF;
	p2 =	slt.u32 s8, $0xFFFFF086  }
0x1c: {  	p1 =	slt.u32 s9, $0xF7A;
	s5 =	simm.s32 @!p2 $0x0  }
0x1d: {  	s5 =	simm.s32 @p1 $0x1;
	p0 =	seq.s32 s7, s2  }
0x1e: {  	s7 =	smul.u32 @!p0 $0xF7A, s2;
	p2 =	seq.s32 @!p0 s5, $0x0  }
0x1f: {  	s9 =	smul.u32 $0xF7A, s1;
	s8 =	simm.s32 @!p0 $0x1BF5;
	p2 =	por !p2, p0  }
0x20: {  	[sflag:s8] =	ssyncset.s32 @!p0 $0xFFFFF086;
	s6 =	sadd.s32 @!p0 s3, s7;
	s7 =	simm.s32 @!p0 $0x108  }
0x21: {  	s3 =	sadd.s32 s3, s9;
	s6 =	sadd.s32 @!p0 $0x88, s6;
	s7 =	simm.s32 @p2 $0x1082  }
0x22: {  	[simem:s7], [sflag:s8] =	dma.local @!p0 [hbm:s6], $0xF7A  }
0x23: {  	s9 =	sor.u32 $0xD0000000, s2;
	s6 =	simm.s32 $0x108;
	_ =	swait.ge @!p0 [sflag:s8], $0x0  }
0x24: {  	s3 =	sadd.s32 $0x88, s3;
	s6 =	simm.s32 @!p1 $0x1082;
	[sflag:s4] =	ssyncset.s32 $0xFFFFF086  }
0x25: {  	[simem:s6], [sflag:s4] =	dma.local [hbm:s3], $0xF7A  }
0x26: {  	[smem:$0x3F98] =	sst s1;
	(tag) =	ssettag s2;
	_ =	strace s9  }
0x27: {  	s1 =	sld [smem:$0x3FA8]  }
0x28: {  	s2 =	sld [smem:$0x3FA9]  }
0x29: {  	s4 =	sld [smem:$0x3FAB]  }
0x2a: {  	p0 =	seq.s32 s5, $0x0;
	s5 =	sld [smem:$0x3FAC]  }
0x2b: {  	s6 =	sld [smem:$0x3FAD]  }
0x2c: {  	s7 =	sld [smem:$0x3FAE]  }
0x2d: {  	s3 =	simm.s32 $0x108;
	s8 =	sld [smem:$0x3FAF]  }
0x2e: {  	s3 =	simm.s32 @!p0 $0x1082;
	s9 =	sld [smem:$0x3FB0]  }
0x2f: {  	lr =	sadd.s32 s0, s3;
	s0 =	sld [smem:$0x3FA7]  }
0x30: {  	s3 =	sld [smem:$0x3FAA]  }
0x31: {  	[smem:$0x3FB3] =	sst s10  }
0x32: {  	s10 =	sld [smem:$0x3FB1];
	_ =	sdelay $0x3  }
0x33: {  	p0 =	seq.s32 s10, $0x1;
	s10 =	sld [smem:$0x3FB3];
	_ =	sdelay $0x3  }
0x34: {  	[smem:$0x3FB3] =	sst s10  }
0x35: {  	s10 =	sld [smem:$0x3FB2];
	_ =	sdelay $0x3  }
0x36: {  	p1 =	seq.s32 s10, $0x1;
	s10 =	sld [smem:$0x3FB3];
	_ =	sdelay $0x3  }
0x37: {  	[smem:$0x3FB3] =	sst s10  }
0x38: {  	s10 =	sld [smem:$0x3FB4]  }
0x39: {  	_ = 	snop;
	(pc) =	sbr.ind lr, $3  }
0x3a: {  	_ = 	snop  }
0x3b: {  	_ = 	snop  }
0x3c: {  	p2 =	seq.s32 s10, $0x1;
	s10 =	sld [smem:$0x3FB3]  }
0x3d: {  	_ =	shalt  }
0x3e: {  	_ =	shalt  }
0x3f: {  	_ =	shalt  }
0x40: {  	_ =	shalt  }
0x41: {  	_ =	shalt  }
0x42: {  	_ =	shalt  }
0x43: {  	_ =	shalt  }
0x44: {  	_ =	shalt  }
0x45: {  	_ =	shalt  }
0x46: {  	_ =	shalt  }
0x47: {  	_ =	shalt  }
0x48: {  	_ =	shalt  }
0x49: {  	_ =	shalt  }
0x4a: {  	_ =	shalt  }
0x4b: {  	_ =	shalt  }
0x4c: {  	_ =	shalt  }
0x4d: {  	_ =	shalt  }
0x4e: {  	_ =	shalt  }
0x4f: {  	_ =	shalt  }
0x50: {  	_ =	shalt  }
0x51: {  	_ =	shalt  }
0x52: {  	_ =	shalt  }
0x53: {  	_ =	shalt  }
0x54: {  	_ =	shalt  }
0x55: {  	_ =	shalt  }
0x56: {  	_ =	shalt  }
0x57: {  	_ =	shalt  }
0x58: {  	_ =	shalt  }
0x59: {  	_ =	shalt  }
0x5a: {  	_ =	shalt  }
0x5b: {  	_ =	shalt  }
0x5c: {  	_ =	shalt  }
0x5d: {  	_ =	shalt  }
0x5e: {  	_ =	shalt  }
0x5f: {  	_ =	shalt  }
0x60: {  	_ =	shalt  }
0x61: {  	_ =	shalt  }
0x62: {  	_ =	shalt  }
0x63: {  	_ =	shalt  }
0x64: {  	_ =	shalt  }
0x65: {  	_ =	shalt  }
0x66: {  	_ =	shalt  }
0x67: {  	_ =	shalt  }
0x68: {  	_ =	shalt  }
0x69: {  	_ =	shalt  }
0x6a: {  	_ =	shalt  }
0x6b: {  	_ =	shalt  }
0x6c: {  	_ =	shalt  }
0x6d: {  	_ =	shalt  }
0x6e: {  	_ =	shalt  }
0x6f: {  	_ =	shalt  }
0x70: {  	_ =	shalt  }
0x71: {  	_ =	shalt  }
0x72: {  	_ =	shalt  }
0x73: {  	_ =	shalt  }
0x74: {  	_ =	shalt  }
0x75: {  	_ =	shalt  }
0x76: {  	_ =	shalt  }
0x77: {  	_ =	shalt  }
0x78: {  	_ =	shalt  }
0x79: {  	_ =	shalt  }
0x7a: {  	_ =	shalt  }
0x7b: {  	_ =	shalt  }
0x7c: {  	_ =	shalt  }
0x7d: {  	_ =	shalt  }
0x7e: {  	_ =	shalt  }
0x7f: {  	_ =	shalt  }
0x80: {  	_ =	shalt  }
0x81: {  	_ =	shalt  }
0x82: {  	_ =	shalt  }
0x83: {  	_ =	shalt  }
0x84: {  	_ =	shalt  }
0x85: {  	_ =	shalt  }
0x86: {  	_ =	shalt  }
0x87: {  	_ =	shalt  }
.Lfunc_end0:
.L_simem_size_0:
called_computation.2_lowered:
.L_overlay_start_0:
0x88: {  	s2 =	sld [smem:$0x3FD9]  }
0x89: {  	s3 =	sld [smem:$0x3FFE];
	_ =	sdelay $0x1  }
0x8a: {  	s1 =	srdreg.scid  }
0x8b: {  	s0 =	sand.u32 $0x1, s1  }
0x8c: {  	s17 =	sshll.u32 s0, $0xA;
	s2 =	sadd.s32 s3, s2  }
0x8d: {  	s2 =	sadd.s32 s2, s17  }
0x8e: {  	[smem:$0x3FBF] =	sst s2  }
0x8f: {  	_ = 	snop  }
0x90: {  	s18 =	sld [smem:$0x3FD0];
	(tm) =	ssettm $0x1  }
0x91: {  	s19 =	sld [smem:$0x3FFB];
	_ =	sdelay $0x3  }
0x92: {  	_ =	strace s19  }
0x93: {  	s2 =	sld [smem:$0x3FFC];
	_ =	sdelay $0x3  }
0x94: {  	_ =	strace s2  }
0x95: {  	s2 =	sld [smem:$0x3FFD];
	_ =	sdelay $0x3  }
0x96: {  	_ =	strace s2  }
0x97: {  	_ =	strace $0x8FFFFFFF  }
0x98: {  	s20 =	sld [smem:$0x3FDB];
	_ =	sdelay $0x1  }
0x99: {  	s4 =	simm.s32 $_scs_section_size  }
0x9a: {  	s5 =	simm.s32 $_size__tile_overlayer_lowered;
	s6 =	simm.s32 $_tile_overlayer_lowered  }
0x9b: {  	s7 =	simm.s32 $0x1BFF;
	s21 =	sshll.u32 s6, $0x1;
	s4 =	sadd.s32 s4, s20  }
0x9c: {  	s22 =	simm.s32 $0x0;
	s5 =	sshll.u32 s5, $0x1;
	s6 =	sadd.s32 s21, s4  }
0x9d: {  	[timem:s22], [sflag:s7] =	dma.local [hbm:s6], s5  }
0x9e: {  	_ =	swait.ge [sflag:s7], s5  }
0x9f: {  	s5 =	ssub.s32 $0x0, s5;
	[sflag:s7] =	ssyncset.done $0x0  }
0xa0: {  	[sflag:s7] =	ssyncadd.s32 s5;
	_ =	sdelay $0x1  }
0xa1: {  	s23 =	simm.s32 $0x1B8B  }
0xa2: {  	_ =	swait.ge [sflag:s23], $0x1  }
0xa3: {  	[sflag:s23] =	ssyncset.done $0x0  }
0xa4: {  	[sflag:s23] =	ssyncadd.s32 $0xFFFFFFFF  }
0xa5: {  	s5 =	sld [smem:$0x0]  }
0xa6: {  	s6 =	sand.u32 $0xFFFFFFFE, s1  }
0xa7: {  	p0 =	sne.s32 s1, s6  }
0xa8: {  	s6 =	sshll.u32 @p0 s6, $0xE  }
0xa9: {  	s6 =	sadd.s32 @p0 $0x11B8D, s6;
	s7 =	sshll.u32 @p0 s5, $0x11  }
0xaa: {  	s6 =	sor.u32 @p0 s7, s6  }
0xab: {  	[sflag:s6] =	ssyncadd.remote.s32 @p0 $0x1;
	_ =	sdelay $0x1  }
0xac: {  	s6 =	simm.s32 @p0 $0x1B8D  }
0xad: {  	_ =	swait.eq @p0 [sflag:s6], $0x1  }
0xae: {  	[sflag:s6] =	ssyncadd.s32 @p0 $0xFFFFFFFF  }
0xaf: {  	s7 =	sshll.u32 @!p0 s1, $0xE  }
0xb0: {  	s7 =	sor.u32 @!p0 $0x4000, s7;
	s6 =	simm.s32 @!p0 $0x1B8D  }
0xb1: {  	s5 =	sshll.u32 @!p0 s5, $0x11;
	s7 =	sadd.s32 @!p0 $0x11B8D, s7;
	_ =	swait.eq @!p0 [sflag:s6], $0x1  }
0xb2: {  	s5 =	sor.u32 @!p0 s5, s7;
	[sflag:s6] =	ssyncadd.s32 @!p0 $0xFFFFFFFF  }
0xb3: {  	s25 =	simm.s32 $0x1B8E;
	s24 =	sld [smem:$0x3FFE];
	[sflag:s5] =	ssyncadd.remote.s32 @!p0 $0x1  }
0xb4: {  	s26 =	simm.s32 $execute0_lowered;
	[smem:$0x3FD2] =	sst s25  }
0xb5: {  	s6 =	sshll.u32 s26, $0x1;
	_ =	strace $0x8000004C;
	[dreg:$0x1] =	wrdreg $0xFFFFFFFF  }
0xb6: {  	s28 =	simm.s32 $_size_execute0_lowered;
	s4 =	sadd.s32 s4, s6;
	[dreg:$0x0] =	wrdreg $0x0  }
0xb7: {  	s6 =	sshll.u32 s28, $0x1;
	[dreg:$0x2] =	wrdreg s4  }
0xb8: {  	[dreg:$0x3] =	wrdreg s6  }
0xb9: {  	[dreg:$0x4] =	wrdreg $0xC0  }
0xba: {  	_ =	task [dreg:s22], $0x5FFFF  }
0xbb: {  	[dreg:$0x1] =	wrdreg $0xFFFFFFFF  }
0xbc: {  	[dreg:$0x0] =	wrdreg $0x60  }
0xbd: {  	[dreg:$0x2] =	wrdreg s18  }
0xbe: {  	[dreg:$0x3] =	wrdreg s24  }
0xbf: {  	[dreg:$0x4] =	wrdreg $0xA  }
0xc0: {  	_ =	task.clear_ibuf [dreg:s22], $0x5FFFF;
	_ =	strace $0x9000004C  }
0xc1: {  	s29 =	simm.s32 $0xA;
	_ =	strace $0x8000004E  }
0xc2: {  	_ =	swait.ge [sflag:s29], $0x1  }
0xc3: {  	[sflag:s29] =	ssyncadd.s32 $0xFFFFFFFF  }
0xc4: {  	_ =	strace $0x9000004E  }
0xc5: {  	_ =	sfence  }
0xc6: {  	s30 =	sld [smem:$0x0];
	_ =	sdelay $0x2  }
0xc7: {  	s31 =	sshll.u32 s1, $0xD;
	s1 =	sshrl.u32 s1, $0x2  }
0xc8: {  	s4 =	sand.u32 $0x4000, s31;
	s1 =	sadd.s32 s1, s30  }
0xc9: {  	s0 =	sor.u32 s4, s0;
	s1 =	sshll.u32 s1, $0x11  }
0xca: {  	s0 =	sor.u32 s1, s0  }
0xcb: {  	s0 =	sadd.s32 $0x8F2B, s0  }
0xcc: {  	[sflag:s0] =	ssyncadd.remote.s32 $0x1  }
0xcd: {  	_ =	sfence.sel $0xFFFF  }
0xce: {  	[dreg:$0x0] =	wrdreg $0xFFFFFFFF;
	(pc) =	sbr.abs _section_cstart, $3  }
0xcf: {  	[dreg:$0x1] =	wrdreg $0xFFFFFFFF  }
0xd0: {  	_ =	task.clear_ibuf [dreg:s22], $0x2FFFF;
	_ =	strace $0x9FFFFFFF  }
0xd1: {  	(tm) =	ssettm $0x7FFFFFFF  }
tec
execute0_lowered:
.L_overlay_start_1:
0x0: {  	(tag) =	ssettag $0x1  }
0x1: {  	s4 =	rddreg [dreg:$0x0]  }
0x2: {  	s5 =	rddreg [dreg:$0x1]  }
0x3: {  	s0 =	rddreg [dreg:$0x2];
	s3 =	srdreg.scid  }
0x4: {  	s2 =	simm.s32 $0x0;
	s1 =	stileid.u32;
	s10 =	simm.s32 $0x3  }
0x5: {  	s11 =	simm.s32 $0x80;
	s12 =	simm.s32 $0x4200;
	s13 =	simm.s32 $0x1  }
0x6: {  	s14 =	simm.s32 $0x100;
	s15 =	simm.s32 $0x200;
	s16 =	simm.s32 $0x2  }
0x7: {  	s17 =	simm.s32 $0x180;
	s18 =	simm.s32 $0x0;
	s3 =	sand.u32 $0x1, s3  }
0x8: {  	[smem:$0x7FF] =	sst s2;
	s6 =	sshll.u32 s1, $0xA;
	s7 =	sshll.u32 s3, $0x9  }
0x9: {  	_ =	strace $0x8000004D;
	s30 =	ssub.s32 $0x2, s3;
	s6 =	sor.u32 s7, s6  }
0xa: {  	s3 =	sadd.s32 $0x1EE2400, s5;
	s9 =	sshrl.u32 s30, $0x1;
	s8 =	sshll.u32 s6, $0x3  }
0xb: {  	s9 =	ssub.s32 s30, s9;
	s31 =	sshrl.u32 s6, $0x3;
	s8 =	sadd.s32 s8, s5  }
0xc: {  	s4 =	sadd.s32 s4, s31;
	s9 =	smax.u32 s9, $0x1;
	s5 =	sadd.s32 $0x21C00, s8  }
0xd: {  	s6 =	sadd.s32 $0x22000, s8;
	s7 =	sadd.s32 $0x22400, s8;
	s8 =	sadd.s32 $0x22800, s8  }
.LBB2_1:
0xe: {  	[tilespmem:s2], [sflag:$0x3] =	stream.linear.gather [hbm4b:s4+s2], $0x200, $0x38;
	[tilespmem:$0x8200] =	vst v63  }
0xf: {  	_ =	swait.ge [sflag:s10], $0x200  }
0x10: {  	[sflag:s10] =	ssyncset.done $0x0  }
0x11: {  	[sflag:s10] =	ssyncadd.s32 $0xFFFFFE00  }
0x12: {  	[tilespmem:s15], [sflag:$0x1] =	stream.indirect.gather [hbm4b:s3+s11], $0x80, s2, s11, $0xb8;
	[tilespmem:$0x8200] =	vst v63  }
0x13: {  	_ = 	snop  }
0x14: {  	[tilespmem:s12], [sflag:$0x2] =	stream.indirect.gather [hbm4b:s3+s11], $0x80, s11, s11, $0xb8;
	[tilespmem:$0x8200] =	vst v63  }
0x15: {  	_ =	swait.ge [sflag:s13], $0x4000  }
0x16: {  	s19 =	simm.s32 $0x8;
	s22 =	sadd.s32 $0x0, s5;
	[sflag:s13] =	ssyncset.done $0x0  }
0x17: {  	s20 =	simm.s32 $0x280;
	s21 =	simm.s32 $0x200;
	[sflag:s13] =	ssyncadd.s32 $0xFFFFC000  }
.LBB2_2:
0x18: {  	[hbm4b:s22+s2] =	stream.linear.scatter [tilespmem:s21], [sflag:$0x3], $0x40, $0x38;
	[tilespmem:$0x8200] =	vst v63  }
0x19: {  	s22 =	smov.u32 s19;
	s21 =	smov.u32 s20;
	p0 =	sne.s32 s19, $0x3F8  }
.Ltmp0:
0x1a: {  	s19 =	sadd.s32 $0x8, s19;
	(pc) =	sbr.rel @p0 .LBB2_2-.Ltmp0, $2  }
0x1b: {  	_ =	sdelay $0x2  }
0x1c: {  	s20 =	sadd.s32 $0x80, s20;
	s22 =	sadd.s32 s22, s5  }
0x1d: {  	[hbm4b:s22+s2] =	stream.linear.scatter [tilespmem:s21], [sflag:$0x3], $0x40, $0x38;
	[tilespmem:$0x8200] =	vst v63  }
0x1e: {  	_ =	swait.ge [sflag:s10], $0x2000  }
0x1f: {  	[sflag:s10] =	ssyncset.done $0x0  }
0x20: {  	[sflag:s10] =	ssyncadd.s32 $0xFFFFE000  }
0x21: {  	[tilespmem:s15], [sflag:$0x1] =	stream.indirect.gather [hbm4b:s3+s11], $0x80, s14, s11, $0xb8;
	[tilespmem:$0x8200] =	vst v63  }
0x22: {  	_ =	swait.ge [sflag:s16], $0x4000  }
0x23: {  	s19 =	simm.s32 $0x4200;
	s20 =	simm.s32 $0x8;
	[sflag:s16] =	ssyncset.done $0x0  }
0x24: {  	s22 =	sadd.s32 $0x0, s6;
	s21 =	simm.s32 $0x4280;
	[sflag:s16] =	ssyncadd.s32 $0xFFFFC000  }
.LBB2_4:
0x25: {  	[hbm4b:s22+s2] =	stream.linear.scatter [tilespmem:s19], [sflag:$0x3], $0x40, $0x38;
	[tilespmem:$0x8200] =	vst v63  }
0x26: {  	s22 =	smov.u32 s20;
	s19 =	smov.u32 s21;
	p0 =	sne.s32 s20, $0x3F8  }
.Ltmp1:
0x27: {  	s20 =	sadd.s32 $0x8, s20;
	(pc) =	sbr.rel @p0 .LBB2_4-.Ltmp1, $2  }
0x28: {  	_ =	sdelay $0x2  }
0x29: {  	s21 =	sadd.s32 $0x80, s21;
	s22 =	sadd.s32 s22, s6  }
0x2a: {  	[hbm4b:s22+s2] =	stream.linear.scatter [tilespmem:s19], [sflag:$0x3], $0x40, $0x38;
	[tilespmem:$0x8200] =	vst v63  }
0x2b: {  	_ =	swait.ge [sflag:s10], $0x2000  }
0x2c: {  	[sflag:s10] =	ssyncset.done $0x0  }
0x2d: {  	[sflag:s10] =	ssyncadd.s32 $0xFFFFE000  }
0x2e: {  	[tilespmem:s12], [sflag:$0x2] =	stream.indirect.gather [hbm4b:s3+s11], $0x80, s17, s11, $0xb8;
	[tilespmem:$0x8200] =	vst v63  }
0x2f: {  	_ =	swait.ge [sflag:s13], $0x4000  }
0x30: {  	s19 =	simm.s32 $0x200;
	s20 =	simm.s32 $0x8;
	[sflag:s13] =	ssyncset.done $0x0  }
0x31: {  	s22 =	sadd.s32 $0x0, s7;
	s21 =	simm.s32 $0x280;
	[sflag:s13] =	ssyncadd.s32 $0xFFFFC000  }
.LBB2_6:
0x32: {  	[hbm4b:s22+s2] =	stream.linear.scatter [tilespmem:s19], [sflag:$0x3], $0x40, $0x38;
	[tilespmem:$0x8200] =	vst v63  }
0x33: {  	s22 =	smov.u32 s20;
	s19 =	smov.u32 s21;
	p0 =	sne.s32 s20, $0x3F8  }
.Ltmp2:
0x34: {  	s20 =	sadd.s32 $0x8, s20;
	(pc) =	sbr.rel @p0 .LBB2_6-.Ltmp2, $2  }
0x35: {  	_ =	sdelay $0x2  }
0x36: {  	s21 =	sadd.s32 $0x80, s21;
	s22 =	sadd.s32 s22, s7  }
0x37: {  	[hbm4b:s22+s2] =	stream.linear.scatter [tilespmem:s19], [sflag:$0x3], $0x40, $0x38;
	[tilespmem:$0x8200] =	vst v63  }
0x38: {  	_ =	swait.ge [sflag:s10], $0x2000  }
0x39: {  	[sflag:s10] =	ssyncset.done $0x0  }
0x3a: {  	[sflag:s10] =	ssyncadd.s32 $0xFFFFE000  }
0x3b: {  	_ =	swait.ge [sflag:s16], $0x4000  }
0x3c: {  	s19 =	simm.s32 $0x4200;
	s20 =	simm.s32 $0x8;
	[sflag:s16] =	ssyncset.done $0x0  }
0x3d: {  	s22 =	sadd.s32 $0x0, s8;
	s21 =	simm.s32 $0x4280;
	[sflag:s16] =	ssyncadd.s32 $0xFFFFC000  }
.LBB2_8:
0x3e: {  	[hbm4b:s22+s2] =	stream.linear.scatter [tilespmem:s19], [sflag:$0x3], $0x40, $0x38;
	[tilespmem:$0x8200] =	vst v63  }
0x3f: {  	s22 =	smov.u32 s20;
	s19 =	smov.u32 s21;
	p0 =	sne.s32 s20, $0x3F8  }
.Ltmp3:
0x40: {  	s20 =	sadd.s32 $0x8, s20;
	(pc) =	sbr.rel @p0 .LBB2_8-.Ltmp3, $2  }
0x41: {  	_ =	sdelay $0x2  }
0x42: {  	s21 =	sadd.s32 $0x80, s21;
	s22 =	sadd.s32 s22, s8  }
0x43: {  	s18 =	sadd.s32 $0x1, s18  }
0x44: {  	p0 =	sne.s32 s18, s9  }
.Ltmp4:
0x45: {  	_ = 	snop;
	(pc) =	sbr.rel @p0 .LBB2_1-.Ltmp4, $4  }
0x46: {  	[hbm4b:s22+s2] =	stream.linear.scatter [tilespmem:s19], [sflag:$0x3], $0x40, $0x38;
	[tilespmem:$0x8200] =	vst v63  }
0x47: {  	_ =	swait.ge [sflag:s10], $0x2000  }
0x48: {  	[sflag:s10] =	ssyncset.done $0x0  }
0x49: {  	[sflag:s10] =	ssyncadd.s32 $0xFFFFE000  }
0x4a: {  	_ =	sfence.sel $0x180000  }
0x4b: {  	[bflag:$0x0] =	sbarrier.arrive $0xFFFF  }
0x4c: {  	p0 =	sne.s32 s1, $0x0;
	_ =	strace $0x9000004D  }
0x4d: {  	s0 =	sadd.s32 @!p0 $0x100000, s0;
	[bflag:$0x2] =	sbarrier.arrive $0xFFFF  }
0x4e: {  	[sflag:s0] =	ssyncadd.tile.s32 @!p0 $0x1;
	_ =	shalt  }
.Lfunc_end2:
_tile_overlayer_lowered:
.L_overlay_start_2:
0x4f: {  	(tag) =	ssettag $0x2  }
0x50: {  	s0 =	rddreg [dreg:$0x0];
	s2 =	stileid.u32  }
0x51: {  	s1 =	rddreg [dreg:$0x1];
	p0 =	sne.s32 s2, $0x0  }
0x52: {  	s3 =	rddreg [dreg:$0x2];
	[bflag:$0x3] =	sbarrier.arrive $0xFFFF;
	s2 =	simm.s32 @!p0 $0x1C03  }
0x53: {  	[timem:s3], [sflag:s2] =	dma.local @!p0 [hbm:s0], s1  }
0x54: {  	s0 =	simm.s32 @!p0 $0x3  }
0x55: {  	_ =	swait.ge @!p0 [sflag:s0], s1  }
0x56: {  	s1 =	ssub.s32 @!p0 $0x0, s1;
	[sflag:s0] =	ssyncset.done @!p0 $0x0  }
0x57: {  	[sflag:s0] =	ssyncadd.s32 @!p0 s1  }
0x58: {  	[bflag:$0x3] =	sbarrier.arrive $0xFFFF  }
0x59: {  	_ =	shalt  }

// kernel: kernel.6.cloned.1.call-start
scs
__scs_entry_jumppad:
0x0: {  	(pc) =	sbr.rel $0x88, $3  }
0x1: {  	(tag) =	ssettag $0x0;
	lr =	simm.s32 $0x1  }
0x2: {  	[smem:$0x3F98] =	sst lr;
	_ =	strace $0xD0000000  }
0x3: {  	_ = 	snop  }
0x4: {  	_ = 	snop  }
0x5: {  	_ = 	snop  }
0x6: {  	_ = 	snop  }
0x7: {  	_ = 	snop  }
__scs_overlays_trampoline_lowered:
0x8: {  	[smem:$0x3FA7] =	sst s0  }
0x9: {  	[smem:$0x3FA8] =	sst s1  }
0xa: {  	[smem:$0x3FA9] =	sst s2  }
0xb: {  	[smem:$0x3FAA] =	sst s3  }
0xc: {  	[smem:$0x3FAB] =	sst s4  }
0xd: {  	[smem:$0x3FAC] =	sst s5  }
0xe: {  	[smem:$0x3FAD] =	sst s6  }
0xf: {  	[smem:$0x3FAE] =	sst s7  }
0x10: {  	[smem:$0x3FAF] =	sst s8  }
0x11: {  	[smem:$0x3FB0] =	sst s9;
	s0 =	simm.s32 @!p0 $0x0  }
0x12: {  	s1 =	sld [smem:$0x3F96];
	s0 =	simm.s32 @p0 $0x1  }
0x13: {  	[smem:$0x3FB1] =	sst s0;
	s0 =	simm.s32 @!p1 $0x0  }
0x14: {  	s2 =	sld [smem:$0x3F95];
	s0 =	simm.s32 @p1 $0x1  }
0x15: {  	[smem:$0x3FB2] =	sst s0;
	s0 =	simm.s32 @!p2 $0x0  }
0x16: {  	s3 =	sld [smem:$0x3FDB];
	s0 =	simm.s32 @p2 $0x1  }
0x17: {  	s4 =	simm.s32 $0x1BF5;
	[smem:$0x3FB4] =	sst s0  }
0x18: {  	s0 =	sld [smem:$0x3F97];
	_ =	swait.ge [sflag:s4], $0x0  }
0x19: {  	s7 =	sld [smem:$0x3F98]  }
0x1a: {  	s8 =	sadd.s32 $0xFFFFE003, lr  }
0x1b: {  	s9 =	sadd.s32 $0xFFFFFEF7, lr;
	s5 =	simm.s32 $0xFFFFFFFF;
	p2 =	slt.u32 s8, $0xFFFFF086  }
0x1c: {  	p1 =	slt.u32 s9, $0xF7A;
	s5 =	simm.s32 @!p2 $0x0  }
0x1d: {  	s5 =	simm.s32 @p1 $0x1;
	p0 =	seq.s32 s7, s2  }
0x1e: {  	s7 =	smul.u32 @!p0 $0xF7A, s2;
	p2 =	seq.s32 @!p0 s5, $0x0  }
0x1f: {  	s9 =	smul.u32 $0xF7A, s1;
	s8 =	simm.s32 @!p0 $0x1BF5;
	p2 =	por !p2, p0  }
0x20: {  	[sflag:s8] =	ssyncset.s32 @!p0 $0xFFFFF086;
	s6 =	sadd.s32 @!p0 s3, s7;
	s7 =	simm.s32 @!p0 $0x108  }
0x21: {  	s3 =	sadd.s32 s3, s9;
	s6 =	sadd.s32 @!p0 $0x88, s6;
	s7 =	simm.s32 @p2 $0x1082  }
0x22: {  	[simem:s7], [sflag:s8] =	dma.local @!p0 [hbm:s6], $0xF7A  }
0x23: {  	s9 =	sor.u32 $0xD0000000, s2;
	s6 =	simm.s32 $0x108;
	_ =	swait.ge @!p0 [sflag:s8], $0x0  }
0x24: {  	s3 =	sadd.s32 $0x88, s3;
	s6 =	simm.s32 @!p1 $0x1082;
	[sflag:s4] =	ssyncset.s32 $0xFFFFF086  }
0x25: {  	[simem:s6], [sflag:s4] =	dma.local [hbm:s3], $0xF7A  }
0x26: {  	[smem:$0x3F98] =	sst s1;
	(tag) =	ssettag s2;
	_ =	strace s9  }
0x27: {  	s1 =	sld [smem:$0x3FA8]  }
0x28: {  	s2 =	sld [smem:$0x3FA9]  }
0x29: {  	s4 =	sld [smem:$0x3FAB]  }
0x2a: {  	p0 =	seq.s32 s5, $0x0;
	s5 =	sld [smem:$0x3FAC]  }
0x2b: {  	s6 =	sld [smem:$0x3FAD]  }
0x2c: {  	s7 =	sld [smem:$0x3FAE]  }
0x2d: {  	s3 =	simm.s32 $0x108;
	s8 =	sld [smem:$0x3FAF]  }
0x2e: {  	s3 =	simm.s32 @!p0 $0x1082;
	s9 =	sld [smem:$0x3FB0]  }
0x2f: {  	lr =	sadd.s32 s0, s3;
	s0 =	sld [smem:$0x3FA7]  }
0x30: {  	s3 =	sld [smem:$0x3FAA]  }
0x31: {  	[smem:$0x3FB3] =	sst s10  }
0x32: {  	s10 =	sld [smem:$0x3FB1];
	_ =	sdelay $0x3  }
0x33: {  	p0 =	seq.s32 s10, $0x1;
	s10 =	sld [smem:$0x3FB3];
	_ =	sdelay $0x3  }
0x34: {  	[smem:$0x3FB3] =	sst s10  }
0x35: {  	s10 =	sld [smem:$0x3FB2];
	_ =	sdelay $0x3  }
0x36: {  	p1 =	seq.s32 s10, $0x1;
	s10 =	sld [smem:$0x3FB3];
	_ =	sdelay $0x3  }
0x37: {  	[smem:$0x3FB3] =	sst s10  }
0x38: {  	s10 =	sld [smem:$0x3FB4]  }
0x39: {  	_ = 	snop;
	(pc) =	sbr.ind lr, $3  }
0x3a: {  	_ = 	snop  }
0x3b: {  	_ = 	snop  }
0x3c: {  	p2 =	seq.s32 s10, $0x1;
	s10 =	sld [smem:$0x3FB3]  }
0x3d: {  	_ =	shalt  }
0x3e: {  	_ =	shalt  }
0x3f: {  	_ =	shalt  }
0x40: {  	_ =	shalt  }
0x41: {  	_ =	shalt  }
0x42: {  	_ =	shalt  }
0x43: {  	_ =	shalt  }
0x44: {  	_ =	shalt  }
0x45: {  	_ =	shalt  }
0x46: {  	_ =	shalt  }
0x47: {  	_ =	shalt  }
0x48: {  	_ =	shalt  }
0x49: {  	_ =	shalt  }
0x4a: {  	_ =	shalt  }
0x4b: {  	_ =	shalt  }
0x4c: {  	_ =	shalt  }
0x4d: {  	_ =	shalt  }
0x4e: {  	_ =	shalt  }
0x4f: {  	_ =	shalt  }
0x50: {  	_ =	shalt  }
0x51: {  	_ =	shalt  }
0x52: {  	_ =	shalt  }
0x53: {  	_ =	shalt  }
0x54: {  	_ =	shalt  }
0x55: {  	_ =	shalt  }
0x56: {  	_ =	shalt  }
0x57: {  	_ =	shalt  }
0x58: {  	_ =	shalt  }
0x59: {  	_ =	shalt  }
0x5a: {  	_ =	shalt  }
0x5b: {  	_ =	shalt  }
0x5c: {  	_ =	shalt  }
0x5d: {  	_ =	shalt  }
0x5e: {  	_ =	shalt  }
0x5f: {  	_ =	shalt  }
0x60: {  	_ =	shalt  }
0x61: {  	_ =	shalt  }
0x62: {  	_ =	shalt  }
0x63: {  	_ =	shalt  }
0x64: {  	_ =	shalt  }
0x65: {  	_ =	shalt  }
0x66: {  	_ =	shalt  }
0x67: {  	_ =	shalt  }
0x68: {  	_ =	shalt  }
0x69: {  	_ =	shalt  }
0x6a: {  	_ =	shalt  }
0x6b: {  	_ =	shalt  }
0x6c: {  	_ =	shalt  }
0x6d: {  	_ =	shalt  }
0x6e: {  	_ =	shalt  }
0x6f: {  	_ =	shalt  }
0x70: {  	_ =	shalt  }
0x71: {  	_ =	shalt  }
0x72: {  	_ =	shalt  }
0x73: {  	_ =	shalt  }
0x74: {  	_ =	shalt  }
0x75: {  	_ =	shalt  }
0x76: {  	_ =	shalt  }
0x77: {  	_ =	shalt  }
0x78: {  	_ =	shalt  }
0x79: {  	_ =	shalt  }
0x7a: {  	_ =	shalt  }
0x7b: {  	_ =	shalt  }
0x7c: {  	_ =	shalt  }
0x7d: {  	_ =	shalt  }
0x7e: {  	_ =	shalt  }
0x7f: {  	_ =	shalt  }
0x80: {  	_ =	shalt  }
0x81: {  	_ =	shalt  }
0x82: {  	_ =	shalt  }
0x83: {  	_ =	shalt  }
0x84: {  	_ =	shalt  }
0x85: {  	_ =	shalt  }
0x86: {  	_ =	shalt  }
0x87: {  	_ =	shalt  }
.Lfunc_end0:
.L_simem_size_0:
called_computation_lowered:
.L_overlay_start_0:
0x88: {  	s2 =	sld [smem:$0x3FD9]  }
0x89: {  	s3 =	sld [smem:$0x3FFE];
	_ =	sdelay $0x1  }
0x8a: {  	s1 =	srdreg.scid  }
0x8b: {  	s0 =	sand.u32 $0x1, s1  }
0x8c: {  	s17 =	sshll.u32 s0, $0xA;
	s2 =	sadd.s32 s3, s2  }
0x8d: {  	s2 =	sadd.s32 s2, s17  }
0x8e: {  	[smem:$0x3FBF] =	sst s2  }
0x8f: {  	_ = 	snop  }
0x90: {  	s2 =	sld [smem:$0x3FD0];
	(tm) =	ssettm $0x1  }
0x91: {  	s18 =	sld [smem:$0x3FFB];
	_ =	sdelay $0x3  }
0x92: {  	_ =	strace s18  }
0x93: {  	s3 =	sld [smem:$0x3FFC];
	_ =	sdelay $0x3  }
0x94: {  	_ =	strace s3  }
0x95: {  	s3 =	sld [smem:$0x3FFD];
	_ =	sdelay $0x3  }
0x96: {  	_ =	strace s3  }
0x97: {  	_ =	strace $0x8FFFFFFF  }
0x98: {  	s19 =	sld [smem:$0x3FDB];
	_ =	sdelay $0x1  }
0x99: {  	s4 =	simm.s32 $_scs_section_size  }
0x9a: {  	s5 =	simm.s32 $_size__tile_overlayer_lowered;
	s6 =	simm.s32 $_tile_overlayer_lowered  }
0x9b: {  	s22 =	simm.s32 $0x1BFF;
	s21 =	sshll.u32 s6, $0x1;
	s3 =	sadd.s32 s4, s19  }
0x9c: {  	s7 =	simm.s32 $0x0;
	s20 =	sshll.u32 s5, $0x1;
	s5 =	sadd.s32 s21, s3  }
0x9d: {  	[timem:s7], [sflag:s22] =	dma.local [hbm:s5], s20  }
0x9e: {  	_ =	swait.ge [sflag:s22], s20  }
0x9f: {  	s4 =	ssub.s32 $0x0, s20;
	[sflag:s22] =	ssyncset.done $0x0  }
0xa0: {  	[sflag:s22] =	ssyncadd.s32 s4;
	_ =	sdelay $0x1  }
0xa1: {  	s23 =	simm.s32 $0x1B8B  }
0xa2: {  	_ =	swait.ge [sflag:s23], $0x1  }
0xa3: {  	[sflag:s23] =	ssyncset.done $0x0  }
0xa4: {  	s25 =	simm.s32 $0x1B8E;
	s24 =	sld [smem:$0x3FFE];
	[sflag:s23] =	ssyncadd.s32 $0xFFFFFFFF  }
0xa5: {  	s26 =	simm.s32 $execute0_lowered;
	[smem:$0x3FD2] =	sst s25  }
0xa6: {  	s5 =	sshll.u32 s26, $0x1;
	_ =	strace $0x80000046;
	[dreg:$0x1] =	wrdreg $0xFFFFFFFF  }
0xa7: {  	s28 =	simm.s32 $_size_execute0_lowered;
	s3 =	sadd.s32 s3, s5;
	[dreg:$0x0] =	wrdreg $0x0  }
0xa8: {  	s5 =	sshll.u32 s28, $0x1;
	[dreg:$0x2] =	wrdreg s3  }
0xa9: {  	[dreg:$0x3] =	wrdreg s5  }
0xaa: {  	[dreg:$0x4] =	wrdreg $0xC0  }
0xab: {  	_ =	task [dreg:s7], $0x5FFFF  }
0xac: {  	[dreg:$0x1] =	wrdreg $0xFFFFFFFF  }
0xad: {  	[dreg:$0x0] =	wrdreg $0x60  }
0xae: {  	[dreg:$0x2] =	wrdreg s24  }
0xaf: {  	[dreg:$0x3] =	wrdreg s2  }
0xb0: {  	[dreg:$0x4] =	wrdreg $0x9  }
0xb1: {  	_ =	task.clear_ibuf [dreg:s7], $0x5FFFF;
	_ =	strace $0x90000046  }
0xb2: {  	s29 =	simm.s32 $0x9;
	_ =	strace $0x80000048  }
0xb3: {  	_ =	swait.ge [sflag:s29], $0x1  }
0xb4: {  	[sflag:s29] =	ssyncadd.s32 $0xFFFFFFFF  }
0xb5: {  	_ =	strace $0x90000048  }
0xb6: {  	_ =	sfence  }
0xb7: {  	s30 =	sld [smem:$0x0];
	_ =	sdelay $0x2  }
0xb8: {  	s31 =	sshll.u32 s1, $0xD;
	s1 =	sshrl.u32 s1, $0x2  }
0xb9: {  	s3 =	sand.u32 $0x4000, s31;
	s1 =	sadd.s32 s1, s30  }
0xba: {  	s0 =	sor.u32 s3, s0;
	s1 =	sshll.u32 s1, $0x11  }
0xbb: {  	s0 =	sor.u32 s1, s0  }
0xbc: {  	s0 =	sadd.s32 $0x8F2B, s0  }
0xbd: {  	[sflag:s0] =	ssyncadd.remote.s32 $0x1  }
0xbe: {  	_ =	sfence.sel $0xFFFF  }
0xbf: {  	[dreg:$0x0] =	wrdreg $0xFFFFFFFF;
	(pc) =	sbr.abs _section_cstart, $3  }
0xc0: {  	[dreg:$0x1] =	wrdreg $0xFFFFFFFF  }
0xc1: {  	_ =	task.clear_ibuf [dreg:s7], $0x2FFFF;
	_ =	strace $0x9FFFFFFF  }
0xc2: {  	(tm) =	ssettm $0x7FFFFFFF  }
0xc3: {  	_ =	shalt  }
tec
execute0_lowered:
.L_overlay_start_1:
0x0: {  	(tag) =	ssettag $0x1  }
0x1: {  	s3 =	rddreg [dreg:$0x0];
	v0 =	vimm.s32 $0x43218765  }
0x2: {  	s1 =	srdreg.scid;
	s0 =	stileid.u32;
	v2 =	vunpack.c.l.s4.s8 v0  }
0x3: {  	v1 =	vimm.s32 $0x80;
	vm0 =	vcmask $0xB00;
	s8 =	rddreg [dreg:$0x1];
	s2 =	simm.s32 $0x0;
	v3 =	vimm.s32 $0x323130;
	s12 =	simm.s32 $0xB000  }
0x4: {  	v5 =	vimm.s32 $0xC0B0A09;
	vm14 =	vcmask $0x2F10;
	s4 =	sand.u32 $0x1, s1;
	s5 =	sshll.u32 s0, $0x1;
	s1 =	rddreg [dreg:$0x2];
	v4 =	vunpack.c.0.s8.s32 v2  }
0x5: {  	vm15 =	vcmask $0x3F30;
	s13 =	simm.s32 $0x0;
	v0 =	vsel vm0, $0x0, v1;
	[smem:$0x7FF] =	sst s2;
	v3 =	vunpack.c.0.s8.s32 v3;
	s9 =	sor.u32 s4, s5  }
0x6: {  	v1 =	vlaneseq.u32;
	v5 =	vunpack.c.0.s8.s32 v5;
	s4 =	ssub.s32 $0x2, s4;
	_ =	strace $0x80000047;
	s5 =	smul.u32 $0xE00, s9;
	v4 =	vand.u32 $0xF, v4  }
0x7: {  	v7 =	vadd.s32 $0x9D, v1;
	s6 =	sshll.u32 s9, $0xD;
	s7 =	sshrl.u32 s4, $0x1;
	s9 =	sshll.u32 s9, $0x6;
	v6 =	vsel vm14, v4, v3;
	v3 =	vmul.u32 $0x80, v1  }
0x8: {  	v8 =	vadd.s32 $0xAD, v1;
	v2 =	vor.u32 $0x10, v1;
	s6 =	sadd.s32 s6, s3;
	s11 =	ssub.s32 s4, s7;
	s8 =	sadd.s32 s8, s9;
	v4 =	vor.u32 $0x20, v1  }
0x9: {  	s10 =	sadd.s32 s5, s3;
	s3 =	sadd.s32 $0x1C00, s6;
	s4 =	sadd.s32 $0x2400, s6;
	v5 =	vsel vm15, v5, v6;
	v6 =	vadd.s32 $0x8D, v1;
	v9 =	vor.u32 $0x800, v3  }
0xa: {  	s5 =	sadd.s32 $0x2C00, s6;
	s6 =	sadd.s32 $0x3400, s6;
	s9 =	smax.u32 s11, $0x1;
	v10 =	vor.u32 $0x1000, v3;
	v11 =	vor.u32 $0x1800, v3;
	v12 =	vor.u32 $0x2000, v3  }
0xb: {  	s11 =	simm.s32 $0x4000;
	s7 =	sadd.s32 $0x41C00, s10;
	s10 =	simm.s32 $0x1;
	v13 =	vor.u32 $0x2800, v3;
	v14 =	vor.u32 $0x3000, v3;
	v15 =	vor.u32 $0x3800, v3  }
.LBB2_1:
0xc: {  	v16 =	vmov s2  }
0xd: {  	v16 =	vshll.u32 v16, $0x7  }
0xe: {  	v17 =	vor.u32 v1, v16  }
0xf: {  	[tilespmem:s2], [sflag:$0x1] =	stream.linear.gather [hbm4b:s3+s2], $0x4000, $0x38;
	[tilespmem:$0xB200] =	vst v63  }
0x10: {  	_ =	swait.ge [sflag:s10], $0x4000  }
0x11: {  	[sflag:s10] =	ssyncset.done $0x0  }
0x12: {  	[sflag:s10] =	ssyncadd.s32 $0xFFFFC000  }
0x13: {  	v17 =	vld.idx.msk [tilespmem:v17+s2+$0x0], $0xffff  }
0x14: {  	v18 =	vor.u32 v2, v16;
	_ =	sdelay $0x2  }
0x15: {  	s14 =	simm.s32 $0x4070  }
0x16: {  	[tilespmem:s14+$0xFFFFFF90] =	vst v17  }
0x17: {  	v17 =	vld.idx.msk [tilespmem:v18+s2+$0x0], $0xffff  }
0x18: {  	v18 =	vor.u32 v4, v16;
	_ =	sdelay $0x3  }
0x19: {  	[tilespmem:s14+$0xFFFFFFA0] =	vst v17  }
0x1a: {  	v17 =	vld.idx.msk [tilespmem:v18+s2+$0x0], $0xffff;
	v18 =	vor.u32 v0, v16  }
0x1b: {  	v18 =	vor.u32 v5, v18;
	_ =	sdelay $0x3  }
0x1c: {  	[tilespmem:s14+$0xFFFFFFB0] =	vst v17  }
0x1d: {  	v17 =	vld.idx.msk [tilespmem:v18+s2+$0x0], $0xffff  }
0x1e: {  	v18 =	vor.u32 v6, v16;
	_ =	sdelay $0x3  }
0x1f: {  	[tilespmem:s14+$0xFFFFFFC0] =	vst v17  }
0x20: {  	v17 =	vld.idx.msk [tilespmem:v18+s2+$0x0], $0xffff  }
0x21: {  	v18 =	vor.u32 v7, v16;
	_ =	sdelay $0x3  }
0x22: {  	[tilespmem:s14+$0xFFFFFFD0] =	vst v17  }
0x23: {  	v17 =	vld.idx.msk [tilespmem:v18+s2+$0x0], $0xffff  }
0x24: {  	v16 =	vor.u32 v8, v16;
	_ =	sdelay $0x2  }
0x25: {  	s15 =	simm.s32 $0x2  }
0x26: {  	[tilespmem:s14+$0xFFFFFFE0] =	vst v17;
	v17 =	vmov s15  }
0x27: {  	v16 =	vld.idx.msk [tilespmem:v16+s2+$0x0], $0xffff;
	v17 =	vshll.u32 v17, $0x7  }
0x28: {  	v18 =	vor.u32 v1, v17;
	_ =	sdelay $0x3  }
0x29: {  	[tilespmem:s14+$0xFFFFFFF0] =	vst v16  }
0x2a: {  	v16 =	vld.idx.msk [tilespmem:v18+s2+$0x0], $0xffff  }
0x2b: {  	v18 =	vor.u32 v2, v17;
	_ =	sdelay $0x3  }
0x2c: {  	[tilespmem:s14+$0x0] =	vst v16  }
0x2d: {  	v16 =	vld.idx.msk [tilespmem:v18+s2+$0x0], $0xffff  }
0x2e: {  	v18 =	vor.u32 v4, v17;
	_ =	sdelay $0x3  }
0x2f: {  	[tilespmem:s14+$0x10] =	vst v16  }
0x30: {  	v16 =	vld.idx.msk [tilespmem:v18+s2+$0x0], $0xffff;
	v18 =	vor.u32 v0, v17  }
0x31: {  	v18 =	vor.u32 v5, v18;
	_ =	sdelay $0x3  }
0x32: {  	[tilespmem:s14+$0x20] =	vst v16  }
0x33: {  	v16 =	vld.idx.msk [tilespmem:v18+s2+$0x0], $0xffff  }
0x34: {  	v18 =	vor.u32 v6, v17;
	_ =	sdelay $0x3  }
0x35: {  	[tilespmem:s14+$0x30] =	vst v16  }
0x36: {  	v16 =	vld.idx.msk [tilespmem:v18+s2+$0x0], $0xffff  }
0x37: {  	v18 =	vor.u32 v7, v17;
	_ =	sdelay $0x3  }
0x38: {  	[tilespmem:s14+$0x40] =	vst v16  }
0x39: {  	v18 =	vld.idx.msk [tilespmem:v18+s2+$0x0], $0xffff  }
0x3a: {  	v16 =	vor.u32 v8, v17;
	_ =	sdelay $0x3  }
0x3b: {  	s16 =	simm.s32 $0x4;
	s15 =	simm.s32 $0x0;
	[tilespmem:s14+$0x50] =	vst v18  }
.LBB2_2:
0x3c: {  	v17 =	vmov s16;
	s15 =	sadd.s32 $0x2, s15;
	v16 =	vld.idx.msk [tilespmem:v16+s2+$0x0], $0xffff  }
0x3d: {  	v17 =	vshll.u32 v17, $0x7;
	p0 =	slt.u32 s15, $0x3E  }
0x3e: {  	v18 =	vor.u32 v1, v17;
	_ =	sdelay $0x3  }
0x3f: {  	[tilespmem:s14+$0x60] =	vst v16  }
0x40: {  	v16 =	vld.idx.msk [tilespmem:v18+s2+$0x0], $0xffff;
	_ =	sdelay $0x1  }
0x41: {  	v18 =	vor.u32 v2, v17;
	_ =	sdelay $0x2  }
0x42: {  	s14 =	sadd.s32 $0xE0, s14  }
0x43: {  	[tilespmem:s14+$0xFFFFFF90] =	vst v16  }
0x44: {  	v16 =	vld.idx.msk [tilespmem:v18+s2+$0x0], $0xffff;
	_ =	sdelay $0x1  }
0x45: {  	v18 =	vor.u32 v4, v17;
	_ =	sdelay $0x3  }
0x46: {  	[tilespmem:s14+$0xFFFFFFA0] =	vst v16  }
0x47: {  	v16 =	vld.idx.msk [tilespmem:v18+s2+$0x0], $0xffff  }
0x48: {  	v18 =	vor.u32 v0, v17  }
0x49: {  	v18 =	vor.u32 v5, v18;
	_ =	sdelay $0x3  }
0x4a: {  	[tilespmem:s14+$0xFFFFFFB0] =	vst v16  }
0x4b: {  	v16 =	vld.idx.msk [tilespmem:v18+s2+$0x0], $0xffff;
	_ =	sdelay $0x1  }
0x4c: {  	v18 =	vor.u32 v6, v17;
	_ =	sdelay $0x3  }
0x4d: {  	[tilespmem:s14+$0xFFFFFFC0] =	vst v16  }
0x4e: {  	v16 =	vld.idx.msk [tilespmem:v18+s2+$0x0], $0xffff;
	_ =	sdelay $0x1  }
0x4f: {  	v18 =	vor.u32 v7, v17;
	_ =	sdelay $0x3  }
0x50: {  	[tilespmem:s14+$0xFFFFFFD0] =	vst v16  }
0x51: {  	v16 =	vld.idx.msk [tilespmem:v18+s2+$0x0], $0xffff;
	_ =	sdelay $0x1  }
0x52: {  	v17 =	vor.u32 v8, v17;
	_ =	sdelay $0x3  }
0x53: {  	s17 =	sadd.s32 $0x2, s16;
	[tilespmem:s14+$0xFFFFFFE0] =	vst v16  }
0x54: {  	v16 =	vld.idx.msk [tilespmem:v17+s2+$0x0], $0xffff;
	v17 =	vmov s17  }
0x55: {  	v17 =	vshll.u32 v17, $0x7  }
0x56: {  	v18 =	vor.u32 v1, v17;
	_ =	sdelay $0x3  }
0x57: {  	[tilespmem:s14+$0xFFFFFFF0] =	vst v16  }
0x58: {  	v16 =	vld.idx.msk [tilespmem:v18+s2+$0x0], $0xffff;
	_ =	sdelay $0x1  }
0x59: {  	v18 =	vor.u32 v2, v17;
	_ =	sdelay $0x3  }
0x5a: {  	[tilespmem:s14+$0x0] =	vst v16  }
0x5b: {  	v16 =	vld.idx.msk [tilespmem:v18+s2+$0x0], $0xffff;
	_ =	sdelay $0x1  }
0x5c: {  	v18 =	vor.u32 v4, v17;
	_ =	sdelay $0x3  }
0x5d: {  	[tilespmem:s14+$0x10] =	vst v16  }
0x5e: {  	v16 =	vld.idx.msk [tilespmem:v18+s2+$0x0], $0xffff  }
0x5f: {  	v18 =	vor.u32 v0, v17  }
0x60: {  	v18 =	vor.u32 v5, v18;
	_ =	sdelay $0x3  }
0x61: {  	[tilespmem:s14+$0x20] =	vst v16  }
0x62: {  	v16 =	vld.idx.msk [tilespmem:v18+s2+$0x0], $0xffff;
	_ =	sdelay $0x1  }
0x63: {  	v18 =	vor.u32 v6, v17;
	_ =	sdelay $0x3  }
0x64: {  	[tilespmem:s14+$0x30] =	vst v16  }
0x65: {  	v16 =	vld.idx.msk [tilespmem:v18+s2+$0x0], $0xffff;
	_ =	sdelay $0x1  }
0x66: {  	v18 =	vor.u32 v7, v17;
	_ =	sdelay $0x3  }
0x67: {  	[tilespmem:s14+$0x40] =	vst v16  }
0x68: {  	v18 =	vld.idx.msk [tilespmem:v18+s2+$0x0], $0xffff;
	_ =	sdelay $0x1  }
.Ltmp0:
0x69: {  	v16 =	vor.u32 v8, v17;
	(pc) =	sbr.rel @p0 .LBB2_2-.Ltmp0, $2  }
0x6a: {  	_ =	sdelay $0x2  }
0x6b: {  	s16 =	sadd.s32 $0x4, s16;
	[tilespmem:s14+$0x50] =	vst v18  }
0x6c: {  	_ =	sdelay $0x3  }
0x6d: {  	v16 =	vld.idx.msk [tilespmem:v16+s2+$0x0], $0xffff;
	_ =	sdelay $0x4  }
0x6e: {  	[tilespmem:s14+$0x60] =	vst v16  }
0x6f: {  	v16 =	vld.idx.msk [tilespmem:v3+s2+$0x0], $0xffff;
	_ =	sdelay $0x4  }
0x70: {  	[tilespmem:$0xB000] =	vst v16  }
0x71: {  	v16 =	vld.idx.msk [tilespmem:v9+s2+$0x0], $0xffff;
	_ =	sdelay $0x4  }
0x72: {  	[tilespmem:$0xB010] =	vst v16  }
0x73: {  	v16 =	vld.idx.msk [tilespmem:v10+s2+$0x0], $0xffff;
	_ =	sdelay $0x4  }
0x74: {  	[tilespmem:$0xB020] =	vst v16  }
0x75: {  	v16 =	vld.idx.msk [tilespmem:v11+s2+$0x0], $0xffff;
	_ =	sdelay $0x4  }
0x76: {  	[tilespmem:$0xB030] =	vst v16  }
0x77: {  	v16 =	vld.idx.msk [tilespmem:v12+s2+$0x0], $0xffff;
	_ =	sdelay $0x4  }
0x78: {  	[tilespmem:$0xB040] =	vst v16  }
0x79: {  	v16 =	vld.idx.msk [tilespmem:v13+s2+$0x0], $0xffff;
	_ =	sdelay $0x4  }
0x7a: {  	[tilespmem:$0xB050] =	vst v16  }
0x7b: {  	v16 =	vld.idx.msk [tilespmem:v14+s2+$0x0], $0xffff;
	_ =	sdelay $0x4  }
0x7c: {  	[tilespmem:$0xB060] =	vst v16  }
0x7d: {  	v16 =	vld.idx.msk [tilespmem:v15+s2+$0x0], $0xffff;
	_ =	sdelay $0x1  }
0x7e: {  	s31 =	simm.s32 $0x0  }
0x7f: {  	v17 =	vmov s31  }
0x80: {  	v17 =	vshll.u32 v17, $0x7  }
0x81: {  	[tilespmem:$0xB070] =	vst v16;
	v16 =	vor.u32 v1, v17  }
0x82: {  	[tilespmem:s2], [sflag:$0x1] =	stream.linear.gather [hbm4b:s4+s2], $0x4000, $0x38;
	[tilespmem:$0xB200] =	vst v63  }
0x83: {  	_ =	swait.ge [sflag:s10], $0x4000  }
0x84: {  	[sflag:s10] =	ssyncset.done $0x0  }
0x85: {  	[sflag:s10] =	ssyncadd.s32 $0xFFFFC000  }
0x86: {  	v16 =	vld.idx.msk [tilespmem:v16+s2+$0x0], $0xffff  }
0x87: {  	v18 =	vor.u32 v2, v17;
	_ =	sdelay $0x2  }
0x88: {  	s14 =	simm.s32 $0x5CD0  }
0x89: {  	[tilespmem:s14+$0xFFFFFF30] =	vst v16  }
0x8a: {  	v16 =	vld.idx.msk [tilespmem:v18+s2+$0x0], $0xffff  }
0x8b: {  	v18 =	vor.u32 v4, v17;
	_ =	sdelay $0x3  }
0x8c: {  	[tilespmem:s14+$0xFFFFFF40] =	vst v16  }
0x8d: {  	v16 =	vld.idx.msk [tilespmem:v18+s2+$0x0], $0xffff;
	v18 =	vor.u32 v0, v17  }
0x8e: {  	v18 =	vor.u32 v5, v18;
	_ =	sdelay $0x3  }
0x8f: {  	[tilespmem:s14+$0xFFFFFF50] =	vst v16  }
0x90: {  	v16 =	vld.idx.msk [tilespmem:v18+s2+$0x0], $0xffff  }
0x91: {  	v18 =	vor.u32 v6, v17;
	_ =	sdelay $0x3  }
0x92: {  	[tilespmem:s14+$0xFFFFFF60] =	vst v16  }
0x93: {  	v16 =	vld.idx.msk [tilespmem:v18+s2+$0x0], $0xffff  }
0x94: {  	v18 =	vor.u32 v7, v17;
	_ =	sdelay $0x3  }
0x95: {  	[tilespmem:s14+$0xFFFFFF70] =	vst v16  }
0x96: {  	v16 =	vld.idx.msk [tilespmem:v18+s2+$0x0], $0xffff  }
0x97: {  	v17 =	vor.u32 v8, v17;
	_ =	sdelay $0x2  }
0x98: {  	s15 =	simm.s32 $0x2  }
0x99: {  	[tilespmem:s14+$0xFFFFFF80] =	vst v16;
	v16 =	vmov s15  }
0x9a: {  	v17 =	vld.idx.msk [tilespmem:v17+s2+$0x0], $0xffff;
	v16 =	vshll.u32 v16, $0x7  }
0x9b: {  	v18 =	vor.u32 v1, v16;
	_ =	sdelay $0x3  }
0x9c: {  	[tilespmem:s14+$0xFFFFFF90] =	vst v17  }
0x9d: {  	v17 =	vld.idx.msk [tilespmem:v18+s2+$0x0], $0xffff  }
0x9e: {  	v18 =	vor.u32 v2, v16;
	_ =	sdelay $0x3  }
0x9f: {  	[tilespmem:s14+$0xFFFFFFA0] =	vst v17  }
0xa0: {  	v17 =	vld.idx.msk [tilespmem:v18+s2+$0x0], $0xffff  }
0xa1: {  	v18 =	vor.u32 v4, v16;
	_ =	sdelay $0x3  }
0xa2: {  	[tilespmem:s14+$0xFFFFFFB0] =	vst v17  }
0xa3: {  	v17 =	vld.idx.msk [tilespmem:v18+s2+$0x0], $0xffff;
	v18 =	vor.u32 v0, v16  }
0xa4: {  	v18 =	vor.u32 v5, v18;
	_ =	sdelay $0x3  }
0xa5: {  	[tilespmem:s14+$0xFFFFFFC0] =	vst v17  }
0xa6: {  	v17 =	vld.idx.msk [tilespmem:v18+s2+$0x0], $0xffff  }
0xa7: {  	v18 =	vor.u32 v6, v16;
	_ =	sdelay $0x3  }
0xa8: {  	[tilespmem:s14+$0xFFFFFFD0] =	vst v17  }
0xa9: {  	v17 =	vld.idx.msk [tilespmem:v18+s2+$0x0], $0xffff  }
0xaa: {  	v18 =	vor.u32 v7, v16;
	_ =	sdelay $0x3  }
0xab: {  	[tilespmem:s14+$0xFFFFFFE0] =	vst v17  }
0xac: {  	v17 =	vld.idx.msk [tilespmem:v18+s2+$0x0], $0xffff  }
0xad: {  	v16 =	vor.u32 v8, v16;
	_ =	sdelay $0x2  }
0xae: {  	s16 =	simm.s32 $0x6;
	s15 =	simm.s32 $0x0  }
.LBB2_4:
0xaf: {  	s17 =	sadd.s32 $0xFFFFFFFE, s16;
	s15 =	sadd.s32 $0x2, s15;
	[tilespmem:s14+$0xFFFFFFF0] =	vst v17  }
0xb0: {  	v17 =	vmov s17;
	p0 =	slt.u32 s15, $0x3E;
	v16 =	vld.idx.msk [tilespmem:v16+s2+$0x0], $0xffff  }
0xb1: {  	v17 =	vshll.u32 v17, $0x7  }
0xb2: {  	v18 =	vor.u32 v1, v17;
	_ =	sdelay $0x3  }
0xb3: {  	[tilespmem:s14+$0x0] =	vst v16  }
0xb4: {  	v16 =	vld.idx.msk [tilespmem:v18+s2+$0x0], $0xffff;
	_ =	sdelay $0x1  }
0xb5: {  	v18 =	vor.u32 v2, v17;
	_ =	sdelay $0x2  }
0xb6: {  	s14 =	sadd.s32 $0xE0, s14  }
0xb7: {  	[tilespmem:s14+$0xFFFFFF30] =	vst v16  }
0xb8: {  	v16 =	vld.idx.msk [tilespmem:v18+s2+$0x0], $0xffff;
	_ =	sdelay $0x1  }
0xb9: {  	v18 =	vor.u32 v4, v17;
	_ =	sdelay $0x3  }
0xba: {  	[tilespmem:s14+$0xFFFFFF40] =	vst v16  }
0xbb: {  	v16 =	vld.idx.msk [tilespmem:v18+s2+$0x0], $0xffff  }
0xbc: {  	v18 =	vor.u32 v0, v17  }
0xbd: {  	v18 =	vor.u32 v5, v18;
	_ =	sdelay $0x3  }
0xbe: {  	[tilespmem:s14+$0xFFFFFF50] =	vst v16  }
0xbf: {  	v16 =	vld.idx.msk [tilespmem:v18+s2+$0x0], $0xffff;
	_ =	sdelay $0x1  }
0xc0: {  	v18 =	vor.u32 v6, v17;
	_ =	sdelay $0x3  }
0xc1: {  	[tilespmem:s14+$0xFFFFFF60] =	vst v16  }
0xc2: {  	v16 =	vld.idx.msk [tilespmem:v18+s2+$0x0], $0xffff;
	_ =	sdelay $0x1  }
0xc3: {  	v18 =	vor.u32 v7, v17;
	_ =	sdelay $0x3  }
0xc4: {  	[tilespmem:s14+$0xFFFFFF70] =	vst v16  }
0xc5: {  	v16 =	vld.idx.msk [tilespmem:v18+s2+$0x0], $0xffff;
	_ =	sdelay $0x1  }
0xc6: {  	v17 =	vor.u32 v8, v17;
	_ =	sdelay $0x3  }
0xc7: {  	[tilespmem:s14+$0xFFFFFF80] =	vst v16  }
0xc8: {  	v16 =	vld.idx.msk [tilespmem:v17+s2+$0x0], $0xffff;
	v17 =	vmov s16  }
0xc9: {  	v18 =	vshll.u32 v17, $0x7  }
0xca: {  	v17 =	vor.u32 v1, v18;
	_ =	sdelay $0x3  }
0xcb: {  	[tilespmem:s14+$0xFFFFFF90] =	vst v16  }
0xcc: {  	v16 =	vld.idx.msk [tilespmem:v17+s2+$0x0], $0xffff;
	_ =	sdelay $0x1  }
0xcd: {  	v17 =	vor.u32 v2, v18;
	_ =	sdelay $0x3  }
0xce: {  	[tilespmem:s14+$0xFFFFFFA0] =	vst v16  }
0xcf: {  	v16 =	vld.idx.msk [tilespmem:v17+s2+$0x0], $0xffff;
	_ =	sdelay $0x1  }
0xd0: {  	v17 =	vor.u32 v4, v18;
	_ =	sdelay $0x3  }
0xd1: {  	[tilespmem:s14+$0xFFFFFFB0] =	vst v16  }
0xd2: {  	v16 =	vld.idx.msk [tilespmem:v17+s2+$0x0], $0xffff  }
0xd3: {  	v17 =	vor.u32 v0, v18  }
0xd4: {  	v17 =	vor.u32 v5, v17;
	_ =	sdelay $0x3  }
0xd5: {  	[tilespmem:s14+$0xFFFFFFC0] =	vst v16  }
0xd6: {  	v16 =	vld.idx.msk [tilespmem:v17+s2+$0x0], $0xffff;
	_ =	sdelay $0x1  }
0xd7: {  	v17 =	vor.u32 v6, v18;
	_ =	sdelay $0x3  }
0xd8: {  	[tilespmem:s14+$0xFFFFFFD0] =	vst v16  }
0xd9: {  	v16 =	vld.idx.msk [tilespmem:v17+s2+$0x0], $0xffff;
	_ =	sdelay $0x1  }
0xda: {  	v17 =	vor.u32 v7, v18;
	_ =	sdelay $0x3  }
0xdb: {  	[tilespmem:s14+$0xFFFFFFE0] =	vst v16  }
0xdc: {  	v17 =	vld.idx.msk [tilespmem:v17+s2+$0x0], $0xffff  }
.Ltmp1:
0xdd: {  	(pc) =	sbr.rel @p0 .LBB2_4-.Ltmp1, $2  }
0xde: {  	v16 =	vor.u32 v8, v18;
	_ =	sdelay $0x2  }
0xdf: {  	s16 =	sadd.s32 $0x4, s16  }
0xe0: {  	_ =	sdelay $0x2  }
0xe1: {  	[tilespmem:s14+$0xFFFFFFF0] =	vst v17  }
0xe2: {  	v16 =	vld.idx.msk [tilespmem:v16+s2+$0x0], $0xffff;
	_ =	sdelay $0x4  }
0xe3: {  	[tilespmem:s14+$0x0] =	vst v16  }
0xe4: {  	v16 =	vld.idx.msk [tilespmem:v3+s2+$0x0], $0xffff;
	_ =	sdelay $0x4  }
0xe5: {  	[tilespmem:$0xB080] =	vst v16  }
0xe6: {  	v16 =	vld.idx.msk [tilespmem:v9+s2+$0x0], $0xffff;
	_ =	sdelay $0x4  }
0xe7: {  	[tilespmem:$0xB090] =	vst v16  }
0xe8: {  	v16 =	vld.idx.msk [tilespmem:v10+s2+$0x0], $0xffff;
	_ =	sdelay $0x4  }
0xe9: {  	[tilespmem:$0xB0A0] =	vst v16  }
0xea: {  	v16 =	vld.idx.msk [tilespmem:v11+s2+$0x0], $0xffff;
	_ =	sdelay $0x4  }
0xeb: {  	[tilespmem:$0xB0B0] =	vst v16  }
0xec: {  	v16 =	vld.idx.msk [tilespmem:v12+s2+$0x0], $0xffff;
	_ =	sdelay $0x4  }
0xed: {  	[tilespmem:$0xB0C0] =	vst v16  }
0xee: {  	v16 =	vld.idx.msk [tilespmem:v13+s2+$0x0], $0xffff;
	_ =	sdelay $0x4  }
0xef: {  	[tilespmem:$0xB0D0] =	vst v16  }
0xf0: {  	v16 =	vld.idx.msk [tilespmem:v14+s2+$0x0], $0xffff;
	_ =	sdelay $0x4  }
0xf1: {  	[tilespmem:$0xB0E0] =	vst v16  }
0xf2: {  	v16 =	vld.idx.msk [tilespmem:v15+s2+$0x0], $0xffff;
	_ =	sdelay $0x1  }
0xf3: {  	s31 =	simm.s32 $0x0  }
0xf4: {  	v17 =	vmov s31  }
0xf5: {  	v17 =	vshll.u32 v17, $0x7  }
0xf6: {  	[tilespmem:$0xB0F0] =	vst v16;
	v16 =	vor.u32 v1, v17  }
0xf7: {  	[tilespmem:s2], [sflag:$0x1] =	stream.linear.gather [hbm4b:s5+s2], $0x4000, $0x38;
	[tilespmem:$0xB200] =	vst v63  }
0xf8: {  	_ =	swait.ge [sflag:s10], $0x4000  }
0xf9: {  	[sflag:s10] =	ssyncset.done $0x0  }
0xfa: {  	[sflag:s10] =	ssyncadd.s32 $0xFFFFC000  }
0xfb: {  	v16 =	vld.idx.msk [tilespmem:v16+s2+$0x0], $0xffff  }
0xfc: {  	v18 =	vor.u32 v2, v17;
	_ =	sdelay $0x2  }
0xfd: {  	s14 =	simm.s32 $0x78D0  }
0xfe: {  	[tilespmem:s14+$0xFFFFFF30] =	vst v16  }
0xff: {  	v16 =	vld.idx.msk [tilespmem:v18+s2+$0x0], $0xffff  }
0x100: {  	v18 =	vor.u32 v4, v17;
	_ =	sdelay $0x3  }
0x101: {  	[tilespmem:s14+$0xFFFFFF40] =	vst v16  }
0x102: {  	v16 =	vld.idx.msk [tilespmem:v18+s2+$0x0], $0xffff;
	v18 =	vor.u32 v0, v17  }
0x103: {  	v18 =	vor.u32 v5, v18;
	_ =	sdelay $0x3  }
0x104: {  	[tilespmem:s14+$0xFFFFFF50] =	vst v16  }
0x105: {  	v16 =	vld.idx.msk [tilespmem:v18+s2+$0x0], $0xffff  }
0x106: {  	v18 =	vor.u32 v6, v17;
	_ =	sdelay $0x3  }
0x107: {  	[tilespmem:s14+$0xFFFFFF60] =	vst v16  }
0x108: {  	v16 =	vld.idx.msk [tilespmem:v18+s2+$0x0], $0xffff  }
0x109: {  	v18 =	vor.u32 v7, v17;
	_ =	sdelay $0x3  }
0x10a: {  	[tilespmem:s14+$0xFFFFFF70] =	vst v16  }
0x10b: {  	v16 =	vld.idx.msk [tilespmem:v18+s2+$0x0], $0xffff  }
0x10c: {  	v17 =	vor.u32 v8, v17;
	_ =	sdelay $0x2  }
0x10d: {  	s15 =	simm.s32 $0x2  }
0x10e: {  	[tilespmem:s14+$0xFFFFFF80] =	vst v16;
	v16 =	vmov s15  }
0x10f: {  	v17 =	vld.idx.msk [tilespmem:v17+s2+$0x0], $0xffff;
	v16 =	vshll.u32 v16, $0x7  }
0x110: {  	v18 =	vor.u32 v1, v16;
	_ =	sdelay $0x3  }
0x111: {  	[tilespmem:s14+$0xFFFFFF90] =	vst v17  }
0x112: {  	v17 =	vld.idx.msk [tilespmem:v18+s2+$0x0], $0xffff  }
0x113: {  	v18 =	vor.u32 v2, v16;
	_ =	sdelay $0x3  }
0x114: {  	[tilespmem:s14+$0xFFFFFFA0] =	vst v17  }
0x115: {  	v17 =	vld.idx.msk [tilespmem:v18+s2+$0x0], $0xffff  }
0x116: {  	v18 =	vor.u32 v4, v16;
	_ =	sdelay $0x3  }
0x117: {  	[tilespmem:s14+$0xFFFFFFB0] =	vst v17  }
0x118: {  	v17 =	vld.idx.msk [tilespmem:v18+s2+$0x0], $0xffff;
	v18 =	vor.u32 v0, v16  }
0x119: {  	v18 =	vor.u32 v5, v18;
	_ =	sdelay $0x3  }
0x11a: {  	[tilespmem:s14+$0xFFFFFFC0] =	vst v17  }
0x11b: {  	v17 =	vld.idx.msk [tilespmem:v18+s2+$0x0], $0xffff  }
0x11c: {  	v18 =	vor.u32 v6, v16;
	_ =	sdelay $0x3  }
0x11d: {  	[tilespmem:s14+$0xFFFFFFD0] =	vst v17  }
0x11e: {  	v17 =	vld.idx.msk [tilespmem:v18+s2+$0x0], $0xffff  }
0x11f: {  	v18 =	vor.u32 v7, v16;
	_ =	sdelay $0x3  }
0x120: {  	[tilespmem:s14+$0xFFFFFFE0] =	vst v17  }
0x121: {  	v17 =	vld.idx.msk [tilespmem:v18+s2+$0x0], $0xffff  }
0x122: {  	v16 =	vor.u32 v8, v16;
	_ =	sdelay $0x2  }
0x123: {  	s16 =	simm.s32 $0x6;
	s15 =	simm.s32 $0x0  }
.LBB2_6:
0x124: {  	s17 =	sadd.s32 $0xFFFFFFFE, s16;
	s15 =	sadd.s32 $0x2, s15;
	[tilespmem:s14+$0xFFFFFFF0] =	vst v17  }
0x125: {  	v17 =	vmov s17;
	p0 =	slt.u32 s15, $0x3E;
	v16 =	vld.idx.msk [tilespmem:v16+s2+$0x0], $0xffff  }
0x126: {  	v17 =	vshll.u32 v17, $0x7  }
0x127: {  	v18 =	vor.u32 v1, v17;
	_ =	sdelay $0x3  }
0x128: {  	[tilespmem:s14+$0x0] =	vst v16  }
0x129: {  	v16 =	vld.idx.msk [tilespmem:v18+s2+$0x0], $0xffff;
	_ =	sdelay $0x1  }
0x12a: {  	v18 =	vor.u32 v2, v17;
	_ =	sdelay $0x2  }
0x12b: {  	s14 =	sadd.s32 $0xE0, s14  }
0x12c: {  	[tilespmem:s14+$0xFFFFFF30] =	vst v16  }
0x12d: {  	v16 =	vld.idx.msk [tilespmem:v18+s2+$0x0], $0xffff;
	_ =	sdelay $0x1  }
0x12e: {  	v18 =	vor.u32 v4, v17;
	_ =	sdelay $0x3  }
0x12f: {  	[tilespmem:s14+$0xFFFFFF40] =	vst v16  }
0x130: {  	v16 =	vld.idx.msk [tilespmem:v18+s2+$0x0], $0xffff  }
0x131: {  	v18 =	vor.u32 v0, v17  }
0x132: {  	v18 =	vor.u32 v5, v18;
	_ =	sdelay $0x3  }
0x133: {  	[tilespmem:s14+$0xFFFFFF50] =	vst v16  }
0x134: {  	v16 =	vld.idx.msk [tilespmem:v18+s2+$0x0], $0xffff;
	_ =	sdelay $0x1  }
0x135: {  	v18 =	vor.u32 v6, v17;
	_ =	sdelay $0x3  }
0x136: {  	[tilespmem:s14+$0xFFFFFF60] =	vst v16  }
0x137: {  	v16 =	vld.idx.msk [tilespmem:v18+s2+$0x0], $0xffff;
	_ =	sdelay $0x1  }
0x138: {  	v18 =	vor.u32 v7, v17;
	_ =	sdelay $0x3  }
0x139: {  	[tilespmem:s14+$0xFFFFFF70] =	vst v16  }
0x13a: {  	v16 =	vld.idx.msk [tilespmem:v18+s2+$0x0], $0xffff;
	_ =	sdelay $0x1  }
0x13b: {  	v17 =	vor.u32 v8, v17;
	_ =	sdelay $0x3  }
0x13c: {  	[tilespmem:s14+$0xFFFFFF80] =	vst v16  }
0x13d: {  	v16 =	vld.idx.msk [tilespmem:v17+s2+$0x0], $0xffff;
	v17 =	vmov s16  }
0x13e: {  	v18 =	vshll.u32 v17, $0x7  }
0x13f: {  	v17 =	vor.u32 v1, v18;
	_ =	sdelay $0x3  }
0x140: {  	[tilespmem:s14+$0xFFFFFF90] =	vst v16  }
0x141: {  	v16 =	vld.idx.msk [tilespmem:v17+s2+$0x0], $0xffff;
	_ =	sdelay $0x1  }
0x142: {  	v17 =	vor.u32 v2, v18;
	_ =	sdelay $0x3  }
0x143: {  	[tilespmem:s14+$0xFFFFFFA0] =	vst v16  }
0x144: {  	v16 =	vld.idx.msk [tilespmem:v17+s2+$0x0], $0xffff;
	_ =	sdelay $0x1  }
0x145: {  	v17 =	vor.u32 v4, v18;
	_ =	sdelay $0x3  }
0x146: {  	[tilespmem:s14+$0xFFFFFFB0] =	vst v16  }
0x147: {  	v16 =	vld.idx.msk [tilespmem:v17+s2+$0x0], $0xffff  }
0x148: {  	v17 =	vor.u32 v0, v18  }
0x149: {  	v17 =	vor.u32 v5, v17;
	_ =	sdelay $0x3  }
0x14a: {  	[tilespmem:s14+$0xFFFFFFC0] =	vst v16  }
0x14b: {  	v16 =	vld.idx.msk [tilespmem:v17+s2+$0x0], $0xffff;
	_ =	sdelay $0x1  }
0x14c: {  	v17 =	vor.u32 v6, v18;
	_ =	sdelay $0x3  }
0x14d: {  	[tilespmem:s14+$0xFFFFFFD0] =	vst v16  }
0x14e: {  	v16 =	vld.idx.msk [tilespmem:v17+s2+$0x0], $0xffff;
	_ =	sdelay $0x1  }
0x14f: {  	v17 =	vor.u32 v7, v18;
	_ =	sdelay $0x3  }
0x150: {  	[tilespmem:s14+$0xFFFFFFE0] =	vst v16  }
0x151: {  	v17 =	vld.idx.msk [tilespmem:v17+s2+$0x0], $0xffff  }
.Ltmp2:
0x152: {  	(pc) =	sbr.rel @p0 .LBB2_6-.Ltmp2, $2  }
0x153: {  	v16 =	vor.u32 v8, v18;
	_ =	sdelay $0x2  }
0x154: {  	s16 =	sadd.s32 $0x4, s16  }
0x155: {  	_ =	sdelay $0x2  }
0x156: {  	[tilespmem:s14+$0xFFFFFFF0] =	vst v17  }
0x157: {  	v16 =	vld.idx.msk [tilespmem:v16+s2+$0x0], $0xffff;
	_ =	sdelay $0x4  }
0x158: {  	[tilespmem:s14+$0x0] =	vst v16  }
0x159: {  	v16 =	vld.idx.msk [tilespmem:v3+s2+$0x0], $0xffff;
	_ =	sdelay $0x4  }
0x15a: {  	[tilespmem:$0xB100] =	vst v16  }
0x15b: {  	v16 =	vld.idx.msk [tilespmem:v9+s2+$0x0], $0xffff;
	_ =	sdelay $0x4  }
0x15c: {  	[tilespmem:$0xB110] =	vst v16  }
0x15d: {  	v16 =	vld.idx.msk [tilespmem:v10+s2+$0x0], $0xffff;
	_ =	sdelay $0x4  }
0x15e: {  	[tilespmem:$0xB120] =	vst v16  }
0x15f: {  	v16 =	vld.idx.msk [tilespmem:v11+s2+$0x0], $0xffff;
	_ =	sdelay $0x4  }
0x160: {  	[tilespmem:$0xB130] =	vst v16  }
0x161: {  	v16 =	vld.idx.msk [tilespmem:v12+s2+$0x0], $0xffff;
	_ =	sdelay $0x4  }
0x162: {  	[tilespmem:$0xB140] =	vst v16  }
0x163: {  	v16 =	vld.idx.msk [tilespmem:v13+s2+$0x0], $0xffff;
	_ =	sdelay $0x4  }
0x164: {  	[tilespmem:$0xB150] =	vst v16  }
0x165: {  	v16 =	vld.idx.msk [tilespmem:v14+s2+$0x0], $0xffff;
	_ =	sdelay $0x4  }
0x166: {  	[tilespmem:$0xB160] =	vst v16  }
0x167: {  	v16 =	vld.idx.msk [tilespmem:v15+s2+$0x0], $0xffff;
	_ =	sdelay $0x1  }
0x168: {  	s31 =	simm.s32 $0x0  }
0x169: {  	v17 =	vmov s31  }
0x16a: {  	v17 =	vshll.u32 v17, $0x7  }
0x16b: {  	[tilespmem:$0xB170] =	vst v16;
	v16 =	vor.u32 v1, v17  }
0x16c: {  	[tilespmem:s2], [sflag:$0x1] =	stream.linear.gather [hbm4b:s6+s2], $0x4000, $0x38;
	[tilespmem:$0xB200] =	vst v63  }
0x16d: {  	_ =	swait.ge [sflag:s10], $0x4000  }
0x16e: {  	[sflag:s10] =	ssyncset.done $0x0  }
0x16f: {  	[sflag:s10] =	ssyncadd.s32 $0xFFFFC000  }
0x170: {  	v16 =	vld.idx.msk [tilespmem:v16+s2+$0x0], $0xffff  }
0x171: {  	v18 =	vor.u32 v2, v17;
	_ =	sdelay $0x2  }
0x172: {  	s14 =	simm.s32 $0x9400  }
0x173: {  	[tilespmem:s14+$0x0] =	vst v16  }
0x174: {  	v16 =	vld.idx.msk [tilespmem:v18+s2+$0x0], $0xffff  }
0x175: {  	v18 =	vor.u32 v4, v17;
	_ =	sdelay $0x3  }
0x176: {  	[tilespmem:s14+$0x10] =	vst v16  }
0x177: {  	v16 =	vld.idx.msk [tilespmem:v18+s2+$0x0], $0xffff;
	v18 =	vor.u32 v0, v17  }
0x178: {  	v18 =	vor.u32 v5, v18;
	_ =	sdelay $0x3  }
0x179: {  	[tilespmem:s14+$0x20] =	vst v16  }
0x17a: {  	v16 =	vld.idx.msk [tilespmem:v18+s2+$0x0], $0xffff  }
0x17b: {  	v18 =	vor.u32 v6, v17;
	_ =	sdelay $0x3  }
0x17c: {  	[tilespmem:s14+$0x30] =	vst v16  }
0x17d: {  	v16 =	vld.idx.msk [tilespmem:v18+s2+$0x0], $0xffff  }
0x17e: {  	v18 =	vor.u32 v7, v17;
	_ =	sdelay $0x3  }
0x17f: {  	[tilespmem:s14+$0x40] =	vst v16  }
0x180: {  	v16 =	vld.idx.msk [tilespmem:v18+s2+$0x0], $0xffff  }
0x181: {  	v17 =	vor.u32 v8, v17;
	_ =	sdelay $0x2  }
0x182: {  	s15 =	simm.s32 $0x2  }
0x183: {  	[tilespmem:s14+$0x50] =	vst v16;
	v16 =	vmov s15  }
0x184: {  	v17 =	vld.idx.msk [tilespmem:v17+s2+$0x0], $0xffff;
	v16 =	vshll.u32 v16, $0x7  }
0x185: {  	v18 =	vor.u32 v1, v16;
	_ =	sdelay $0x3  }
0x186: {  	[tilespmem:s14+$0x60] =	vst v17  }
0x187: {  	v17 =	vld.idx.msk [tilespmem:v18+s2+$0x0], $0xffff  }
0x188: {  	v18 =	vor.u32 v2, v16;
	_ =	sdelay $0x3  }
0x189: {  	[tilespmem:s14+$0x70] =	vst v17  }
0x18a: {  	v17 =	vld.idx.msk [tilespmem:v18+s2+$0x0], $0xffff  }
0x18b: {  	v18 =	vor.u32 v4, v16;
	_ =	sdelay $0x3  }
0x18c: {  	[tilespmem:s14+$0x80] =	vst v17  }
0x18d: {  	v17 =	vld.idx.msk [tilespmem:v18+s2+$0x0], $0xffff;
	v18 =	vor.u32 v0, v16  }
0x18e: {  	v18 =	vor.u32 v5, v18;
	_ =	sdelay $0x3  }
0x18f: {  	[tilespmem:s14+$0x90] =	vst v17  }
0x190: {  	v17 =	vld.idx.msk [tilespmem:v18+s2+$0x0], $0xffff  }
0x191: {  	v18 =	vor.u32 v6, v16;
	_ =	sdelay $0x3  }
0x192: {  	[tilespmem:s14+$0xA0] =	vst v17  }
0x193: {  	v17 =	vld.idx.msk [tilespmem:v18+s2+$0x0], $0xffff  }
0x194: {  	v18 =	vor.u32 v7, v16;
	_ =	sdelay $0x3  }
0x195: {  	[tilespmem:s14+$0xB0] =	vst v17  }
0x196: {  	v17 =	vld.idx.msk [tilespmem:v18+s2+$0x0], $0xffff  }
0x197: {  	v16 =	vor.u32 v8, v16;
	_ =	sdelay $0x2  }
0x198: {  	s16 =	simm.s32 $0x6;
	s15 =	simm.s32 $0x0  }
.LBB2_8:
0x199: {  	s17 =	sadd.s32 $0xFFFFFFFE, s16;
	s15 =	sadd.s32 $0x2, s15;
	[tilespmem:s14+$0xC0] =	vst v17  }
0x19a: {  	v17 =	vmov s17;
	p0 =	slt.u32 s15, $0x3E;
	v16 =	vld.idx.msk [tilespmem:v16+s2+$0x0], $0xffff  }
0x19b: {  	v17 =	vshll.u32 v17, $0x7  }
0x19c: {  	v18 =	vor.u32 v1, v17;
	_ =	sdelay $0x3  }
0x19d: {  	[tilespmem:s14+$0xD0] =	vst v16  }
0x19e: {  	v16 =	vld.idx.msk [tilespmem:v18+s2+$0x0], $0xffff;
	_ =	sdelay $0x1  }
0x19f: {  	v18 =	vor.u32 v2, v17;
	_ =	sdelay $0x2  }
0x1a0: {  	s14 =	sadd.s32 $0xE0, s14  }
0x1a1: {  	[tilespmem:s14+$0x0] =	vst v16  }
0x1a2: {  	v16 =	vld.idx.msk [tilespmem:v18+s2+$0x0], $0xffff;
	_ =	sdelay $0x1  }
0x1a3: {  	v18 =	vor.u32 v4, v17;
	_ =	sdelay $0x3  }
0x1a4: {  	[tilespmem:s14+$0x10] =	vst v16  }
0x1a5: {  	v16 =	vld.idx.msk [tilespmem:v18+s2+$0x0], $0xffff  }
0x1a6: {  	v18 =	vor.u32 v0, v17  }
0x1a7: {  	v18 =	vor.u32 v5, v18;
	_ =	sdelay $0x3  }
0x1a8: {  	[tilespmem:s14+$0x20] =	vst v16  }
0x1a9: {  	v16 =	vld.idx.msk [tilespmem:v18+s2+$0x0], $0xffff;
	_ =	sdelay $0x1  }
0x1aa: {  	v18 =	vor.u32 v6, v17;
	_ =	sdelay $0x3  }
0x1ab: {  	[tilespmem:s14+$0x30] =	vst v16  }
0x1ac: {  	v16 =	vld.idx.msk [tilespmem:v18+s2+$0x0], $0xffff;
	_ =	sdelay $0x1  }
0x1ad: {  	v18 =	vor.u32 v7, v17;
	_ =	sdelay $0x3  }
0x1ae: {  	[tilespmem:s14+$0x40] =	vst v16  }
0x1af: {  	v16 =	vld.idx.msk [tilespmem:v18+s2+$0x0], $0xffff;
	_ =	sdelay $0x1  }
0x1b0: {  	v17 =	vor.u32 v8, v17;
	_ =	sdelay $0x3  }
0x1b1: {  	[tilespmem:s14+$0x50] =	vst v16  }
0x1b2: {  	v16 =	vld.idx.msk [tilespmem:v17+s2+$0x0], $0xffff;
	v17 =	vmov s16  }
0x1b3: {  	v18 =	vshll.u32 v17, $0x7  }
0x1b4: {  	v17 =	vor.u32 v1, v18;
	_ =	sdelay $0x3  }
0x1b5: {  	[tilespmem:s14+$0x60] =	vst v16  }
0x1b6: {  	v16 =	vld.idx.msk [tilespmem:v17+s2+$0x0], $0xffff;
	_ =	sdelay $0x1  }
0x1b7: {  	v17 =	vor.u32 v2, v18;
	_ =	sdelay $0x3  }
0x1b8: {  	[tilespmem:s14+$0x70] =	vst v16  }
0x1b9: {  	v16 =	vld.idx.msk [tilespmem:v17+s2+$0x0], $0xffff;
	_ =	sdelay $0x1  }
0x1ba: {  	v17 =	vor.u32 v4, v18;
	_ =	sdelay $0x3  }
0x1bb: {  	[tilespmem:s14+$0x80] =	vst v16  }
0x1bc: {  	v16 =	vld.idx.msk [tilespmem:v17+s2+$0x0], $0xffff  }
0x1bd: {  	v17 =	vor.u32 v0, v18  }
0x1be: {  	v17 =	vor.u32 v5, v17;
	_ =	sdelay $0x3  }
0x1bf: {  	[tilespmem:s14+$0x90] =	vst v16  }
0x1c0: {  	v16 =	vld.idx.msk [tilespmem:v17+s2+$0x0], $0xffff;
	_ =	sdelay $0x1  }
0x1c1: {  	v17 =	vor.u32 v6, v18;
	_ =	sdelay $0x3  }
0x1c2: {  	[tilespmem:s14+$0xA0] =	vst v16  }
0x1c3: {  	v16 =	vld.idx.msk [tilespmem:v17+s2+$0x0], $0xffff;
	_ =	sdelay $0x1  }
0x1c4: {  	v17 =	vor.u32 v7, v18;
	_ =	sdelay $0x3  }
0x1c5: {  	[tilespmem:s14+$0xB0] =	vst v16  }
0x1c6: {  	v17 =	vld.idx.msk [tilespmem:v17+s2+$0x0], $0xffff  }
.Ltmp3:
0x1c7: {  	(pc) =	sbr.rel @p0 .LBB2_8-.Ltmp3, $2  }
0x1c8: {  	v16 =	vor.u32 v8, v18;
	_ =	sdelay $0x2  }
0x1c9: {  	s16 =	sadd.s32 $0x4, s16  }
0x1ca: {  	_ =	sdelay $0x2  }
0x1cb: {  	[tilespmem:s14+$0xC0] =	vst v17  }
0x1cc: {  	v16 =	vld.idx.msk [tilespmem:v16+s2+$0x0], $0xffff;
	_ =	sdelay $0x4  }
0x1cd: {  	[tilespmem:s14+$0xD0] =	vst v16  }
0x1ce: {  	v16 =	vld.idx.msk [tilespmem:v3+s2+$0x0], $0xffff;
	_ =	sdelay $0x4  }
0x1cf: {  	[tilespmem:$0xB180] =	vst v16  }
0x1d0: {  	v16 =	vld.idx.msk [tilespmem:v9+s2+$0x0], $0xffff;
	_ =	sdelay $0x4  }
0x1d1: {  	[tilespmem:$0xB190] =	vst v16  }
0x1d2: {  	v16 =	vld.idx.msk [tilespmem:v10+s2+$0x0], $0xffff;
	_ =	sdelay $0x4  }
0x1d3: {  	[tilespmem:$0xB1A0] =	vst v16  }
0x1d4: {  	v16 =	vld.idx.msk [tilespmem:v11+s2+$0x0], $0xffff;
	_ =	sdelay $0x4  }
0x1d5: {  	[tilespmem:$0xB1B0] =	vst v16  }
0x1d6: {  	v16 =	vld.idx.msk [tilespmem:v12+s2+$0x0], $0xffff;
	_ =	sdelay $0x4  }
0x1d7: {  	[tilespmem:$0xB1C0] =	vst v16  }
0x1d8: {  	v16 =	vld.idx.msk [tilespmem:v13+s2+$0x0], $0xffff;
	_ =	sdelay $0x4  }
0x1d9: {  	[tilespmem:$0xB1D0] =	vst v16  }
0x1da: {  	v16 =	vld.idx.msk [tilespmem:v14+s2+$0x0], $0xffff;
	_ =	sdelay $0x4  }
0x1db: {  	[tilespmem:$0xB1E0] =	vst v16  }
0x1dc: {  	v16 =	vld.idx.msk [tilespmem:v15+s2+$0x0], $0xffff;
	_ =	sdelay $0x4  }
0x1dd: {  	[tilespmem:$0xB1F0] =	vst v16  }
0x1de: {  	[hbm4b:s7+s2] =	stream.linear.scatter [tilespmem:s11], [sflag:$0x1], $0x7000, $0x38;
	[tilespmem:$0xB200] =	vst v63  }
0x1df: {  	s13 =	sadd.s32 $0x1, s13;
	_ =	swait.ge [sflag:s10], $0x7000  }
0x1e0: {  	p0 =	sne.s32 s13, s9;
	[sflag:s10] =	ssyncset.done $0x0  }
.Ltmp4:
0x1e1: {  	[sflag:s10] =	ssyncadd.s32 $0xFFFF9000;
	(pc) =	sbr.rel @p0 .LBB2_1-.Ltmp4, $4  }
0x1e2: {  	[hbm4b:s8+s2] =	stream.linear.scatter [tilespmem:s12], [sflag:$0x1], $0x200, $0x38;
	[tilespmem:$0xB200] =	vst v63  }
0x1e3: {  	_ =	swait.ge [sflag:s10], $0x200  }
0x1e4: {  	[sflag:s10] =	ssyncset.done $0x0  }
0x1e5: {  	[sflag:s10] =	ssyncadd.s32 $0xFFFFFE00  }
0x1e6: {  	_ =	sfence.sel $0x180000  }
0x1e7: {  	[bflag:$0x0] =	sbarrier.arrive $0xFFFF  }
0x1e8: {  	p0 =	sne.s32 s0, $0x0;
	_ =	strace $0x90000047  }
0x1e9: {  	s0 =	sadd.s32 @!p0 $0x100000, s1;
	[bflag:$0x2] =	sbarrier.arrive $0xFFFF  }
0x1ea: {  	[sflag:s0] =	ssyncadd.tile.s32 @!p0 $0x1;
	_ =	shalt  }
.Lfunc_end2:
_tile_overlayer_lowered:
.L_overlay_start_2:
0x1eb: {  	(tag) =	ssettag $0x2  }
0x1ec: {  	s0 =	rddreg [dreg:$0x0];
	s2 =	stileid.u32  }
0x1ed: {  	s1 =	rddreg [dreg:$0x1];
	p0 =	sne.s32 s2, $0x0  }
0x1ee: {  	s3 =	rddreg [dreg:$0x2];
	[bflag:$0x3] =	sbarrier.arrive $0xFFFF;
	s2 =	simm.s32 @!p0 $0x1C01  }
0x1ef: {  	[timem:s3], [sflag:s2] =	dma.local @!p0 [hbm:s0], s1  }
0x1f0: {  	s0 =	simm.s32 @!p0 $0x1  }
0x1f1: {  	_ =	swait.ge @!p0 [sflag:s0], s1  }
0x1f2: {  	s1 =	ssub.s32 @!p0 $0x0, s1;
	[sflag:s0] =	ssyncset.done @!p0 $0x0  }
0x1f3: {  	[sflag:s0] =	ssyncadd.s32 @!p0 s1  }
0x1f4: {  	[bflag:$0x3] =	sbarrier.arrive $0xFFFF  }
0x1f5: {  	_ =	shalt  }

// kernel: kernel.9.cloned.1.call-start
scs
__scs_entry_jumppad:
0x0: {  	(pc) =	sbr.rel $0x88, $3  }
0x1: {  	(tag) =	ssettag $0x0;
	lr =	simm.s32 $0x1  }
0x2: {  	[smem:$0x3F98] =	sst lr;
	_ =	strace $0xD0000000  }
0x3: {  	_ = 	snop  }
0x4: {  	_ = 	snop  }
0x5: {  	_ = 	snop  }
0x6: {  	_ = 	snop  }
0x7: {  	_ = 	snop  }
__scs_overlays_trampoline_lowered:
0x8: {  	[smem:$0x3FA7] =	sst s0  }
0x9: {  	[smem:$0x3FA8] =	sst s1  }
0xa: {  	[smem:$0x3FA9] =	sst s2  }
0xb: {  	[smem:$0x3FAA] =	sst s3  }
0xc: {  	[smem:$0x3FAB] =	sst s4  }
0xd: {  	[smem:$0x3FAC] =	sst s5  }
0xe: {  	[smem:$0x3FAD] =	sst s6  }
0xf: {  	[smem:$0x3FAE] =	sst s7  }
0x10: {  	[smem:$0x3FAF] =	sst s8  }
0x11: {  	[smem:$0x3FB0] =	sst s9;
	s0 =	simm.s32 @!p0 $0x0  }
0x12: {  	s1 =	sld [smem:$0x3F96];
	s0 =	simm.s32 @p0 $0x1  }
0x13: {  	[smem:$0x3FB1] =	sst s0;
	s0 =	simm.s32 @!p1 $0x0  }
0x14: {  	s2 =	sld [smem:$0x3F95];
	s0 =	simm.s32 @p1 $0x1  }
0x15: {  	[smem:$0x3FB2] =	sst s0;
	s0 =	simm.s32 @!p2 $0x0  }
0x16: {  	s3 =	sld [smem:$0x3FDB];
	s0 =	simm.s32 @p2 $0x1  }
0x17: {  	s4 =	simm.s32 $0x1BF5;
	[smem:$0x3FB4] =	sst s0  }
0x18: {  	s0 =	sld [smem:$0x3F97];
	_ =	swait.ge [sflag:s4], $0x0  }
0x19: {  	s7 =	sld [smem:$0x3F98]  }
0x1a: {  	s8 =	sadd.s32 $0xFFFFE003, lr  }
0x1b: {  	s9 =	sadd.s32 $0xFFFFFEF7, lr;
	s5 =	simm.s32 $0xFFFFFFFF;
	p2 =	slt.u32 s8, $0xFFFFF086  }
0x1c: {  	p1 =	slt.u32 s9, $0xF7A;
	s5 =	simm.s32 @!p2 $0x0  }
0x1d: {  	s5 =	simm.s32 @p1 $0x1;
	p0 =	seq.s32 s7, s2  }
0x1e: {  	s7 =	smul.u32 @!p0 $0xF7A, s2;
	p2 =	seq.s32 @!p0 s5, $0x0  }
0x1f: {  	s9 =	smul.u32 $0xF7A, s1;
	s8 =	simm.s32 @!p0 $0x1BF5;
	p2 =	por !p2, p0  }
0x20: {  	[sflag:s8] =	ssyncset.s32 @!p0 $0xFFFFF086;
	s6 =	sadd.s32 @!p0 s3, s7;
	s7 =	simm.s32 @!p0 $0x108  }
0x21: {  	s3 =	sadd.s32 s3, s9;
	s6 =	sadd.s32 @!p0 $0x88, s6;
	s7 =	simm.s32 @p2 $0x1082  }
0x22: {  	[simem:s7], [sflag:s8] =	dma.local @!p0 [hbm:s6], $0xF7A  }
0x23: {  	s9 =	sor.u32 $0xD0000000, s2;
	s6 =	simm.s32 $0x108;
	_ =	swait.ge @!p0 [sflag:s8], $0x0  }
0x24: {  	s3 =	sadd.s32 $0x88, s3;
	s6 =	simm.s32 @!p1 $0x1082;
	[sflag:s4] =	ssyncset.s32 $0xFFFFF086  }
0x25: {  	[simem:s6], [sflag:s4] =	dma.local [hbm:s3], $0xF7A  }
0x26: {  	[smem:$0x3F98] =	sst s1;
	(tag) =	ssettag s2;
	_ =	strace s9  }
0x27: {  	s1 =	sld [smem:$0x3FA8]  }
0x28: {  	s2 =	sld [smem:$0x3FA9]  }
0x29: {  	s4 =	sld [smem:$0x3FAB]  }
0x2a: {  	p0 =	seq.s32 s5, $0x0;
	s5 =	sld [smem:$0x3FAC]  }
0x2b: {  	s6 =	sld [smem:$0x3FAD]  }
0x2c: {  	s7 =	sld [smem:$0x3FAE]  }
0x2d: {  	s3 =	simm.s32 $0x108;
	s8 =	sld [smem:$0x3FAF]  }
0x2e: {  	s3 =	simm.s32 @!p0 $0x1082;
	s9 =	sld [smem:$0x3FB0]  }
0x2f: {  	lr =	sadd.s32 s0, s3;
	s0 =	sld [smem:$0x3FA7]  }
0x30: {  	s3 =	sld [smem:$0x3FAA]  }
0x31: {  	[smem:$0x3FB3] =	sst s10  }
0x32: {  	s10 =	sld [smem:$0x3FB1];
	_ =	sdelay $0x3  }
0x33: {  	p0 =	seq.s32 s10, $0x1;
	s10 =	sld [smem:$0x3FB3];
	_ =	sdelay $0x3  }
0x34: {  	[smem:$0x3FB3] =	sst s10  }
0x35: {  	s10 =	sld [smem:$0x3FB2];
	_ =	sdelay $0x3  }
0x36: {  	p1 =	seq.s32 s10, $0x1;
	s10 =	sld [smem:$0x3FB3];
	_ =	sdelay $0x3  }
0x37: {  	[smem:$0x3FB3] =	sst s10  }
0x38: {  	s10 =	sld [smem:$0x3FB4]  }
0x39: {  	_ = 	snop;
	(pc) =	sbr.ind lr, $3  }
0x3a: {  	_ = 	snop  }
0x3b: {  	_ = 	snop  }
0x3c: {  	p2 =	seq.s32 s10, $0x1;
	s10 =	sld [smem:$0x3FB3]  }
0x3d: {  	_ =	shalt  }
0x3e: {  	_ =	shalt  }
0x3f: {  	_ =	shalt  }
0x40: {  	_ =	shalt  }
0x41: {  	_ =	shalt  }
0x42: {  	_ =	shalt  }
0x43: {  	_ =	shalt  }
0x44: {  	_ =	shalt  }
0x45: {  	_ =	shalt  }
0x46: {  	_ =	shalt  }
0x47: {  	_ =	shalt  }
0x48: {  	_ =	shalt  }
0x49: {  	_ =	shalt  }
0x4a: {  	_ =	shalt  }
0x4b: {  	_ =	shalt  }
0x4c: {  	_ =	shalt  }
0x4d: {  	_ =	shalt  }
0x4e: {  	_ =	shalt  }
0x4f: {  	_ =	shalt  }
0x50: {  	_ =	shalt  }
0x51: {  	_ =	shalt  }
0x52: {  	_ =	shalt  }
0x53: {  	_ =	shalt  }
0x54: {  	_ =	shalt  }
0x55: {  	_ =	shalt  }
0x56: {  	_ =	shalt  }
0x57: {  	_ =	shalt  }
0x58: {  	_ =	shalt  }
0x59: {  	_ =	shalt  }
0x5a: {  	_ =	shalt  }
0x5b: {  	_ =	shalt  }
0x5c: {  	_ =	shalt  }
0x5d: {  	_ =	shalt  }
0x5e: {  	_ =	shalt  }
0x5f: {  	_ =	shalt  }
0x60: {  	_ =	shalt  }
0x61: {  	_ =	shalt  }
0x62: {  	_ =	shalt  }
0x63: {  	_ =	shalt  }
0x64: {  	_ =	shalt  }
0x65: {  	_ =	shalt  }
0x66: {  	_ =	shalt  }
0x67: {  	_ =	shalt  }
0x68: {  	_ =	shalt  }
0x69: {  	_ =	shalt  }
0x6a: {  	_ =	shalt  }
0x6b: {  	_ =	shalt  }
0x6c: {  	_ =	shalt  }
0x6d: {  	_ =	shalt  }
0x6e: {  	_ =	shalt  }
0x6f: {  	_ =	shalt  }
0x70: {  	_ =	shalt  }
0x71: {  	_ =	shalt  }
0x72: {  	_ =	shalt  }
0x73: {  	_ =	shalt  }
0x74: {  	_ =	shalt  }
0x75: {  	_ =	shalt  }
0x76: {  	_ =	shalt  }
0x77: {  	_ =	shalt  }
0x78: {  	_ =	shalt  }
0x79: {  	_ =	shalt  }
0x7a: {  	_ =	shalt  }
0x7b: {  	_ =	shalt  }
0x7c: {  	_ =	shalt  }
0x7d: {  	_ =	shalt  }
0x7e: {  	_ =	shalt  }
0x7f: {  	_ =	shalt  }
0x80: {  	_ =	shalt  }
0x81: {  	_ =	shalt  }
0x82: {  	_ =	shalt  }
0x83: {  	_ =	shalt  }
0x84: {  	_ =	shalt  }
0x85: {  	_ =	shalt  }
0x86: {  	_ =	shalt  }
0x87: {  	_ =	shalt  }
.Lfunc_end0:
.L_simem_size_0:
called_computation.1_lowered:
.L_overlay_start_0:
0x88: {  	s2 =	sld [smem:$0x3FD9]  }
0x89: {  	s3 =	sld [smem:$0x3FFE];
	_ =	sdelay $0x1  }
0x8a: {  	s1 =	srdreg.scid  }
0x8b: {  	s0 =	sand.u32 $0x1, s1  }
0x8c: {  	s16 =	sshll.u32 s0, $0xA;
	s2 =	sadd.s32 s3, s2  }
0x8d: {  	s2 =	sadd.s32 s2, s16  }
0x8e: {  	[smem:$0x3FBF] =	sst s2  }
0x8f: {  	_ = 	snop  }
0x90: {  	(tm) =	ssettm $0x1  }
0x91: {  	s17 =	sld [smem:$0x3FFB];
	_ =	sdelay $0x3  }
0x92: {  	_ =	strace s17  }
0x93: {  	s2 =	sld [smem:$0x3FFC];
	_ =	sdelay $0x3  }
0x94: {  	_ =	strace s2  }
0x95: {  	s2 =	sld [smem:$0x3FFD];
	_ =	sdelay $0x3  }
0x96: {  	_ =	strace s2  }
0x97: {  	_ =	strace $0x8FFFFFFF  }
0x98: {  	s18 =	sld [smem:$0x3FDB];
	_ =	sdelay $0x1  }
0x99: {  	s19 =	simm.s32 $_scs_section_size  }
0x9a: {  	s4 =	simm.s32 $_size__tile_overlayer_lowered;
	s5 =	simm.s32 $_tile_overlayer_lowered  }
0x9b: {  	s22 =	simm.s32 $0x1BFF;
	s21 =	sshll.u32 s5, $0x1;
	s2 =	sadd.s32 s19, s18  }
0x9c: {  	s6 =	simm.s32 $0x0;
	s20 =	sshll.u32 s4, $0x1;
	s4 =	sadd.s32 s21, s2  }
0x9d: {  	[timem:s6], [sflag:s22] =	dma.local [hbm:s4], s20  }
0x9e: {  	_ =	swait.ge [sflag:s22], s20  }
0x9f: {  	s3 =	ssub.s32 $0x0, s20;
	[sflag:s22] =	ssyncset.done $0x0  }
0xa0: {  	[sflag:s22] =	ssyncadd.s32 s3;
	_ =	sdelay $0x1  }
0xa1: {  	s23 =	simm.s32 $0x1B8B  }
0xa2: {  	_ =	swait.ge [sflag:s23], $0x1  }
0xa3: {  	[sflag:s23] =	ssyncset.done $0x0  }
0xa4: {  	s25 =	simm.s32 $0x1B8E;
	s24 =	sld [smem:$0x3FFE];
	[sflag:s23] =	ssyncadd.s32 $0xFFFFFFFF  }
0xa5: {  	s26 =	simm.s32 $execute0_lowered;
	[smem:$0x3FD2] =	sst s25  }
0xa6: {  	s4 =	sshll.u32 s26, $0x1;
	_ =	strace $0x80000049;
	[dreg:$0x1] =	wrdreg $0xFFFFFFFF  }
0xa7: {  	s28 =	simm.s32 $_size_execute0_lowered;
	s2 =	sadd.s32 s2, s4;
	[dreg:$0x0] =	wrdreg $0x0  }
0xa8: {  	s4 =	sshll.u32 s28, $0x1;
	[dreg:$0x2] =	wrdreg s2  }
0xa9: {  	[dreg:$0x3] =	wrdreg s4  }
0xaa: {  	[dreg:$0x4] =	wrdreg $0xC0  }
0xab: {  	_ =	task [dreg:s6], $0x5FFFF  }
0xac: {  	[dreg:$0x1] =	wrdreg $0xFFFFFFFF  }
0xad: {  	[dreg:$0x0] =	wrdreg $0x60  }
0xae: {  	[dreg:$0x2] =	wrdreg s24  }
0xaf: {  	[dreg:$0x3] =	wrdreg $0x9  }
0xb0: {  	_ =	task.clear_ibuf [dreg:s6], $0x4FFFF;
	_ =	strace $0x90000049  }
0xb1: {  	s29 =	simm.s32 $0x9;
	_ =	strace $0x8000004B  }
0xb2: {  	_ =	swait.ge [sflag:s29], $0x1  }
0xb3: {  	[sflag:s29] =	ssyncadd.s32 $0xFFFFFFFF  }
0xb4: {  	_ =	strace $0x9000004B  }
0xb5: {  	_ =	sfence  }
0xb6: {  	s30 =	sld [smem:$0x0];
	_ =	sdelay $0x2  }
0xb7: {  	s31 =	sshll.u32 s1, $0xD;
	s1 =	sshrl.u32 s1, $0x2  }
0xb8: {  	s3 =	sand.u32 $0x4000, s31;
	s1 =	sadd.s32 s1, s30  }
0xb9: {  	s0 =	sor.u32 s3, s0;
	s1 =	sshll.u32 s1, $0x11  }
0xba: {  	s0 =	sor.u32 s1, s0  }
0xbb: {  	s0 =	sadd.s32 $0x8F2B, s0  }
0xbc: {  	[sflag:s0] =	ssyncadd.remote.s32 $0x1  }
0xbd: {  	_ =	sfence.sel $0xFFFF  }
0xbe: {  	[dreg:$0x0] =	wrdreg $0xFFFFFFFF;
	(pc) =	sbr.abs _section_cstart, $3  }
0xbf: {  	[dreg:$0x1] =	wrdreg $0xFFFFFFFF  }
0xc0: {  	_ =	task.clear_ibuf [dreg:s6], $0x2FFFF;
	_ =	strace $0x9FFFFFFF  }
0xc1: {  	(tm) =	ssettm $0x7FFFFFFF  }
tec
execute0_lowered:
.L_overlay_start_1:
0x0: {  	(tag) =	ssettag $0x1  }
0x1: {  	s1 =	srdreg.scid;
	s0 =	stileid.u32  }
0x2: {  	s4 =	rddreg [dreg:$0x0];
	s2 =	simm.s32 $0x0;
	s8 =	simm.s32 $0x66  }
0x3: {  	s9 =	simm.s32 $0xF000;
	s10 =	simm.s32 $0x12300;
	s11 =	simm.s32 $0x1  }
0x4: {  	s12 =	simm.s32 $0x2;
	s13 =	simm.s32 $0x7000;
	s14 =	simm.s32 $0x0  }
0x5: {  	s3 =	sand.u32 $0x1, s1;
	s5 =	sshll.u32 s0, $0x1;
	[smem:$0x7FF] =	sst s2  }
0x6: {  	s1 =	rddreg [dreg:$0x1];
	s5 =	sor.u32 s3, s5;
	_ =	strace $0x8000004A  }
0x7: {  	s7 =	ssub.s32 $0x2, s3;
	s6 =	smul.u32 $0xE00, s5;
	s5 =	sshll.u32 s5, $0xC  }
0x8: {  	s3 =	sadd.s32 $0xFA0000, s4;
	s31 =	sshrl.u32 s7, $0x1;
	s5 =	sadd.s32 s5, s4  }
0x9: {  	s7 =	ssub.s32 s7, s31;
	s6 =	sadd.s32 s6, s4;
	s5 =	sadd.s32 $0x1C00, s5  }
0xa: {  	s4 =	sadd.s32 $0x41C00, s6;
	s6 =	smax.u32 s7, $0x1;
	s7 =	simm.s32 $0x3  }
.LBB2_1:
0xb: {  	[tilespmem:s2], [sflag:$0x3] =	stream.linear.gather [hbm4b:s4+s2], $0x7000, $0x38;
	[tilespmem:$0x15600] =	vst v63  }
0xc: {  	_ =	swait.ge [sflag:s7], $0x7000  }
0xd: {  	[sflag:s7] =	ssyncset.done $0x0  }
0xe: {  	s15 =	simm.s32 $0x0;
	[sflag:s7] =	ssyncadd.s32 $0xFFFF9000  }
0xf: {  	[tilespmem:s9], [sflag:$0x1] =	stream.indirect.gather [hbm4b:s3+s8], $0x80, s2, s8, $0xb8;
	[tilespmem:$0x15600] =	vst v63  }
.LBB2_2:
0x10: {  	s16 =	sshllo.u32 s15, $0x1  }
0x11: {  	s17 =	smul.u32 $0x1C0, s16;
	_ =	sdelay $0x1  }
0x12: {  	s17 =	sshra.s32 s17, $0x2  }
0x13: {  	[tilespmem:s10], [sflag:$0x2] =	stream.indirect.gather [hbm4b:s3+s8], $0x80, s17, s8, $0xb8;
	[tilespmem:$0x15600] =	vst v63  }
0x14: {  	_ =	swait.ge [sflag:s11], $0x3300  }
0x15: {  	[sflag:s11] =	ssyncset.done $0x0  }
0x16: {  	[sflag:s11] =	ssyncadd.s32 $0xFFFFCD00  }
0x17: {  	v0 =	vld [tilespmem:$0xF080];
	_ =	sdelay $0x2  }
0x18: {  	s31 =	sshll.u32 s15, $0x8  }
0x19: {  	s17 =	sand.u32 $0x3FFFFF00, s31  }
0x1a: {  	[tilespmem:s17+$0x7000] =	vst v0  }
0x1b: {  	v0 =	vld [tilespmem:$0xF090];
	_ =	sdelay $0x4  }
0x1c: {  	[tilespmem:s17+$0x7010] =	vst v0  }
0x1d: {  	v0 =	vld [tilespmem:$0xF0A0];
	_ =	sdelay $0x4  }
0x1e: {  	[tilespmem:s17+$0x7020] =	vst v0  }
0x1f: {  	v0 =	vld [tilespmem:$0xF0B0];
	_ =	sdelay $0x4  }
0x20: {  	s18 =	simm.s32 $0xF220;
	[tilespmem:s17+$0x7030] =	vst v0  }
0x21: {  	v0 =	vld [tilespmem:s18+$0xFFFFFEE0];
	_ =	sdelay $0x4  }
0x22: {  	[tilespmem:s17+$0x7000] =	vst.add.f32.msk $0xffff, v0  }
0x23: {  	v0 =	vld [tilespmem:s18+$0xFFFFFEF0];
	_ =	sdelay $0x4  }
0x24: {  	[tilespmem:s17+$0x7010] =	vst.add.f32.msk $0xffff, v0  }
0x25: {  	v0 =	vld [tilespmem:s18+$0xFFFFFF00];
	_ =	sdelay $0x4  }
0x26: {  	[tilespmem:s17+$0x7020] =	vst.add.f32.msk $0xffff, v0  }
0x27: {  	v0 =	vld [tilespmem:s18+$0xFFFFFF10];
	_ =	sdelay $0x4  }
0x28: {  	[tilespmem:s17+$0x7030] =	vst.add.f32.msk $0xffff, v0  }
0x29: {  	v0 =	vld [tilespmem:s18+$0xFFFFFF60];
	_ =	sdelay $0x4  }
0x2a: {  	[tilespmem:s17+$0x7000] =	vst.add.f32.msk $0xffff, v0  }
0x2b: {  	v0 =	vld [tilespmem:s18+$0xFFFFFF70];
	_ =	sdelay $0x4  }
0x2c: {  	[tilespmem:s17+$0x7010] =	vst.add.f32.msk $0xffff, v0  }
0x2d: {  	v0 =	vld [tilespmem:s18+$0xFFFFFF80];
	_ =	sdelay $0x4  }
0x2e: {  	[tilespmem:s17+$0x7020] =	vst.add.f32.msk $0xffff, v0  }
0x2f: {  	v0 =	vld [tilespmem:s18+$0xFFFFFF90];
	_ =	sdelay $0x4  }
0x30: {  	[tilespmem:s17+$0x7030] =	vst.add.f32.msk $0xffff, v0  }
0x31: {  	v0 =	vld [tilespmem:s18+$0xFFFFFFE0];
	_ =	sdelay $0x4  }
0x32: {  	[tilespmem:s17+$0x7000] =	vst.add.f32.msk $0xffff, v0  }
0x33: {  	v0 =	vld [tilespmem:s18+$0xFFFFFFF0];
	_ =	sdelay $0x4  }
0x34: {  	[tilespmem:s17+$0x7010] =	vst.add.f32.msk $0xffff, v0  }
0x35: {  	v0 =	vld [tilespmem:s18+$0x0];
	_ =	sdelay $0x4  }
0x36: {  	[tilespmem:s17+$0x7020] =	vst.add.f32.msk $0xffff, v0  }
0x37: {  	v0 =	vld [tilespmem:s18+$0x10];
	_ =	sdelay $0x4  }
0x38: {  	[tilespmem:s17+$0x7030] =	vst.add.f32.msk $0xffff, v0  }
0x39: {  	v0 =	vld [tilespmem:s18+$0x60];
	_ =	sdelay $0x4  }
0x3a: {  	[tilespmem:s17+$0x7000] =	vst.add.f32.msk $0xffff, v0  }
0x3b: {  	v0 =	vld [tilespmem:s18+$0x70];
	_ =	sdelay $0x4  }
0x3c: {  	[tilespmem:s17+$0x7010] =	vst.add.f32.msk $0xffff, v0  }
0x3d: {  	v0 =	vld [tilespmem:s18+$0x80];
	_ =	sdelay $0x4  }
0x3e: {  	[tilespmem:s17+$0x7020] =	vst.add.f32.msk $0xffff, v0  }
0x3f: {  	v0 =	vld [tilespmem:s18+$0x90];
	_ =	sdelay $0x4  }
0x40: {  	[tilespmem:s17+$0x7030] =	vst.add.f32.msk $0xffff, v0  }
0x41: {  	v0 =	vld [tilespmem:s18+$0xE0];
	_ =	sdelay $0x4  }
0x42: {  	[tilespmem:s17+$0x7000] =	vst.add.f32.msk $0xffff, v0  }
0x43: {  	v0 =	vld [tilespmem:s18+$0xF0];
	_ =	sdelay $0x4  }
0x44: {  	[tilespmem:s17+$0x7010] =	vst.add.f32.msk $0xffff, v0  }
0x45: {  	v0 =	vld [tilespmem:s18+$0x100];
	_ =	sdelay $0x4  }
0x46: {  	[tilespmem:s17+$0x7020] =	vst.add.f32.msk $0xffff, v0  }
0x47: {  	v0 =	vld [tilespmem:s18+$0x110];
	_ =	sdelay $0x4  }
0x48: {  	[tilespmem:s17+$0x7030] =	vst.add.f32.msk $0xffff, v0  }
0x49: {  	v0 =	vld [tilespmem:s18+$0x160];
	_ =	sdelay $0x4  }
0x4a: {  	[tilespmem:s17+$0x7000] =	vst.add.f32.msk $0xffff, v0  }
0x4b: {  	v0 =	vld [tilespmem:s18+$0x170];
	_ =	sdelay $0x4  }
0x4c: {  	[tilespmem:s17+$0x7010] =	vst.add.f32.msk $0xffff, v0  }
0x4d: {  	v0 =	vld [tilespmem:s18+$0x180];
	_ =	sdelay $0x4  }
0x4e: {  	[tilespmem:s17+$0x7020] =	vst.add.f32.msk $0xffff, v0  }
0x4f: {  	v0 =	vld [tilespmem:s18+$0x190];
	_ =	sdelay $0x4  }
0x50: {  	[tilespmem:s17+$0x7030] =	vst.add.f32.msk $0xffff, v0  }
0x51: {  	v0 =	vld [tilespmem:s18+$0x1E0];
	_ =	sdelay $0x4  }
0x52: {  	[tilespmem:s17+$0x7000] =	vst.add.f32.msk $0xffff, v0  }
0x53: {  	v0 =	vld [tilespmem:s18+$0x1F0];
	_ =	sdelay $0x4  }
0x54: {  	[tilespmem:s17+$0x7010] =	vst.add.f32.msk $0xffff, v0  }
0x55: {  	v0 =	vld [tilespmem:s18+$0x200];
	_ =	sdelay $0x4  }
0x56: {  	[tilespmem:s17+$0x7020] =	vst.add.f32.msk $0xffff, v0  }
0x57: {  	s19 =	simm.s32 $0x0;
	v0 =	vld [tilespmem:s18+$0x210]  }
.LBB2_3:
0x58: {  	_ =	sdelay $0x3  }
0x59: {  	s19 =	sadd.s32 $0x7, s19;
	s18 =	sadd.s32 $0x380, s18;
	[tilespmem:s17+$0x7030] =	vst.add.f32.msk $0xffff, v0  }
0x5a: {  	p0 =	slt.u32 s19, $0x2A;
	v0 =	vld [tilespmem:s18+$0xFFFFFEE0];
	_ =	sdelay $0x4  }
0x5b: {  	[tilespmem:s17+$0x7000] =	vst.add.f32.msk $0xffff, v0  }
0x5c: {  	v0 =	vld [tilespmem:s18+$0xFFFFFEF0];
	_ =	sdelay $0x4  }
0x5d: {  	[tilespmem:s17+$0x7010] =	vst.add.f32.msk $0xffff, v0  }
0x5e: {  	v0 =	vld [tilespmem:s18+$0xFFFFFF00];
	_ =	sdelay $0x4  }
0x5f: {  	[tilespmem:s17+$0x7020] =	vst.add.f32.msk $0xffff, v0  }
0x60: {  	v0 =	vld [tilespmem:s18+$0xFFFFFF10];
	_ =	sdelay $0x4  }
0x61: {  	[tilespmem:s17+$0x7030] =	vst.add.f32.msk $0xffff, v0  }
0x62: {  	v0 =	vld [tilespmem:s18+$0xFFFFFF60];
	_ =	sdelay $0x4  }
0x63: {  	[tilespmem:s17+$0x7000] =	vst.add.f32.msk $0xffff, v0  }
0x64: {  	v0 =	vld [tilespmem:s18+$0xFFFFFF70];
	_ =	sdelay $0x4  }
0x65: {  	[tilespmem:s17+$0x7010] =	vst.add.f32.msk $0xffff, v0  }
0x66: {  	v0 =	vld [tilespmem:s18+$0xFFFFFF80];
	_ =	sdelay $0x4  }
0x67: {  	[tilespmem:s17+$0x7020] =	vst.add.f32.msk $0xffff, v0  }
0x68: {  	v0 =	vld [tilespmem:s18+$0xFFFFFF90];
	_ =	sdelay $0x4  }
0x69: {  	[tilespmem:s17+$0x7030] =	vst.add.f32.msk $0xffff, v0  }
0x6a: {  	v0 =	vld [tilespmem:s18+$0xFFFFFFE0];
	_ =	sdelay $0x4  }
0x6b: {  	[tilespmem:s17+$0x7000] =	vst.add.f32.msk $0xffff, v0  }
0x6c: {  	v0 =	vld [tilespmem:s18+$0xFFFFFFF0];
	_ =	sdelay $0x4  }
0x6d: {  	[tilespmem:s17+$0x7010] =	vst.add.f32.msk $0xffff, v0  }
0x6e: {  	v0 =	vld [tilespmem:s18+$0x0];
	_ =	sdelay $0x4  }
0x6f: {  	[tilespmem:s17+$0x7020] =	vst.add.f32.msk $0xffff, v0  }
0x70: {  	v0 =	vld [tilespmem:s18+$0x10];
	_ =	sdelay $0x4  }
0x71: {  	[tilespmem:s17+$0x7030] =	vst.add.f32.msk $0xffff, v0  }
0x72: {  	v0 =	vld [tilespmem:s18+$0x60];
	_ =	sdelay $0x4  }
0x73: {  	[tilespmem:s17+$0x7000] =	vst.add.f32.msk $0xffff, v0  }
0x74: {  	v0 =	vld [tilespmem:s18+$0x70];
	_ =	sdelay $0x4  }
0x75: {  	[tilespmem:s17+$0x7010] =	vst.add.f32.msk $0xffff, v0  }
0x76: {  	v0 =	vld [tilespmem:s18+$0x80];
	_ =	sdelay $0x4  }
0x77: {  	[tilespmem:s17+$0x7020] =	vst.add.f32.msk $0xffff, v0  }
0x78: {  	v0 =	vld [tilespmem:s18+$0x90];
	_ =	sdelay $0x4  }
0x79: {  	[tilespmem:s17+$0x7030] =	vst.add.f32.msk $0xffff, v0  }
0x7a: {  	v0 =	vld [tilespmem:s18+$0xE0];
	_ =	sdelay $0x4  }
0x7b: {  	[tilespmem:s17+$0x7000] =	vst.add.f32.msk $0xffff, v0  }
0x7c: {  	v0 =	vld [tilespmem:s18+$0xF0];
	_ =	sdelay $0x4  }
0x7d: {  	[tilespmem:s17+$0x7010] =	vst.add.f32.msk $0xffff, v0  }
0x7e: {  	v0 =	vld [tilespmem:s18+$0x100];
	_ =	sdelay $0x4  }
0x7f: {  	[tilespmem:s17+$0x7020] =	vst.add.f32.msk $0xffff, v0  }
0x80: {  	v0 =	vld [tilespmem:s18+$0x110];
	_ =	sdelay $0x4  }
0x81: {  	[tilespmem:s17+$0x7030] =	vst.add.f32.msk $0xffff, v0  }
0x82: {  	v0 =	vld [tilespmem:s18+$0x160];
	_ =	sdelay $0x4  }
0x83: {  	[tilespmem:s17+$0x7000] =	vst.add.f32.msk $0xffff, v0  }
0x84: {  	v0 =	vld [tilespmem:s18+$0x170];
	_ =	sdelay $0x4  }
0x85: {  	[tilespmem:s17+$0x7010] =	vst.add.f32.msk $0xffff, v0  }
0x86: {  	v0 =	vld [tilespmem:s18+$0x180];
	_ =	sdelay $0x4  }
0x87: {  	[tilespmem:s17+$0x7020] =	vst.add.f32.msk $0xffff, v0  }
0x88: {  	v0 =	vld [tilespmem:s18+$0x190];
	_ =	sdelay $0x4  }
0x89: {  	[tilespmem:s17+$0x7030] =	vst.add.f32.msk $0xffff, v0  }
0x8a: {  	v0 =	vld [tilespmem:s18+$0x1E0];
	_ =	sdelay $0x4  }
0x8b: {  	[tilespmem:s17+$0x7000] =	vst.add.f32.msk $0xffff, v0  }
0x8c: {  	v0 =	vld [tilespmem:s18+$0x1F0];
	_ =	sdelay $0x4  }
0x8d: {  	[tilespmem:s17+$0x7010] =	vst.add.f32.msk $0xffff, v0  }
0x8e: {  	v0 =	vld [tilespmem:s18+$0x200];
	_ =	sdelay $0x1  }
.Ltmp0:
0x8f: {  	(pc) =	sbr.rel @p0 .LBB2_3-.Ltmp0, $3  }
0x90: {  	_ =	sdelay $0x1  }
0x91: {  	[tilespmem:s17+$0x7020] =	vst.add.f32.msk $0xffff, v0  }
0x92: {  	v0 =	vld [tilespmem:s18+$0x210]  }
0x93: {  	_ =	sdelay $0x3  }
0x94: {  	[tilespmem:s17+$0x7030] =	vst.add.f32.msk $0xffff, v0  }
0x95: {  	v0 =	vld [tilespmem:$0x10A00];
	_ =	sdelay $0x4  }
0x96: {  	[tilespmem:s17+$0x7040] =	vst v0  }
0x97: {  	v0 =	vld [tilespmem:$0x10A10];
	_ =	sdelay $0x4  }
0x98: {  	[tilespmem:s17+$0x7050] =	vst v0  }
0x99: {  	v0 =	vld [tilespmem:$0x10A20];
	_ =	sdelay $0x4  }
0x9a: {  	[tilespmem:s17+$0x7060] =	vst v0  }
0x9b: {  	v0 =	vld [tilespmem:$0x10A30];
	_ =	sdelay $0x4  }
0x9c: {  	s18 =	simm.s32 $0x10DB0;
	[tilespmem:s17+$0x7070] =	vst v0  }
0x9d: {  	v0 =	vld [tilespmem:s18+$0xFFFFFCD0];
	_ =	sdelay $0x4  }
0x9e: {  	[tilespmem:s17+$0x7040] =	vst.add.f32.msk $0xffff, v0  }
0x9f: {  	v0 =	vld [tilespmem:s18+$0xFFFFFCE0];
	_ =	sdelay $0x4  }
0xa0: {  	[tilespmem:s17+$0x7050] =	vst.add.f32.msk $0xffff, v0  }
0xa1: {  	v0 =	vld [tilespmem:s18+$0xFFFFFCF0];
	_ =	sdelay $0x4  }
0xa2: {  	[tilespmem:s17+$0x7060] =	vst.add.f32.msk $0xffff, v0  }
0xa3: {  	v0 =	vld [tilespmem:s18+$0xFFFFFD00];
	_ =	sdelay $0x4  }
0xa4: {  	[tilespmem:s17+$0x7070] =	vst.add.f32.msk $0xffff, v0  }
0xa5: {  	v0 =	vld [tilespmem:s18+$0xFFFFFD50];
	_ =	sdelay $0x4  }
0xa6: {  	[tilespmem:s17+$0x7040] =	vst.add.f32.msk $0xffff, v0  }
0xa7: {  	v0 =	vld [tilespmem:s18+$0xFFFFFD60];
	_ =	sdelay $0x4  }
0xa8: {  	[tilespmem:s17+$0x7050] =	vst.add.f32.msk $0xffff, v0  }
0xa9: {  	v0 =	vld [tilespmem:s18+$0xFFFFFD70];
	_ =	sdelay $0x4  }
0xaa: {  	[tilespmem:s17+$0x7060] =	vst.add.f32.msk $0xffff, v0  }
0xab: {  	v0 =	vld [tilespmem:s18+$0xFFFFFD80];
	_ =	sdelay $0x4  }
0xac: {  	[tilespmem:s17+$0x7070] =	vst.add.f32.msk $0xffff, v0  }
0xad: {  	v0 =	vld [tilespmem:s18+$0xFFFFFDD0];
	_ =	sdelay $0x4  }
0xae: {  	[tilespmem:s17+$0x7040] =	vst.add.f32.msk $0xffff, v0  }
0xaf: {  	v0 =	vld [tilespmem:s18+$0xFFFFFDE0];
	_ =	sdelay $0x4  }
0xb0: {  	[tilespmem:s17+$0x7050] =	vst.add.f32.msk $0xffff, v0  }
0xb1: {  	v0 =	vld [tilespmem:s18+$0xFFFFFDF0];
	_ =	sdelay $0x4  }
0xb2: {  	[tilespmem:s17+$0x7060] =	vst.add.f32.msk $0xffff, v0  }
0xb3: {  	v0 =	vld [tilespmem:s18+$0xFFFFFE00];
	_ =	sdelay $0x4  }
0xb4: {  	[tilespmem:s17+$0x7070] =	vst.add.f32.msk $0xffff, v0  }
0xb5: {  	v0 =	vld [tilespmem:s18+$0xFFFFFE50];
	_ =	sdelay $0x4  }
0xb6: {  	[tilespmem:s17+$0x7040] =	vst.add.f32.msk $0xffff, v0  }
0xb7: {  	v0 =	vld [tilespmem:s18+$0xFFFFFE60];
	_ =	sdelay $0x4  }
0xb8: {  	[tilespmem:s17+$0x7050] =	vst.add.f32.msk $0xffff, v0  }
0xb9: {  	v0 =	vld [tilespmem:s18+$0xFFFFFE70];
	_ =	sdelay $0x4  }
0xba: {  	[tilespmem:s17+$0x7060] =	vst.add.f32.msk $0xffff, v0  }
0xbb: {  	v0 =	vld [tilespmem:s18+$0xFFFFFE80];
	_ =	sdelay $0x4  }
0xbc: {  	[tilespmem:s17+$0x7070] =	vst.add.f32.msk $0xffff, v0  }
0xbd: {  	v0 =	vld [tilespmem:s18+$0xFFFFFED0];
	_ =	sdelay $0x4  }
0xbe: {  	[tilespmem:s17+$0x7040] =	vst.add.f32.msk $0xffff, v0  }
0xbf: {  	v0 =	vld [tilespmem:s18+$0xFFFFFEE0];
	_ =	sdelay $0x4  }
0xc0: {  	[tilespmem:s17+$0x7050] =	vst.add.f32.msk $0xffff, v0  }
0xc1: {  	v0 =	vld [tilespmem:s18+$0xFFFFFEF0];
	_ =	sdelay $0x4  }
0xc2: {  	[tilespmem:s17+$0x7060] =	vst.add.f32.msk $0xffff, v0  }
0xc3: {  	v0 =	vld [tilespmem:s18+$0xFFFFFF00];
	_ =	sdelay $0x4  }
0xc4: {  	[tilespmem:s17+$0x7070] =	vst.add.f32.msk $0xffff, v0  }
0xc5: {  	v0 =	vld [tilespmem:s18+$0xFFFFFF50];
	_ =	sdelay $0x4  }
0xc6: {  	[tilespmem:s17+$0x7040] =	vst.add.f32.msk $0xffff, v0  }
0xc7: {  	v0 =	vld [tilespmem:s18+$0xFFFFFF60];
	_ =	sdelay $0x4  }
0xc8: {  	[tilespmem:s17+$0x7050] =	vst.add.f32.msk $0xffff, v0  }
0xc9: {  	v0 =	vld [tilespmem:s18+$0xFFFFFF70];
	_ =	sdelay $0x4  }
0xca: {  	[tilespmem:s17+$0x7060] =	vst.add.f32.msk $0xffff, v0  }
0xcb: {  	v0 =	vld [tilespmem:s18+$0xFFFFFF80];
	_ =	sdelay $0x4  }
0xcc: {  	[tilespmem:s17+$0x7070] =	vst.add.f32.msk $0xffff, v0  }
0xcd: {  	v0 =	vld [tilespmem:s18+$0xFFFFFFD0];
	_ =	sdelay $0x4  }
0xce: {  	[tilespmem:s17+$0x7040] =	vst.add.f32.msk $0xffff, v0  }
0xcf: {  	v0 =	vld [tilespmem:s18+$0xFFFFFFE0];
	_ =	sdelay $0x4  }
0xd0: {  	[tilespmem:s17+$0x7050] =	vst.add.f32.msk $0xffff, v0  }
0xd1: {  	v0 =	vld [tilespmem:s18+$0xFFFFFFF0];
	_ =	sdelay $0x4  }
0xd2: {  	[tilespmem:s17+$0x7060] =	vst.add.f32.msk $0xffff, v0  }
0xd3: {  	s19 =	simm.s32 $0x0;
	v0 =	vld [tilespmem:s18+$0x0]  }
.LBB2_5:
0xd4: {  	_ =	sdelay $0x3  }
0xd5: {  	s19 =	sadd.s32 $0x7, s19;
	s18 =	sadd.s32 $0x380, s18;
	[tilespmem:s17+$0x7070] =	vst.add.f32.msk $0xffff, v0  }
0xd6: {  	p0 =	slt.u32 s19, $0x2A;
	v0 =	vld [tilespmem:s18+$0xFFFFFCD0];
	_ =	sdelay $0x4  }
0xd7: {  	[tilespmem:s17+$0x7040] =	vst.add.f32.msk $0xffff, v0  }
0xd8: {  	v0 =	vld [tilespmem:s18+$0xFFFFFCE0];
	_ =	sdelay $0x4  }
0xd9: {  	[tilespmem:s17+$0x7050] =	vst.add.f32.msk $0xffff, v0  }
0xda: {  	v0 =	vld [tilespmem:s18+$0xFFFFFCF0];
	_ =	sdelay $0x4  }
0xdb: {  	[tilespmem:s17+$0x7060] =	vst.add.f32.msk $0xffff, v0  }
0xdc: {  	v0 =	vld [tilespmem:s18+$0xFFFFFD00];
	_ =	sdelay $0x4  }
0xdd: {  	[tilespmem:s17+$0x7070] =	vst.add.f32.msk $0xffff, v0  }
0xde: {  	v0 =	vld [tilespmem:s18+$0xFFFFFD50];
	_ =	sdelay $0x4  }
0xdf: {  	[tilespmem:s17+$0x7040] =	vst.add.f32.msk $0xffff, v0  }
0xe0: {  	v0 =	vld [tilespmem:s18+$0xFFFFFD60];
	_ =	sdelay $0x4  }
0xe1: {  	[tilespmem:s17+$0x7050] =	vst.add.f32.msk $0xffff, v0  }
0xe2: {  	v0 =	vld [tilespmem:s18+$0xFFFFFD70];
	_ =	sdelay $0x4  }
0xe3: {  	[tilespmem:s17+$0x7060] =	vst.add.f32.msk $0xffff, v0  }
0xe4: {  	v0 =	vld [tilespmem:s18+$0xFFFFFD80];
	_ =	sdelay $0x4  }
0xe5: {  	[tilespmem:s17+$0x7070] =	vst.add.f32.msk $0xffff, v0  }
0xe6: {  	v0 =	vld [tilespmem:s18+$0xFFFFFDD0];
	_ =	sdelay $0x4  }
0xe7: {  	[tilespmem:s17+$0x7040] =	vst.add.f32.msk $0xffff, v0  }
0xe8: {  	v0 =	vld [tilespmem:s18+$0xFFFFFDE0];
	_ =	sdelay $0x4  }
0xe9: {  	[tilespmem:s17+$0x7050] =	vst.add.f32.msk $0xffff, v0  }
0xea: {  	v0 =	vld [tilespmem:s18+$0xFFFFFDF0];
	_ =	sdelay $0x4  }
0xeb: {  	[tilespmem:s17+$0x7060] =	vst.add.f32.msk $0xffff, v0  }
0xec: {  	v0 =	vld [tilespmem:s18+$0xFFFFFE00];
	_ =	sdelay $0x4  }
0xed: {  	[tilespmem:s17+$0x7070] =	vst.add.f32.msk $0xffff, v0  }
0xee: {  	v0 =	vld [tilespmem:s18+$0xFFFFFE50];
	_ =	sdelay $0x4  }
0xef: {  	[tilespmem:s17+$0x7040] =	vst.add.f32.msk $0xffff, v0  }
0xf0: {  	v0 =	vld [tilespmem:s18+$0xFFFFFE60];
	_ =	sdelay $0x4  }
0xf1: {  	[tilespmem:s17+$0x7050] =	vst.add.f32.msk $0xffff, v0  }
0xf2: {  	v0 =	vld [tilespmem:s18+$0xFFFFFE70];
	_ =	sdelay $0x4  }
0xf3: {  	[tilespmem:s17+$0x7060] =	vst.add.f32.msk $0xffff, v0  }
0xf4: {  	v0 =	vld [tilespmem:s18+$0xFFFFFE80];
	_ =	sdelay $0x4  }
0xf5: {  	[tilespmem:s17+$0x7070] =	vst.add.f32.msk $0xffff, v0  }
0xf6: {  	v0 =	vld [tilespmem:s18+$0xFFFFFED0];
	_ =	sdelay $0x4  }
0xf7: {  	[tilespmem:s17+$0x7040] =	vst.add.f32.msk $0xffff, v0  }
0xf8: {  	v0 =	vld [tilespmem:s18+$0xFFFFFEE0];
	_ =	sdelay $0x4  }
0xf9: {  	[tilespmem:s17+$0x7050] =	vst.add.f32.msk $0xffff, v0  }
0xfa: {  	v0 =	vld [tilespmem:s18+$0xFFFFFEF0];
	_ =	sdelay $0x4  }
0xfb: {  	[tilespmem:s17+$0x7060] =	vst.add.f32.msk $0xffff, v0  }
0xfc: {  	v0 =	vld [tilespmem:s18+$0xFFFFFF00];
	_ =	sdelay $0x4  }
0xfd: {  	[tilespmem:s17+$0x7070] =	vst.add.f32.msk $0xffff, v0  }
0xfe: {  	v0 =	vld [tilespmem:s18+$0xFFFFFF50];
	_ =	sdelay $0x4  }
0xff: {  	[tilespmem:s17+$0x7040] =	vst.add.f32.msk $0xffff, v0  }
0x100: {  	v0 =	vld [tilespmem:s18+$0xFFFFFF60];
	_ =	sdelay $0x4  }
0x101: {  	[tilespmem:s17+$0x7050] =	vst.add.f32.msk $0xffff, v0  }
0x102: {  	v0 =	vld [tilespmem:s18+$0xFFFFFF70];
	_ =	sdelay $0x4  }
0x103: {  	[tilespmem:s17+$0x7060] =	vst.add.f32.msk $0xffff, v0  }
0x104: {  	v0 =	vld [tilespmem:s18+$0xFFFFFF80];
	_ =	sdelay $0x4  }
0x105: {  	[tilespmem:s17+$0x7070] =	vst.add.f32.msk $0xffff, v0  }
0x106: {  	v0 =	vld [tilespmem:s18+$0xFFFFFFD0];
	_ =	sdelay $0x4  }
0x107: {  	[tilespmem:s17+$0x7040] =	vst.add.f32.msk $0xffff, v0  }
0x108: {  	v0 =	vld [tilespmem:s18+$0xFFFFFFE0];
	_ =	sdelay $0x4  }
0x109: {  	[tilespmem:s17+$0x7050] =	vst.add.f32.msk $0xffff, v0  }
0x10a: {  	v0 =	vld [tilespmem:s18+$0xFFFFFFF0];
	_ =	sdelay $0x1  }
.Ltmp1:
0x10b: {  	(pc) =	sbr.rel @p0 .LBB2_5-.Ltmp1, $3  }
0x10c: {  	_ =	sdelay $0x1  }
0x10d: {  	[tilespmem:s17+$0x7060] =	vst.add.f32.msk $0xffff, v0  }
0x10e: {  	v0 =	vld [tilespmem:s18+$0x0]  }
0x10f: {  	p0 =	seq.s32 s15, $0x7F  }
0x110: {  	s18 =	smul.u32 @!p0 $0x380, s15;
	_ =	sdelay $0x1  }
0x111: {  	s18 =	sshra.s32 @!p0 s18, $0x2  }
0x112: {  	s19 =	simm.s32 @!p0 $0xF000;
	[tilespmem:s17+$0x7070] =	vst.add.f32.msk $0xffff, v0;
	s17 =	sadd.s32 @!p0 $0xE0, s18;
	s18 =	simm.s32 @!p0 $0x66  }
0x113: {  	[tilespmem:s19], [sflag:$0x1] =	stream.indirect.gather @!p0 [hbm4b:s3+s18], $0x80, s17, s18, $0xb8;
	[tilespmem:$0x15600] =	vst v63  }
0x114: {  	_ =	swait.ge [sflag:s12], $0x3300  }
0x115: {  	[sflag:s12] =	ssyncset.done $0x0  }
0x116: {  	[sflag:s12] =	ssyncadd.s32 $0xFFFFCD00  }
0x117: {  	v0 =	vld [tilespmem:$0x12380];
	_ =	sdelay $0x2  }
0x118: {  	s16 =	sshll.u32 s16, $0x7  }
0x119: {  	s16 =	sand.u32 $0x3FFFFF80, s16  }
0x11a: {  	[tilespmem:s16+$0x7000] =	vst v0  }
0x11b: {  	v0 =	vld [tilespmem:$0x12390];
	_ =	sdelay $0x4  }
0x11c: {  	[tilespmem:s16+$0x7010] =	vst v0  }
0x11d: {  	v0 =	vld [tilespmem:$0x123A0];
	_ =	sdelay $0x4  }
0x11e: {  	[tilespmem:s16+$0x7020] =	vst v0  }
0x11f: {  	v0 =	vld [tilespmem:$0x123B0];
	_ =	sdelay $0x4  }
0x120: {  	s17 =	simm.s32 $0x12520;
	[tilespmem:s16+$0x7030] =	vst v0  }
0x121: {  	v0 =	vld [tilespmem:s17+$0xFFFFFEE0];
	_ =	sdelay $0x4  }
0x122: {  	[tilespmem:s16+$0x7000] =	vst.add.f32.msk $0xffff, v0  }
0x123: {  	v0 =	vld [tilespmem:s17+$0xFFFFFEF0];
	_ =	sdelay $0x4  }
0x124: {  	[tilespmem:s16+$0x7010] =	vst.add.f32.msk $0xffff, v0  }
0x125: {  	v0 =	vld [tilespmem:s17+$0xFFFFFF00];
	_ =	sdelay $0x4  }
0x126: {  	[tilespmem:s16+$0x7020] =	vst.add.f32.msk $0xffff, v0  }
0x127: {  	v0 =	vld [tilespmem:s17+$0xFFFFFF10];
	_ =	sdelay $0x4  }
0x128: {  	[tilespmem:s16+$0x7030] =	vst.add.f32.msk $0xffff, v0  }
0x129: {  	v0 =	vld [tilespmem:s17+$0xFFFFFF60];
	_ =	sdelay $0x4  }
0x12a: {  	[tilespmem:s16+$0x7000] =	vst.add.f32.msk $0xffff, v0  }
0x12b: {  	v0 =	vld [tilespmem:s17+$0xFFFFFF70];
	_ =	sdelay $0x4  }
0x12c: {  	[tilespmem:s16+$0x7010] =	vst.add.f32.msk $0xffff, v0  }
0x12d: {  	v0 =	vld [tilespmem:s17+$0xFFFFFF80];
	_ =	sdelay $0x4  }
0x12e: {  	[tilespmem:s16+$0x7020] =	vst.add.f32.msk $0xffff, v0  }
0x12f: {  	v0 =	vld [tilespmem:s17+$0xFFFFFF90];
	_ =	sdelay $0x4  }
0x130: {  	[tilespmem:s16+$0x7030] =	vst.add.f32.msk $0xffff, v0  }
0x131: {  	v0 =	vld [tilespmem:s17+$0xFFFFFFE0];
	_ =	sdelay $0x4  }
0x132: {  	[tilespmem:s16+$0x7000] =	vst.add.f32.msk $0xffff, v0  }
0x133: {  	v0 =	vld [tilespmem:s17+$0xFFFFFFF0];
	_ =	sdelay $0x4  }
0x134: {  	[tilespmem:s16+$0x7010] =	vst.add.f32.msk $0xffff, v0  }
0x135: {  	v0 =	vld [tilespmem:s17+$0x0];
	_ =	sdelay $0x4  }
0x136: {  	[tilespmem:s16+$0x7020] =	vst.add.f32.msk $0xffff, v0  }
0x137: {  	v0 =	vld [tilespmem:s17+$0x10];
	_ =	sdelay $0x4  }
0x138: {  	[tilespmem:s16+$0x7030] =	vst.add.f32.msk $0xffff, v0  }
0x139: {  	v0 =	vld [tilespmem:s17+$0x60];
	_ =	sdelay $0x4  }
0x13a: {  	[tilespmem:s16+$0x7000] =	vst.add.f32.msk $0xffff, v0  }
0x13b: {  	v0 =	vld [tilespmem:s17+$0x70];
	_ =	sdelay $0x4  }
0x13c: {  	[tilespmem:s16+$0x7010] =	vst.add.f32.msk $0xffff, v0  }
0x13d: {  	v0 =	vld [tilespmem:s17+$0x80];
	_ =	sdelay $0x4  }
0x13e: {  	[tilespmem:s16+$0x7020] =	vst.add.f32.msk $0xffff, v0  }
0x13f: {  	v0 =	vld [tilespmem:s17+$0x90];
	_ =	sdelay $0x4  }
0x140: {  	[tilespmem:s16+$0x7030] =	vst.add.f32.msk $0xffff, v0  }
0x141: {  	v0 =	vld [tilespmem:s17+$0xE0];
	_ =	sdelay $0x4  }
0x142: {  	[tilespmem:s16+$0x7000] =	vst.add.f32.msk $0xffff, v0  }
0x143: {  	v0 =	vld [tilespmem:s17+$0xF0];
	_ =	sdelay $0x4  }
0x144: {  	[tilespmem:s16+$0x7010] =	vst.add.f32.msk $0xffff, v0  }
0x145: {  	v0 =	vld [tilespmem:s17+$0x100];
	_ =	sdelay $0x4  }
0x146: {  	[tilespmem:s16+$0x7020] =	vst.add.f32.msk $0xffff, v0  }
0x147: {  	v0 =	vld [tilespmem:s17+$0x110];
	_ =	sdelay $0x4  }
0x148: {  	[tilespmem:s16+$0x7030] =	vst.add.f32.msk $0xffff, v0  }
0x149: {  	v0 =	vld [tilespmem:s17+$0x160];
	_ =	sdelay $0x4  }
0x14a: {  	[tilespmem:s16+$0x7000] =	vst.add.f32.msk $0xffff, v0  }
0x14b: {  	v0 =	vld [tilespmem:s17+$0x170];
	_ =	sdelay $0x4  }
0x14c: {  	[tilespmem:s16+$0x7010] =	vst.add.f32.msk $0xffff, v0  }
0x14d: {  	v0 =	vld [tilespmem:s17+$0x180];
	_ =	sdelay $0x4  }
0x14e: {  	[tilespmem:s16+$0x7020] =	vst.add.f32.msk $0xffff, v0  }
0x14f: {  	v0 =	vld [tilespmem:s17+$0x190];
	_ =	sdelay $0x4  }
0x150: {  	[tilespmem:s16+$0x7030] =	vst.add.f32.msk $0xffff, v0  }
0x151: {  	v0 =	vld [tilespmem:s17+$0x1E0];
	_ =	sdelay $0x4  }
0x152: {  	[tilespmem:s16+$0x7000] =	vst.add.f32.msk $0xffff, v0  }
0x153: {  	v0 =	vld [tilespmem:s17+$0x1F0];
	_ =	sdelay $0x4  }
0x154: {  	[tilespmem:s16+$0x7010] =	vst.add.f32.msk $0xffff, v0  }
0x155: {  	v0 =	vld [tilespmem:s17+$0x200];
	_ =	sdelay $0x4  }
0x156: {  	[tilespmem:s16+$0x7020] =	vst.add.f32.msk $0xffff, v0  }
0x157: {  	s18 =	simm.s32 $0x0;
	v0 =	vld [tilespmem:s17+$0x210]  }
.LBB2_7:
0x158: {  	_ =	sdelay $0x3  }
0x159: {  	s18 =	sadd.s32 $0x7, s18;
	s17 =	sadd.s32 $0x380, s17;
	[tilespmem:s16+$0x7030] =	vst.add.f32.msk $0xffff, v0  }
0x15a: {  	p0 =	slt.u32 s18, $0x2A;
	v0 =	vld [tilespmem:s17+$0xFFFFFEE0];
	_ =	sdelay $0x4  }
0x15b: {  	[tilespmem:s16+$0x7000] =	vst.add.f32.msk $0xffff, v0  }
0x15c: {  	v0 =	vld [tilespmem:s17+$0xFFFFFEF0];
	_ =	sdelay $0x4  }
0x15d: {  	[tilespmem:s16+$0x7010] =	vst.add.f32.msk $0xffff, v0  }
0x15e: {  	v0 =	vld [tilespmem:s17+$0xFFFFFF00];
	_ =	sdelay $0x4  }
0x15f: {  	[tilespmem:s16+$0x7020] =	vst.add.f32.msk $0xffff, v0  }
0x160: {  	v0 =	vld [tilespmem:s17+$0xFFFFFF10];
	_ =	sdelay $0x4  }
0x161: {  	[tilespmem:s16+$0x7030] =	vst.add.f32.msk $0xffff, v0  }
0x162: {  	v0 =	vld [tilespmem:s17+$0xFFFFFF60];
	_ =	sdelay $0x4  }
0x163: {  	[tilespmem:s16+$0x7000] =	vst.add.f32.msk $0xffff, v0  }
0x164: {  	v0 =	vld [tilespmem:s17+$0xFFFFFF70];
	_ =	sdelay $0x4  }
0x165: {  	[tilespmem:s16+$0x7010] =	vst.add.f32.msk $0xffff, v0  }
0x166: {  	v0 =	vld [tilespmem:s17+$0xFFFFFF80];
	_ =	sdelay $0x4  }
0x167: {  	[tilespmem:s16+$0x7020] =	vst.add.f32.msk $0xffff, v0  }
0x168: {  	v0 =	vld [tilespmem:s17+$0xFFFFFF90];
	_ =	sdelay $0x4  }
0x169: {  	[tilespmem:s16+$0x7030] =	vst.add.f32.msk $0xffff, v0  }
0x16a: {  	v0 =	vld [tilespmem:s17+$0xFFFFFFE0];
	_ =	sdelay $0x4  }
0x16b: {  	[tilespmem:s16+$0x7000] =	vst.add.f32.msk $0xffff, v0  }
0x16c: {  	v0 =	vld [tilespmem:s17+$0xFFFFFFF0];
	_ =	sdelay $0x4  }
0x16d: {  	[tilespmem:s16+$0x7010] =	vst.add.f32.msk $0xffff, v0  }
0x16e: {  	v0 =	vld [tilespmem:s17+$0x0];
	_ =	sdelay $0x4  }
0x16f: {  	[tilespmem:s16+$0x7020] =	vst.add.f32.msk $0xffff, v0  }
0x170: {  	v0 =	vld [tilespmem:s17+$0x10];
	_ =	sdelay $0x4  }
0x171: {  	[tilespmem:s16+$0x7030] =	vst.add.f32.msk $0xffff, v0  }
0x172: {  	v0 =	vld [tilespmem:s17+$0x60];
	_ =	sdelay $0x4  }
0x173: {  	[tilespmem:s16+$0x7000] =	vst.add.f32.msk $0xffff, v0  }
0x174: {  	v0 =	vld [tilespmem:s17+$0x70];
	_ =	sdelay $0x4  }
0x175: {  	[tilespmem:s16+$0x7010] =	vst.add.f32.msk $0xffff, v0  }
0x176: {  	v0 =	vld [tilespmem:s17+$0x80];
	_ =	sdelay $0x4  }
0x177: {  	[tilespmem:s16+$0x7020] =	vst.add.f32.msk $0xffff, v0  }
0x178: {  	v0 =	vld [tilespmem:s17+$0x90];
	_ =	sdelay $0x4  }
0x179: {  	[tilespmem:s16+$0x7030] =	vst.add.f32.msk $0xffff, v0  }
0x17a: {  	v0 =	vld [tilespmem:s17+$0xE0];
	_ =	sdelay $0x4  }
0x17b: {  	[tilespmem:s16+$0x7000] =	vst.add.f32.msk $0xffff, v0  }
0x17c: {  	v0 =	vld [tilespmem:s17+$0xF0];
	_ =	sdelay $0x4  }
0x17d: {  	[tilespmem:s16+$0x7010] =	vst.add.f32.msk $0xffff, v0  }
0x17e: {  	v0 =	vld [tilespmem:s17+$0x100];
	_ =	sdelay $0x4  }
0x17f: {  	[tilespmem:s16+$0x7020] =	vst.add.f32.msk $0xffff, v0  }
0x180: {  	v0 =	vld [tilespmem:s17+$0x110];
	_ =	sdelay $0x4  }
0x181: {  	[tilespmem:s16+$0x7030] =	vst.add.f32.msk $0xffff, v0  }
0x182: {  	v0 =	vld [tilespmem:s17+$0x160];
	_ =	sdelay $0x4  }
0x183: {  	[tilespmem:s16+$0x7000] =	vst.add.f32.msk $0xffff, v0  }
0x184: {  	v0 =	vld [tilespmem:s17+$0x170];
	_ =	sdelay $0x4  }
0x185: {  	[tilespmem:s16+$0x7010] =	vst.add.f32.msk $0xffff, v0  }
0x186: {  	v0 =	vld [tilespmem:s17+$0x180];
	_ =	sdelay $0x4  }
0x187: {  	[tilespmem:s16+$0x7020] =	vst.add.f32.msk $0xffff, v0  }
0x188: {  	v0 =	vld [tilespmem:s17+$0x190];
	_ =	sdelay $0x4  }
0x189: {  	[tilespmem:s16+$0x7030] =	vst.add.f32.msk $0xffff, v0  }
0x18a: {  	v0 =	vld [tilespmem:s17+$0x1E0];
	_ =	sdelay $0x4  }
0x18b: {  	[tilespmem:s16+$0x7000] =	vst.add.f32.msk $0xffff, v0  }
0x18c: {  	v0 =	vld [tilespmem:s17+$0x1F0];
	_ =	sdelay $0x4  }
0x18d: {  	[tilespmem:s16+$0x7010] =	vst.add.f32.msk $0xffff, v0  }
0x18e: {  	v0 =	vld [tilespmem:s17+$0x200];
	_ =	sdelay $0x1  }
.Ltmp2:
0x18f: {  	(pc) =	sbr.rel @p0 .LBB2_7-.Ltmp2, $3  }
0x190: {  	_ =	sdelay $0x1  }
0x191: {  	[tilespmem:s16+$0x7020] =	vst.add.f32.msk $0xffff, v0  }
0x192: {  	v0 =	vld [tilespmem:s17+$0x210]  }
0x193: {  	_ =	sdelay $0x3  }
0x194: {  	[tilespmem:s16+$0x7030] =	vst.add.f32.msk $0xffff, v0  }
0x195: {  	v0 =	vld [tilespmem:$0x13D00];
	_ =	sdelay $0x4  }
0x196: {  	[tilespmem:s16+$0x7040] =	vst v0  }
0x197: {  	v0 =	vld [tilespmem:$0x13D10];
	_ =	sdelay $0x4  }
0x198: {  	[tilespmem:s16+$0x7050] =	vst v0  }
0x199: {  	v0 =	vld [tilespmem:$0x13D20];
	_ =	sdelay $0x4  }
0x19a: {  	[tilespmem:s16+$0x7060] =	vst v0  }
0x19b: {  	v0 =	vld [tilespmem:$0x13D30];
	_ =	sdelay $0x4  }
0x19c: {  	s17 =	simm.s32 $0x140B0;
	[tilespmem:s16+$0x7070] =	vst v0  }
0x19d: {  	v0 =	vld [tilespmem:s17+$0xFFFFFCD0];
	_ =	sdelay $0x4  }
0x19e: {  	[tilespmem:s16+$0x7040] =	vst.add.f32.msk $0xffff, v0  }
0x19f: {  	v0 =	vld [tilespmem:s17+$0xFFFFFCE0];
	_ =	sdelay $0x4  }
0x1a0: {  	[tilespmem:s16+$0x7050] =	vst.add.f32.msk $0xffff, v0  }
0x1a1: {  	v0 =	vld [tilespmem:s17+$0xFFFFFCF0];
	_ =	sdelay $0x4  }
0x1a2: {  	[tilespmem:s16+$0x7060] =	vst.add.f32.msk $0xffff, v0  }
0x1a3: {  	v0 =	vld [tilespmem:s17+$0xFFFFFD00];
	_ =	sdelay $0x4  }
0x1a4: {  	[tilespmem:s16+$0x7070] =	vst.add.f32.msk $0xffff, v0  }
0x1a5: {  	v0 =	vld [tilespmem:s17+$0xFFFFFD50];
	_ =	sdelay $0x4  }
0x1a6: {  	[tilespmem:s16+$0x7040] =	vst.add.f32.msk $0xffff, v0  }
0x1a7: {  	v0 =	vld [tilespmem:s17+$0xFFFFFD60];
	_ =	sdelay $0x4  }
0x1a8: {  	[tilespmem:s16+$0x7050] =	vst.add.f32.msk $0xffff, v0  }
0x1a9: {  	v0 =	vld [tilespmem:s17+$0xFFFFFD70];
	_ =	sdelay $0x4  }
0x1aa: {  	[tilespmem:s16+$0x7060] =	vst.add.f32.msk $0xffff, v0  }
0x1ab: {  	v0 =	vld [tilespmem:s17+$0xFFFFFD80];
	_ =	sdelay $0x4  }
0x1ac: {  	[tilespmem:s16+$0x7070] =	vst.add.f32.msk $0xffff, v0  }
0x1ad: {  	v0 =	vld [tilespmem:s17+$0xFFFFFDD0];
	_ =	sdelay $0x4  }
0x1ae: {  	[tilespmem:s16+$0x7040] =	vst.add.f32.msk $0xffff, v0  }
0x1af: {  	v0 =	vld [tilespmem:s17+$0xFFFFFDE0];
	_ =	sdelay $0x4  }
0x1b0: {  	[tilespmem:s16+$0x7050] =	vst.add.f32.msk $0xffff, v0  }
0x1b1: {  	v0 =	vld [tilespmem:s17+$0xFFFFFDF0];
	_ =	sdelay $0x4  }
0x1b2: {  	[tilespmem:s16+$0x7060] =	vst.add.f32.msk $0xffff, v0  }
0x1b3: {  	v0 =	vld [tilespmem:s17+$0xFFFFFE00];
	_ =	sdelay $0x4  }
0x1b4: {  	[tilespmem:s16+$0x7070] =	vst.add.f32.msk $0xffff, v0  }
0x1b5: {  	v0 =	vld [tilespmem:s17+$0xFFFFFE50];
	_ =	sdelay $0x4  }
0x1b6: {  	[tilespmem:s16+$0x7040] =	vst.add.f32.msk $0xffff, v0  }
0x1b7: {  	v0 =	vld [tilespmem:s17+$0xFFFFFE60];
	_ =	sdelay $0x4  }
0x1b8: {  	[tilespmem:s16+$0x7050] =	vst.add.f32.msk $0xffff, v0  }
0x1b9: {  	v0 =	vld [tilespmem:s17+$0xFFFFFE70];
	_ =	sdelay $0x4  }
0x1ba: {  	[tilespmem:s16+$0x7060] =	vst.add.f32.msk $0xffff, v0  }
0x1bb: {  	v0 =	vld [tilespmem:s17+$0xFFFFFE80];
	_ =	sdelay $0x4  }
0x1bc: {  	[tilespmem:s16+$0x7070] =	vst.add.f32.msk $0xffff, v0  }
0x1bd: {  	v0 =	vld [tilespmem:s17+$0xFFFFFED0];
	_ =	sdelay $0x4  }
0x1be: {  	[tilespmem:s16+$0x7040] =	vst.add.f32.msk $0xffff, v0  }
0x1bf: {  	v0 =	vld [tilespmem:s17+$0xFFFFFEE0];
	_ =	sdelay $0x4  }
0x1c0: {  	[tilespmem:s16+$0x7050] =	vst.add.f32.msk $0xffff, v0  }
0x1c1: {  	v0 =	vld [tilespmem:s17+$0xFFFFFEF0];
	_ =	sdelay $0x4  }
0x1c2: {  	[tilespmem:s16+$0x7060] =	vst.add.f32.msk $0xffff, v0  }
0x1c3: {  	v0 =	vld [tilespmem:s17+$0xFFFFFF00];
	_ =	sdelay $0x4  }
0x1c4: {  	[tilespmem:s16+$0x7070] =	vst.add.f32.msk $0xffff, v0  }
0x1c5: {  	v0 =	vld [tilespmem:s17+$0xFFFFFF50];
	_ =	sdelay $0x4  }
0x1c6: {  	[tilespmem:s16+$0x7040] =	vst.add.f32.msk $0xffff, v0  }
0x1c7: {  	v0 =	vld [tilespmem:s17+$0xFFFFFF60];
	_ =	sdelay $0x4  }
0x1c8: {  	[tilespmem:s16+$0x7050] =	vst.add.f32.msk $0xffff, v0  }
0x1c9: {  	v0 =	vld [tilespmem:s17+$0xFFFFFF70];
	_ =	sdelay $0x4  }
0x1ca: {  	[tilespmem:s16+$0x7060] =	vst.add.f32.msk $0xffff, v0  }
0x1cb: {  	v0 =	vld [tilespmem:s17+$0xFFFFFF80];
	_ =	sdelay $0x4  }
0x1cc: {  	[tilespmem:s16+$0x7070] =	vst.add.f32.msk $0xffff, v0  }
0x1cd: {  	v0 =	vld [tilespmem:s17+$0xFFFFFFD0];
	_ =	sdelay $0x4  }
0x1ce: {  	[tilespmem:s16+$0x7040] =	vst.add.f32.msk $0xffff, v0  }
0x1cf: {  	v0 =	vld [tilespmem:s17+$0xFFFFFFE0];
	_ =	sdelay $0x4  }
0x1d0: {  	[tilespmem:s16+$0x7050] =	vst.add.f32.msk $0xffff, v0  }
0x1d1: {  	v0 =	vld [tilespmem:s17+$0xFFFFFFF0];
	_ =	sdelay $0x4  }
0x1d2: {  	[tilespmem:s16+$0x7060] =	vst.add.f32.msk $0xffff, v0  }
0x1d3: {  	s18 =	simm.s32 $0x0;
	v0 =	vld [tilespmem:s17+$0x0]  }
.LBB2_9:
0x1d4: {  	_ =	sdelay $0x3  }
0x1d5: {  	s18 =	sadd.s32 $0x7, s18;
	s17 =	sadd.s32 $0x380, s17;
	[tilespmem:s16+$0x7070] =	vst.add.f32.msk $0xffff, v0  }
0x1d6: {  	p0 =	slt.u32 s18, $0x2A;
	v0 =	vld [tilespmem:s17+$0xFFFFFCD0];
	_ =	sdelay $0x4  }
0x1d7: {  	[tilespmem:s16+$0x7040] =	vst.add.f32.msk $0xffff, v0  }
0x1d8: {  	v0 =	vld [tilespmem:s17+$0xFFFFFCE0];
	_ =	sdelay $0x4  }
0x1d9: {  	[tilespmem:s16+$0x7050] =	vst.add.f32.msk $0xffff, v0  }
0x1da: {  	v0 =	vld [tilespmem:s17+$0xFFFFFCF0];
	_ =	sdelay $0x4  }
0x1db: {  	[tilespmem:s16+$0x7060] =	vst.add.f32.msk $0xffff, v0  }
0x1dc: {  	v0 =	vld [tilespmem:s17+$0xFFFFFD00];
	_ =	sdelay $0x4  }
0x1dd: {  	[tilespmem:s16+$0x7070] =	vst.add.f32.msk $0xffff, v0  }
0x1de: {  	v0 =	vld [tilespmem:s17+$0xFFFFFD50];
	_ =	sdelay $0x4  }
0x1df: {  	[tilespmem:s16+$0x7040] =	vst.add.f32.msk $0xffff, v0  }
0x1e0: {  	v0 =	vld [tilespmem:s17+$0xFFFFFD60];
	_ =	sdelay $0x4  }
0x1e1: {  	[tilespmem:s16+$0x7050] =	vst.add.f32.msk $0xffff, v0  }
0x1e2: {  	v0 =	vld [tilespmem:s17+$0xFFFFFD70];
	_ =	sdelay $0x4  }
0x1e3: {  	[tilespmem:s16+$0x7060] =	vst.add.f32.msk $0xffff, v0  }
0x1e4: {  	v0 =	vld [tilespmem:s17+$0xFFFFFD80];
	_ =	sdelay $0x4  }
0x1e5: {  	[tilespmem:s16+$0x7070] =	vst.add.f32.msk $0xffff, v0  }
0x1e6: {  	v0 =	vld [tilespmem:s17+$0xFFFFFDD0];
	_ =	sdelay $0x4  }
0x1e7: {  	[tilespmem:s16+$0x7040] =	vst.add.f32.msk $0xffff, v0  }
0x1e8: {  	v0 =	vld [tilespmem:s17+$0xFFFFFDE0];
	_ =	sdelay $0x4  }
0x1e9: {  	[tilespmem:s16+$0x7050] =	vst.add.f32.msk $0xffff, v0  }
0x1ea: {  	v0 =	vld [tilespmem:s17+$0xFFFFFDF0];
	_ =	sdelay $0x4  }
0x1eb: {  	[tilespmem:s16+$0x7060] =	vst.add.f32.msk $0xffff, v0  }
0x1ec: {  	v0 =	vld [tilespmem:s17+$0xFFFFFE00];
	_ =	sdelay $0x4  }
0x1ed: {  	[tilespmem:s16+$0x7070] =	vst.add.f32.msk $0xffff, v0  }
0x1ee: {  	v0 =	vld [tilespmem:s17+$0xFFFFFE50];
	_ =	sdelay $0x4  }
0x1ef: {  	[tilespmem:s16+$0x7040] =	vst.add.f32.msk $0xffff, v0  }
0x1f0: {  	v0 =	vld [tilespmem:s17+$0xFFFFFE60];
	_ =	sdelay $0x4  }
0x1f1: {  	[tilespmem:s16+$0x7050] =	vst.add.f32.msk $0xffff, v0  }
0x1f2: {  	v0 =	vld [tilespmem:s17+$0xFFFFFE70];
	_ =	sdelay $0x4  }
0x1f3: {  	[tilespmem:s16+$0x7060] =	vst.add.f32.msk $0xffff, v0  }
0x1f4: {  	v0 =	vld [tilespmem:s17+$0xFFFFFE80];
	_ =	sdelay $0x4  }
0x1f5: {  	[tilespmem:s16+$0x7070] =	vst.add.f32.msk $0xffff, v0  }
0x1f6: {  	v0 =	vld [tilespmem:s17+$0xFFFFFED0];
	_ =	sdelay $0x4  }
0x1f7: {  	[tilespmem:s16+$0x7040] =	vst.add.f32.msk $0xffff, v0  }
0x1f8: {  	v0 =	vld [tilespmem:s17+$0xFFFFFEE0];
	_ =	sdelay $0x4  }
0x1f9: {  	[tilespmem:s16+$0x7050] =	vst.add.f32.msk $0xffff, v0  }
0x1fa: {  	v0 =	vld [tilespmem:s17+$0xFFFFFEF0];
	_ =	sdelay $0x4  }
0x1fb: {  	[tilespmem:s16+$0x7060] =	vst.add.f32.msk $0xffff, v0  }
0x1fc: {  	v0 =	vld [tilespmem:s17+$0xFFFFFF00];
	_ =	sdelay $0x4  }
0x1fd: {  	[tilespmem:s16+$0x7070] =	vst.add.f32.msk $0xffff, v0  }
0x1fe: {  	v0 =	vld [tilespmem:s17+$0xFFFFFF50];
	_ =	sdelay $0x4  }
0x1ff: {  	[tilespmem:s16+$0x7040] =	vst.add.f32.msk $0xffff, v0  }
0x200: {  	v0 =	vld [tilespmem:s17+$0xFFFFFF60];
	_ =	sdelay $0x4  }
0x201: {  	[tilespmem:s16+$0x7050] =	vst.add.f32.msk $0xffff, v0  }
0x202: {  	v0 =	vld [tilespmem:s17+$0xFFFFFF70];
	_ =	sdelay $0x4  }
0x203: {  	[tilespmem:s16+$0x7060] =	vst.add.f32.msk $0xffff, v0  }
0x204: {  	v0 =	vld [tilespmem:s17+$0xFFFFFF80];
	_ =	sdelay $0x4  }
0x205: {  	[tilespmem:s16+$0x7070] =	vst.add.f32.msk $0xffff, v0  }
0x206: {  	v0 =	vld [tilespmem:s17+$0xFFFFFFD0];
	_ =	sdelay $0x4  }
0x207: {  	[tilespmem:s16+$0x7040] =	vst.add.f32.msk $0xffff, v0  }
0x208: {  	v0 =	vld [tilespmem:s17+$0xFFFFFFE0];
	_ =	sdelay $0x4  }
0x209: {  	[tilespmem:s16+$0x7050] =	vst.add.f32.msk $0xffff, v0  }
0x20a: {  	v0 =	vld [tilespmem:s17+$0xFFFFFFF0];
	_ =	sdelay $0x1  }
.Ltmp3:
0x20b: {  	(pc) =	sbr.rel @p0 .LBB2_9-.Ltmp3, $3  }
0x20c: {  	_ =	sdelay $0x1  }
0x20d: {  	[tilespmem:s16+$0x7060] =	vst.add.f32.msk $0xffff, v0  }
0x20e: {  	v0 =	vld [tilespmem:s17+$0x0]  }
0x20f: {  	s15 =	sadd.s32 $0x1, s15  }
0x210: {  	p0 =	sne.s32 s15, $0x80  }
.Ltmp4:
0x211: {  	_ = 	snop;
	(pc) =	sbr.rel @p0 .LBB2_2-.Ltmp4, $2  }
0x212: {  	_ =	sdelay $0x2  }
0x213: {  	[tilespmem:s16+$0x7070] =	vst.add.f32.msk $0xffff, v0  }
0x214: {  	s14 =	sadd.s32 $0x1, s14  }
0x215: {  	p0 =	sne.s32 s14, s6  }
.Ltmp5:
0x216: {  	_ = 	snop;
	(pc) =	sbr.rel @p0 .LBB2_1-.Ltmp5, $4  }
0x217: {  	[hbm4b:s5+s2] =	stream.linear.scatter [tilespmem:s13], [sflag:$0x1], $0x8000, $0x38;
	[tilespmem:$0x15600] =	vst v63  }
0x218: {  	_ =	swait.ge [sflag:s11], $0x8000  }
0x219: {  	[sflag:s11] =	ssyncset.done $0x0  }
0x21a: {  	[sflag:s11] =	ssyncadd.s32 $0xFFFF8000  }
0x21b: {  	_ =	sfence.sel $0x180000  }
0x21c: {  	[bflag:$0x0] =	sbarrier.arrive $0xFFFF  }
0x21d: {  	p0 =	sne.s32 s0, $0x0;
	_ =	strace $0x9000004A  }
0x21e: {  	s0 =	sadd.s32 @!p0 $0x100000, s1;
	[bflag:$0x2] =	sbarrier.arrive $0xFFFF  }
0x21f: {  	[sflag:s0] =	ssyncadd.tile.s32 @!p0 $0x1;
	_ =	shalt  }
.Lfunc_end2:
_tile_overlayer_lowered:
.L_overlay_start_2:
0x220: {  	(tag) =	ssettag $0x2  }
0x221: {  	s0 =	rddreg [dreg:$0x0];
	s2 =	stileid.u32  }
0x222: {  	s1 =	rddreg [dreg:$0x1];
	p0 =	sne.s32 s2, $0x0  }
0x223: {  	s3 =	rddreg [dreg:$0x2];
	[bflag:$0x3] =	sbarrier.arrive $0xFFFF;
	s2 =	simm.s32 @!p0 $0x1C03  }
0x224: {  	[timem:s3], [sflag:s2] =	dma.local @!p0 [hbm:s0], s1  }
0x225: {  	s0 =	simm.s32 @!p0 $0x3  }
0x226: {  	_ =	swait.ge @!p0 [sflag:s0], s1  }
0x227: {  	s1 =	ssub.s32 @!p0 $0x0, s1;
	[sflag:s0] =	ssyncset.done @!p0 $0x0  }
0x228: {  	[sflag:s0] =	ssyncadd.s32 @!p0 s1  }
0x229: {  	[bflag:$0x3] =	sbarrier.arrive $0xFFFF  }
0x22a: {  	_ =	shalt  }

</sc_bundles>
